<compile_context>
chip_gen: v7x
topology: tpu7x:2x2x1
jax: 0.10.2.dev20260603
libtpu: 0.0.44.dev20260713+nightly
codegen_flags: <defaults>
</compile_context>

<pallas_src>
import functools

import jax
import jax.numpy as jnp
from jax import lax
from jax.experimental import pallas as pl
from jax.experimental.pallas import tpu as pltpu
from jax.experimental.pallas import tpu_sc as plsc

N_TOK = 8192
K_CB = 8192
C_DIM = 256

TN = 2048
TK = 1024
NBN = N_TOK // TN
NBK = K_CB // TK


def _argmin_body(xm2_ref, s_ref, desc_ref, cba_ref, cbb_ref, out_ref,
                 ra_ref, rb_ref, bv_ref, bi_ref):
    j = pl.program_id(1)

    @pl.when(j == 0)
    def _init():
        bv_ref[...] = jnp.full((1, TN), jnp.inf, dtype=jnp.float32)
        bi_ref[...] = jnp.zeros((1, TN), dtype=jnp.float32)

    ra_ref[...] = lax.dot_general(cba_ref[...], xm2_ref[...],
                                  (((1,), (1,)), ((), ())),
                                  preferred_element_type=jnp.float32)
    rb_ref[...] = lax.dot_general(cbb_ref[...], xm2_ref[...],
                                  (((1,), (1,)), ((), ())),
                                  preferred_element_type=jnp.float32)

    def _reduce(src_ref, koff):
        s = s_ref[...]
        R = 8
        accmin = s + src_ref[0:R, :]
        for r in range(1, TK // R):
            accmin = jnp.minimum(accmin, s + src_ref[r * R:(r + 1) * R, :])
        bmin = jnp.min(accmin, axis=0, keepdims=True)
        accmax = jnp.where(s + src_ref[0:R, :] == bmin,
                           desc_ref[0:R, :], jnp.float32(0.0))
        for r in range(1, TK // R):
            accmax = jnp.maximum(
                accmax,
                jnp.where(s + src_ref[r * R:(r + 1) * R, :] == bmin,
                          desc_ref[r * R:(r + 1) * R, :], jnp.float32(0.0)))
        bmax = jnp.max(accmax, axis=0, keepdims=True)
        bidx = (koff + jnp.float32(TK)) - bmax
        better = bmin < bv_ref[...]
        bv_ref[...] = jnp.where(better, bmin, bv_ref[...])
        bi_ref[...] = jnp.where(better, bidx, bi_ref[...])

    _reduce(ra_ref, jnp.float32(2 * TK) * j.astype(jnp.float32))
    _reduce(rb_ref, jnp.float32(2 * TK) * j.astype(jnp.float32) + jnp.float32(TK))

    @pl.when(j == NBK // 2 - 1)
    def _fin():
        out_ref[...] = bi_ref[...].astype(jnp.int32).reshape(1, 1, TN)


def _argmin_indices(xm2, s_row, codebook):
    n = xm2.shape[0]
    desc = jnp.arange(TK, 0, -1, dtype=jnp.float32)[:, None]
    out = pl.pallas_call(
        _argmin_body,
        grid=(n // TN, NBK // 2),
        in_specs=[
            pl.BlockSpec((TN, C_DIM), lambda i, j: (i, 0)),
            pl.BlockSpec((1, TN), lambda i, j: (0, i)),
            pl.BlockSpec((TK, 1), lambda i, j: (0, 0)),
            pl.BlockSpec((TK, C_DIM), lambda i, j: (2 * j, 0)),
            pl.BlockSpec((TK, C_DIM), lambda i, j: (2 * j + 1, 0)),
        ],
        out_specs=pl.BlockSpec((1, 1, TN), lambda i, j: (i, 0, 0)),
        out_shape=jax.ShapeDtypeStruct((n // TN, 1, TN), jnp.int32),
        scratch_shapes=[
            pltpu.VMEM((TK, TN), jnp.float32),
            pltpu.VMEM((TK, TN), jnp.float32),
            pltpu.VMEM((1, TN), jnp.float32),
            pltpu.VMEM((1, TN), jnp.float32),
        ],
    )(xm2, s_row, desc, codebook, codebook)
    return out.reshape(n, 1)


def _make_sc_gather(n):
    info = plsc.get_sparse_core_info()
    nw = info.num_cores * info.num_subcores
    b_per_w = n // nw
    mesh = plsc.VectorSubcoreMesh(core_axis_name="c", subcore_axis_name="s")

    @functools.partial(
        pl.kernel, mesh=mesh,
        out_type=jax.ShapeDtypeStruct((n, C_DIM), jnp.float32),
        scratch_types=[
            pltpu.VMEM((b_per_w,), jnp.int32),
            pltpu.VMEM((b_per_w, C_DIM), jnp.float32),
            pltpu.SemaphoreType.DMA,
        ],
    )
    def sc_gather(table_hbm, idx_hbm, out_hbm, idx_v, rows_v, sem):
        wid = lax.axis_index("s") * info.num_cores + lax.axis_index("c")
        base = wid * b_per_w
        pltpu.sync_copy(idx_hbm.at[pl.ds(base, b_per_w)], idx_v)
        pltpu.async_copy(table_hbm.at[idx_v], rows_v, sem).wait()
        pltpu.sync_copy(rows_v, out_hbm.at[pl.ds(base, b_per_w)])

    return sc_gather


_sc_gather_cache = {}


def _gather_rows(codebook, idx_flat):
    n = idx_flat.shape[0]
    if n not in _sc_gather_cache:
        _sc_gather_cache[n] = _make_sc_gather(n)
    return _sc_gather_cache[n](codebook, idx_flat)


def kernel(x, codebook):
    b, c, h, w = x.shape
    xm2 = jnp.transpose(x, (0, 2, 3, 1)).reshape(-1, c) * jnp.float32(-2.0)
    s_row = jnp.float32(0.25) * jnp.sum(xm2 * xm2, axis=1)[None, :]

    idx2d = _argmin_indices(xm2, s_row, codebook)
    g = _gather_rows(codebook, idx2d.reshape(N_TOK))

    ori = jnp.transpose(g.reshape(b, h, w, c), (0, 3, 1, 2))
    st = x + (ori - x)
    return (idx2d, st, ori)

# --- scband reference (transcript-rebuilt; emitter-appended) ---
"""Pipeline reference for scband-vquantized-70394513981955 (READ-ONLY COPY).

The authoritative reference and input builder live on the scoring server;
editing this copy changes nothing except your own understanding.
"""

import jax, jax.numpy as jnp
import numpy as np

NUM_EMBEDDINGS = 8192
EMBEDDING_DIM = 256

def setup_inputs(seed: int = 0) -> dict:
    key = jax.random.key(seed)
    k_x, k_cb = jax.random.split(key)
    x = jax.random.normal(k_x, (8, 256, 32, 32), dtype=jnp.float32)
    # nn.Embedding weight initialized uniform(-1/K, 1/K)
    codebook = jax.random.uniform(k_cb, (NUM_EMBEDDINGS, EMBEDDING_DIM), dtype=jnp.float32,
                                  minval=-1.0 / NUM_EMBEDDINGS, maxval=1.0 / NUM_EMBEDDINGS)
    return {"x": x, "codebook": codebook}

def reference(x, codebook):
    b, c, h, w = x.shape
    xp = jnp.transpose(x, (0, 2, 3, 1)).reshape(-1, c)  # (N, C)
    # squared L2 distance to every codebook entry
    distance = (jnp.sum(xp ** 2, axis=1, keepdims=True)
                + jnp.sum(codebook ** 2, axis=1)
                - 2.0 * jnp.matmul(xp, codebook.T))  # (N, K)
    indices = jnp.argmin(distance, axis=1)[:, None]  # (N, 1)
    quantized = jnp.take(codebook, indices[:, 0], axis=0).reshape(b, h, w, c)
    quantized = jnp.transpose(quantized, (0, 3, 1, 2))  # (B, C, H, W)
    ori_quantized = quantized
    x_r = xp.reshape(b, h, w, c)
    x_r = jnp.transpose(x_r, (0, 3, 1, 2))
    # straight-through estimator
    quantized_st = x_r + jax.lax.stop_gradient(quantized - x_r)
    return (indices, quantized_st, ori_quantized)

if __name__ == "__main__":
    import jax
    _d = setup_inputs()
    print(jax.jit(kernel)(*tuple(_d.values())))

</pallas_src>

<mosaic_0001>
#map = affine_map<(d0, d1) -> (0, 0)>
#map1 = affine_map<(d0, d1) -> (0)>
module attributes {stable_mosaic.version = 14 : i64} {
  func.func @sc_gather(%arg0: i32, %arg1: i32, %arg2: memref<8192x256xf32, #tpu.memory_space<hbm>>, %arg3: memref<8192xi32, #tpu.memory_space<hbm>>, %arg4: memref<8192x256xf32, #tpu.memory_space<hbm>>, %arg5: memref<256xi32, #tpu.memory_space<vmem>>, %arg6: memref<256x256xf32, #tpu.memory_space<vmem>>, %arg7: memref<!tpu.dma_semaphore, #tpu.memory_space<semaphore_mem>>) attributes {dimension_semantics = [#tpu.dimension_semantics<core_parallel>, #tpu.dimension_semantics<subcore_parallel>], iteration_bounds = array<i64: 2, 16>, scalar_prefetch = 0 : i64, scratch_operands = 3 : i64, tpu.core_type = #tpu.core_type<sc_vector_subcore>, window_params = [{transform_indices = #map}, {transform_indices = #map1}, {transform_indices = #map}]} {
    %mul3A = arith.constant 2 : i32
    %mul3A_0 = arith.muli %arg1, %mul3A : i32
    %add3A = arith.addi %mul3A_0, %arg0 : i32
    %mul3A_1 = arith.constant 256 : i32
    %mul3A_2 = arith.muli %add3A, %mul3A_1 : i32
    "tpu.region"() ({
      %run_scoped3A = tpu.sem_alloc : memref<!tpu.dma_semaphore, #tpu.memory_space<semaphore_mem>>
      %dma_start3A_7 = tpu.memref_slice %arg3[%mul3A_2] : memref<8192xi32, #tpu.memory_space<hbm>> -> memref<256xi32, #tpu.memory_space<hbm>>
      %dma_start3A_8 = tpu.memref_slice %arg3[%mul3A_2] : memref<8192xi32, #tpu.memory_space<hbm>> -> memref<256xi32, #tpu.memory_space<hbm>>
      tpu.enqueue_dma source(%dma_start3A_8 : memref<256xi32, #tpu.memory_space<hbm>>) target(%arg5 : memref<256xi32, #tpu.memory_space<vmem>>) target_semaphore(%run_scoped3A : memref<!tpu.dma_semaphore, #tpu.memory_space<semaphore_mem>>)
      %dma_wait3A_9 = tpu.memref_slice %arg3[%mul3A_2] : memref<8192xi32, #tpu.memory_space<hbm>> -> memref<256xi32, #tpu.memory_space<hbm>>
      %dma_wait3A_10 = tpu.memref_slice %arg3[%mul3A_2] : memref<8192xi32, #tpu.memory_space<hbm>> -> memref<256xi32, #tpu.memory_space<hbm>>
      tpu.wait_dma2 semaphore(%run_scoped3A : memref<!tpu.dma_semaphore, #tpu.memory_space<semaphore_mem>>) src(%dma_wait3A_10 : memref<256xi32, #tpu.memory_space<hbm>>) dst(%arg5 : memref<256xi32, #tpu.memory_space<vmem>>)
      tpu.yield
    }) : () -> ()
    %dma_start3A = arith.constant 0 : i32
    %dma_start3A_3 = arith.constant 0 : i32
    %dma_start3A_4 = tpu.memref_slice %arg2[%dma_start3A, %dma_start3A_3] : memref<8192x256xf32, #tpu.memory_space<hbm>> -> memref<8192x256xf32, #tpu.memory_space<hbm>>
    tpu.enqueue_indirect_dma source(%dma_start3A_4 : memref<8192x256xf32, #tpu.memory_space<hbm>>) target(%arg6 : memref<256x256xf32, #tpu.memory_space<vmem>>) offsets(%arg5 : memref<256xi32, #tpu.memory_space<vmem>>) semaphore(%arg7 : memref<!tpu.dma_semaphore, #tpu.memory_space<semaphore_mem>>)
    %dma_wait3A = arith.constant 0 : i32
    %dma_wait3A_5 = arith.constant 0 : i32
    %dma_wait3A_6 = tpu.memref_slice %arg2[%dma_wait3A, %dma_wait3A_5] : memref<8192x256xf32, #tpu.memory_space<hbm>> -> memref<8192x256xf32, #tpu.memory_space<hbm>>
    tpu.wait_indirect_dma semaphore(%arg7 : memref<!tpu.dma_semaphore, #tpu.memory_space<semaphore_mem>>) src(%dma_wait3A_6 : memref<8192x256xf32, #tpu.memory_space<hbm>>) dst(%arg6 : memref<256x256xf32, #tpu.memory_space<vmem>>)
    "tpu.region"() ({
      %run_scoped3A = tpu.sem_alloc : memref<!tpu.dma_semaphore, #tpu.memory_space<semaphore_mem>>
      %dma_start3A_7 = arith.constant 0 : i32
      %dma_start3A_8 = tpu.memref_slice %arg4[%mul3A_2, %dma_start3A_7] : memref<8192x256xf32, #tpu.memory_space<hbm>> -> memref<256x256xf32, #tpu.memory_space<hbm>>
      %dma_start3A_9 = arith.constant 0 : i32
      %dma_start3A_10 = tpu.memref_slice %arg4[%mul3A_2, %dma_start3A_9] : memref<8192x256xf32, #tpu.memory_space<hbm>> -> memref<256x256xf32, #tpu.memory_space<hbm>>
      tpu.enqueue_dma source(%arg6 : memref<256x256xf32, #tpu.memory_space<vmem>>) target(%dma_start3A_10 : memref<256x256xf32, #tpu.memory_space<hbm>>) target_semaphore(%run_scoped3A : memref<!tpu.dma_semaphore, #tpu.memory_space<semaphore_mem>>)
      %dma_wait3A_11 = arith.constant 0 : i32
      %dma_wait3A_12 = tpu.memref_slice %arg4[%mul3A_2, %dma_wait3A_11] : memref<8192x256xf32, #tpu.memory_space<hbm>> -> memref<256x256xf32, #tpu.memory_space<hbm>>
      %dma_wait3A_13 = arith.constant 0 : i32
      %dma_wait3A_14 = tpu.memref_slice %arg4[%mul3A_2, %dma_wait3A_13] : memref<8192x256xf32, #tpu.memory_space<hbm>> -> memref<256x256xf32, #tpu.memory_space<hbm>>
      tpu.wait_dma2 semaphore(%run_scoped3A : memref<!tpu.dma_semaphore, #tpu.memory_space<semaphore_mem>>) src(%arg6 : memref<256x256xf32, #tpu.memory_space<vmem>>) dst(%dma_wait3A_14 : memref<256x256xf32, #tpu.memory_space<hbm>>)
      tpu.yield
    }) : () -> ()
    return
  }
}

module attributes {stable_mosaic.version = 14 : i64} {
  func.func @_argmin_body(%arg0: i32, %arg1: i32, %arg2: memref<2048x256xf32, #tpu.memory_space<vmem>>, %arg3: memref<1x2048xf32, #tpu.memory_space<vmem>>, %arg4: memref<1024x1xf32, #tpu.memory_space<vmem>>, %arg5: memref<1024x256xf32, #tpu.memory_space<vmem>>, %arg6: memref<1024x256xf32, #tpu.memory_space<vmem>>, %arg7: memref<1x1x2048xi32, #tpu.memory_space<vmem>>, %arg8: memref<1024x2048xf32, #tpu.memory_space<vmem>>, %arg9: memref<1024x2048xf32, #tpu.memory_space<vmem>>, %arg10: memref<1x2048xf32, #tpu.memory_space<vmem>>, %arg11: memref<1x2048xf32, #tpu.memory_space<vmem>>) attributes {dimension_semantics = [#tpu.dimension_semantics<arbitrary>, #tpu.dimension_semantics<arbitrary>], iteration_bounds = array<i64: 4, 4>, scalar_prefetch = 0 : i64, scratch_operands = 4 : i64, tpu.core_type = #tpu.core_type<tc>, window_params = [{transform_indices = @transform_0, window_bounds = array<i64: 2048, 256>}, {transform_indices = @transform_1, window_bounds = array<i64: 1, 2048>}, {pipeline_mode = #tpu.pipeline_mode<synchronous>, transform_indices = @transform_2, window_bounds = array<i64: 1024, 1>}, {transform_indices = @transform_3, window_bounds = array<i64: 1024, 256>}, {transform_indices = @transform_4, window_bounds = array<i64: 1024, 256>}, {transform_indices = @transform_5, window_bounds = array<i64: 1, 1, 2048>}]} {
    %eq3A = arith.constant 0 : i32
    %eq3A_0 = arith.cmpi eq, %arg1, %eq3A : i32
    %convert_element_type3A = arith.extui %eq3A_0 : i1 to i32
    %cond3A = arith.constant 0 : i32
    %cond3A_1 = arith.cmpi ne, %convert_element_type3A, %cond3A : i32
    scf.if %cond3A_1 {
      %broadcast_in_dim3A_5713 = arith.constant 0x7F800000 : f32
      %broadcast_in_dim3A_5714 = vector.broadcast %broadcast_in_dim3A_5713 : f32 to vector<1x2048xf32>
      %swap3A_5715 = arith.constant 0 : index
      %swap3A_5716 = arith.constant 0 : index
      %swap3A_5717 = vector.load %arg10[%swap3A_5715, %swap3A_5716] : memref<1x2048xf32, #tpu.memory_space<vmem>>, vector<1x2048xf32>
      tpu.vector_store %arg10[%swap3A_5715, %swap3A_5716], %broadcast_in_dim3A_5714 {strides = array<i32>} : memref<1x2048xf32, #tpu.memory_space<vmem>>, vector<1x2048xf32>,
      %broadcast_in_dim3A_5718 = arith.constant 0.000000e+00 : f32
      %broadcast_in_dim3A_5719 = vector.broadcast %broadcast_in_dim3A_5718 : f32 to vector<1x2048xf32>
      %swap3A_5720 = arith.constant 0 : index
      %swap3A_5721 = arith.constant 0 : index
      %swap3A_5722 = vector.load %arg11[%swap3A_5720, %swap3A_5721] : memref<1x2048xf32, #tpu.memory_space<vmem>>, vector<1x2048xf32>
      tpu.vector_store %arg11[%swap3A_5720, %swap3A_5721], %broadcast_in_dim3A_5719 {strides = array<i32>} : memref<1x2048xf32, #tpu.memory_space<vmem>>, vector<1x2048xf32>,
    } else {
    }
    %get3A = arith.constant 0 : index
    %get3A_2 = arith.constant 0 : index
    %get3A_3 = vector.load %arg5[%get3A, %get3A_2] : memref<1024x256xf32, #tpu.memory_space<vmem>>, vector<1024x256xf32>
    %get3A_4 = arith.constant 0 : index
    %get3A_5 = arith.constant 0 : index
    %get3A_6 = vector.load %arg2[%get3A_4, %get3A_5] : memref<2048x256xf32, #tpu.memory_space<vmem>>, vector<2048x256xf32>
    %dot_general3A = arith.constant dense<0.000000e+00> : vector<1024x2048xf32>
    %dot_general3A_7 = tpu.matmul %get3A_3, %get3A_6, %dot_general3A {dimension_numbers = #tpu.dot_dimension_numbers<[1], [1], [0], [0], [0, 0, 1, 0], [], []>, transpose_lhs_hint = false} : vector<1024x256xf32>, vector<2048x256xf32>, vector<1024x2048xf32> -> vector<1024x2048xf32>
    %swap3A = arith.constant 0 : index
    %swap3A_8 = arith.constant 0 : index
    %swap3A_9 = vector.load %arg8[%swap3A, %swap3A_8] : memref<1024x2048xf32, #tpu.memory_space<vmem>>, vector<1024x2048xf32>
    tpu.vector_store %arg8[%swap3A, %swap3A_8], %dot_general3A_7 {strides = array<i32>} : memref<1024x2048xf32, #tpu.memory_space<vmem>>, vector<1024x2048xf32>,
    %get3A_10 = arith.constant 0 : index
    %get3A_11 = arith.constant 0 : index
    %get3A_12 = vector.load %arg6[%get3A_10, %get3A_11] : memref<1024x256xf32, #tpu.memory_space<vmem>>, vector<1024x256xf32>
    %get3A_13 = arith.constant 0 : index
    %get3A_14 = arith.constant 0 : index
    %get3A_15 = vector.load %arg2[%get3A_13, %get3A_14] : memref<2048x256xf32, #tpu.memory_space<vmem>>, vector<2048x256xf32>
    %dot_general3A_16 = arith.constant dense<0.000000e+00> : vector<1024x2048xf32>
    %dot_general3A_17 = tpu.matmul %get3A_12, %get3A_15, %dot_general3A_16 {dimension_numbers = #tpu.dot_dimension_numbers<[1], [1], [0], [0], [0, 0, 1, 0], [], []>, transpose_lhs_hint = false} : vector<1024x256xf32>, vector<2048x256xf32>, vector<1024x2048xf32> -> vector<1024x2048xf32>
    %swap3A_18 = arith.constant 0 : index
    %swap3A_19 = arith.constant 0 : index
    %swap3A_20 = vector.load %arg9[%swap3A_18, %swap3A_19] : memref<1024x2048xf32, #tpu.memory_space<vmem>>, vector<1024x2048xf32>
    tpu.vector_store %arg9[%swap3A_18, %swap3A_19], %dot_general3A_17 {strides = array<i32>} : memref<1024x2048xf32, #tpu.memory_space<vmem>>, vector<1024x2048xf32>,
    %convert_element_type3A_21 = arith.sitofp %arg1 : i32 to f32
    %mul3A = arith.constant 2.048000e+03 : f32
    %mul3A_22 = arith.mulf %mul3A, %convert_element_type3A_21 : f32
    %get3A_23 = arith.constant 0 : index
    %get3A_24 = arith.constant 0 : index
    %get3A_25 = vector.load %arg3[%get3A_23, %get3A_24] : memref<1x2048xf32, #tpu.memory_space<vmem>>, vector<1x2048xf32>
    %get3A_26 = arith.constant 0 : index
    %get3A_27 = arith.constant 0 : index
    %get3A_28 = vector.load %arg8[%get3A_26, %get3A_27] : memref<1024x2048xf32, #tpu.memory_space<vmem>>, vector<8x2048xf32>
    %add3A = vector.broadcast %get3A_25 : vector<1x2048xf32> to vector<8x2048xf32>
    %add3A_29 = arith.addf %add3A, %get3A_28 : vector<8x2048xf32>
    %get3A_30 = arith.constant 8 : index
    %get3A_31 = arith.constant 0 : index
    %get3A_32 = vector.load %arg8[%get3A_30, %get3A_31] : memref<1024x2048xf32, #tpu.memory_space<vmem>>, vector<8x2048xf32>
    %add3A_33 = vector.broadcast %get3A_25 : vector<1x2048xf32> to vector<8x2048xf32>
    %add3A_34 = arith.addf %add3A_33, %get3A_32 : vector<8x2048xf32>
    %min3A = arith.minimumf %add3A_29, %add3A_34 : vector<8x2048xf32>
    %get3A_35 = arith.constant 16 : index
    %get3A_36 = arith.constant 0 : index
    %get3A_37 = vector.load %arg8[%get3A_35, %get3A_36] : memref<1024x2048xf32, #tpu.memory_space<vmem>>, vector<8x2048xf32>
    %add3A_38 = vector.broadcast %get3A_25 : vector<1x2048xf32> to vector<8x2048xf32>
    %add3A_39 = arith.addf %add3A_38, %get3A_37 : vector<8x2048xf32>
    %min3A_40 = arith.minimumf %min3A, %add3A_39 : vector<8x2048xf32>
    %get3A_41 = arith.constant 24 : index
    %get3A_42 = arith.constant 0 : index
    %get3A_43 = vector.load %arg8[%get3A_41, %get3A_42] : memref<1024x2048xf32, #tpu.memory_space<vmem>>, vector<8x2048xf32>
    %add3A_44 = vector.broadcast %get3A_25 : vector<1x2048xf32> to vector<8x2048xf32>
    %add3A_45 = arith.addf %add3A_44, %get3A_43 : vector<8x2048xf32>
    %min3A_46 = arith.minimumf %min3A_40, %add3A_45 : vector<8x2048xf32>
    %get3A_47 = arith.constant 32 : index
    %get3A_48 = arith.constant 0 : index
    %get3A_49 = vector.load %arg8[%get3A_47, %get3A_48] : memref<1024x2048xf32, #tpu.memory_space<vmem>>, vector<8x2048xf32>
    %add3A_50 = vector.broadcast %get3A_25 : vector<1x2048xf32> to vector<8x2048xf32>
    %add3A_51 = arith.addf %add3A_50, %get3A_49 : vector<8x2048xf32>
    %min3A_52 = arith.minimumf %min3A_46, %add3A_51 : vector<8x2048xf32>
    %get3A_53 = arith.constant 40 : index
    %get3A_54 = arith.constant 0 : index
    %get3A_55 = vector.load %arg8[%get3A_53, %get3A_54] : memref<1024x2048xf32, #tpu.memory_space<vmem>>, vector<8x2048xf32>
    %add3A_56 = vector.broadcast %get3A_25 : vector<1x2048xf32> to vector<8x2048xf32>
    %add3A_57 = arith.addf %add3A_56, %get3A_55 : vector<8x2048xf32>
    %min3A_58 = arith.minimumf %min3A_52, %add3A_57 : vector<8x2048xf32>
    %get3A_59 = arith.constant 48 : index
    %get3A_60 = arith.constant 0 : index
    %get3A_61 = vector.load %arg8[%get3A_59, %get3A_60] : memref<1024x2048xf32, #tpu.memory_space<vmem>>, vector<8x2048xf32>
    %add3A_62 = vector.broadcast %get3A_25 : vector<1x2048xf32> to vector<8x2048xf32>
    %add3A_63 = arith.addf %add3A_62, %get3A_61 : vector<8x2048xf32>
    %min3A_64 = arith.minimumf %min3A_58, %add3A_63 : vector<8x2048xf32>
    %get3A_65 = arith.constant 56 : index
    %get3A_66 = arith.constant 0 : index
    %get3A_67 = vector.load %arg8[%get3A_65, %get3A_66] : memref<1024x2048xf32, #tpu.memory_space<vmem>>, vector<8x2048xf32>
    %add3A_68 = vector.broadcast %get3A_25 : vector<1x2048xf32> to vector<8x2048xf32>
    %add3A_69 = arith.addf %add3A_68, %get3A_67 : vector<8x2048xf32>
    %min3A_70 = arith.minimumf %min3A_64, %add3A_69 : vector<8x2048xf32>
    %get3A_71 = arith.constant 64 : index
    %get3A_72 = arith.constant 0 : index
    %get3A_73 = vector.load %arg8[%get3A_71, %get3A_72] : memref<1024x2048xf32, #tpu.memory_space<vmem>>, vector<8x2048xf32>
    %add3A_74 = vector.broadcast %get3A_25 : vector<1x2048xf32> to vector<8x2048xf32>
    %add3A_75 = arith.addf %add3A_74, %get3A_73 : vector<8x2048xf32>
    %min3A_76 = arith.minimumf %min3A_70, %add3A_75 : vector<8x2048xf32>
    %get3A_77 = arith.constant 72 : index
    %get3A_78 = arith.constant 0 : index
    %get3A_79 = vector.load %arg8[%get3A_77, %get3A_78] : memref<1024x2048xf32, #tpu.memory_space<vmem>>, vector<8x2048xf32>
    %add3A_80 = vector.broadcast %get3A_25 : vector<1x2048xf32> to vector<8x2048xf32>
    %add3A_81 = arith.addf %add3A_80, %get3A_79 : vector<8x2048xf32>
    %min3A_82 = arith.minimumf %min3A_76, %add3A_81 : vector<8x2048xf32>
    %get3A_83 = arith.constant 80 : index
    %get3A_84 = arith.constant 0 : index
    %get3A_85 = vector.load %arg8[%get3A_83, %get3A_84] : memref<1024x2048xf32, #tpu.memory_space<vmem>>, vector<8x2048xf32>
    %add3A_86 = vector.broadcast %get3A_25 : vector<1x2048xf32> to vector<8x2048xf32>
    %add3A_87 = arith.addf %add3A_86, %get3A_85 : vector<8x2048xf32>
    %min3A_88 = arith.minimumf %min3A_82, %add3A_87 : vector<8x2048xf32>
    %get3A_89 = arith.constant 88 : index
    %get3A_90 = arith.constant 0 : index
    %get3A_91 = vector.load %arg8[%get3A_89, %get3A_90] : memref<1024x2048xf32, #tpu.memory_space<vmem>>, vector<8x2048xf32>
    %add3A_92 = vector.broadcast %get3A_25 : vector<1x2048xf32> to vector<8x2048xf32>
    %add3A_93 = arith.addf %add3A_92, %get3A_91 : vector<8x2048xf32>
    %min3A_94 = arith.minimumf %min3A_88, %add3A_93 : vector<8x2048xf32>
    %get3A_95 = arith.constant 96 : index
    %get3A_96 = arith.constant 0 : index
    %get3A_97 = vector.load %arg8[%get3A_95, %get3A_96] : memref<1024x2048xf32, #tpu.memory_space<vmem>>, vector<8x2048xf32>
    %add3A_98 = vector.broadcast %get3A_25 : vector<1x2048xf32> to vector<8x2048xf32>
    %add3A_99 = arith.addf %add3A_98, %get3A_97 : vector<8x2048xf32>
    %min3A_100 = arith.minimumf %min3A_94, %add3A_99 : vector<8x2048xf32>
    %get3A_101 = arith.constant 104 : index
    %get3A_102 = arith.constant 0 : index
    %get3A_103 = vector.load %arg8[%get3A_101, %get3A_102] : memref<1024x2048xf32, #tpu.memory_space<vmem>>, vector<8x2048xf32>
    %add3A_104 = vector.broadcast %get3A_25 : vector<1x2048xf32> to vector<8x2048xf32>
    %add3A_105 = arith.addf %add3A_104, %get3A_103 : vector<8x2048xf32>
    %min3A_106 = arith.minimumf %min3A_100, %add3A_105 : vector<8x2048xf32>
    %get3A_107 = arith.constant 112 : index
    %get3A_108 = arith.constant 0 : index
    %get3A_109 = vector.load %arg8[%get3A_107, %get3A_108] : memref<1024x2048xf32, #tpu.memory_space<vmem>>, vector<8x2048xf32>
    %add3A_110 = vector.broadcast %get3A_25 : vector<1x2048xf32> to vector<8x2048xf32>
    %add3A_111 = arith.addf %add3A_110, %get3A_109 : vector<8x2048xf32>
    %min3A_112 = arith.minimumf %min3A_106, %add3A_111 : vector<8x2048xf32>
    %get3A_113 = arith.constant 120 : index
    %get3A_114 = arith.constant 0 : index
    %get3A_115 = vector.load %arg8[%get3A_113, %get3A_114] : memref<1024x2048xf32, #tpu.memory_space<vmem>>, vector<8x2048xf32>
    %add3A_116 = vector.broadcast %get3A_25 : vector<1x2048xf32> to vector<8x2048xf32>
    %add3A_117 = arith.addf %add3A_116, %get3A_115 : vector<8x2048xf32>
    %min3A_118 = arith.minimumf %min3A_112, %add3A_117 : vector<8x2048xf32>
    %get3A_119 = arith.constant 128 : index
    %get3A_120 = arith.constant 0 : index
    %get3A_121 = vector.load %arg8[%get3A_119, %get3A_120] : memref<1024x2048xf32, #tpu.memory_space<vmem>>, vector<8x2048xf32>
    %add3A_122 = vector.broadcast %get3A_25 : vector<1x2048xf32> to vector<8x2048xf32>
    %add3A_123 = arith.addf %add3A_122, %get3A_121 : vector<8x2048xf32>
    %min3A_124 = arith.minimumf %min3A_118, %add3A_123 : vector<8x2048xf32>
    %get3A_125 = arith.constant 136 : index
    %get3A_126 = arith.constant 0 : index
    %get3A_127 = vector.load %arg8[%get3A_125, %get3A_126] : memref<1024x2048xf32, #tpu.memory_space<vmem>>, vector<8x2048xf32>
    %add3A_128 = vector.broadcast %get3A_25 : vector<1x2048xf32> to vector<8x2048xf32>
    %add3A_129 = arith.addf %add3A_128, %get3A_127 : vector<8x2048xf32>
    %min3A_130 = arith.minimumf %min3A_124, %add3A_129 : vector<8x2048xf32>
    %get3A_131 = arith.constant 144 : index
    %get3A_132 = arith.constant 0 : index
    %get3A_133 = vector.load %arg8[%get3A_131, %get3A_132] : memref<1024x2048xf32, #tpu.memory_space<vmem>>, vector<8x2048xf32>
    %add3A_134 = vector.broadcast %get3A_25 : vector<1x2048xf32> to vector<8x2048xf32>
    %add3A_135 = arith.addf %add3A_134, %get3A_133 : vector<8x2048xf32>
    %min3A_136 = arith.minimumf %min3A_130, %add3A_135 : vector<8x2048xf32>
    %get3A_137 = arith.constant 152 : index
    %get3A_138 = arith.constant 0 : index
    %get3A_139 = vector.load %arg8[%get3A_137, %get3A_138] : memref<1024x2048xf32, #tpu.memory_space<vmem>>, vector<8x2048xf32>
    %add3A_140 = vector.broadcast %get3A_25 : vector<1x2048xf32> to vector<8x2048xf32>
    %add3A_141 = arith.addf %add3A_140, %get3A_139 : vector<8x2048xf32>
    %min3A_142 = arith.minimumf %min3A_136, %add3A_141 : vector<8x2048xf32>
    %get3A_143 = arith.constant 160 : index
    %get3A_144 = arith.constant 0 : index
    %get3A_145 = vector.load %arg8[%get3A_143, %get3A_144] : memref<1024x2048xf32, #tpu.memory_space<vmem>>, vector<8x2048xf32>
    %add3A_146 = vector.broadcast %get3A_25 : vector<1x2048xf32> to vector<8x2048xf32>
    %add3A_147 = arith.addf %add3A_146, %get3A_145 : vector<8x2048xf32>
    %min3A_148 = arith.minimumf %min3A_142, %add3A_147 : vector<8x2048xf32>
    %get3A_149 = arith.constant 168 : index
    %get3A_150 = arith.constant 0 : index
    %get3A_151 = vector.load %arg8[%get3A_149, %get3A_150] : memref<1024x2048xf32, #tpu.memory_space<vmem>>, vector<8x2048xf32>
    %add3A_152 = vector.broadcast %get3A_25 : vector<1x2048xf32> to vector<8x2048xf32>
    %add3A_153 = arith.addf %add3A_152, %get3A_151 : vector<8x2048xf32>
    %min3A_154 = arith.minimumf %min3A_148, %add3A_153 : vector<8x2048xf32>
    %get3A_155 = arith.constant 176 : index
    %get3A_156 = arith.constant 0 : index
    %get3A_157 = vector.load %arg8[%get3A_155, %get3A_156] : memref<1024x2048xf32, #tpu.memory_space<vmem>>, vector<8x2048xf32>
    %add3A_158 = vector.broadcast %get3A_25 : vector<1x2048xf32> to vector<8x2048xf32>
    %add3A_159 = arith.addf %add3A_158, %get3A_157 : vector<8x2048xf32>
    %min3A_160 = arith.minimumf %min3A_154, %add3A_159 : vector<8x2048xf32>
    %get3A_161 = arith.constant 184 : index
    %get3A_162 = arith.constant 0 : index
    %get3A_163 = vector.load %arg8[%get3A_161, %get3A_162] : memref<1024x2048xf32, #tpu.memory_space<vmem>>, vector<8x2048xf32>
    %add3A_164 = vector.broadcast %get3A_25 : vector<1x2048xf32> to vector<8x2048xf32>
    %add3A_165 = arith.addf %add3A_164, %get3A_163 : vector<8x2048xf32>
    %min3A_166 = arith.minimumf %min3A_160, %add3A_165 : vector<8x2048xf32>
    %get3A_167 = arith.constant 192 : index
    %get3A_168 = arith.constant 0 : index
    %get3A_169 = vector.load %arg8[%get3A_167, %get3A_168] : memref<1024x2048xf32, #tpu.memory_space<vmem>>, vector<8x2048xf32>
    %add3A_170 = vector.broadcast %get3A_25 : vector<1x2048xf32> to vector<8x2048xf32>
    %add3A_171 = arith.addf %add3A_170, %get3A_169 : vector<8x2048xf32>
    %min3A_172 = arith.minimumf %min3A_166, %add3A_171 : vector<8x2048xf32>
    %get3A_173 = arith.constant 200 : index
    %get3A_174 = arith.constant 0 : index
    %get3A_175 = vector.load %arg8[%get3A_173, %get3A_174] : memref<1024x2048xf32, #tpu.memory_space<vmem>>, vector<8x2048xf32>
    %add3A_176 = vector.broadcast %get3A_25 : vector<1x2048xf32> to vector<8x2048xf32>
    %add3A_177 = arith.addf %add3A_176, %get3A_175 : vector<8x2048xf32>
    %min3A_178 = arith.minimumf %min3A_172, %add3A_177 : vector<8x2048xf32>
    %get3A_179 = arith.constant 208 : index
    %get3A_180 = arith.constant 0 : index
    %get3A_181 = vector.load %arg8[%get3A_179, %get3A_180] : memref<1024x2048xf32, #tpu.memory_space<vmem>>, vector<8x2048xf32>
    %add3A_182 = vector.broadcast %get3A_25 : vector<1x2048xf32> to vector<8x2048xf32>
    %add3A_183 = arith.addf %add3A_182, %get3A_181 : vector<8x2048xf32>
    %min3A_184 = arith.minimumf %min3A_178, %add3A_183 : vector<8x2048xf32>
    %get3A_185 = arith.constant 216 : index
    %get3A_186 = arith.constant 0 : index
    %get3A_187 = vector.load %arg8[%get3A_185, %get3A_186] : memref<1024x2048xf32, #tpu.memory_space<vmem>>, vector<8x2048xf32>
    %add3A_188 = vector.broadcast %get3A_25 : vector<1x2048xf32> to vector<8x2048xf32>
    %add3A_189 = arith.addf %add3A_188, %get3A_187 : vector<8x2048xf32>
    %min3A_190 = arith.minimumf %min3A_184, %add3A_189 : vector<8x2048xf32>
    %get3A_191 = arith.constant 224 : index
    %get3A_192 = arith.constant 0 : index
    %get3A_193 = vector.load %arg8[%get3A_191, %get3A_192] : memref<1024x2048xf32, #tpu.memory_space<vmem>>, vector<8x2048xf32>
    %add3A_194 = vector.broadcast %get3A_25 : vector<1x2048xf32> to vector<8x2048xf32>
    %add3A_195 = arith.addf %add3A_194, %get3A_193 : vector<8x2048xf32>
    %min3A_196 = arith.minimumf %min3A_190, %add3A_195 : vector<8x2048xf32>
    %get3A_197 = arith.constant 232 : index
    %get3A_198 = arith.constant 0 : index
    %get3A_199 = vector.load %arg8[%get3A_197, %get3A_198] : memref<1024x2048xf32, #tpu.memory_space<vmem>>, vector<8x2048xf32>
    %add3A_200 = vector.broadcast %get3A_25 : vector<1x2048xf32> to vector<8x2048xf32>
    %add3A_201 = arith.addf %add3A_200, %get3A_199 : vector<8x2048xf32>
    %min3A_202 = arith.minimumf %min3A_196, %add3A_201 : vector<8x2048xf32>
    %get3A_203 = arith.constant 240 : index
    %get3A_204 = arith.constant 0 : index
    %get3A_205 = vector.load %arg8[%get3A_203, %get3A_204] : memref<1024x2048xf32, #tpu.memory_space<vmem>>, vector<8x2048xf32>
    %add3A_206 = vector.broadcast %get3A_25 : vector<1x2048xf32> to vector<8x2048xf32>
    %add3A_207 = arith.addf %add3A_206, %get3A_205 : vector<8x2048xf32>
    %min3A_208 = arith.minimumf %min3A_202, %add3A_207 : vector<8x2048xf32>
    %get3A_209 = arith.constant 248 : index
    %get3A_210 = arith.constant 0 : index
    %get3A_211 = vector.load %arg8[%get3A_209, %get3A_210] : memref<1024x2048xf32, #tpu.memory_space<vmem>>, vector<8x2048xf32>
    %add3A_212 = vector.broadcast %get3A_25 : vector<1x2048xf32> to vector<8x2048xf32>
    %add3A_213 = arith.addf %add3A_212, %get3A_211 : vector<8x2048xf32>
    %min3A_214 = arith.minimumf %min3A_208, %add3A_213 : vector<8x2048xf32>
    %get3A_215 = arith.constant 256 : index
    %get3A_216 = arith.constant 0 : index
    %get3A_217 = vector.load %arg8[%get3A_215, %get3A_216] : memref<1024x2048xf32, #tpu.memory_space<vmem>>, vector<8x2048xf32>
    %add3A_218 = vector.broadcast %get3A_25 : vector<1x2048xf32> to vector<8x2048xf32>
    %add3A_219 = arith.addf %add3A_218, %get3A_217 : vector<8x2048xf32>
    %min3A_220 = arith.minimumf %min3A_214, %add3A_219 : vector<8x2048xf32>
    %get3A_221 = arith.constant 264 : index
    %get3A_222 = arith.constant 0 : index
    %get3A_223 = vector.load %arg8[%get3A_221, %get3A_222] : memref<1024x2048xf32, #tpu.memory_space<vmem>>, vector<8x2048xf32>
    %add3A_224 = vector.broadcast %get3A_25 : vector<1x2048xf32> to vector<8x2048xf32>
    %add3A_225 = arith.addf %add3A_224, %get3A_223 : vector<8x2048xf32>
    %min3A_226 = arith.minimumf %min3A_220, %add3A_225 : vector<8x2048xf32>
    %get3A_227 = arith.constant 272 : index
    %get3A_228 = arith.constant 0 : index
    %get3A_229 = vector.load %arg8[%get3A_227, %get3A_228] : memref<1024x2048xf32, #tpu.memory_space<vmem>>, vector<8x2048xf32>
    %add3A_230 = vector.broadcast %get3A_25 : vector<1x2048xf32> to vector<8x2048xf32>
    %add3A_231 = arith.addf %add3A_230, %get3A_229 : vector<8x2048xf32>
    %min3A_232 = arith.minimumf %min3A_226, %add3A_231 : vector<8x2048xf32>
    %get3A_233 = arith.constant 280 : index
    %get3A_234 = arith.constant 0 : index
    %get3A_235 = vector.load %arg8[%get3A_233, %get3A_234] : memref<1024x2048xf32, #tpu.memory_space<vmem>>, vector<8x2048xf32>
    %add3A_236 = vector.broadcast %get3A_25 : vector<1x2048xf32> to vector<8x2048xf32>
    %add3A_237 = arith.addf %add3A_236, %get3A_235 : vector<8x2048xf32>
    %min3A_238 = arith.minimumf %min3A_232, %add3A_237 : vector<8x2048xf32>
    %get3A_239 = arith.constant 288 : index
    %get3A_240 = arith.constant 0 : index
    %get3A_241 = vector.load %arg8[%get3A_239, %get3A_240] : memref<1024x2048xf32, #tpu.memory_space<vmem>>, vector<8x2048xf32>
    %add3A_242 = vector.broadcast %get3A_25 : vector<1x2048xf32> to vector<8x2048xf32>
    %add3A_243 = arith.addf %add3A_242, %get3A_241 : vector<8x2048xf32>
    %min3A_244 = arith.minimumf %min3A_238, %add3A_243 : vector<8x2048xf32>
    %get3A_245 = arith.constant 296 : index
    %get3A_246 = arith.constant 0 : index
    %get3A_247 = vector.load %arg8[%get3A_245, %get3A_246] : memref<1024x2048xf32, #tpu.memory_space<vmem>>, vector<8x2048xf32>
    %add3A_248 = vector.broadcast %get3A_25 : vector<1x2048xf32> to vector<8x2048xf32>
    %add3A_249 = arith.addf %add3A_248, %get3A_247 : vector<8x2048xf32>
    %min3A_250 = arith.minimumf %min3A_244, %add3A_249 : vector<8x2048xf32>
    %get3A_251 = arith.constant 304 : index
    %get3A_252 = arith.constant 0 : index
    %get3A_253 = vector.load %arg8[%get3A_251, %get3A_252] : memref<1024x2048xf32, #tpu.memory_space<vmem>>, vector<8x2048xf32>
    %add3A_254 = vector.broadcast %get3A_25 : vector<1x2048xf32> to vector<8x2048xf32>
    %add3A_255 = arith.addf %add3A_254, %get3A_253 : vector<8x2048xf32>
    %min3A_256 = arith.minimumf %min3A_250, %add3A_255 : vector<8x2048xf32>
    %get3A_257 = arith.constant 312 : index
    %get3A_258 = arith.constant 0 : index
    %get3A_259 = vector.load %arg8[%get3A_257, %get3A_258] : memref<1024x2048xf32, #tpu.memory_space<vmem>>, vector<8x2048xf32>
    %add3A_260 = vector.broadcast %get3A_25 : vector<1x2048xf32> to vector<8x2048xf32>
    %add3A_261 = arith.addf %add3A_260, %get3A_259 : vector<8x2048xf32>
    %min3A_262 = arith.minimumf %min3A_256, %add3A_261 : vector<8x2048xf32>
    %get3A_263 = arith.constant 320 : index
    %get3A_264 = arith.constant 0 : index
    %get3A_265 = vector.load %arg8[%get3A_263, %get3A_264] : memref<1024x2048xf32, #tpu.memory_space<vmem>>, vector<8x2048xf32>
    %add3A_266 = vector.broadcast %get3A_25 : vector<1x2048xf32> to vector<8x2048xf32>
    %add3A_267 = arith.addf %add3A_266, %get3A_265 : vector<8x2048xf32>
    %min3A_268 = arith.minimumf %min3A_262, %add3A_267 : vector<8x2048xf32>
    %get3A_269 = arith.constant 328 : index
    %get3A_270 = arith.constant 0 : index
    %get3A_271 = vector.load %arg8[%get3A_269, %get3A_270] : memref<1024x2048xf32, #tpu.memory_space<vmem>>, vector<8x2048xf32>
    %add3A_272 = vector.broadcast %get3A_25 : vector<1x2048xf32> to vector<8x2048xf32>
    %add3A_273 = arith.addf %add3A_272, %get3A_271 : vector<8x2048xf32>
    %min3A_274 = arith.minimumf %min3A_268, %add3A_273 : vector<8x2048xf32>
    %get3A_275 = arith.constant 336 : index
    %get3A_276 = arith.constant 0 : index
    %get3A_277 = vector.load %arg8[%get3A_275, %get3A_276] : memref<1024x2048xf32, #tpu.memory_space<vmem>>, vector<8x2048xf32>
    %add3A_278 = vector.broadcast %get3A_25 : vector<1x2048xf32> to vector<8x2048xf32>
    %add3A_279 = arith.addf %add3A_278, %get3A_277 : vector<8x2048xf32>
    %min3A_280 = arith.minimumf %min3A_274, %add3A_279 : vector<8x2048xf32>
    %get3A_281 = arith.constant 344 : index
    %get3A_282 = arith.constant 0 : index
    %get3A_283 = vector.load %arg8[%get3A_281, %get3A_282] : memref<1024x2048xf32, #tpu.memory_space<vmem>>, vector<8x2048xf32>
    %add3A_284 = vector.broadcast %get3A_25 : vector<1x2048xf32> to vector<8x2048xf32>
    %add3A_285 = arith.addf %add3A_284, %get3A_283 : vector<8x2048xf32>
    %min3A_286 = arith.minimumf %min3A_280, %add3A_285 : vector<8x2048xf32>
    %get3A_287 = arith.constant 352 : index
    %get3A_288 = arith.constant 0 : index
    %get3A_289 = vector.load %arg8[%get3A_287, %get3A_288] : memref<1024x2048xf32, #tpu.memory_space<vmem>>, vector<8x2048xf32>
    %add3A_290 = vector.broadcast %get3A_25 : vector<1x2048xf32> to vector<8x2048xf32>
    %add3A_291 = arith.addf %add3A_290, %get3A_289 : vector<8x2048xf32>
    %min3A_292 = arith.minimumf %min3A_286, %add3A_291 : vector<8x2048xf32>
    %get3A_293 = arith.constant 360 : index
    %get3A_294 = arith.constant 0 : index
    %get3A_295 = vector.load %arg8[%get3A_293, %get3A_294] : memref<1024x2048xf32, #tpu.memory_space<vmem>>, vector<8x2048xf32>
    %add3A_296 = vector.broadcast %get3A_25 : vector<1x2048xf32> to vector<8x2048xf32>
    %add3A_297 = arith.addf %add3A_296, %get3A_295 : vector<8x2048xf32>
    %min3A_298 = arith.minimumf %min3A_292, %add3A_297 : vector<8x2048xf32>
    %get3A_299 = arith.constant 368 : index
    %get3A_300 = arith.constant 0 : index
    %get3A_301 = vector.load %arg8[%get3A_299, %get3A_300] : memref<1024x2048xf32, #tpu.memory_space<vmem>>, vector<8x2048xf32>
    %add3A_302 = vector.broadcast %get3A_25 : vector<1x2048xf32> to vector<8x2048xf32>
    %add3A_303 = arith.addf %add3A_302, %get3A_301 : vector<8x2048xf32>
    %min3A_304 = arith.minimumf %min3A_298, %add3A_303 : vector<8x2048xf32>
    %get3A_305 = arith.constant 376 : index
    %get3A_306 = arith.constant 0 : index
    %get3A_307 = vector.load %arg8[%get3A_305, %get3A_306] : memref<1024x2048xf32, #tpu.memory_space<vmem>>, vector<8x2048xf32>
    %add3A_308 = vector.broadcast %get3A_25 : vector<1x2048xf32> to vector<8x2048xf32>
    %add3A_309 = arith.addf %add3A_308, %get3A_307 : vector<8x2048xf32>
    %min3A_310 = arith.minimumf %min3A_304, %add3A_309 : vector<8x2048xf32>
    %get3A_311 = arith.constant 384 : index
    %get3A_312 = arith.constant 0 : index
    %get3A_313 = vector.load %arg8[%get3A_311, %get3A_312] : memref<1024x2048xf32, #tpu.memory_space<vmem>>, vector<8x2048xf32>
    %add3A_314 = vector.broadcast %get3A_25 : vector<1x2048xf32> to vector<8x2048xf32>
    %add3A_315 = arith.addf %add3A_314, %get3A_313 : vector<8x2048xf32>
    %min3A_316 = arith.minimumf %min3A_310, %add3A_315 : vector<8x2048xf32>
    %get3A_317 = arith.constant 392 : index
    %get3A_318 = arith.constant 0 : index
    %get3A_319 = vector.load %arg8[%get3A_317, %get3A_318] : memref<1024x2048xf32, #tpu.memory_space<vmem>>, vector<8x2048xf32>
    %add3A_320 = vector.broadcast %get3A_25 : vector<1x2048xf32> to vector<8x2048xf32>
    %add3A_321 = arith.addf %add3A_320, %get3A_319 : vector<8x2048xf32>
    %min3A_322 = arith.minimumf %min3A_316, %add3A_321 : vector<8x2048xf32>
    %get3A_323 = arith.constant 400 : index
    %get3A_324 = arith.constant 0 : index
    %get3A_325 = vector.load %arg8[%get3A_323, %get3A_324] : memref<1024x2048xf32, #tpu.memory_space<vmem>>, vector<8x2048xf32>
    %add3A_326 = vector.broadcast %get3A_25 : vector<1x2048xf32> to vector<8x2048xf32>
    %add3A_327 = arith.addf %add3A_326, %get3A_325 : vector<8x2048xf32>
    %min3A_328 = arith.minimumf %min3A_322, %add3A_327 : vector<8x2048xf32>
    %get3A_329 = arith.constant 408 : index
    %get3A_330 = arith.constant 0 : index
    %get3A_331 = vector.load %arg8[%get3A_329, %get3A_330] : memref<1024x2048xf32, #tpu.memory_space<vmem>>, vector<8x2048xf32>
    %add3A_332 = vector.broadcast %get3A_25 : vector<1x2048xf32> to vector<8x2048xf32>
    %add3A_333 = arith.addf %add3A_332, %get3A_331 : vector<8x2048xf32>
    %min3A_334 = arith.minimumf %min3A_328, %add3A_333 : vector<8x2048xf32>
    %get3A_335 = arith.constant 416 : index
    %get3A_336 = arith.constant 0 : index
    %get3A_337 = vector.load %arg8[%get3A_335, %get3A_336] : memref<1024x2048xf32, #tpu.memory_space<vmem>>, vector<8x2048xf32>
    %add3A_338 = vector.broadcast %get3A_25 : vector<1x2048xf32> to vector<8x2048xf32>
    %add3A_339 = arith.addf %add3A_338, %get3A_337 : vector<8x2048xf32>
    %min3A_340 = arith.minimumf %min3A_334, %add3A_339 : vector<8x2048xf32>
    %get3A_341 = arith.constant 424 : index
    %get3A_342 = arith.constant 0 : index
    %get3A_343 = vector.load %arg8[%get3A_341, %get3A_342] : memref<1024x2048xf32, #tpu.memory_space<vmem>>, vector<8x2048xf32>
    %add3A_344 = vector.broadcast %get3A_25 : vector<1x2048xf32> to vector<8x2048xf32>
    %add3A_345 = arith.addf %add3A_344, %get3A_343 : vector<8x2048xf32>
    %min3A_346 = arith.minimumf %min3A_340, %add3A_345 : vector<8x2048xf32>
    %get3A_347 = arith.constant 432 : index
    %get3A_348 = arith.constant 0 : index
    %get3A_349 = vector.load %arg8[%get3A_347, %get3A_348] : memref<1024x2048xf32, #tpu.memory_space<vmem>>, vector<8x2048xf32>
    %add3A_350 = vector.broadcast %get3A_25 : vector<1x2048xf32> to vector<8x2048xf32>
    %add3A_351 = arith.addf %add3A_350, %get3A_349 : vector<8x2048xf32>
    %min3A_352 = arith.minimumf %min3A_346, %add3A_351 : vector<8x2048xf32>
    %get3A_353 = arith.constant 440 : index
    %get3A_354 = arith.constant 0 : index
    %get3A_355 = vector.load %arg8[%get3A_353, %get3A_354] : memref<1024x2048xf32, #tpu.memory_space<vmem>>, vector<8x2048xf32>
    %add3A_356 = vector.broadcast %get3A_25 : vector<1x2048xf32> to vector<8x2048xf32>
    %add3A_357 = arith.addf %add3A_356, %get3A_355 : vector<8x2048xf32>
    %min3A_358 = arith.minimumf %min3A_352, %add3A_357 : vector<8x2048xf32>
    %get3A_359 = arith.constant 448 : index
    %get3A_360 = arith.constant 0 : index
    %get3A_361 = vector.load %arg8[%get3A_359, %get3A_360] : memref<1024x2048xf32, #tpu.memory_space<vmem>>, vector<8x2048xf32>
    %add3A_362 = vector.broadcast %get3A_25 : vector<1x2048xf32> to vector<8x2048xf32>
    %add3A_363 = arith.addf %add3A_362, %get3A_361 : vector<8x2048xf32>
    %min3A_364 = arith.minimumf %min3A_358, %add3A_363 : vector<8x2048xf32>
    %get3A_365 = arith.constant 456 : index
    %get3A_366 = arith.constant 0 : index
    %get3A_367 = vector.load %arg8[%get3A_365, %get3A_366] : memref<1024x2048xf32, #tpu.memory_space<vmem>>, vector<8x2048xf32>
    %add3A_368 = vector.broadcast %get3A_25 : vector<1x2048xf32> to vector<8x2048xf32>
    %add3A_369 = arith.addf %add3A_368, %get3A_367 : vector<8x2048xf32>
    %min3A_370 = arith.minimumf %min3A_364, %add3A_369 : vector<8x2048xf32>
    %get3A_371 = arith.constant 464 : index
    %get3A_372 = arith.constant 0 : index
    %get3A_373 = vector.load %arg8[%get3A_371, %get3A_372] : memref<1024x2048xf32, #tpu.memory_space<vmem>>, vector<8x2048xf32>
    %add3A_374 = vector.broadcast %get3A_25 : vector<1x2048xf32> to vector<8x2048xf32>
    %add3A_375 = arith.addf %add3A_374, %get3A_373 : vector<8x2048xf32>
    %min3A_376 = arith.minimumf %min3A_370, %add3A_375 : vector<8x2048xf32>
    %get3A_377 = arith.constant 472 : index
    %get3A_378 = arith.constant 0 : index
    %get3A_379 = vector.load %arg8[%get3A_377, %get3A_378] : memref<1024x2048xf32, #tpu.memory_space<vmem>>, vector<8x2048xf32>
    %add3A_380 = vector.broadcast %get3A_25 : vector<1x2048xf32> to vector<8x2048xf32>
    %add3A_381 = arith.addf %add3A_380, %get3A_379 : vector<8x2048xf32>
    %min3A_382 = arith.minimumf %min3A_376, %add3A_381 : vector<8x2048xf32>
    %get3A_383 = arith.constant 480 : index
    %get3A_384 = arith.constant 0 : index
    %get3A_385 = vector.load %arg8[%get3A_383, %get3A_384] : memref<1024x2048xf32, #tpu.memory_space<vmem>>, vector<8x2048xf32>
    %add3A_386 = vector.broadcast %get3A_25 : vector<1x2048xf32> to vector<8x2048xf32>
    %add3A_387 = arith.addf %add3A_386, %get3A_385 : vector<8x2048xf32>
    %min3A_388 = arith.minimumf %min3A_382, %add3A_387 : vector<8x2048xf32>
    %get3A_389 = arith.constant 488 : index
    %get3A_390 = arith.constant 0 : index
    %get3A_391 = vector.load %arg8[%get3A_389, %get3A_390] : memref<1024x2048xf32, #tpu.memory_space<vmem>>, vector<8x2048xf32>
    %add3A_392 = vector.broadcast %get3A_25 : vector<1x2048xf32> to vector<8x2048xf32>
    %add3A_393 = arith.addf %add3A_392, %get3A_391 : vector<8x2048xf32>
    %min3A_394 = arith.minimumf %min3A_388, %add3A_393 : vector<8x2048xf32>
    %get3A_395 = arith.constant 496 : index
    %get3A_396 = arith.constant 0 : index
    %get3A_397 = vector.load %arg8[%get3A_395, %get3A_396] : memref<1024x2048xf32, #tpu.memory_space<vmem>>, vector<8x2048xf32>
    %add3A_398 = vector.broadcast %get3A_25 : vector<1x2048xf32> to vector<8x2048xf32>
    %add3A_399 = arith.addf %add3A_398, %get3A_397 : vector<8x2048xf32>
    %min3A_400 = arith.minimumf %min3A_394, %add3A_399 : vector<8x2048xf32>
    %get3A_401 = arith.constant 504 : index
    %get3A_402 = arith.constant 0 : index
    %get3A_403 = vector.load %arg8[%get3A_401, %get3A_402] : memref<1024x2048xf32, #tpu.memory_space<vmem>>, vector<8x2048xf32>
    %add3A_404 = vector.broadcast %get3A_25 : vector<1x2048xf32> to vector<8x2048xf32>
    %add3A_405 = arith.addf %add3A_404, %get3A_403 : vector<8x2048xf32>
    %min3A_406 = arith.minimumf %min3A_400, %add3A_405 : vector<8x2048xf32>
    %get3A_407 = arith.constant 512 : index
    %get3A_408 = arith.constant 0 : index
    %get3A_409 = vector.load %arg8[%get3A_407, %get3A_408] : memref<1024x2048xf32, #tpu.memory_space<vmem>>, vector<8x2048xf32>
    %add3A_410 = vector.broadcast %get3A_25 : vector<1x2048xf32> to vector<8x2048xf32>
    %add3A_411 = arith.addf %add3A_410, %get3A_409 : vector<8x2048xf32>
    %min3A_412 = arith.minimumf %min3A_406, %add3A_411 : vector<8x2048xf32>
    %get3A_413 = arith.constant 520 : index
    %get3A_414 = arith.constant 0 : index
    %get3A_415 = vector.load %arg8[%get3A_413, %get3A_414] : memref<1024x2048xf32, #tpu.memory_space<vmem>>, vector<8x2048xf32>
    %add3A_416 = vector.broadcast %get3A_25 : vector<1x2048xf32> to vector<8x2048xf32>
    %add3A_417 = arith.addf %add3A_416, %get3A_415 : vector<8x2048xf32>
    %min3A_418 = arith.minimumf %min3A_412, %add3A_417 : vector<8x2048xf32>
    %get3A_419 = arith.constant 528 : index
    %get3A_420 = arith.constant 0 : index
    %get3A_421 = vector.load %arg8[%get3A_419, %get3A_420] : memref<1024x2048xf32, #tpu.memory_space<vmem>>, vector<8x2048xf32>
    %add3A_422 = vector.broadcast %get3A_25 : vector<1x2048xf32> to vector<8x2048xf32>
    %add3A_423 = arith.addf %add3A_422, %get3A_421 : vector<8x2048xf32>
    %min3A_424 = arith.minimumf %min3A_418, %add3A_423 : vector<8x2048xf32>
    %get3A_425 = arith.constant 536 : index
    %get3A_426 = arith.constant 0 : index
    %get3A_427 = vector.load %arg8[%get3A_425, %get3A_426] : memref<1024x2048xf32, #tpu.memory_space<vmem>>, vector<8x2048xf32>
    %add3A_428 = vector.broadcast %get3A_25 : vector<1x2048xf32> to vector<8x2048xf32>
    %add3A_429 = arith.addf %add3A_428, %get3A_427 : vector<8x2048xf32>
    %min3A_430 = arith.minimumf %min3A_424, %add3A_429 : vector<8x2048xf32>
    %get3A_431 = arith.constant 544 : index
    %get3A_432 = arith.constant 0 : index
    %get3A_433 = vector.load %arg8[%get3A_431, %get3A_432] : memref<1024x2048xf32, #tpu.memory_space<vmem>>, vector<8x2048xf32>
    %add3A_434 = vector.broadcast %get3A_25 : vector<1x2048xf32> to vector<8x2048xf32>
    %add3A_435 = arith.addf %add3A_434, %get3A_433 : vector<8x2048xf32>
    %min3A_436 = arith.minimumf %min3A_430, %add3A_435 : vector<8x2048xf32>
    %get3A_437 = arith.constant 552 : index
    %get3A_438 = arith.constant 0 : index
    %get3A_439 = vector.load %arg8[%get3A_437, %get3A_438] : memref<1024x2048xf32, #tpu.memory_space<vmem>>, vector<8x2048xf32>
    %add3A_440 = vector.broadcast %get3A_25 : vector<1x2048xf32> to vector<8x2048xf32>
    %add3A_441 = arith.addf %add3A_440, %get3A_439 : vector<8x2048xf32>
    %min3A_442 = arith.minimumf %min3A_436, %add3A_441 : vector<8x2048xf32>
    %get3A_443 = arith.constant 560 : index
    %get3A_444 = arith.constant 0 : index
    %get3A_445 = vector.load %arg8[%get3A_443, %get3A_444] : memref<1024x2048xf32, #tpu.memory_space<vmem>>, vector<8x2048xf32>
    %add3A_446 = vector.broadcast %get3A_25 : vector<1x2048xf32> to vector<8x2048xf32>
    %add3A_447 = arith.addf %add3A_446, %get3A_445 : vector<8x2048xf32>
    %min3A_448 = arith.minimumf %min3A_442, %add3A_447 : vector<8x2048xf32>
    %get3A_449 = arith.constant 568 : index
    %get3A_450 = arith.constant 0 : index
    %get3A_451 = vector.load %arg8[%get3A_449, %get3A_450] : memref<1024x2048xf32, #tpu.memory_space<vmem>>, vector<8x2048xf32>
    %add3A_452 = vector.broadcast %get3A_25 : vector<1x2048xf32> to vector<8x2048xf32>
    %add3A_453 = arith.addf %add3A_452, %get3A_451 : vector<8x2048xf32>
    %min3A_454 = arith.minimumf %min3A_448, %add3A_453 : vector<8x2048xf32>
    %get3A_455 = arith.constant 576 : index
    %get3A_456 = arith.constant 0 : index
    %get3A_457 = vector.load %arg8[%get3A_455, %get3A_456] : memref<1024x2048xf32, #tpu.memory_space<vmem>>, vector<8x2048xf32>
    %add3A_458 = vector.broadcast %get3A_25 : vector<1x2048xf32> to vector<8x2048xf32>
    %add3A_459 = arith.addf %add3A_458, %get3A_457 : vector<8x2048xf32>
    %min3A_460 = arith.minimumf %min3A_454, %add3A_459 : vector<8x2048xf32>
    %get3A_461 = arith.constant 584 : index
    %get3A_462 = arith.constant 0 : index
    %get3A_463 = vector.load %arg8[%get3A_461, %get3A_462] : memref<1024x2048xf32, #tpu.memory_space<vmem>>, vector<8x2048xf32>
    %add3A_464 = vector.broadcast %get3A_25 : vector<1x2048xf32> to vector<8x2048xf32>
    %add3A_465 = arith.addf %add3A_464, %get3A_463 : vector<8x2048xf32>
    %min3A_466 = arith.minimumf %min3A_460, %add3A_465 : vector<8x2048xf32>
    %get3A_467 = arith.constant 592 : index
    %get3A_468 = arith.constant 0 : index
    %get3A_469 = vector.load %arg8[%get3A_467, %get3A_468] : memref<1024x2048xf32, #tpu.memory_space<vmem>>, vector<8x2048xf32>
    %add3A_470 = vector.broadcast %get3A_25 : vector<1x2048xf32> to vector<8x2048xf32>
    %add3A_471 = arith.addf %add3A_470, %get3A_469 : vector<8x2048xf32>
    %min3A_472 = arith.minimumf %min3A_466, %add3A_471 : vector<8x2048xf32>
    %get3A_473 = arith.constant 600 : index
    %get3A_474 = arith.constant 0 : index
    %get3A_475 = vector.load %arg8[%get3A_473, %get3A_474] : memref<1024x2048xf32, #tpu.memory_space<vmem>>, vector<8x2048xf32>
    %add3A_476 = vector.broadcast %get3A_25 : vector<1x2048xf32> to vector<8x2048xf32>
    %add3A_477 = arith.addf %add3A_476, %get3A_475 : vector<8x2048xf32>
    %min3A_478 = arith.minimumf %min3A_472, %add3A_477 : vector<8x2048xf32>
    %get3A_479 = arith.constant 608 : index
    %get3A_480 = arith.constant 0 : index
    %get3A_481 = vector.load %arg8[%get3A_479, %get3A_480] : memref<1024x2048xf32, #tpu.memory_space<vmem>>, vector<8x2048xf32>
    %add3A_482 = vector.broadcast %get3A_25 : vector<1x2048xf32> to vector<8x2048xf32>
    %add3A_483 = arith.addf %add3A_482, %get3A_481 : vector<8x2048xf32>
    %min3A_484 = arith.minimumf %min3A_478, %add3A_483 : vector<8x2048xf32>
    %get3A_485 = arith.constant 616 : index
    %get3A_486 = arith.constant 0 : index
    %get3A_487 = vector.load %arg8[%get3A_485, %get3A_486] : memref<1024x2048xf32, #tpu.memory_space<vmem>>, vector<8x2048xf32>
    %add3A_488 = vector.broadcast %get3A_25 : vector<1x2048xf32> to vector<8x2048xf32>
    %add3A_489 = arith.addf %add3A_488, %get3A_487 : vector<8x2048xf32>
    %min3A_490 = arith.minimumf %min3A_484, %add3A_489 : vector<8x2048xf32>
    %get3A_491 = arith.constant 624 : index
    %get3A_492 = arith.constant 0 : index
    %get3A_493 = vector.load %arg8[%get3A_491, %get3A_492] : memref<1024x2048xf32, #tpu.memory_space<vmem>>, vector<8x2048xf32>
    %add3A_494 = vector.broadcast %get3A_25 : vector<1x2048xf32> to vector<8x2048xf32>
    %add3A_495 = arith.addf %add3A_494, %get3A_493 : vector<8x2048xf32>
    %min3A_496 = arith.minimumf %min3A_490, %add3A_495 : vector<8x2048xf32>
    %get3A_497 = arith.constant 632 : index
    %get3A_498 = arith.constant 0 : index
    %get3A_499 = vector.load %arg8[%get3A_497, %get3A_498] : memref<1024x2048xf32, #tpu.memory_space<vmem>>, vector<8x2048xf32>
    %add3A_500 = vector.broadcast %get3A_25 : vector<1x2048xf32> to vector<8x2048xf32>
    %add3A_501 = arith.addf %add3A_500, %get3A_499 : vector<8x2048xf32>
    %min3A_502 = arith.minimumf %min3A_496, %add3A_501 : vector<8x2048xf32>
    %get3A_503 = arith.constant 640 : index
    %get3A_504 = arith.constant 0 : index
    %get3A_505 = vector.load %arg8[%get3A_503, %get3A_504] : memref<1024x2048xf32, #tpu.memory_space<vmem>>, vector<8x2048xf32>
    %add3A_506 = vector.broadcast %get3A_25 : vector<1x2048xf32> to vector<8x2048xf32>
    %add3A_507 = arith.addf %add3A_506, %get3A_505 : vector<8x2048xf32>
    %min3A_508 = arith.minimumf %min3A_502, %add3A_507 : vector<8x2048xf32>
    %get3A_509 = arith.constant 648 : index
    %get3A_510 = arith.constant 0 : index
    %get3A_511 = vector.load %arg8[%get3A_509, %get3A_510] : memref<1024x2048xf32, #tpu.memory_space<vmem>>, vector<8x2048xf32>
    %add3A_512 = vector.broadcast %get3A_25 : vector<1x2048xf32> to vector<8x2048xf32>
    %add3A_513 = arith.addf %add3A_512, %get3A_511 : vector<8x2048xf32>
    %min3A_514 = arith.minimumf %min3A_508, %add3A_513 : vector<8x2048xf32>
    %get3A_515 = arith.constant 656 : index
    %get3A_516 = arith.constant 0 : index
    %get3A_517 = vector.load %arg8[%get3A_515, %get3A_516] : memref<1024x2048xf32, #tpu.memory_space<vmem>>, vector<8x2048xf32>
    %add3A_518 = vector.broadcast %get3A_25 : vector<1x2048xf32> to vector<8x2048xf32>
    %add3A_519 = arith.addf %add3A_518, %get3A_517 : vector<8x2048xf32>
    %min3A_520 = arith.minimumf %min3A_514, %add3A_519 : vector<8x2048xf32>
    %get3A_521 = arith.constant 664 : index
    %get3A_522 = arith.constant 0 : index
    %get3A_523 = vector.load %arg8[%get3A_521, %get3A_522] : memref<1024x2048xf32, #tpu.memory_space<vmem>>, vector<8x2048xf32>
    %add3A_524 = vector.broadcast %get3A_25 : vector<1x2048xf32> to vector<8x2048xf32>
    %add3A_525 = arith.addf %add3A_524, %get3A_523 : vector<8x2048xf32>
    %min3A_526 = arith.minimumf %min3A_520, %add3A_525 : vector<8x2048xf32>
    %get3A_527 = arith.constant 672 : index
    %get3A_528 = arith.constant 0 : index
    %get3A_529 = vector.load %arg8[%get3A_527, %get3A_528] : memref<1024x2048xf32, #tpu.memory_space<vmem>>, vector<8x2048xf32>
    %add3A_530 = vector.broadcast %get3A_25 : vector<1x2048xf32> to vector<8x2048xf32>
    %add3A_531 = arith.addf %add3A_530, %get3A_529 : vector<8x2048xf32>
    %min3A_532 = arith.minimumf %min3A_526, %add3A_531 : vector<8x2048xf32>
    %get3A_533 = arith.constant 680 : index
    %get3A_534 = arith.constant 0 : index
    %get3A_535 = vector.load %arg8[%get3A_533, %get3A_534] : memref<1024x2048xf32, #tpu.memory_space<vmem>>, vector<8x2048xf32>
    %add3A_536 = vector.broadcast %get3A_25 : vector<1x2048xf32> to vector<8x2048xf32>
    %add3A_537 = arith.addf %add3A_536, %get3A_535 : vector<8x2048xf32>
    %min3A_538 = arith.minimumf %min3A_532, %add3A_537 : vector<8x2048xf32>
    %get3A_539 = arith.constant 688 : index
    %get3A_540 = arith.constant 0 : index
    %get3A_541 = vector.load %arg8[%get3A_539, %get3A_540] : memref<1024x2048xf32, #tpu.memory_space<vmem>>, vector<8x2048xf32>
    %add3A_542 = vector.broadcast %get3A_25 : vector<1x2048xf32> to vector<8x2048xf32>
    %add3A_543 = arith.addf %add3A_542, %get3A_541 : vector<8x2048xf32>
    %min3A_544 = arith.minimumf %min3A_538, %add3A_543 : vector<8x2048xf32>
    %get3A_545 = arith.constant 696 : index
    %get3A_546 = arith.constant 0 : index
    %get3A_547 = vector.load %arg8[%get3A_545, %get3A_546] : memref<1024x2048xf32, #tpu.memory_space<vmem>>, vector<8x2048xf32>
    %add3A_548 = vector.broadcast %get3A_25 : vector<1x2048xf32> to vector<8x2048xf32>
    %add3A_549 = arith.addf %add3A_548, %get3A_547 : vector<8x2048xf32>
    %min3A_550 = arith.minimumf %min3A_544, %add3A_549 : vector<8x2048xf32>
    %get3A_551 = arith.constant 704 : index
    %get3A_552 = arith.constant 0 : index
    %get3A_553 = vector.load %arg8[%get3A_551, %get3A_552] : memref<1024x2048xf32, #tpu.memory_space<vmem>>, vector<8x2048xf32>
    %add3A_554 = vector.broadcast %get3A_25 : vector<1x2048xf32> to vector<8x2048xf32>
    %add3A_555 = arith.addf %add3A_554, %get3A_553 : vector<8x2048xf32>
    %min3A_556 = arith.minimumf %min3A_550, %add3A_555 : vector<8x2048xf32>
    %get3A_557 = arith.constant 712 : index
    %get3A_558 = arith.constant 0 : index
    %get3A_559 = vector.load %arg8[%get3A_557, %get3A_558] : memref<1024x2048xf32, #tpu.memory_space<vmem>>, vector<8x2048xf32>
    %add3A_560 = vector.broadcast %get3A_25 : vector<1x2048xf32> to vector<8x2048xf32>
    %add3A_561 = arith.addf %add3A_560, %get3A_559 : vector<8x2048xf32>
    %min3A_562 = arith.minimumf %min3A_556, %add3A_561 : vector<8x2048xf32>
    %get3A_563 = arith.constant 720 : index
    %get3A_564 = arith.constant 0 : index
    %get3A_565 = vector.load %arg8[%get3A_563, %get3A_564] : memref<1024x2048xf32, #tpu.memory_space<vmem>>, vector<8x2048xf32>
    %add3A_566 = vector.broadcast %get3A_25 : vector<1x2048xf32> to vector<8x2048xf32>
    %add3A_567 = arith.addf %add3A_566, %get3A_565 : vector<8x2048xf32>
    %min3A_568 = arith.minimumf %min3A_562, %add3A_567 : vector<8x2048xf32>
    %get3A_569 = arith.constant 728 : index
    %get3A_570 = arith.constant 0 : index
    %get3A_571 = vector.load %arg8[%get3A_569, %get3A_570] : memref<1024x2048xf32, #tpu.memory_space<vmem>>, vector<8x2048xf32>
    %add3A_572 = vector.broadcast %get3A_25 : vector<1x2048xf32> to vector<8x2048xf32>
    %add3A_573 = arith.addf %add3A_572, %get3A_571 : vector<8x2048xf32>
    %min3A_574 = arith.minimumf %min3A_568, %add3A_573 : vector<8x2048xf32>
    %get3A_575 = arith.constant 736 : index
    %get3A_576 = arith.constant 0 : index
    %get3A_577 = vector.load %arg8[%get3A_575, %get3A_576] : memref<1024x2048xf32, #tpu.memory_space<vmem>>, vector<8x2048xf32>
    %add3A_578 = vector.broadcast %get3A_25 : vector<1x2048xf32> to vector<8x2048xf32>
    %add3A_579 = arith.addf %add3A_578, %get3A_577 : vector<8x2048xf32>
    %min3A_580 = arith.minimumf %min3A_574, %add3A_579 : vector<8x2048xf32>
    %get3A_581 = arith.constant 744 : index
    %get3A_582 = arith.constant 0 : index
    %get3A_583 = vector.load %arg8[%get3A_581, %get3A_582] : memref<1024x2048xf32, #tpu.memory_space<vmem>>, vector<8x2048xf32>
    %add3A_584 = vector.broadcast %get3A_25 : vector<1x2048xf32> to vector<8x2048xf32>
    %add3A_585 = arith.addf %add3A_584, %get3A_583 : vector<8x2048xf32>
    %min3A_586 = arith.minimumf %min3A_580, %add3A_585 : vector<8x2048xf32>
    %get3A_587 = arith.constant 752 : index
    %get3A_588 = arith.constant 0 : index
    %get3A_589 = vector.load %arg8[%get3A_587, %get3A_588] : memref<1024x2048xf32, #tpu.memory_space<vmem>>, vector<8x2048xf32>
    %add3A_590 = vector.broadcast %get3A_25 : vector<1x2048xf32> to vector<8x2048xf32>
    %add3A_591 = arith.addf %add3A_590, %get3A_589 : vector<8x2048xf32>
    %min3A_592 = arith.minimumf %min3A_586, %add3A_591 : vector<8x2048xf32>
    %get3A_593 = arith.constant 760 : index
    %get3A_594 = arith.constant 0 : index
    %get3A_595 = vector.load %arg8[%get3A_593, %get3A_594] : memref<1024x2048xf32, #tpu.memory_space<vmem>>, vector<8x2048xf32>
    %add3A_596 = vector.broadcast %get3A_25 : vector<1x2048xf32> to vector<8x2048xf32>
    %add3A_597 = arith.addf %add3A_596, %get3A_595 : vector<8x2048xf32>
    %min3A_598 = arith.minimumf %min3A_592, %add3A_597 : vector<8x2048xf32>
    %get3A_599 = arith.constant 768 : index
    %get3A_600 = arith.constant 0 : index
    %get3A_601 = vector.load %arg8[%get3A_599, %get3A_600] : memref<1024x2048xf32, #tpu.memory_space<vmem>>, vector<8x2048xf32>
    %add3A_602 = vector.broadcast %get3A_25 : vector<1x2048xf32> to vector<8x2048xf32>
    %add3A_603 = arith.addf %add3A_602, %get3A_601 : vector<8x2048xf32>
    %min3A_604 = arith.minimumf %min3A_598, %add3A_603 : vector<8x2048xf32>
    %get3A_605 = arith.constant 776 : index
    %get3A_606 = arith.constant 0 : index
    %get3A_607 = vector.load %arg8[%get3A_605, %get3A_606] : memref<1024x2048xf32, #tpu.memory_space<vmem>>, vector<8x2048xf32>
    %add3A_608 = vector.broadcast %get3A_25 : vector<1x2048xf32> to vector<8x2048xf32>
    %add3A_609 = arith.addf %add3A_608, %get3A_607 : vector<8x2048xf32>
    %min3A_610 = arith.minimumf %min3A_604, %add3A_609 : vector<8x2048xf32>
    %get3A_611 = arith.constant 784 : index
    %get3A_612 = arith.constant 0 : index
    %get3A_613 = vector.load %arg8[%get3A_611, %get3A_612] : memref<1024x2048xf32, #tpu.memory_space<vmem>>, vector<8x2048xf32>
    %add3A_614 = vector.broadcast %get3A_25 : vector<1x2048xf32> to vector<8x2048xf32>
    %add3A_615 = arith.addf %add3A_614, %get3A_613 : vector<8x2048xf32>
    %min3A_616 = arith.minimumf %min3A_610, %add3A_615 : vector<8x2048xf32>
    %get3A_617 = arith.constant 792 : index
    %get3A_618 = arith.constant 0 : index
    %get3A_619 = vector.load %arg8[%get3A_617, %get3A_618] : memref<1024x2048xf32, #tpu.memory_space<vmem>>, vector<8x2048xf32>
    %add3A_620 = vector.broadcast %get3A_25 : vector<1x2048xf32> to vector<8x2048xf32>
    %add3A_621 = arith.addf %add3A_620, %get3A_619 : vector<8x2048xf32>
    %min3A_622 = arith.minimumf %min3A_616, %add3A_621 : vector<8x2048xf32>
    %get3A_623 = arith.constant 800 : index
    %get3A_624 = arith.constant 0 : index
    %get3A_625 = vector.load %arg8[%get3A_623, %get3A_624] : memref<1024x2048xf32, #tpu.memory_space<vmem>>, vector<8x2048xf32>
    %add3A_626 = vector.broadcast %get3A_25 : vector<1x2048xf32> to vector<8x2048xf32>
    %add3A_627 = arith.addf %add3A_626, %get3A_625 : vector<8x2048xf32>
    %min3A_628 = arith.minimumf %min3A_622, %add3A_627 : vector<8x2048xf32>
    %get3A_629 = arith.constant 808 : index
    %get3A_630 = arith.constant 0 : index
    %get3A_631 = vector.load %arg8[%get3A_629, %get3A_630] : memref<1024x2048xf32, #tpu.memory_space<vmem>>, vector<8x2048xf32>
    %add3A_632 = vector.broadcast %get3A_25 : vector<1x2048xf32> to vector<8x2048xf32>
    %add3A_633 = arith.addf %add3A_632, %get3A_631 : vector<8x2048xf32>
    %min3A_634 = arith.minimumf %min3A_628, %add3A_633 : vector<8x2048xf32>
    %get3A_635 = arith.constant 816 : index
    %get3A_636 = arith.constant 0 : index
    %get3A_637 = vector.load %arg8[%get3A_635, %get3A_636] : memref<1024x2048xf32, #tpu.memory_space<vmem>>, vector<8x2048xf32>
    %add3A_638 = vector.broadcast %get3A_25 : vector<1x2048xf32> to vector<8x2048xf32>
    %add3A_639 = arith.addf %add3A_638, %get3A_637 : vector<8x2048xf32>
    %min3A_640 = arith.minimumf %min3A_634, %add3A_639 : vector<8x2048xf32>
    %get3A_641 = arith.constant 824 : index
    %get3A_642 = arith.constant 0 : index
    %get3A_643 = vector.load %arg8[%get3A_641, %get3A_642] : memref<1024x2048xf32, #tpu.memory_space<vmem>>, vector<8x2048xf32>
    %add3A_644 = vector.broadcast %get3A_25 : vector<1x2048xf32> to vector<8x2048xf32>
    %add3A_645 = arith.addf %add3A_644, %get3A_643 : vector<8x2048xf32>
    %min3A_646 = arith.minimumf %min3A_640, %add3A_645 : vector<8x2048xf32>
    %get3A_647 = arith.constant 832 : index
    %get3A_648 = arith.constant 0 : index
    %get3A_649 = vector.load %arg8[%get3A_647, %get3A_648] : memref<1024x2048xf32, #tpu.memory_space<vmem>>, vector<8x2048xf32>
    %add3A_650 = vector.broadcast %get3A_25 : vector<1x2048xf32> to vector<8x2048xf32>
    %add3A_651 = arith.addf %add3A_650, %get3A_649 : vector<8x2048xf32>
    %min3A_652 = arith.minimumf %min3A_646, %add3A_651 : vector<8x2048xf32>
    %get3A_653 = arith.constant 840 : index
    %get3A_654 = arith.constant 0 : index
    %get3A_655 = vector.load %arg8[%get3A_653, %get3A_654] : memref<1024x2048xf32, #tpu.memory_space<vmem>>, vector<8x2048xf32>
    %add3A_656 = vector.broadcast %get3A_25 : vector<1x2048xf32> to vector<8x2048xf32>
    %add3A_657 = arith.addf %add3A_656, %get3A_655 : vector<8x2048xf32>
    %min3A_658 = arith.minimumf %min3A_652, %add3A_657 : vector<8x2048xf32>
    %get3A_659 = arith.constant 848 : index
    %get3A_660 = arith.constant 0 : index
    %get3A_661 = vector.load %arg8[%get3A_659, %get3A_660] : memref<1024x2048xf32, #tpu.memory_space<vmem>>, vector<8x2048xf32>
    %add3A_662 = vector.broadcast %get3A_25 : vector<1x2048xf32> to vector<8x2048xf32>
    %add3A_663 = arith.addf %add3A_662, %get3A_661 : vector<8x2048xf32>
    %min3A_664 = arith.minimumf %min3A_658, %add3A_663 : vector<8x2048xf32>
    %get3A_665 = arith.constant 856 : index
    %get3A_666 = arith.constant 0 : index
    %get3A_667 = vector.load %arg8[%get3A_665, %get3A_666] : memref<1024x2048xf32, #tpu.memory_space<vmem>>, vector<8x2048xf32>
    %add3A_668 = vector.broadcast %get3A_25 : vector<1x2048xf32> to vector<8x2048xf32>
    %add3A_669 = arith.addf %add3A_668, %get3A_667 : vector<8x2048xf32>
    %min3A_670 = arith.minimumf %min3A_664, %add3A_669 : vector<8x2048xf32>
    %get3A_671 = arith.constant 864 : index
    %get3A_672 = arith.constant 0 : index
    %get3A_673 = vector.load %arg8[%get3A_671, %get3A_672] : memref<1024x2048xf32, #tpu.memory_space<vmem>>, vector<8x2048xf32>
    %add3A_674 = vector.broadcast %get3A_25 : vector<1x2048xf32> to vector<8x2048xf32>
    %add3A_675 = arith.addf %add3A_674, %get3A_673 : vector<8x2048xf32>
    %min3A_676 = arith.minimumf %min3A_670, %add3A_675 : vector<8x2048xf32>
    %get3A_677 = arith.constant 872 : index
    %get3A_678 = arith.constant 0 : index
    %get3A_679 = vector.load %arg8[%get3A_677, %get3A_678] : memref<1024x2048xf32, #tpu.memory_space<vmem>>, vector<8x2048xf32>
    %add3A_680 = vector.broadcast %get3A_25 : vector<1x2048xf32> to vector<8x2048xf32>
    %add3A_681 = arith.addf %add3A_680, %get3A_679 : vector<8x2048xf32>
    %min3A_682 = arith.minimumf %min3A_676, %add3A_681 : vector<8x2048xf32>
    %get3A_683 = arith.constant 880 : index
    %get3A_684 = arith.constant 0 : index
    %get3A_685 = vector.load %arg8[%get3A_683, %get3A_684] : memref<1024x2048xf32, #tpu.memory_space<vmem>>, vector<8x2048xf32>
    %add3A_686 = vector.broadcast %get3A_25 : vector<1x2048xf32> to vector<8x2048xf32>
    %add3A_687 = arith.addf %add3A_686, %get3A_685 : vector<8x2048xf32>
    %min3A_688 = arith.minimumf %min3A_682, %add3A_687 : vector<8x2048xf32>
    %get3A_689 = arith.constant 888 : index
    %get3A_690 = arith.constant 0 : index
    %get3A_691 = vector.load %arg8[%get3A_689, %get3A_690] : memref<1024x2048xf32, #tpu.memory_space<vmem>>, vector<8x2048xf32>
    %add3A_692 = vector.broadcast %get3A_25 : vector<1x2048xf32> to vector<8x2048xf32>
    %add3A_693 = arith.addf %add3A_692, %get3A_691 : vector<8x2048xf32>
    %min3A_694 = arith.minimumf %min3A_688, %add3A_693 : vector<8x2048xf32>
    %get3A_695 = arith.constant 896 : index
    %get3A_696 = arith.constant 0 : index
    %get3A_697 = vector.load %arg8[%get3A_695, %get3A_696] : memref<1024x2048xf32, #tpu.memory_space<vmem>>, vector<8x2048xf32>
    %add3A_698 = vector.broadcast %get3A_25 : vector<1x2048xf32> to vector<8x2048xf32>
    %add3A_699 = arith.addf %add3A_698, %get3A_697 : vector<8x2048xf32>
    %min3A_700 = arith.minimumf %min3A_694, %add3A_699 : vector<8x2048xf32>
    %get3A_701 = arith.constant 904 : index
    %get3A_702 = arith.constant 0 : index
    %get3A_703 = vector.load %arg8[%get3A_701, %get3A_702] : memref<1024x2048xf32, #tpu.memory_space<vmem>>, vector<8x2048xf32>
    %add3A_704 = vector.broadcast %get3A_25 : vector<1x2048xf32> to vector<8x2048xf32>
    %add3A_705 = arith.addf %add3A_704, %get3A_703 : vector<8x2048xf32>
    %min3A_706 = arith.minimumf %min3A_700, %add3A_705 : vector<8x2048xf32>
    %get3A_707 = arith.constant 912 : index
    %get3A_708 = arith.constant 0 : index
    %get3A_709 = vector.load %arg8[%get3A_707, %get3A_708] : memref<1024x2048xf32, #tpu.memory_space<vmem>>, vector<8x2048xf32>
    %add3A_710 = vector.broadcast %get3A_25 : vector<1x2048xf32> to vector<8x2048xf32>
    %add3A_711 = arith.addf %add3A_710, %get3A_709 : vector<8x2048xf32>
    %min3A_712 = arith.minimumf %min3A_706, %add3A_711 : vector<8x2048xf32>
    %get3A_713 = arith.constant 920 : index
    %get3A_714 = arith.constant 0 : index
    %get3A_715 = vector.load %arg8[%get3A_713, %get3A_714] : memref<1024x2048xf32, #tpu.memory_space<vmem>>, vector<8x2048xf32>
    %add3A_716 = vector.broadcast %get3A_25 : vector<1x2048xf32> to vector<8x2048xf32>
    %add3A_717 = arith.addf %add3A_716, %get3A_715 : vector<8x2048xf32>
    %min3A_718 = arith.minimumf %min3A_712, %add3A_717 : vector<8x2048xf32>
    %get3A_719 = arith.constant 928 : index
    %get3A_720 = arith.constant 0 : index
    %get3A_721 = vector.load %arg8[%get3A_719, %get3A_720] : memref<1024x2048xf32, #tpu.memory_space<vmem>>, vector<8x2048xf32>
    %add3A_722 = vector.broadcast %get3A_25 : vector<1x2048xf32> to vector<8x2048xf32>
    %add3A_723 = arith.addf %add3A_722, %get3A_721 : vector<8x2048xf32>
    %min3A_724 = arith.minimumf %min3A_718, %add3A_723 : vector<8x2048xf32>
    %get3A_725 = arith.constant 936 : index
    %get3A_726 = arith.constant 0 : index
    %get3A_727 = vector.load %arg8[%get3A_725, %get3A_726] : memref<1024x2048xf32, #tpu.memory_space<vmem>>, vector<8x2048xf32>
    %add3A_728 = vector.broadcast %get3A_25 : vector<1x2048xf32> to vector<8x2048xf32>
    %add3A_729 = arith.addf %add3A_728, %get3A_727 : vector<8x2048xf32>
    %min3A_730 = arith.minimumf %min3A_724, %add3A_729 : vector<8x2048xf32>
    %get3A_731 = arith.constant 944 : index
    %get3A_732 = arith.constant 0 : index
    %get3A_733 = vector.load %arg8[%get3A_731, %get3A_732] : memref<1024x2048xf32, #tpu.memory_space<vmem>>, vector<8x2048xf32>
    %add3A_734 = vector.broadcast %get3A_25 : vector<1x2048xf32> to vector<8x2048xf32>
    %add3A_735 = arith.addf %add3A_734, %get3A_733 : vector<8x2048xf32>
    %min3A_736 = arith.minimumf %min3A_730, %add3A_735 : vector<8x2048xf32>
    %get3A_737 = arith.constant 952 : index
    %get3A_738 = arith.constant 0 : index
    %get3A_739 = vector.load %arg8[%get3A_737, %get3A_738] : memref<1024x2048xf32, #tpu.memory_space<vmem>>, vector<8x2048xf32>
    %add3A_740 = vector.broadcast %get3A_25 : vector<1x2048xf32> to vector<8x2048xf32>
    %add3A_741 = arith.addf %add3A_740, %get3A_739 : vector<8x2048xf32>
    %min3A_742 = arith.minimumf %min3A_736, %add3A_741 : vector<8x2048xf32>
    %get3A_743 = arith.constant 960 : index
    %get3A_744 = arith.constant 0 : index
    %get3A_745 = vector.load %arg8[%get3A_743, %get3A_744] : memref<1024x2048xf32, #tpu.memory_space<vmem>>, vector<8x2048xf32>
    %add3A_746 = vector.broadcast %get3A_25 : vector<1x2048xf32> to vector<8x2048xf32>
    %add3A_747 = arith.addf %add3A_746, %get3A_745 : vector<8x2048xf32>
    %min3A_748 = arith.minimumf %min3A_742, %add3A_747 : vector<8x2048xf32>
    %get3A_749 = arith.constant 968 : index
    %get3A_750 = arith.constant 0 : index
    %get3A_751 = vector.load %arg8[%get3A_749, %get3A_750] : memref<1024x2048xf32, #tpu.memory_space<vmem>>, vector<8x2048xf32>
    %add3A_752 = vector.broadcast %get3A_25 : vector<1x2048xf32> to vector<8x2048xf32>
    %add3A_753 = arith.addf %add3A_752, %get3A_751 : vector<8x2048xf32>
    %min3A_754 = arith.minimumf %min3A_748, %add3A_753 : vector<8x2048xf32>
    %get3A_755 = arith.constant 976 : index
    %get3A_756 = arith.constant 0 : index
    %get3A_757 = vector.load %arg8[%get3A_755, %get3A_756] : memref<1024x2048xf32, #tpu.memory_space<vmem>>, vector<8x2048xf32>
    %add3A_758 = vector.broadcast %get3A_25 : vector<1x2048xf32> to vector<8x2048xf32>
    %add3A_759 = arith.addf %add3A_758, %get3A_757 : vector<8x2048xf32>
    %min3A_760 = arith.minimumf %min3A_754, %add3A_759 : vector<8x2048xf32>
    %get3A_761 = arith.constant 984 : index
    %get3A_762 = arith.constant 0 : index
    %get3A_763 = vector.load %arg8[%get3A_761, %get3A_762] : memref<1024x2048xf32, #tpu.memory_space<vmem>>, vector<8x2048xf32>
    %add3A_764 = vector.broadcast %get3A_25 : vector<1x2048xf32> to vector<8x2048xf32>
    %add3A_765 = arith.addf %add3A_764, %get3A_763 : vector<8x2048xf32>
    %min3A_766 = arith.minimumf %min3A_760, %add3A_765 : vector<8x2048xf32>
    %get3A_767 = arith.constant 992 : index
    %get3A_768 = arith.constant 0 : index
    %get3A_769 = vector.load %arg8[%get3A_767, %get3A_768] : memref<1024x2048xf32, #tpu.memory_space<vmem>>, vector<8x2048xf32>
    %add3A_770 = vector.broadcast %get3A_25 : vector<1x2048xf32> to vector<8x2048xf32>
    %add3A_771 = arith.addf %add3A_770, %get3A_769 : vector<8x2048xf32>
    %min3A_772 = arith.minimumf %min3A_766, %add3A_771 : vector<8x2048xf32>
    %get3A_773 = arith.constant 1000 : index
    %get3A_774 = arith.constant 0 : index
    %get3A_775 = vector.load %arg8[%get3A_773, %get3A_774] : memref<1024x2048xf32, #tpu.memory_space<vmem>>, vector<8x2048xf32>
    %add3A_776 = vector.broadcast %get3A_25 : vector<1x2048xf32> to vector<8x2048xf32>
    %add3A_777 = arith.addf %add3A_776, %get3A_775 : vector<8x2048xf32>
    %min3A_778 = arith.minimumf %min3A_772, %add3A_777 : vector<8x2048xf32>
    %get3A_779 = arith.constant 1008 : index
    %get3A_780 = arith.constant 0 : index
    %get3A_781 = vector.load %arg8[%get3A_779, %get3A_780] : memref<1024x2048xf32, #tpu.memory_space<vmem>>, vector<8x2048xf32>
    %add3A_782 = vector.broadcast %get3A_25 : vector<1x2048xf32> to vector<8x2048xf32>
    %add3A_783 = arith.addf %add3A_782, %get3A_781 : vector<8x2048xf32>
    %min3A_784 = arith.minimumf %min3A_778, %add3A_783 : vector<8x2048xf32>
    %get3A_785 = arith.constant 1016 : index
    %get3A_786 = arith.constant 0 : index
    %get3A_787 = vector.load %arg8[%get3A_785, %get3A_786] : memref<1024x2048xf32, #tpu.memory_space<vmem>>, vector<8x2048xf32>
    %add3A_788 = vector.broadcast %get3A_25 : vector<1x2048xf32> to vector<8x2048xf32>
    %add3A_789 = arith.addf %add3A_788, %get3A_787 : vector<8x2048xf32>
    %min3A_790 = arith.minimumf %min3A_784, %add3A_789 : vector<8x2048xf32>
    %reduce_min3A = arith.constant dense<0x7F800000> : vector<2048xf32>
    %reduce_min3A_791 = vector.multi_reduction <minimumf>, %min3A_790, %reduce_min3A [0] : vector<8x2048xf32> to vector<2048xf32>
    %broadcast_in_dim3A = vector.shape_cast %reduce_min3A_791 : vector<2048xf32> to vector<1x2048xf32>
    %get3A_792 = arith.constant 0 : index
    %get3A_793 = arith.constant 0 : index
    %get3A_794 = vector.load %arg8[%get3A_792, %get3A_793] : memref<1024x2048xf32, #tpu.memory_space<vmem>>, vector<8x2048xf32>
    %add3A_795 = vector.broadcast %get3A_25 : vector<1x2048xf32> to vector<8x2048xf32>
    %add3A_796 = arith.addf %add3A_795, %get3A_794 : vector<8x2048xf32>
    %eq3A_797 = vector.broadcast %broadcast_in_dim3A : vector<1x2048xf32> to vector<8x2048xf32>
    %eq3A_798 = arith.cmpf oeq, %add3A_796, %eq3A_797 : vector<8x2048xf32>
    %get3A_799 = arith.constant 0 : index
    %get3A_800 = arith.constant 0 : index
    %get3A_801 = vector.load %arg4[%get3A_799, %get3A_800] : memref<1024x1xf32, #tpu.memory_space<vmem>>, vector<8x1xf32>
    %jit3A = arith.constant 0.000000e+00 : f32
    %broadcast_in_dim3A_802 = vector.shape_cast %get3A_801 : vector<8x1xf32> to vector<8x1xf32>
    %broadcast_in_dim3A_803 = vector.broadcast %broadcast_in_dim3A_802 : vector<8x1xf32> to vector<8x2048xf32>
    %broadcast_in_dim3A_804 = vector.broadcast %jit3A : f32 to vector<8x2048xf32>
    %select_n3A = arith.select %eq3A_798, %broadcast_in_dim3A_803, %broadcast_in_dim3A_804 : vector<8x2048xi1>, vector<8x2048xf32>
    %get3A_805 = arith.constant 8 : index
    %get3A_806 = arith.constant 0 : index
    %get3A_807 = vector.load %arg8[%get3A_805, %get3A_806] : memref<1024x2048xf32, #tpu.memory_space<vmem>>, vector<8x2048xf32>
    %add3A_808 = vector.broadcast %get3A_25 : vector<1x2048xf32> to vector<8x2048xf32>
    %add3A_809 = arith.addf %add3A_808, %get3A_807 : vector<8x2048xf32>
    %eq3A_810 = vector.broadcast %broadcast_in_dim3A : vector<1x2048xf32> to vector<8x2048xf32>
    %eq3A_811 = arith.cmpf oeq, %add3A_809, %eq3A_810 : vector<8x2048xf32>
    %get3A_812 = arith.constant 8 : index
    %get3A_813 = arith.constant 0 : index
    %get3A_814 = vector.load %arg4[%get3A_812, %get3A_813] : memref<1024x1xf32, #tpu.memory_space<vmem>>, vector<8x1xf32>
    %jit3A_815 = arith.constant 0.000000e+00 : f32
    %broadcast_in_dim3A_816 = vector.shape_cast %get3A_814 : vector<8x1xf32> to vector<8x1xf32>
    %broadcast_in_dim3A_817 = vector.broadcast %broadcast_in_dim3A_816 : vector<8x1xf32> to vector<8x2048xf32>
    %broadcast_in_dim3A_818 = vector.broadcast %jit3A_815 : f32 to vector<8x2048xf32>
    %select_n3A_819 = arith.select %eq3A_811, %broadcast_in_dim3A_817, %broadcast_in_dim3A_818 : vector<8x2048xi1>, vector<8x2048xf32>
    %max3A = arith.maximumf %select_n3A, %select_n3A_819 : vector<8x2048xf32>
    %get3A_820 = arith.constant 16 : index
    %get3A_821 = arith.constant 0 : index
    %get3A_822 = vector.load %arg8[%get3A_820, %get3A_821] : memref<1024x2048xf32, #tpu.memory_space<vmem>>, vector<8x2048xf32>
    %add3A_823 = vector.broadcast %get3A_25 : vector<1x2048xf32> to vector<8x2048xf32>
    %add3A_824 = arith.addf %add3A_823, %get3A_822 : vector<8x2048xf32>
    %eq3A_825 = vector.broadcast %broadcast_in_dim3A : vector<1x2048xf32> to vector<8x2048xf32>
    %eq3A_826 = arith.cmpf oeq, %add3A_824, %eq3A_825 : vector<8x2048xf32>
    %get3A_827 = arith.constant 16 : index
    %get3A_828 = arith.constant 0 : index
    %get3A_829 = vector.load %arg4[%get3A_827, %get3A_828] : memref<1024x1xf32, #tpu.memory_space<vmem>>, vector<8x1xf32>
    %jit3A_830 = arith.constant 0.000000e+00 : f32
    %broadcast_in_dim3A_831 = vector.shape_cast %get3A_829 : vector<8x1xf32> to vector<8x1xf32>
    %broadcast_in_dim3A_832 = vector.broadcast %broadcast_in_dim3A_831 : vector<8x1xf32> to vector<8x2048xf32>
    %broadcast_in_dim3A_833 = vector.broadcast %jit3A_830 : f32 to vector<8x2048xf32>
    %select_n3A_834 = arith.select %eq3A_826, %broadcast_in_dim3A_832, %broadcast_in_dim3A_833 : vector<8x2048xi1>, vector<8x2048xf32>
    %max3A_835 = arith.maximumf %max3A, %select_n3A_834 : vector<8x2048xf32>
    %get3A_836 = arith.constant 24 : index
    %get3A_837 = arith.constant 0 : index
    %get3A_838 = vector.load %arg8[%get3A_836, %get3A_837] : memref<1024x2048xf32, #tpu.memory_space<vmem>>, vector<8x2048xf32>
    %add3A_839 = vector.broadcast %get3A_25 : vector<1x2048xf32> to vector<8x2048xf32>
    %add3A_840 = arith.addf %add3A_839, %get3A_838 : vector<8x2048xf32>
    %eq3A_841 = vector.broadcast %broadcast_in_dim3A : vector<1x2048xf32> to vector<8x2048xf32>
    %eq3A_842 = arith.cmpf oeq, %add3A_840, %eq3A_841 : vector<8x2048xf32>
    %get3A_843 = arith.constant 24 : index
    %get3A_844 = arith.constant 0 : index
    %get3A_845 = vector.load %arg4[%get3A_843, %get3A_844] : memref<1024x1xf32, #tpu.memory_space<vmem>>, vector<8x1xf32>
    %jit3A_846 = arith.constant 0.000000e+00 : f32
    %broadcast_in_dim3A_847 = vector.shape_cast %get3A_845 : vector<8x1xf32> to vector<8x1xf32>
    %broadcast_in_dim3A_848 = vector.broadcast %broadcast_in_dim3A_847 : vector<8x1xf32> to vector<8x2048xf32>
    %broadcast_in_dim3A_849 = vector.broadcast %jit3A_846 : f32 to vector<8x2048xf32>
    %select_n3A_850 = arith.select %eq3A_842, %broadcast_in_dim3A_848, %broadcast_in_dim3A_849 : vector<8x2048xi1>, vector<8x2048xf32>
    %max3A_851 = arith.maximumf %max3A_835, %select_n3A_850 : vector<8x2048xf32>
    %get3A_852 = arith.constant 32 : index
    %get3A_853 = arith.constant 0 : index
    %get3A_854 = vector.load %arg8[%get3A_852, %get3A_853] : memref<1024x2048xf32, #tpu.memory_space<vmem>>, vector<8x2048xf32>
    %add3A_855 = vector.broadcast %get3A_25 : vector<1x2048xf32> to vector<8x2048xf32>
    %add3A_856 = arith.addf %add3A_855, %get3A_854 : vector<8x2048xf32>
    %eq3A_857 = vector.broadcast %broadcast_in_dim3A : vector<1x2048xf32> to vector<8x2048xf32>
    %eq3A_858 = arith.cmpf oeq, %add3A_856, %eq3A_857 : vector<8x2048xf32>
    %get3A_859 = arith.constant 32 : index
    %get3A_860 = arith.constant 0 : index
    %get3A_861 = vector.load %arg4[%get3A_859, %get3A_860] : memref<1024x1xf32, #tpu.memory_space<vmem>>, vector<8x1xf32>
    %jit3A_862 = arith.constant 0.000000e+00 : f32
    %broadcast_in_dim3A_863 = vector.shape_cast %get3A_861 : vector<8x1xf32> to vector<8x1xf32>
    %broadcast_in_dim3A_864 = vector.broadcast %broadcast_in_dim3A_863 : vector<8x1xf32> to vector<8x2048xf32>
    %broadcast_in_dim3A_865 = vector.broadcast %jit3A_862 : f32 to vector<8x2048xf32>
    %select_n3A_866 = arith.select %eq3A_858, %broadcast_in_dim3A_864, %broadcast_in_dim3A_865 : vector<8x2048xi1>, vector<8x2048xf32>
    %max3A_867 = arith.maximumf %max3A_851, %select_n3A_866 : vector<8x2048xf32>
    %get3A_868 = arith.constant 40 : index
    %get3A_869 = arith.constant 0 : index
    %get3A_870 = vector.load %arg8[%get3A_868, %get3A_869] : memref<1024x2048xf32, #tpu.memory_space<vmem>>, vector<8x2048xf32>
    %add3A_871 = vector.broadcast %get3A_25 : vector<1x2048xf32> to vector<8x2048xf32>
    %add3A_872 = arith.addf %add3A_871, %get3A_870 : vector<8x2048xf32>
    %eq3A_873 = vector.broadcast %broadcast_in_dim3A : vector<1x2048xf32> to vector<8x2048xf32>
    %eq3A_874 = arith.cmpf oeq, %add3A_872, %eq3A_873 : vector<8x2048xf32>
    %get3A_875 = arith.constant 40 : index
    %get3A_876 = arith.constant 0 : index
    %get3A_877 = vector.load %arg4[%get3A_875, %get3A_876] : memref<1024x1xf32, #tpu.memory_space<vmem>>, vector<8x1xf32>
    %jit3A_878 = arith.constant 0.000000e+00 : f32
    %broadcast_in_dim3A_879 = vector.shape_cast %get3A_877 : vector<8x1xf32> to vector<8x1xf32>
    %broadcast_in_dim3A_880 = vector.broadcast %broadcast_in_dim3A_879 : vector<8x1xf32> to vector<8x2048xf32>
    %broadcast_in_dim3A_881 = vector.broadcast %jit3A_878 : f32 to vector<8x2048xf32>
    %select_n3A_882 = arith.select %eq3A_874, %broadcast_in_dim3A_880, %broadcast_in_dim3A_881 : vector<8x2048xi1>, vector<8x2048xf32>
    %max3A_883 = arith.maximumf %max3A_867, %select_n3A_882 : vector<8x2048xf32>
    %get3A_884 = arith.constant 48 : index
    %get3A_885 = arith.constant 0 : index
    %get3A_886 = vector.load %arg8[%get3A_884, %get3A_885] : memref<1024x2048xf32, #tpu.memory_space<vmem>>, vector<8x2048xf32>
    %add3A_887 = vector.broadcast %get3A_25 : vector<1x2048xf32> to vector<8x2048xf32>
    %add3A_888 = arith.addf %add3A_887, %get3A_886 : vector<8x2048xf32>
    %eq3A_889 = vector.broadcast %broadcast_in_dim3A : vector<1x2048xf32> to vector<8x2048xf32>
    %eq3A_890 = arith.cmpf oeq, %add3A_888, %eq3A_889 : vector<8x2048xf32>
    %get3A_891 = arith.constant 48 : index
    %get3A_892 = arith.constant 0 : index
    %get3A_893 = vector.load %arg4[%get3A_891, %get3A_892] : memref<1024x1xf32, #tpu.memory_space<vmem>>, vector<8x1xf32>
    %jit3A_894 = arith.constant 0.000000e+00 : f32
    %broadcast_in_dim3A_895 = vector.shape_cast %get3A_893 : vector<8x1xf32> to vector<8x1xf32>
    %broadcast_in_dim3A_896 = vector.broadcast %broadcast_in_dim3A_895 : vector<8x1xf32> to vector<8x2048xf32>
    %broadcast_in_dim3A_897 = vector.broadcast %jit3A_894 : f32 to vector<8x2048xf32>
    %select_n3A_898 = arith.select %eq3A_890, %broadcast_in_dim3A_896, %broadcast_in_dim3A_897 : vector<8x2048xi1>, vector<8x2048xf32>
    %max3A_899 = arith.maximumf %max3A_883, %select_n3A_898 : vector<8x2048xf32>
    %get3A_900 = arith.constant 56 : index
    %get3A_901 = arith.constant 0 : index
    %get3A_902 = vector.load %arg8[%get3A_900, %get3A_901] : memref<1024x2048xf32, #tpu.memory_space<vmem>>, vector<8x2048xf32>
    %add3A_903 = vector.broadcast %get3A_25 : vector<1x2048xf32> to vector<8x2048xf32>
    %add3A_904 = arith.addf %add3A_903, %get3A_902 : vector<8x2048xf32>
    %eq3A_905 = vector.broadcast %broadcast_in_dim3A : vector<1x2048xf32> to vector<8x2048xf32>
    %eq3A_906 = arith.cmpf oeq, %add3A_904, %eq3A_905 : vector<8x2048xf32>
    %get3A_907 = arith.constant 56 : index
    %get3A_908 = arith.constant 0 : index
    %get3A_909 = vector.load %arg4[%get3A_907, %get3A_908] : memref<1024x1xf32, #tpu.memory_space<vmem>>, vector<8x1xf32>
    %jit3A_910 = arith.constant 0.000000e+00 : f32
    %broadcast_in_dim3A_911 = vector.shape_cast %get3A_909 : vector<8x1xf32> to vector<8x1xf32>
    %broadcast_in_dim3A_912 = vector.broadcast %broadcast_in_dim3A_911 : vector<8x1xf32> to vector<8x2048xf32>
    %broadcast_in_dim3A_913 = vector.broadcast %jit3A_910 : f32 to vector<8x2048xf32>
    %select_n3A_914 = arith.select %eq3A_906, %broadcast_in_dim3A_912, %broadcast_in_dim3A_913 : vector<8x2048xi1>, vector<8x2048xf32>
    %max3A_915 = arith.maximumf %max3A_899, %select_n3A_914 : vector<8x2048xf32>
    %get3A_916 = arith.constant 64 : index
    %get3A_917 = arith.constant 0 : index
    %get3A_918 = vector.load %arg8[%get3A_916, %get3A_917] : memref<1024x2048xf32, #tpu.memory_space<vmem>>, vector<8x2048xf32>
    %add3A_919 = vector.broadcast %get3A_25 : vector<1x2048xf32> to vector<8x2048xf32>
    %add3A_920 = arith.addf %add3A_919, %get3A_918 : vector<8x2048xf32>
    %eq3A_921 = vector.broadcast %broadcast_in_dim3A : vector<1x2048xf32> to vector<8x2048xf32>
    %eq3A_922 = arith.cmpf oeq, %add3A_920, %eq3A_921 : vector<8x2048xf32>
    %get3A_923 = arith.constant 64 : index
    %get3A_924 = arith.constant 0 : index
    %get3A_925 = vector.load %arg4[%get3A_923, %get3A_924] : memref<1024x1xf32, #tpu.memory_space<vmem>>, vector<8x1xf32>
    %jit3A_926 = arith.constant 0.000000e+00 : f32
    %broadcast_in_dim3A_927 = vector.shape_cast %get3A_925 : vector<8x1xf32> to vector<8x1xf32>
    %broadcast_in_dim3A_928 = vector.broadcast %broadcast_in_dim3A_927 : vector<8x1xf32> to vector<8x2048xf32>
    %broadcast_in_dim3A_929 = vector.broadcast %jit3A_926 : f32 to vector<8x2048xf32>
    %select_n3A_930 = arith.select %eq3A_922, %broadcast_in_dim3A_928, %broadcast_in_dim3A_929 : vector<8x2048xi1>, vector<8x2048xf32>
    %max3A_931 = arith.maximumf %max3A_915, %select_n3A_930 : vector<8x2048xf32>
    %get3A_932 = arith.constant 72 : index
    %get3A_933 = arith.constant 0 : index
    %get3A_934 = vector.load %arg8[%get3A_932, %get3A_933] : memref<1024x2048xf32, #tpu.memory_space<vmem>>, vector<8x2048xf32>
    %add3A_935 = vector.broadcast %get3A_25 : vector<1x2048xf32> to vector<8x2048xf32>
    %add3A_936 = arith.addf %add3A_935, %get3A_934 : vector<8x2048xf32>
    %eq3A_937 = vector.broadcast %broadcast_in_dim3A : vector<1x2048xf32> to vector<8x2048xf32>
    %eq3A_938 = arith.cmpf oeq, %add3A_936, %eq3A_937 : vector<8x2048xf32>
    %get3A_939 = arith.constant 72 : index
    %get3A_940 = arith.constant 0 : index
    %get3A_941 = vector.load %arg4[%get3A_939, %get3A_940] : memref<1024x1xf32, #tpu.memory_space<vmem>>, vector<8x1xf32>
    %jit3A_942 = arith.constant 0.000000e+00 : f32
    %broadcast_in_dim3A_943 = vector.shape_cast %get3A_941 : vector<8x1xf32> to vector<8x1xf32>
    %broadcast_in_dim3A_944 = vector.broadcast %broadcast_in_dim3A_943 : vector<8x1xf32> to vector<8x2048xf32>
    %broadcast_in_dim3A_945 = vector.broadcast %jit3A_942 : f32 to vector<8x2048xf32>
    %select_n3A_946 = arith.select %eq3A_938, %broadcast_in_dim3A_944, %broadcast_in_dim3A_945 : vector<8x2048xi1>, vector<8x2048xf32>
    %max3A_947 = arith.maximumf %max3A_931, %select_n3A_946 : vector<8x2048xf32>
    %get3A_948 = arith.constant 80 : index
    %get3A_949 = arith.constant 0 : index
    %get3A_950 = vector.load %arg8[%get3A_948, %get3A_949] : memref<1024x2048xf32, #tpu.memory_space<vmem>>, vector<8x2048xf32>
    %add3A_951 = vector.broadcast %get3A_25 : vector<1x2048xf32> to vector<8x2048xf32>
    %add3A_952 = arith.addf %add3A_951, %get3A_950 : vector<8x2048xf32>
    %eq3A_953 = vector.broadcast %broadcast_in_dim3A : vector<1x2048xf32> to vector<8x2048xf32>
    %eq3A_954 = arith.cmpf oeq, %add3A_952, %eq3A_953 : vector<8x2048xf32>
    %get3A_955 = arith.constant 80 : index
    %get3A_956 = arith.constant 0 : index
    %get3A_957 = vector.load %arg4[%get3A_955, %get3A_956] : memref<1024x1xf32, #tpu.memory_space<vmem>>, vector<8x1xf32>
    %jit3A_958 = arith.constant 0.000000e+00 : f32
    %broadcast_in_dim3A_959 = vector.shape_cast %get3A_957 : vector<8x1xf32> to vector<8x1xf32>
    %broadcast_in_dim3A_960 = vector.broadcast %broadcast_in_dim3A_959 : vector<8x1xf32> to vector<8x2048xf32>
    %broadcast_in_dim3A_961 = vector.broadcast %jit3A_958 : f32 to vector<8x2048xf32>
    %select_n3A_962 = arith.select %eq3A_954, %broadcast_in_dim3A_960, %broadcast_in_dim3A_961 : vector<8x2048xi1>, vector<8x2048xf32>
    %max3A_963 = arith.maximumf %max3A_947, %select_n3A_962 : vector<8x2048xf32>
    %get3A_964 = arith.constant 88 : index
    %get3A_965 = arith.constant 0 : index
    %get3A_966 = vector.load %arg8[%get3A_964, %get3A_965] : memref<1024x2048xf32, #tpu.memory_space<vmem>>, vector<8x2048xf32>
    %add3A_967 = vector.broadcast %get3A_25 : vector<1x2048xf32> to vector<8x2048xf32>
    %add3A_968 = arith.addf %add3A_967, %get3A_966 : vector<8x2048xf32>
    %eq3A_969 = vector.broadcast %broadcast_in_dim3A : vector<1x2048xf32> to vector<8x2048xf32>
    %eq3A_970 = arith.cmpf oeq, %add3A_968, %eq3A_969 : vector<8x2048xf32>
    %get3A_971 = arith.constant 88 : index
    %get3A_972 = arith.constant 0 : index
    %get3A_973 = vector.load %arg4[%get3A_971, %get3A_972] : memref<1024x1xf32, #tpu.memory_space<vmem>>, vector<8x1xf32>
    %jit3A_974 = arith.constant 0.000000e+00 : f32
    %broadcast_in_dim3A_975 = vector.shape_cast %get3A_973 : vector<8x1xf32> to vector<8x1xf32>
    %broadcast_in_dim3A_976 = vector.broadcast %broadcast_in_dim3A_975 : vector<8x1xf32> to vector<8x2048xf32>
    %broadcast_in_dim3A_977 = vector.broadcast %jit3A_974 : f32 to vector<8x2048xf32>
    %select_n3A_978 = arith.select %eq3A_970, %broadcast_in_dim3A_976, %broadcast_in_dim3A_977 : vector<8x2048xi1>, vector<8x2048xf32>
    %max3A_979 = arith.maximumf %max3A_963, %select_n3A_978 : vector<8x2048xf32>
    %get3A_980 = arith.constant 96 : index
    %get3A_981 = arith.constant 0 : index
    %get3A_982 = vector.load %arg8[%get3A_980, %get3A_981] : memref<1024x2048xf32, #tpu.memory_space<vmem>>, vector<8x2048xf32>
    %add3A_983 = vector.broadcast %get3A_25 : vector<1x2048xf32> to vector<8x2048xf32>
    %add3A_984 = arith.addf %add3A_983, %get3A_982 : vector<8x2048xf32>
    %eq3A_985 = vector.broadcast %broadcast_in_dim3A : vector<1x2048xf32> to vector<8x2048xf32>
    %eq3A_986 = arith.cmpf oeq, %add3A_984, %eq3A_985 : vector<8x2048xf32>
    %get3A_987 = arith.constant 96 : index
    %get3A_988 = arith.constant 0 : index
    %get3A_989 = vector.load %arg4[%get3A_987, %get3A_988] : memref<1024x1xf32, #tpu.memory_space<vmem>>, vector<8x1xf32>
    %jit3A_990 = arith.constant 0.000000e+00 : f32
    %broadcast_in_dim3A_991 = vector.shape_cast %get3A_989 : vector<8x1xf32> to vector<8x1xf32>
    %broadcast_in_dim3A_992 = vector.broadcast %broadcast_in_dim3A_991 : vector<8x1xf32> to vector<8x2048xf32>
    %broadcast_in_dim3A_993 = vector.broadcast %jit3A_990 : f32 to vector<8x2048xf32>
    %select_n3A_994 = arith.select %eq3A_986, %broadcast_in_dim3A_992, %broadcast_in_dim3A_993 : vector<8x2048xi1>, vector<8x2048xf32>
    %max3A_995 = arith.maximumf %max3A_979, %select_n3A_994 : vector<8x2048xf32>
    %get3A_996 = arith.constant 104 : index
    %get3A_997 = arith.constant 0 : index
    %get3A_998 = vector.load %arg8[%get3A_996, %get3A_997] : memref<1024x2048xf32, #tpu.memory_space<vmem>>, vector<8x2048xf32>
    %add3A_999 = vector.broadcast %get3A_25 : vector<1x2048xf32> to vector<8x2048xf32>
    %add3A_1000 = arith.addf %add3A_999, %get3A_998 : vector<8x2048xf32>
    %eq3A_1001 = vector.broadcast %broadcast_in_dim3A : vector<1x2048xf32> to vector<8x2048xf32>
    %eq3A_1002 = arith.cmpf oeq, %add3A_1000, %eq3A_1001 : vector<8x2048xf32>
    %get3A_1003 = arith.constant 104 : index
    %get3A_1004 = arith.constant 0 : index
    %get3A_1005 = vector.load %arg4[%get3A_1003, %get3A_1004] : memref<1024x1xf32, #tpu.memory_space<vmem>>, vector<8x1xf32>
    %jit3A_1006 = arith.constant 0.000000e+00 : f32
    %broadcast_in_dim3A_1007 = vector.shape_cast %get3A_1005 : vector<8x1xf32> to vector<8x1xf32>
    %broadcast_in_dim3A_1008 = vector.broadcast %broadcast_in_dim3A_1007 : vector<8x1xf32> to vector<8x2048xf32>
    %broadcast_in_dim3A_1009 = vector.broadcast %jit3A_1006 : f32 to vector<8x2048xf32>
    %select_n3A_1010 = arith.select %eq3A_1002, %broadcast_in_dim3A_1008, %broadcast_in_dim3A_1009 : vector<8x2048xi1>, vector<8x2048xf32>
    %max3A_1011 = arith.maximumf %max3A_995, %select_n3A_1010 : vector<8x2048xf32>
    %get3A_1012 = arith.constant 112 : index
    %get3A_1013 = arith.constant 0 : index
    %get3A_1014 = vector.load %arg8[%get3A_1012, %get3A_1013] : memref<1024x2048xf32, #tpu.memory_space<vmem>>, vector<8x2048xf32>
    %add3A_1015 = vector.broadcast %get3A_25 : vector<1x2048xf32> to vector<8x2048xf32>
    %add3A_1016 = arith.addf %add3A_1015, %get3A_1014 : vector<8x2048xf32>
    %eq3A_1017 = vector.broadcast %broadcast_in_dim3A : vector<1x2048xf32> to vector<8x2048xf32>
    %eq3A_1018 = arith.cmpf oeq, %add3A_1016, %eq3A_1017 : vector<8x2048xf32>
    %get3A_1019 = arith.constant 112 : index
    %get3A_1020 = arith.constant 0 : index
    %get3A_1021 = vector.load %arg4[%get3A_1019, %get3A_1020] : memref<1024x1xf32, #tpu.memory_space<vmem>>, vector<8x1xf32>
    %jit3A_1022 = arith.constant 0.000000e+00 : f32
    %broadcast_in_dim3A_1023 = vector.shape_cast %get3A_1021 : vector<8x1xf32> to vector<8x1xf32>
    %broadcast_in_dim3A_1024 = vector.broadcast %broadcast_in_dim3A_1023 : vector<8x1xf32> to vector<8x2048xf32>
    %broadcast_in_dim3A_1025 = vector.broadcast %jit3A_1022 : f32 to vector<8x2048xf32>
    %select_n3A_1026 = arith.select %eq3A_1018, %broadcast_in_dim3A_1024, %broadcast_in_dim3A_1025 : vector<8x2048xi1>, vector<8x2048xf32>
    %max3A_1027 = arith.maximumf %max3A_1011, %select_n3A_1026 : vector<8x2048xf32>
    %get3A_1028 = arith.constant 120 : index
    %get3A_1029 = arith.constant 0 : index
    %get3A_1030 = vector.load %arg8[%get3A_1028, %get3A_1029] : memref<1024x2048xf32, #tpu.memory_space<vmem>>, vector<8x2048xf32>
    %add3A_1031 = vector.broadcast %get3A_25 : vector<1x2048xf32> to vector<8x2048xf32>
    %add3A_1032 = arith.addf %add3A_1031, %get3A_1030 : vector<8x2048xf32>
    %eq3A_1033 = vector.broadcast %broadcast_in_dim3A : vector<1x2048xf32> to vector<8x2048xf32>
    %eq3A_1034 = arith.cmpf oeq, %add3A_1032, %eq3A_1033 : vector<8x2048xf32>
    %get3A_1035 = arith.constant 120 : index
    %get3A_1036 = arith.constant 0 : index
    %get3A_1037 = vector.load %arg4[%get3A_1035, %get3A_1036] : memref<1024x1xf32, #tpu.memory_space<vmem>>, vector<8x1xf32>
    %jit3A_1038 = arith.constant 0.000000e+00 : f32
    %broadcast_in_dim3A_1039 = vector.shape_cast %get3A_1037 : vector<8x1xf32> to vector<8x1xf32>
    %broadcast_in_dim3A_1040 = vector.broadcast %broadcast_in_dim3A_1039 : vector<8x1xf32> to vector<8x2048xf32>
    %broadcast_in_dim3A_1041 = vector.broadcast %jit3A_1038 : f32 to vector<8x2048xf32>
    %select_n3A_1042 = arith.select %eq3A_1034, %broadcast_in_dim3A_1040, %broadcast_in_dim3A_1041 : vector<8x2048xi1>, vector<8x2048xf32>
    %max3A_1043 = arith.maximumf %max3A_1027, %select_n3A_1042 : vector<8x2048xf32>
    %get3A_1044 = arith.constant 128 : index
    %get3A_1045 = arith.constant 0 : index
    %get3A_1046 = vector.load %arg8[%get3A_1044, %get3A_1045] : memref<1024x2048xf32, #tpu.memory_space<vmem>>, vector<8x2048xf32>
    %add3A_1047 = vector.broadcast %get3A_25 : vector<1x2048xf32> to vector<8x2048xf32>
    %add3A_1048 = arith.addf %add3A_1047, %get3A_1046 : vector<8x2048xf32>
    %eq3A_1049 = vector.broadcast %broadcast_in_dim3A : vector<1x2048xf32> to vector<8x2048xf32>
    %eq3A_1050 = arith.cmpf oeq, %add3A_1048, %eq3A_1049 : vector<8x2048xf32>
    %get3A_1051 = arith.constant 128 : index
    %get3A_1052 = arith.constant 0 : index
    %get3A_1053 = vector.load %arg4[%get3A_1051, %get3A_1052] : memref<1024x1xf32, #tpu.memory_space<vmem>>, vector<8x1xf32>
    %jit3A_1054 = arith.constant 0.000000e+00 : f32
    %broadcast_in_dim3A_1055 = vector.shape_cast %get3A_1053 : vector<8x1xf32> to vector<8x1xf32>
    %broadcast_in_dim3A_1056 = vector.broadcast %broadcast_in_dim3A_1055 : vector<8x1xf32> to vector<8x2048xf32>
    %broadcast_in_dim3A_1057 = vector.broadcast %jit3A_1054 : f32 to vector<8x2048xf32>
    %select_n3A_1058 = arith.select %eq3A_1050, %broadcast_in_dim3A_1056, %broadcast_in_dim3A_1057 : vector<8x2048xi1>, vector<8x2048xf32>
    %max3A_1059 = arith.maximumf %max3A_1043, %select_n3A_1058 : vector<8x2048xf32>
    %get3A_1060 = arith.constant 136 : index
    %get3A_1061 = arith.constant 0 : index
    %get3A_1062 = vector.load %arg8[%get3A_1060, %get3A_1061] : memref<1024x2048xf32, #tpu.memory_space<vmem>>, vector<8x2048xf32>
    %add3A_1063 = vector.broadcast %get3A_25 : vector<1x2048xf32> to vector<8x2048xf32>
    %add3A_1064 = arith.addf %add3A_1063, %get3A_1062 : vector<8x2048xf32>
    %eq3A_1065 = vector.broadcast %broadcast_in_dim3A : vector<1x2048xf32> to vector<8x2048xf32>
    %eq3A_1066 = arith.cmpf oeq, %add3A_1064, %eq3A_1065 : vector<8x2048xf32>
    %get3A_1067 = arith.constant 136 : index
    %get3A_1068 = arith.constant 0 : index
    %get3A_1069 = vector.load %arg4[%get3A_1067, %get3A_1068] : memref<1024x1xf32, #tpu.memory_space<vmem>>, vector<8x1xf32>
    %jit3A_1070 = arith.constant 0.000000e+00 : f32
    %broadcast_in_dim3A_1071 = vector.shape_cast %get3A_1069 : vector<8x1xf32> to vector<8x1xf32>
    %broadcast_in_dim3A_1072 = vector.broadcast %broadcast_in_dim3A_1071 : vector<8x1xf32> to vector<8x2048xf32>
    %broadcast_in_dim3A_1073 = vector.broadcast %jit3A_1070 : f32 to vector<8x2048xf32>
    %select_n3A_1074 = arith.select %eq3A_1066, %broadcast_in_dim3A_1072, %broadcast_in_dim3A_1073 : vector<8x2048xi1>, vector<8x2048xf32>
    %max3A_1075 = arith.maximumf %max3A_1059, %select_n3A_1074 : vector<8x2048xf32>
    %get3A_1076 = arith.constant 144 : index
    %get3A_1077 = arith.constant 0 : index
    %get3A_1078 = vector.load %arg8[%get3A_1076, %get3A_1077] : memref<1024x2048xf32, #tpu.memory_space<vmem>>, vector<8x2048xf32>
    %add3A_1079 = vector.broadcast %get3A_25 : vector<1x2048xf32> to vector<8x2048xf32>
    %add3A_1080 = arith.addf %add3A_1079, %get3A_1078 : vector<8x2048xf32>
    %eq3A_1081 = vector.broadcast %broadcast_in_dim3A : vector<1x2048xf32> to vector<8x2048xf32>
    %eq3A_1082 = arith.cmpf oeq, %add3A_1080, %eq3A_1081 : vector<8x2048xf32>
    %get3A_1083 = arith.constant 144 : index
    %get3A_1084 = arith.constant 0 : index
    %get3A_1085 = vector.load %arg4[%get3A_1083, %get3A_1084] : memref<1024x1xf32, #tpu.memory_space<vmem>>, vector<8x1xf32>
    %jit3A_1086 = arith.constant 0.000000e+00 : f32
    %broadcast_in_dim3A_1087 = vector.shape_cast %get3A_1085 : vector<8x1xf32> to vector<8x1xf32>
    %broadcast_in_dim3A_1088 = vector.broadcast %broadcast_in_dim3A_1087 : vector<8x1xf32> to vector<8x2048xf32>
    %broadcast_in_dim3A_1089 = vector.broadcast %jit3A_1086 : f32 to vector<8x2048xf32>
    %select_n3A_1090 = arith.select %eq3A_1082, %broadcast_in_dim3A_1088, %broadcast_in_dim3A_1089 : vector<8x2048xi1>, vector<8x2048xf32>
    %max3A_1091 = arith.maximumf %max3A_1075, %select_n3A_1090 : vector<8x2048xf32>
    %get3A_1092 = arith.constant 152 : index
    %get3A_1093 = arith.constant 0 : index
    %get3A_1094 = vector.load %arg8[%get3A_1092, %get3A_1093] : memref<1024x2048xf32, #tpu.memory_space<vmem>>, vector<8x2048xf32>
    %add3A_1095 = vector.broadcast %get3A_25 : vector<1x2048xf32> to vector<8x2048xf32>
    %add3A_1096 = arith.addf %add3A_1095, %get3A_1094 : vector<8x2048xf32>
    %eq3A_1097 = vector.broadcast %broadcast_in_dim3A : vector<1x2048xf32> to vector<8x2048xf32>
    %eq3A_1098 = arith.cmpf oeq, %add3A_1096, %eq3A_1097 : vector<8x2048xf32>
    %get3A_1099 = arith.constant 152 : index
    %get3A_1100 = arith.constant 0 : index
    %get3A_1101 = vector.load %arg4[%get3A_1099, %get3A_1100] : memref<1024x1xf32, #tpu.memory_space<vmem>>, vector<8x1xf32>
    %jit3A_1102 = arith.constant 0.000000e+00 : f32
    %broadcast_in_dim3A_1103 = vector.shape_cast %get3A_1101 : vector<8x1xf32> to vector<8x1xf32>
    %broadcast_in_dim3A_1104 = vector.broadcast %broadcast_in_dim3A_1103 : vector<8x1xf32> to vector<8x2048xf32>
    %broadcast_in_dim3A_1105 = vector.broadcast %jit3A_1102 : f32 to vector<8x2048xf32>
    %select_n3A_1106 = arith.select %eq3A_1098, %broadcast_in_dim3A_1104, %broadcast_in_dim3A_1105 : vector<8x2048xi1>, vector<8x2048xf32>
    %max3A_1107 = arith.maximumf %max3A_1091, %select_n3A_1106 : vector<8x2048xf32>
    %get3A_1108 = arith.constant 160 : index
    %get3A_1109 = arith.constant 0 : index
    %get3A_1110 = vector.load %arg8[%get3A_1108, %get3A_1109] : memref<1024x2048xf32, #tpu.memory_space<vmem>>, vector<8x2048xf32>
    %add3A_1111 = vector.broadcast %get3A_25 : vector<1x2048xf32> to vector<8x2048xf32>
    %add3A_1112 = arith.addf %add3A_1111, %get3A_1110 : vector<8x2048xf32>
    %eq3A_1113 = vector.broadcast %broadcast_in_dim3A : vector<1x2048xf32> to vector<8x2048xf32>
    %eq3A_1114 = arith.cmpf oeq, %add3A_1112, %eq3A_1113 : vector<8x2048xf32>
    %get3A_1115 = arith.constant 160 : index
    %get3A_1116 = arith.constant 0 : index
    %get3A_1117 = vector.load %arg4[%get3A_1115, %get3A_1116] : memref<1024x1xf32, #tpu.memory_space<vmem>>, vector<8x1xf32>
    %jit3A_1118 = arith.constant 0.000000e+00 : f32
    %broadcast_in_dim3A_1119 = vector.shape_cast %get3A_1117 : vector<8x1xf32> to vector<8x1xf32>
    %broadcast_in_dim3A_1120 = vector.broadcast %broadcast_in_dim3A_1119 : vector<8x1xf32> to vector<8x2048xf32>
    %broadcast_in_dim3A_1121 = vector.broadcast %jit3A_1118 : f32 to vector<8x2048xf32>
    %select_n3A_1122 = arith.select %eq3A_1114, %broadcast_in_dim3A_1120, %broadcast_in_dim3A_1121 : vector<8x2048xi1>, vector<8x2048xf32>
    %max3A_1123 = arith.maximumf %max3A_1107, %select_n3A_1122 : vector<8x2048xf32>
    %get3A_1124 = arith.constant 168 : index
    %get3A_1125 = arith.constant 0 : index
    %get3A_1126 = vector.load %arg8[%get3A_1124, %get3A_1125] : memref<1024x2048xf32, #tpu.memory_space<vmem>>, vector<8x2048xf32>
    %add3A_1127 = vector.broadcast %get3A_25 : vector<1x2048xf32> to vector<8x2048xf32>
    %add3A_1128 = arith.addf %add3A_1127, %get3A_1126 : vector<8x2048xf32>
    %eq3A_1129 = vector.broadcast %broadcast_in_dim3A : vector<1x2048xf32> to vector<8x2048xf32>
    %eq3A_1130 = arith.cmpf oeq, %add3A_1128, %eq3A_1129 : vector<8x2048xf32>
    %get3A_1131 = arith.constant 168 : index
    %get3A_1132 = arith.constant 0 : index
    %get3A_1133 = vector.load %arg4[%get3A_1131, %get3A_1132] : memref<1024x1xf32, #tpu.memory_space<vmem>>, vector<8x1xf32>
    %jit3A_1134 = arith.constant 0.000000e+00 : f32
    %broadcast_in_dim3A_1135 = vector.shape_cast %get3A_1133 : vector<8x1xf32> to vector<8x1xf32>
    %broadcast_in_dim3A_1136 = vector.broadcast %broadcast_in_dim3A_1135 : vector<8x1xf32> to vector<8x2048xf32>
    %broadcast_in_dim3A_1137 = vector.broadcast %jit3A_1134 : f32 to vector<8x2048xf32>
    %select_n3A_1138 = arith.select %eq3A_1130, %broadcast_in_dim3A_1136, %broadcast_in_dim3A_1137 : vector<8x2048xi1>, vector<8x2048xf32>
    %max3A_1139 = arith.maximumf %max3A_1123, %select_n3A_1138 : vector<8x2048xf32>
    %get3A_1140 = arith.constant 176 : index
    %get3A_1141 = arith.constant 0 : index
    %get3A_1142 = vector.load %arg8[%get3A_1140, %get3A_1141] : memref<1024x2048xf32, #tpu.memory_space<vmem>>, vector<8x2048xf32>
    %add3A_1143 = vector.broadcast %get3A_25 : vector<1x2048xf32> to vector<8x2048xf32>
    %add3A_1144 = arith.addf %add3A_1143, %get3A_1142 : vector<8x2048xf32>
    %eq3A_1145 = vector.broadcast %broadcast_in_dim3A : vector<1x2048xf32> to vector<8x2048xf32>
    %eq3A_1146 = arith.cmpf oeq, %add3A_1144, %eq3A_1145 : vector<8x2048xf32>
    %get3A_1147 = arith.constant 176 : index
    %get3A_1148 = arith.constant 0 : index
    %get3A_1149 = vector.load %arg4[%get3A_1147, %get3A_1148] : memref<1024x1xf32, #tpu.memory_space<vmem>>, vector<8x1xf32>
    %jit3A_1150 = arith.constant 0.000000e+00 : f32
    %broadcast_in_dim3A_1151 = vector.shape_cast %get3A_1149 : vector<8x1xf32> to vector<8x1xf32>
    %broadcast_in_dim3A_1152 = vector.broadcast %broadcast_in_dim3A_1151 : vector<8x1xf32> to vector<8x2048xf32>
    %broadcast_in_dim3A_1153 = vector.broadcast %jit3A_1150 : f32 to vector<8x2048xf32>
    %select_n3A_1154 = arith.select %eq3A_1146, %broadcast_in_dim3A_1152, %broadcast_in_dim3A_1153 : vector<8x2048xi1>, vector<8x2048xf32>
    %max3A_1155 = arith.maximumf %max3A_1139, %select_n3A_1154 : vector<8x2048xf32>
    %get3A_1156 = arith.constant 184 : index
    %get3A_1157 = arith.constant 0 : index
    %get3A_1158 = vector.load %arg8[%get3A_1156, %get3A_1157] : memref<1024x2048xf32, #tpu.memory_space<vmem>>, vector<8x2048xf32>
    %add3A_1159 = vector.broadcast %get3A_25 : vector<1x2048xf32> to vector<8x2048xf32>
    %add3A_1160 = arith.addf %add3A_1159, %get3A_1158 : vector<8x2048xf32>
    %eq3A_1161 = vector.broadcast %broadcast_in_dim3A : vector<1x2048xf32> to vector<8x2048xf32>
    %eq3A_1162 = arith.cmpf oeq, %add3A_1160, %eq3A_1161 : vector<8x2048xf32>
    %get3A_1163 = arith.constant 184 : index
    %get3A_1164 = arith.constant 0 : index
    %get3A_1165 = vector.load %arg4[%get3A_1163, %get3A_1164] : memref<1024x1xf32, #tpu.memory_space<vmem>>, vector<8x1xf32>
    %jit3A_1166 = arith.constant 0.000000e+00 : f32
    %broadcast_in_dim3A_1167 = vector.shape_cast %get3A_1165 : vector<8x1xf32> to vector<8x1xf32>
    %broadcast_in_dim3A_1168 = vector.broadcast %broadcast_in_dim3A_1167 : vector<8x1xf32> to vector<8x2048xf32>
    %broadcast_in_dim3A_1169 = vector.broadcast %jit3A_1166 : f32 to vector<8x2048xf32>
    %select_n3A_1170 = arith.select %eq3A_1162, %broadcast_in_dim3A_1168, %broadcast_in_dim3A_1169 : vector<8x2048xi1>, vector<8x2048xf32>
    %max3A_1171 = arith.maximumf %max3A_1155, %select_n3A_1170 : vector<8x2048xf32>
    %get3A_1172 = arith.constant 192 : index
    %get3A_1173 = arith.constant 0 : index
    %get3A_1174 = vector.load %arg8[%get3A_1172, %get3A_1173] : memref<1024x2048xf32, #tpu.memory_space<vmem>>, vector<8x2048xf32>
    %add3A_1175 = vector.broadcast %get3A_25 : vector<1x2048xf32> to vector<8x2048xf32>
    %add3A_1176 = arith.addf %add3A_1175, %get3A_1174 : vector<8x2048xf32>
    %eq3A_1177 = vector.broadcast %broadcast_in_dim3A : vector<1x2048xf32> to vector<8x2048xf32>
    %eq3A_1178 = arith.cmpf oeq, %add3A_1176, %eq3A_1177 : vector<8x2048xf32>
    %get3A_1179 = arith.constant 192 : index
    %get3A_1180 = arith.constant 0 : index
    %get3A_1181 = vector.load %arg4[%get3A_1179, %get3A_1180] : memref<1024x1xf32, #tpu.memory_space<vmem>>, vector<8x1xf32>
    %jit3A_1182 = arith.constant 0.000000e+00 : f32
    %broadcast_in_dim3A_1183 = vector.shape_cast %get3A_1181 : vector<8x1xf32> to vector<8x1xf32>
    %broadcast_in_dim3A_1184 = vector.broadcast %broadcast_in_dim3A_1183 : vector<8x1xf32> to vector<8x2048xf32>
    %broadcast_in_dim3A_1185 = vector.broadcast %jit3A_1182 : f32 to vector<8x2048xf32>
    %select_n3A_1186 = arith.select %eq3A_1178, %broadcast_in_dim3A_1184, %broadcast_in_dim3A_1185 : vector<8x2048xi1>, vector<8x2048xf32>
    %max3A_1187 = arith.maximumf %max3A_1171, %select_n3A_1186 : vector<8x2048xf32>
    %get3A_1188 = arith.constant 200 : index
    %get3A_1189 = arith.constant 0 : index
    %get3A_1190 = vector.load %arg8[%get3A_1188, %get3A_1189] : memref<1024x2048xf32, #tpu.memory_space<vmem>>, vector<8x2048xf32>
    %add3A_1191 = vector.broadcast %get3A_25 : vector<1x2048xf32> to vector<8x2048xf32>
    %add3A_1192 = arith.addf %add3A_1191, %get3A_1190 : vector<8x2048xf32>
    %eq3A_1193 = vector.broadcast %broadcast_in_dim3A : vector<1x2048xf32> to vector<8x2048xf32>
    %eq3A_1194 = arith.cmpf oeq, %add3A_1192, %eq3A_1193 : vector<8x2048xf32>
    %get3A_1195 = arith.constant 200 : index
    %get3A_1196 = arith.constant 0 : index
    %get3A_1197 = vector.load %arg4[%get3A_1195, %get3A_1196] : memref<1024x1xf32, #tpu.memory_space<vmem>>, vector<8x1xf32>
    %jit3A_1198 = arith.constant 0.000000e+00 : f32
    %broadcast_in_dim3A_1199 = vector.shape_cast %get3A_1197 : vector<8x1xf32> to vector<8x1xf32>
    %broadcast_in_dim3A_1200 = vector.broadcast %broadcast_in_dim3A_1199 : vector<8x1xf32> to vector<8x2048xf32>
    %broadcast_in_dim3A_1201 = vector.broadcast %jit3A_1198 : f32 to vector<8x2048xf32>
    %select_n3A_1202 = arith.select %eq3A_1194, %broadcast_in_dim3A_1200, %broadcast_in_dim3A_1201 : vector<8x2048xi1>, vector<8x2048xf32>
    %max3A_1203 = arith.maximumf %max3A_1187, %select_n3A_1202 : vector<8x2048xf32>
    %get3A_1204 = arith.constant 208 : index
    %get3A_1205 = arith.constant 0 : index
    %get3A_1206 = vector.load %arg8[%get3A_1204, %get3A_1205] : memref<1024x2048xf32, #tpu.memory_space<vmem>>, vector<8x2048xf32>
    %add3A_1207 = vector.broadcast %get3A_25 : vector<1x2048xf32> to vector<8x2048xf32>
    %add3A_1208 = arith.addf %add3A_1207, %get3A_1206 : vector<8x2048xf32>
    %eq3A_1209 = vector.broadcast %broadcast_in_dim3A : vector<1x2048xf32> to vector<8x2048xf32>
    %eq3A_1210 = arith.cmpf oeq, %add3A_1208, %eq3A_1209 : vector<8x2048xf32>
    %get3A_1211 = arith.constant 208 : index
    %get3A_1212 = arith.constant 0 : index
    %get3A_1213 = vector.load %arg4[%get3A_1211, %get3A_1212] : memref<1024x1xf32, #tpu.memory_space<vmem>>, vector<8x1xf32>
    %jit3A_1214 = arith.constant 0.000000e+00 : f32
    %broadcast_in_dim3A_1215 = vector.shape_cast %get3A_1213 : vector<8x1xf32> to vector<8x1xf32>
    %broadcast_in_dim3A_1216 = vector.broadcast %broadcast_in_dim3A_1215 : vector<8x1xf32> to vector<8x2048xf32>
    %broadcast_in_dim3A_1217 = vector.broadcast %jit3A_1214 : f32 to vector<8x2048xf32>
    %select_n3A_1218 = arith.select %eq3A_1210, %broadcast_in_dim3A_1216, %broadcast_in_dim3A_1217 : vector<8x2048xi1>, vector<8x2048xf32>
    %max3A_1219 = arith.maximumf %max3A_1203, %select_n3A_1218 : vector<8x2048xf32>
    %get3A_1220 = arith.constant 216 : index
    %get3A_1221 = arith.constant 0 : index
    %get3A_1222 = vector.load %arg8[%get3A_1220, %get3A_1221] : memref<1024x2048xf32, #tpu.memory_space<vmem>>, vector<8x2048xf32>
    %add3A_1223 = vector.broadcast %get3A_25 : vector<1x2048xf32> to vector<8x2048xf32>
    %add3A_1224 = arith.addf %add3A_1223, %get3A_1222 : vector<8x2048xf32>
    %eq3A_1225 = vector.broadcast %broadcast_in_dim3A : vector<1x2048xf32> to vector<8x2048xf32>
    %eq3A_1226 = arith.cmpf oeq, %add3A_1224, %eq3A_1225 : vector<8x2048xf32>
    %get3A_1227 = arith.constant 216 : index
    %get3A_1228 = arith.constant 0 : index
    %get3A_1229 = vector.load %arg4[%get3A_1227, %get3A_1228] : memref<1024x1xf32, #tpu.memory_space<vmem>>, vector<8x1xf32>
    %jit3A_1230 = arith.constant 0.000000e+00 : f32
    %broadcast_in_dim3A_1231 = vector.shape_cast %get3A_1229 : vector<8x1xf32> to vector<8x1xf32>
    %broadcast_in_dim3A_1232 = vector.broadcast %broadcast_in_dim3A_1231 : vector<8x1xf32> to vector<8x2048xf32>
    %broadcast_in_dim3A_1233 = vector.broadcast %jit3A_1230 : f32 to vector<8x2048xf32>
    %select_n3A_1234 = arith.select %eq3A_1226, %broadcast_in_dim3A_1232, %broadcast_in_dim3A_1233 : vector<8x2048xi1>, vector<8x2048xf32>
    %max3A_1235 = arith.maximumf %max3A_1219, %select_n3A_1234 : vector<8x2048xf32>
    %get3A_1236 = arith.constant 224 : index
    %get3A_1237 = arith.constant 0 : index
    %get3A_1238 = vector.load %arg8[%get3A_1236, %get3A_1237] : memref<1024x2048xf32, #tpu.memory_space<vmem>>, vector<8x2048xf32>
    %add3A_1239 = vector.broadcast %get3A_25 : vector<1x2048xf32> to vector<8x2048xf32>
    %add3A_1240 = arith.addf %add3A_1239, %get3A_1238 : vector<8x2048xf32>
    %eq3A_1241 = vector.broadcast %broadcast_in_dim3A : vector<1x2048xf32> to vector<8x2048xf32>
    %eq3A_1242 = arith.cmpf oeq, %add3A_1240, %eq3A_1241 : vector<8x2048xf32>
    %get3A_1243 = arith.constant 224 : index
    %get3A_1244 = arith.constant 0 : index
    %get3A_1245 = vector.load %arg4[%get3A_1243, %get3A_1244] : memref<1024x1xf32, #tpu.memory_space<vmem>>, vector<8x1xf32>
    %jit3A_1246 = arith.constant 0.000000e+00 : f32
    %broadcast_in_dim3A_1247 = vector.shape_cast %get3A_1245 : vector<8x1xf32> to vector<8x1xf32>
    %broadcast_in_dim3A_1248 = vector.broadcast %broadcast_in_dim3A_1247 : vector<8x1xf32> to vector<8x2048xf32>
    %broadcast_in_dim3A_1249 = vector.broadcast %jit3A_1246 : f32 to vector<8x2048xf32>
    %select_n3A_1250 = arith.select %eq3A_1242, %broadcast_in_dim3A_1248, %broadcast_in_dim3A_1249 : vector<8x2048xi1>, vector<8x2048xf32>
    %max3A_1251 = arith.maximumf %max3A_1235, %select_n3A_1250 : vector<8x2048xf32>
    %get3A_1252 = arith.constant 232 : index
    %get3A_1253 = arith.constant 0 : index
    %get3A_1254 = vector.load %arg8[%get3A_1252, %get3A_1253] : memref<1024x2048xf32, #tpu.memory_space<vmem>>, vector<8x2048xf32>
    %add3A_1255 = vector.broadcast %get3A_25 : vector<1x2048xf32> to vector<8x2048xf32>
    %add3A_1256 = arith.addf %add3A_1255, %get3A_1254 : vector<8x2048xf32>
    %eq3A_1257 = vector.broadcast %broadcast_in_dim3A : vector<1x2048xf32> to vector<8x2048xf32>
    %eq3A_1258 = arith.cmpf oeq, %add3A_1256, %eq3A_1257 : vector<8x2048xf32>
    %get3A_1259 = arith.constant 232 : index
    %get3A_1260 = arith.constant 0 : index
    %get3A_1261 = vector.load %arg4[%get3A_1259, %get3A_1260] : memref<1024x1xf32, #tpu.memory_space<vmem>>, vector<8x1xf32>
    %jit3A_1262 = arith.constant 0.000000e+00 : f32
    %broadcast_in_dim3A_1263 = vector.shape_cast %get3A_1261 : vector<8x1xf32> to vector<8x1xf32>
    %broadcast_in_dim3A_1264 = vector.broadcast %broadcast_in_dim3A_1263 : vector<8x1xf32> to vector<8x2048xf32>
    %broadcast_in_dim3A_1265 = vector.broadcast %jit3A_1262 : f32 to vector<8x2048xf32>
    %select_n3A_1266 = arith.select %eq3A_1258, %broadcast_in_dim3A_1264, %broadcast_in_dim3A_1265 : vector<8x2048xi1>, vector<8x2048xf32>
    %max3A_1267 = arith.maximumf %max3A_1251, %select_n3A_1266 : vector<8x2048xf32>
    %get3A_1268 = arith.constant 240 : index
    %get3A_1269 = arith.constant 0 : index
    %get3A_1270 = vector.load %arg8[%get3A_1268, %get3A_1269] : memref<1024x2048xf32, #tpu.memory_space<vmem>>, vector<8x2048xf32>
    %add3A_1271 = vector.broadcast %get3A_25 : vector<1x2048xf32> to vector<8x2048xf32>
    %add3A_1272 = arith.addf %add3A_1271, %get3A_1270 : vector<8x2048xf32>
    %eq3A_1273 = vector.broadcast %broadcast_in_dim3A : vector<1x2048xf32> to vector<8x2048xf32>
    %eq3A_1274 = arith.cmpf oeq, %add3A_1272, %eq3A_1273 : vector<8x2048xf32>
    %get3A_1275 = arith.constant 240 : index
    %get3A_1276 = arith.constant 0 : index
    %get3A_1277 = vector.load %arg4[%get3A_1275, %get3A_1276] : memref<1024x1xf32, #tpu.memory_space<vmem>>, vector<8x1xf32>
    %jit3A_1278 = arith.constant 0.000000e+00 : f32
    %broadcast_in_dim3A_1279 = vector.shape_cast %get3A_1277 : vector<8x1xf32> to vector<8x1xf32>
    %broadcast_in_dim3A_1280 = vector.broadcast %broadcast_in_dim3A_1279 : vector<8x1xf32> to vector<8x2048xf32>
    %broadcast_in_dim3A_1281 = vector.broadcast %jit3A_1278 : f32 to vector<8x2048xf32>
    %select_n3A_1282 = arith.select %eq3A_1274, %broadcast_in_dim3A_1280, %broadcast_in_dim3A_1281 : vector<8x2048xi1>, vector<8x2048xf32>
    %max3A_1283 = arith.maximumf %max3A_1267, %select_n3A_1282 : vector<8x2048xf32>
    %get3A_1284 = arith.constant 248 : index
    %get3A_1285 = arith.constant 0 : index
    %get3A_1286 = vector.load %arg8[%get3A_1284, %get3A_1285] : memref<1024x2048xf32, #tpu.memory_space<vmem>>, vector<8x2048xf32>
    %add3A_1287 = vector.broadcast %get3A_25 : vector<1x2048xf32> to vector<8x2048xf32>
    %add3A_1288 = arith.addf %add3A_1287, %get3A_1286 : vector<8x2048xf32>
    %eq3A_1289 = vector.broadcast %broadcast_in_dim3A : vector<1x2048xf32> to vector<8x2048xf32>
    %eq3A_1290 = arith.cmpf oeq, %add3A_1288, %eq3A_1289 : vector<8x2048xf32>
    %get3A_1291 = arith.constant 248 : index
    %get3A_1292 = arith.constant 0 : index
    %get3A_1293 = vector.load %arg4[%get3A_1291, %get3A_1292] : memref<1024x1xf32, #tpu.memory_space<vmem>>, vector<8x1xf32>
    %jit3A_1294 = arith.constant 0.000000e+00 : f32
    %broadcast_in_dim3A_1295 = vector.shape_cast %get3A_1293 : vector<8x1xf32> to vector<8x1xf32>
    %broadcast_in_dim3A_1296 = vector.broadcast %broadcast_in_dim3A_1295 : vector<8x1xf32> to vector<8x2048xf32>
    %broadcast_in_dim3A_1297 = vector.broadcast %jit3A_1294 : f32 to vector<8x2048xf32>
    %select_n3A_1298 = arith.select %eq3A_1290, %broadcast_in_dim3A_1296, %broadcast_in_dim3A_1297 : vector<8x2048xi1>, vector<8x2048xf32>
    %max3A_1299 = arith.maximumf %max3A_1283, %select_n3A_1298 : vector<8x2048xf32>
    %get3A_1300 = arith.constant 256 : index
    %get3A_1301 = arith.constant 0 : index
    %get3A_1302 = vector.load %arg8[%get3A_1300, %get3A_1301] : memref<1024x2048xf32, #tpu.memory_space<vmem>>, vector<8x2048xf32>
    %add3A_1303 = vector.broadcast %get3A_25 : vector<1x2048xf32> to vector<8x2048xf32>
    %add3A_1304 = arith.addf %add3A_1303, %get3A_1302 : vector<8x2048xf32>
    %eq3A_1305 = vector.broadcast %broadcast_in_dim3A : vector<1x2048xf32> to vector<8x2048xf32>
    %eq3A_1306 = arith.cmpf oeq, %add3A_1304, %eq3A_1305 : vector<8x2048xf32>
    %get3A_1307 = arith.constant 256 : index
    %get3A_1308 = arith.constant 0 : index
    %get3A_1309 = vector.load %arg4[%get3A_1307, %get3A_1308] : memref<1024x1xf32, #tpu.memory_space<vmem>>, vector<8x1xf32>
    %jit3A_1310 = arith.constant 0.000000e+00 : f32
    %broadcast_in_dim3A_1311 = vector.shape_cast %get3A_1309 : vector<8x1xf32> to vector<8x1xf32>
    %broadcast_in_dim3A_1312 = vector.broadcast %broadcast_in_dim3A_1311 : vector<8x1xf32> to vector<8x2048xf32>
    %broadcast_in_dim3A_1313 = vector.broadcast %jit3A_1310 : f32 to vector<8x2048xf32>
    %select_n3A_1314 = arith.select %eq3A_1306, %broadcast_in_dim3A_1312, %broadcast_in_dim3A_1313 : vector<8x2048xi1>, vector<8x2048xf32>
    %max3A_1315 = arith.maximumf %max3A_1299, %select_n3A_1314 : vector<8x2048xf32>
    %get3A_1316 = arith.constant 264 : index
    %get3A_1317 = arith.constant 0 : index
    %get3A_1318 = vector.load %arg8[%get3A_1316, %get3A_1317] : memref<1024x2048xf32, #tpu.memory_space<vmem>>, vector<8x2048xf32>
    %add3A_1319 = vector.broadcast %get3A_25 : vector<1x2048xf32> to vector<8x2048xf32>
    %add3A_1320 = arith.addf %add3A_1319, %get3A_1318 : vector<8x2048xf32>
    %eq3A_1321 = vector.broadcast %broadcast_in_dim3A : vector<1x2048xf32> to vector<8x2048xf32>
    %eq3A_1322 = arith.cmpf oeq, %add3A_1320, %eq3A_1321 : vector<8x2048xf32>
    %get3A_1323 = arith.constant 264 : index
    %get3A_1324 = arith.constant 0 : index
    %get3A_1325 = vector.load %arg4[%get3A_1323, %get3A_1324] : memref<1024x1xf32, #tpu.memory_space<vmem>>, vector<8x1xf32>
    %jit3A_1326 = arith.constant 0.000000e+00 : f32
    %broadcast_in_dim3A_1327 = vector.shape_cast %get3A_1325 : vector<8x1xf32> to vector<8x1xf32>
    %broadcast_in_dim3A_1328 = vector.broadcast %broadcast_in_dim3A_1327 : vector<8x1xf32> to vector<8x2048xf32>
    %broadcast_in_dim3A_1329 = vector.broadcast %jit3A_1326 : f32 to vector<8x2048xf32>
    %select_n3A_1330 = arith.select %eq3A_1322, %broadcast_in_dim3A_1328, %broadcast_in_dim3A_1329 : vector<8x2048xi1>, vector<8x2048xf32>
    %max3A_1331 = arith.maximumf %max3A_1315, %select_n3A_1330 : vector<8x2048xf32>
    %get3A_1332 = arith.constant 272 : index
    %get3A_1333 = arith.constant 0 : index
    %get3A_1334 = vector.load %arg8[%get3A_1332, %get3A_1333] : memref<1024x2048xf32, #tpu.memory_space<vmem>>, vector<8x2048xf32>
    %add3A_1335 = vector.broadcast %get3A_25 : vector<1x2048xf32> to vector<8x2048xf32>
    %add3A_1336 = arith.addf %add3A_1335, %get3A_1334 : vector<8x2048xf32>
    %eq3A_1337 = vector.broadcast %broadcast_in_dim3A : vector<1x2048xf32> to vector<8x2048xf32>
    %eq3A_1338 = arith.cmpf oeq, %add3A_1336, %eq3A_1337 : vector<8x2048xf32>
    %get3A_1339 = arith.constant 272 : index
    %get3A_1340 = arith.constant 0 : index
    %get3A_1341 = vector.load %arg4[%get3A_1339, %get3A_1340] : memref<1024x1xf32, #tpu.memory_space<vmem>>, vector<8x1xf32>
    %jit3A_1342 = arith.constant 0.000000e+00 : f32
    %broadcast_in_dim3A_1343 = vector.shape_cast %get3A_1341 : vector<8x1xf32> to vector<8x1xf32>
    %broadcast_in_dim3A_1344 = vector.broadcast %broadcast_in_dim3A_1343 : vector<8x1xf32> to vector<8x2048xf32>
    %broadcast_in_dim3A_1345 = vector.broadcast %jit3A_1342 : f32 to vector<8x2048xf32>
    %select_n3A_1346 = arith.select %eq3A_1338, %broadcast_in_dim3A_1344, %broadcast_in_dim3A_1345 : vector<8x2048xi1>, vector<8x2048xf32>
    %max3A_1347 = arith.maximumf %max3A_1331, %select_n3A_1346 : vector<8x2048xf32>
    %get3A_1348 = arith.constant 280 : index
    %get3A_1349 = arith.constant 0 : index
    %get3A_1350 = vector.load %arg8[%get3A_1348, %get3A_1349] : memref<1024x2048xf32, #tpu.memory_space<vmem>>, vector<8x2048xf32>
    %add3A_1351 = vector.broadcast %get3A_25 : vector<1x2048xf32> to vector<8x2048xf32>
    %add3A_1352 = arith.addf %add3A_1351, %get3A_1350 : vector<8x2048xf32>
    %eq3A_1353 = vector.broadcast %broadcast_in_dim3A : vector<1x2048xf32> to vector<8x2048xf32>
    %eq3A_1354 = arith.cmpf oeq, %add3A_1352, %eq3A_1353 : vector<8x2048xf32>
    %get3A_1355 = arith.constant 280 : index
    %get3A_1356 = arith.constant 0 : index
    %get3A_1357 = vector.load %arg4[%get3A_1355, %get3A_1356] : memref<1024x1xf32, #tpu.memory_space<vmem>>, vector<8x1xf32>
    %jit3A_1358 = arith.constant 0.000000e+00 : f32
    %broadcast_in_dim3A_1359 = vector.shape_cast %get3A_1357 : vector<8x1xf32> to vector<8x1xf32>
    %broadcast_in_dim3A_1360 = vector.broadcast %broadcast_in_dim3A_1359 : vector<8x1xf32> to vector<8x2048xf32>
    %broadcast_in_dim3A_1361 = vector.broadcast %jit3A_1358 : f32 to vector<8x2048xf32>
    %select_n3A_1362 = arith.select %eq3A_1354, %broadcast_in_dim3A_1360, %broadcast_in_dim3A_1361 : vector<8x2048xi1>, vector<8x2048xf32>
    %max3A_1363 = arith.maximumf %max3A_1347, %select_n3A_1362 : vector<8x2048xf32>
    %get3A_1364 = arith.constant 288 : index
    %get3A_1365 = arith.constant 0 : index
    %get3A_1366 = vector.load %arg8[%get3A_1364, %get3A_1365] : memref<1024x2048xf32, #tpu.memory_space<vmem>>, vector<8x2048xf32>
    %add3A_1367 = vector.broadcast %get3A_25 : vector<1x2048xf32> to vector<8x2048xf32>
    %add3A_1368 = arith.addf %add3A_1367, %get3A_1366 : vector<8x2048xf32>
    %eq3A_1369 = vector.broadcast %broadcast_in_dim3A : vector<1x2048xf32> to vector<8x2048xf32>
    %eq3A_1370 = arith.cmpf oeq, %add3A_1368, %eq3A_1369 : vector<8x2048xf32>
    %get3A_1371 = arith.constant 288 : index
    %get3A_1372 = arith.constant 0 : index
    %get3A_1373 = vector.load %arg4[%get3A_1371, %get3A_1372] : memref<1024x1xf32, #tpu.memory_space<vmem>>, vector<8x1xf32>
    %jit3A_1374 = arith.constant 0.000000e+00 : f32
    %broadcast_in_dim3A_1375 = vector.shape_cast %get3A_1373 : vector<8x1xf32> to vector<8x1xf32>
    %broadcast_in_dim3A_1376 = vector.broadcast %broadcast_in_dim3A_1375 : vector<8x1xf32> to vector<8x2048xf32>
    %broadcast_in_dim3A_1377 = vector.broadcast %jit3A_1374 : f32 to vector<8x2048xf32>
    %select_n3A_1378 = arith.select %eq3A_1370, %broadcast_in_dim3A_1376, %broadcast_in_dim3A_1377 : vector<8x2048xi1>, vector<8x2048xf32>
    %max3A_1379 = arith.maximumf %max3A_1363, %select_n3A_1378 : vector<8x2048xf32>
    %get3A_1380 = arith.constant 296 : index
    %get3A_1381 = arith.constant 0 : index
    %get3A_1382 = vector.load %arg8[%get3A_1380, %get3A_1381] : memref<1024x2048xf32, #tpu.memory_space<vmem>>, vector<8x2048xf32>
    %add3A_1383 = vector.broadcast %get3A_25 : vector<1x2048xf32> to vector<8x2048xf32>
    %add3A_1384 = arith.addf %add3A_1383, %get3A_1382 : vector<8x2048xf32>
    %eq3A_1385 = vector.broadcast %broadcast_in_dim3A : vector<1x2048xf32> to vector<8x2048xf32>
    %eq3A_1386 = arith.cmpf oeq, %add3A_1384, %eq3A_1385 : vector<8x2048xf32>
    %get3A_1387 = arith.constant 296 : index
    %get3A_1388 = arith.constant 0 : index
    %get3A_1389 = vector.load %arg4[%get3A_1387, %get3A_1388] : memref<1024x1xf32, #tpu.memory_space<vmem>>, vector<8x1xf32>
    %jit3A_1390 = arith.constant 0.000000e+00 : f32
    %broadcast_in_dim3A_1391 = vector.shape_cast %get3A_1389 : vector<8x1xf32> to vector<8x1xf32>
    %broadcast_in_dim3A_1392 = vector.broadcast %broadcast_in_dim3A_1391 : vector<8x1xf32> to vector<8x2048xf32>
    %broadcast_in_dim3A_1393 = vector.broadcast %jit3A_1390 : f32 to vector<8x2048xf32>
    %select_n3A_1394 = arith.select %eq3A_1386, %broadcast_in_dim3A_1392, %broadcast_in_dim3A_1393 : vector<8x2048xi1>, vector<8x2048xf32>
    %max3A_1395 = arith.maximumf %max3A_1379, %select_n3A_1394 : vector<8x2048xf32>
    %get3A_1396 = arith.constant 304 : index
    %get3A_1397 = arith.constant 0 : index
    %get3A_1398 = vector.load %arg8[%get3A_1396, %get3A_1397] : memref<1024x2048xf32, #tpu.memory_space<vmem>>, vector<8x2048xf32>
    %add3A_1399 = vector.broadcast %get3A_25 : vector<1x2048xf32> to vector<8x2048xf32>
    %add3A_1400 = arith.addf %add3A_1399, %get3A_1398 : vector<8x2048xf32>
    %eq3A_1401 = vector.broadcast %broadcast_in_dim3A : vector<1x2048xf32> to vector<8x2048xf32>
    %eq3A_1402 = arith.cmpf oeq, %add3A_1400, %eq3A_1401 : vector<8x2048xf32>
    %get3A_1403 = arith.constant 304 : index
    %get3A_1404 = arith.constant 0 : index
    %get3A_1405 = vector.load %arg4[%get3A_1403, %get3A_1404] : memref<1024x1xf32, #tpu.memory_space<vmem>>, vector<8x1xf32>
    %jit3A_1406 = arith.constant 0.000000e+00 : f32
    %broadcast_in_dim3A_1407 = vector.shape_cast %get3A_1405 : vector<8x1xf32> to vector<8x1xf32>
    %broadcast_in_dim3A_1408 = vector.broadcast %broadcast_in_dim3A_1407 : vector<8x1xf32> to vector<8x2048xf32>
    %broadcast_in_dim3A_1409 = vector.broadcast %jit3A_1406 : f32 to vector<8x2048xf32>
    %select_n3A_1410 = arith.select %eq3A_1402, %broadcast_in_dim3A_1408, %broadcast_in_dim3A_1409 : vector<8x2048xi1>, vector<8x2048xf32>
    %max3A_1411 = arith.maximumf %max3A_1395, %select_n3A_1410 : vector<8x2048xf32>
    %get3A_1412 = arith.constant 312 : index
    %get3A_1413 = arith.constant 0 : index
    %get3A_1414 = vector.load %arg8[%get3A_1412, %get3A_1413] : memref<1024x2048xf32, #tpu.memory_space<vmem>>, vector<8x2048xf32>
    %add3A_1415 = vector.broadcast %get3A_25 : vector<1x2048xf32> to vector<8x2048xf32>
    %add3A_1416 = arith.addf %add3A_1415, %get3A_1414 : vector<8x2048xf32>
    %eq3A_1417 = vector.broadcast %broadcast_in_dim3A : vector<1x2048xf32> to vector<8x2048xf32>
    %eq3A_1418 = arith.cmpf oeq, %add3A_1416, %eq3A_1417 : vector<8x2048xf32>
    %get3A_1419 = arith.constant 312 : index
    %get3A_1420 = arith.constant 0 : index
    %get3A_1421 = vector.load %arg4[%get3A_1419, %get3A_1420] : memref<1024x1xf32, #tpu.memory_space<vmem>>, vector<8x1xf32>
    %jit3A_1422 = arith.constant 0.000000e+00 : f32
    %broadcast_in_dim3A_1423 = vector.shape_cast %get3A_1421 : vector<8x1xf32> to vector<8x1xf32>
    %broadcast_in_dim3A_1424 = vector.broadcast %broadcast_in_dim3A_1423 : vector<8x1xf32> to vector<8x2048xf32>
    %broadcast_in_dim3A_1425 = vector.broadcast %jit3A_1422 : f32 to vector<8x2048xf32>
    %select_n3A_1426 = arith.select %eq3A_1418, %broadcast_in_dim3A_1424, %broadcast_in_dim3A_1425 : vector<8x2048xi1>, vector<8x2048xf32>
    %max3A_1427 = arith.maximumf %max3A_1411, %select_n3A_1426 : vector<8x2048xf32>
    %get3A_1428 = arith.constant 320 : index
    %get3A_1429 = arith.constant 0 : index
    %get3A_1430 = vector.load %arg8[%get3A_1428, %get3A_1429] : memref<1024x2048xf32, #tpu.memory_space<vmem>>, vector<8x2048xf32>
    %add3A_1431 = vector.broadcast %get3A_25 : vector<1x2048xf32> to vector<8x2048xf32>
    %add3A_1432 = arith.addf %add3A_1431, %get3A_1430 : vector<8x2048xf32>
    %eq3A_1433 = vector.broadcast %broadcast_in_dim3A : vector<1x2048xf32> to vector<8x2048xf32>
    %eq3A_1434 = arith.cmpf oeq, %add3A_1432, %eq3A_1433 : vector<8x2048xf32>
    %get3A_1435 = arith.constant 320 : index
    %get3A_1436 = arith.constant 0 : index
    %get3A_1437 = vector.load %arg4[%get3A_1435, %get3A_1436] : memref<1024x1xf32, #tpu.memory_space<vmem>>, vector<8x1xf32>
    %jit3A_1438 = arith.constant 0.000000e+00 : f32
    %broadcast_in_dim3A_1439 = vector.shape_cast %get3A_1437 : vector<8x1xf32> to vector<8x1xf32>
    %broadcast_in_dim3A_1440 = vector.broadcast %broadcast_in_dim3A_1439 : vector<8x1xf32> to vector<8x2048xf32>
    %broadcast_in_dim3A_1441 = vector.broadcast %jit3A_1438 : f32 to vector<8x2048xf32>
    %select_n3A_1442 = arith.select %eq3A_1434, %broadcast_in_dim3A_1440, %broadcast_in_dim3A_1441 : vector<8x2048xi1>, vector<8x2048xf32>
    %max3A_1443 = arith.maximumf %max3A_1427, %select_n3A_1442 : vector<8x2048xf32>
    %get3A_1444 = arith.constant 328 : index
    %get3A_1445 = arith.constant 0 : index
    %get3A_1446 = vector.load %arg8[%get3A_1444, %get3A_1445] : memref<1024x2048xf32, #tpu.memory_space<vmem>>, vector<8x2048xf32>
    %add3A_1447 = vector.broadcast %get3A_25 : vector<1x2048xf32> to vector<8x2048xf32>
    %add3A_1448 = arith.addf %add3A_1447, %get3A_1446 : vector<8x2048xf32>
    %eq3A_1449 = vector.broadcast %broadcast_in_dim3A : vector<1x2048xf32> to vector<8x2048xf32>
    %eq3A_1450 = arith.cmpf oeq, %add3A_1448, %eq3A_1449 : vector<8x2048xf32>
    %get3A_1451 = arith.constant 328 : index
    %get3A_1452 = arith.constant 0 : index
    %get3A_1453 = vector.load %arg4[%get3A_1451, %get3A_1452] : memref<1024x1xf32, #tpu.memory_space<vmem>>, vector<8x1xf32>
    %jit3A_1454 = arith.constant 0.000000e+00 : f32
    %broadcast_in_dim3A_1455 = vector.shape_cast %get3A_1453 : vector<8x1xf32> to vector<8x1xf32>
    %broadcast_in_dim3A_1456 = vector.broadcast %broadcast_in_dim3A_1455 : vector<8x1xf32> to vector<8x2048xf32>
    %broadcast_in_dim3A_1457 = vector.broadcast %jit3A_1454 : f32 to vector<8x2048xf32>
    %select_n3A_1458 = arith.select %eq3A_1450, %broadcast_in_dim3A_1456, %broadcast_in_dim3A_1457 : vector<8x2048xi1>, vector<8x2048xf32>
    %max3A_1459 = arith.maximumf %max3A_1443, %select_n3A_1458 : vector<8x2048xf32>
    %get3A_1460 = arith.constant 336 : index
    %get3A_1461 = arith.constant 0 : index
    %get3A_1462 = vector.load %arg8[%get3A_1460, %get3A_1461] : memref<1024x2048xf32, #tpu.memory_space<vmem>>, vector<8x2048xf32>
    %add3A_1463 = vector.broadcast %get3A_25 : vector<1x2048xf32> to vector<8x2048xf32>
    %add3A_1464 = arith.addf %add3A_1463, %get3A_1462 : vector<8x2048xf32>
    %eq3A_1465 = vector.broadcast %broadcast_in_dim3A : vector<1x2048xf32> to vector<8x2048xf32>
    %eq3A_1466 = arith.cmpf oeq, %add3A_1464, %eq3A_1465 : vector<8x2048xf32>
    %get3A_1467 = arith.constant 336 : index
    %get3A_1468 = arith.constant 0 : index
    %get3A_1469 = vector.load %arg4[%get3A_1467, %get3A_1468] : memref<1024x1xf32, #tpu.memory_space<vmem>>, vector<8x1xf32>
    %jit3A_1470 = arith.constant 0.000000e+00 : f32
    %broadcast_in_dim3A_1471 = vector.shape_cast %get3A_1469 : vector<8x1xf32> to vector<8x1xf32>
    %broadcast_in_dim3A_1472 = vector.broadcast %broadcast_in_dim3A_1471 : vector<8x1xf32> to vector<8x2048xf32>
    %broadcast_in_dim3A_1473 = vector.broadcast %jit3A_1470 : f32 to vector<8x2048xf32>
    %select_n3A_1474 = arith.select %eq3A_1466, %broadcast_in_dim3A_1472, %broadcast_in_dim3A_1473 : vector<8x2048xi1>, vector<8x2048xf32>
    %max3A_1475 = arith.maximumf %max3A_1459, %select_n3A_1474 : vector<8x2048xf32>
    %get3A_1476 = arith.constant 344 : index
    %get3A_1477 = arith.constant 0 : index
    %get3A_1478 = vector.load %arg8[%get3A_1476, %get3A_1477] : memref<1024x2048xf32, #tpu.memory_space<vmem>>, vector<8x2048xf32>
    %add3A_1479 = vector.broadcast %get3A_25 : vector<1x2048xf32> to vector<8x2048xf32>
    %add3A_1480 = arith.addf %add3A_1479, %get3A_1478 : vector<8x2048xf32>
    %eq3A_1481 = vector.broadcast %broadcast_in_dim3A : vector<1x2048xf32> to vector<8x2048xf32>
    %eq3A_1482 = arith.cmpf oeq, %add3A_1480, %eq3A_1481 : vector<8x2048xf32>
    %get3A_1483 = arith.constant 344 : index
    %get3A_1484 = arith.constant 0 : index
    %get3A_1485 = vector.load %arg4[%get3A_1483, %get3A_1484] : memref<1024x1xf32, #tpu.memory_space<vmem>>, vector<8x1xf32>
    %jit3A_1486 = arith.constant 0.000000e+00 : f32
    %broadcast_in_dim3A_1487 = vector.shape_cast %get3A_1485 : vector<8x1xf32> to vector<8x1xf32>
    %broadcast_in_dim3A_1488 = vector.broadcast %broadcast_in_dim3A_1487 : vector<8x1xf32> to vector<8x2048xf32>
    %broadcast_in_dim3A_1489 = vector.broadcast %jit3A_1486 : f32 to vector<8x2048xf32>
    %select_n3A_1490 = arith.select %eq3A_1482, %broadcast_in_dim3A_1488, %broadcast_in_dim3A_1489 : vector<8x2048xi1>, vector<8x2048xf32>
    %max3A_1491 = arith.maximumf %max3A_1475, %select_n3A_1490 : vector<8x2048xf32>
    %get3A_1492 = arith.constant 352 : index
    %get3A_1493 = arith.constant 0 : index
    %get3A_1494 = vector.load %arg8[%get3A_1492, %get3A_1493] : memref<1024x2048xf32, #tpu.memory_space<vmem>>, vector<8x2048xf32>
    %add3A_1495 = vector.broadcast %get3A_25 : vector<1x2048xf32> to vector<8x2048xf32>
    %add3A_1496 = arith.addf %add3A_1495, %get3A_1494 : vector<8x2048xf32>
    %eq3A_1497 = vector.broadcast %broadcast_in_dim3A : vector<1x2048xf32> to vector<8x2048xf32>
    %eq3A_1498 = arith.cmpf oeq, %add3A_1496, %eq3A_1497 : vector<8x2048xf32>
    %get3A_1499 = arith.constant 352 : index
    %get3A_1500 = arith.constant 0 : index
    %get3A_1501 = vector.load %arg4[%get3A_1499, %get3A_1500] : memref<1024x1xf32, #tpu.memory_space<vmem>>, vector<8x1xf32>
    %jit3A_1502 = arith.constant 0.000000e+00 : f32
    %broadcast_in_dim3A_1503 = vector.shape_cast %get3A_1501 : vector<8x1xf32> to vector<8x1xf32>
    %broadcast_in_dim3A_1504 = vector.broadcast %broadcast_in_dim3A_1503 : vector<8x1xf32> to vector<8x2048xf32>
    %broadcast_in_dim3A_1505 = vector.broadcast %jit3A_1502 : f32 to vector<8x2048xf32>
    %select_n3A_1506 = arith.select %eq3A_1498, %broadcast_in_dim3A_1504, %broadcast_in_dim3A_1505 : vector<8x2048xi1>, vector<8x2048xf32>
    %max3A_1507 = arith.maximumf %max3A_1491, %select_n3A_1506 : vector<8x2048xf32>
    %get3A_1508 = arith.constant 360 : index
    %get3A_1509 = arith.constant 0 : index
    %get3A_1510 = vector.load %arg8[%get3A_1508, %get3A_1509] : memref<1024x2048xf32, #tpu.memory_space<vmem>>, vector<8x2048xf32>
    %add3A_1511 = vector.broadcast %get3A_25 : vector<1x2048xf32> to vector<8x2048xf32>
    %add3A_1512 = arith.addf %add3A_1511, %get3A_1510 : vector<8x2048xf32>
    %eq3A_1513 = vector.broadcast %broadcast_in_dim3A : vector<1x2048xf32> to vector<8x2048xf32>
    %eq3A_1514 = arith.cmpf oeq, %add3A_1512, %eq3A_1513 : vector<8x2048xf32>
    %get3A_1515 = arith.constant 360 : index
    %get3A_1516 = arith.constant 0 : index
    %get3A_1517 = vector.load %arg4[%get3A_1515, %get3A_1516] : memref<1024x1xf32, #tpu.memory_space<vmem>>, vector<8x1xf32>
    %jit3A_1518 = arith.constant 0.000000e+00 : f32
    %broadcast_in_dim3A_1519 = vector.shape_cast %get3A_1517 : vector<8x1xf32> to vector<8x1xf32>
    %broadcast_in_dim3A_1520 = vector.broadcast %broadcast_in_dim3A_1519 : vector<8x1xf32> to vector<8x2048xf32>
    %broadcast_in_dim3A_1521 = vector.broadcast %jit3A_1518 : f32 to vector<8x2048xf32>
    %select_n3A_1522 = arith.select %eq3A_1514, %broadcast_in_dim3A_1520, %broadcast_in_dim3A_1521 : vector<8x2048xi1>, vector<8x2048xf32>
    %max3A_1523 = arith.maximumf %max3A_1507, %select_n3A_1522 : vector<8x2048xf32>
    %get3A_1524 = arith.constant 368 : index
    %get3A_1525 = arith.constant 0 : index
    %get3A_1526 = vector.load %arg8[%get3A_1524, %get3A_1525] : memref<1024x2048xf32, #tpu.memory_space<vmem>>, vector<8x2048xf32>
    %add3A_1527 = vector.broadcast %get3A_25 : vector<1x2048xf32> to vector<8x2048xf32>
    %add3A_1528 = arith.addf %add3A_1527, %get3A_1526 : vector<8x2048xf32>
    %eq3A_1529 = vector.broadcast %broadcast_in_dim3A : vector<1x2048xf32> to vector<8x2048xf32>
    %eq3A_1530 = arith.cmpf oeq, %add3A_1528, %eq3A_1529 : vector<8x2048xf32>
    %get3A_1531 = arith.constant 368 : index
    %get3A_1532 = arith.constant 0 : index
    %get3A_1533 = vector.load %arg4[%get3A_1531, %get3A_1532] : memref<1024x1xf32, #tpu.memory_space<vmem>>, vector<8x1xf32>
    %jit3A_1534 = arith.constant 0.000000e+00 : f32
    %broadcast_in_dim3A_1535 = vector.shape_cast %get3A_1533 : vector<8x1xf32> to vector<8x1xf32>
    %broadcast_in_dim3A_1536 = vector.broadcast %broadcast_in_dim3A_1535 : vector<8x1xf32> to vector<8x2048xf32>
    %broadcast_in_dim3A_1537 = vector.broadcast %jit3A_1534 : f32 to vector<8x2048xf32>
    %select_n3A_1538 = arith.select %eq3A_1530, %broadcast_in_dim3A_1536, %broadcast_in_dim3A_1537 : vector<8x2048xi1>, vector<8x2048xf32>
    %max3A_1539 = arith.maximumf %max3A_1523, %select_n3A_1538 : vector<8x2048xf32>
    %get3A_1540 = arith.constant 376 : index
    %get3A_1541 = arith.constant 0 : index
    %get3A_1542 = vector.load %arg8[%get3A_1540, %get3A_1541] : memref<1024x2048xf32, #tpu.memory_space<vmem>>, vector<8x2048xf32>
    %add3A_1543 = vector.broadcast %get3A_25 : vector<1x2048xf32> to vector<8x2048xf32>
    %add3A_1544 = arith.addf %add3A_1543, %get3A_1542 : vector<8x2048xf32>
    %eq3A_1545 = vector.broadcast %broadcast_in_dim3A : vector<1x2048xf32> to vector<8x2048xf32>
    %eq3A_1546 = arith.cmpf oeq, %add3A_1544, %eq3A_1545 : vector<8x2048xf32>
    %get3A_1547 = arith.constant 376 : index
    %get3A_1548 = arith.constant 0 : index
    %get3A_1549 = vector.load %arg4[%get3A_1547, %get3A_1548] : memref<1024x1xf32, #tpu.memory_space<vmem>>, vector<8x1xf32>
    %jit3A_1550 = arith.constant 0.000000e+00 : f32
    %broadcast_in_dim3A_1551 = vector.shape_cast %get3A_1549 : vector<8x1xf32> to vector<8x1xf32>
    %broadcast_in_dim3A_1552 = vector.broadcast %broadcast_in_dim3A_1551 : vector<8x1xf32> to vector<8x2048xf32>
    %broadcast_in_dim3A_1553 = vector.broadcast %jit3A_1550 : f32 to vector<8x2048xf32>
    %select_n3A_1554 = arith.select %eq3A_1546, %broadcast_in_dim3A_1552, %broadcast_in_dim3A_1553 : vector<8x2048xi1>, vector<8x2048xf32>
    %max3A_1555 = arith.maximumf %max3A_1539, %select_n3A_1554 : vector<8x2048xf32>
    %get3A_1556 = arith.constant 384 : index
    %get3A_1557 = arith.constant 0 : index
    %get3A_1558 = vector.load %arg8[%get3A_1556, %get3A_1557] : memref<1024x2048xf32, #tpu.memory_space<vmem>>, vector<8x2048xf32>
    %add3A_1559 = vector.broadcast %get3A_25 : vector<1x2048xf32> to vector<8x2048xf32>
    %add3A_1560 = arith.addf %add3A_1559, %get3A_1558 : vector<8x2048xf32>
    %eq3A_1561 = vector.broadcast %broadcast_in_dim3A : vector<1x2048xf32> to vector<8x2048xf32>
    %eq3A_1562 = arith.cmpf oeq, %add3A_1560, %eq3A_1561 : vector<8x2048xf32>
    %get3A_1563 = arith.constant 384 : index
    %get3A_1564 = arith.constant 0 : index
    %get3A_1565 = vector.load %arg4[%get3A_1563, %get3A_1564] : memref<1024x1xf32, #tpu.memory_space<vmem>>, vector<8x1xf32>
    %jit3A_1566 = arith.constant 0.000000e+00 : f32
    %broadcast_in_dim3A_1567 = vector.shape_cast %get3A_1565 : vector<8x1xf32> to vector<8x1xf32>
    %broadcast_in_dim3A_1568 = vector.broadcast %broadcast_in_dim3A_1567 : vector<8x1xf32> to vector<8x2048xf32>
    %broadcast_in_dim3A_1569 = vector.broadcast %jit3A_1566 : f32 to vector<8x2048xf32>
    %select_n3A_1570 = arith.select %eq3A_1562, %broadcast_in_dim3A_1568, %broadcast_in_dim3A_1569 : vector<8x2048xi1>, vector<8x2048xf32>
    %max3A_1571 = arith.maximumf %max3A_1555, %select_n3A_1570 : vector<8x2048xf32>
    %get3A_1572 = arith.constant 392 : index
    %get3A_1573 = arith.constant 0 : index
    %get3A_1574 = vector.load %arg8[%get3A_1572, %get3A_1573] : memref<1024x2048xf32, #tpu.memory_space<vmem>>, vector<8x2048xf32>
    %add3A_1575 = vector.broadcast %get3A_25 : vector<1x2048xf32> to vector<8x2048xf32>
    %add3A_1576 = arith.addf %add3A_1575, %get3A_1574 : vector<8x2048xf32>
    %eq3A_1577 = vector.broadcast %broadcast_in_dim3A : vector<1x2048xf32> to vector<8x2048xf32>
    %eq3A_1578 = arith.cmpf oeq, %add3A_1576, %eq3A_1577 : vector<8x2048xf32>
    %get3A_1579 = arith.constant 392 : index
    %get3A_1580 = arith.constant 0 : index
    %get3A_1581 = vector.load %arg4[%get3A_1579, %get3A_1580] : memref<1024x1xf32, #tpu.memory_space<vmem>>, vector<8x1xf32>
    %jit3A_1582 = arith.constant 0.000000e+00 : f32
    %broadcast_in_dim3A_1583 = vector.shape_cast %get3A_1581 : vector<8x1xf32> to vector<8x1xf32>
    %broadcast_in_dim3A_1584 = vector.broadcast %broadcast_in_dim3A_1583 : vector<8x1xf32> to vector<8x2048xf32>
    %broadcast_in_dim3A_1585 = vector.broadcast %jit3A_1582 : f32 to vector<8x2048xf32>
    %select_n3A_1586 = arith.select %eq3A_1578, %broadcast_in_dim3A_1584, %broadcast_in_dim3A_1585 : vector<8x2048xi1>, vector<8x2048xf32>
    %max3A_1587 = arith.maximumf %max3A_1571, %select_n3A_1586 : vector<8x2048xf32>
    %get3A_1588 = arith.constant 400 : index
    %get3A_1589 = arith.constant 0 : index
    %get3A_1590 = vector.load %arg8[%get3A_1588, %get3A_1589] : memref<1024x2048xf32, #tpu.memory_space<vmem>>, vector<8x2048xf32>
    %add3A_1591 = vector.broadcast %get3A_25 : vector<1x2048xf32> to vector<8x2048xf32>
    %add3A_1592 = arith.addf %add3A_1591, %get3A_1590 : vector<8x2048xf32>
    %eq3A_1593 = vector.broadcast %broadcast_in_dim3A : vector<1x2048xf32> to vector<8x2048xf32>
    %eq3A_1594 = arith.cmpf oeq, %add3A_1592, %eq3A_1593 : vector<8x2048xf32>
    %get3A_1595 = arith.constant 400 : index
    %get3A_1596 = arith.constant 0 : index
    %get3A_1597 = vector.load %arg4[%get3A_1595, %get3A_1596] : memref<1024x1xf32, #tpu.memory_space<vmem>>, vector<8x1xf32>
    %jit3A_1598 = arith.constant 0.000000e+00 : f32
    %broadcast_in_dim3A_1599 = vector.shape_cast %get3A_1597 : vector<8x1xf32> to vector<8x1xf32>
    %broadcast_in_dim3A_1600 = vector.broadcast %broadcast_in_dim3A_1599 : vector<8x1xf32> to vector<8x2048xf32>
    %broadcast_in_dim3A_1601 = vector.broadcast %jit3A_1598 : f32 to vector<8x2048xf32>
    %select_n3A_1602 = arith.select %eq3A_1594, %broadcast_in_dim3A_1600, %broadcast_in_dim3A_1601 : vector<8x2048xi1>, vector<8x2048xf32>
    %max3A_1603 = arith.maximumf %max3A_1587, %select_n3A_1602 : vector<8x2048xf32>
    %get3A_1604 = arith.constant 408 : index
    %get3A_1605 = arith.constant 0 : index
    %get3A_1606 = vector.load %arg8[%get3A_1604, %get3A_1605] : memref<1024x2048xf32, #tpu.memory_space<vmem>>, vector<8x2048xf32>
    %add3A_1607 = vector.broadcast %get3A_25 : vector<1x2048xf32> to vector<8x2048xf32>
    %add3A_1608 = arith.addf %add3A_1607, %get3A_1606 : vector<8x2048xf32>
    %eq3A_1609 = vector.broadcast %broadcast_in_dim3A : vector<1x2048xf32> to vector<8x2048xf32>
    %eq3A_1610 = arith.cmpf oeq, %add3A_1608, %eq3A_1609 : vector<8x2048xf32>
    %get3A_1611 = arith.constant 408 : index
    %get3A_1612 = arith.constant 0 : index
    %get3A_1613 = vector.load %arg4[%get3A_1611, %get3A_1612] : memref<1024x1xf32, #tpu.memory_space<vmem>>, vector<8x1xf32>
    %jit3A_1614 = arith.constant 0.000000e+00 : f32
    %broadcast_in_dim3A_1615 = vector.shape_cast %get3A_1613 : vector<8x1xf32> to vector<8x1xf32>
    %broadcast_in_dim3A_1616 = vector.broadcast %broadcast_in_dim3A_1615 : vector<8x1xf32> to vector<8x2048xf32>
    %broadcast_in_dim3A_1617 = vector.broadcast %jit3A_1614 : f32 to vector<8x2048xf32>
    %select_n3A_1618 = arith.select %eq3A_1610, %broadcast_in_dim3A_1616, %broadcast_in_dim3A_1617 : vector<8x2048xi1>, vector<8x2048xf32>
    %max3A_1619 = arith.maximumf %max3A_1603, %select_n3A_1618 : vector<8x2048xf32>
    %get3A_1620 = arith.constant 416 : index
    %get3A_1621 = arith.constant 0 : index
    %get3A_1622 = vector.load %arg8[%get3A_1620, %get3A_1621] : memref<1024x2048xf32, #tpu.memory_space<vmem>>, vector<8x2048xf32>
    %add3A_1623 = vector.broadcast %get3A_25 : vector<1x2048xf32> to vector<8x2048xf32>
    %add3A_1624 = arith.addf %add3A_1623, %get3A_1622 : vector<8x2048xf32>
    %eq3A_1625 = vector.broadcast %broadcast_in_dim3A : vector<1x2048xf32> to vector<8x2048xf32>
    %eq3A_1626 = arith.cmpf oeq, %add3A_1624, %eq3A_1625 : vector<8x2048xf32>
    %get3A_1627 = arith.constant 416 : index
    %get3A_1628 = arith.constant 0 : index
    %get3A_1629 = vector.load %arg4[%get3A_1627, %get3A_1628] : memref<1024x1xf32, #tpu.memory_space<vmem>>, vector<8x1xf32>
    %jit3A_1630 = arith.constant 0.000000e+00 : f32
    %broadcast_in_dim3A_1631 = vector.shape_cast %get3A_1629 : vector<8x1xf32> to vector<8x1xf32>
    %broadcast_in_dim3A_1632 = vector.broadcast %broadcast_in_dim3A_1631 : vector<8x1xf32> to vector<8x2048xf32>
    %broadcast_in_dim3A_1633 = vector.broadcast %jit3A_1630 : f32 to vector<8x2048xf32>
    %select_n3A_1634 = arith.select %eq3A_1626, %broadcast_in_dim3A_1632, %broadcast_in_dim3A_1633 : vector<8x2048xi1>, vector<8x2048xf32>
    %max3A_1635 = arith.maximumf %max3A_1619, %select_n3A_1634 : vector<8x2048xf32>
    %get3A_1636 = arith.constant 424 : index
    %get3A_1637 = arith.constant 0 : index
    %get3A_1638 = vector.load %arg8[%get3A_1636, %get3A_1637] : memref<1024x2048xf32, #tpu.memory_space<vmem>>, vector<8x2048xf32>
    %add3A_1639 = vector.broadcast %get3A_25 : vector<1x2048xf32> to vector<8x2048xf32>
    %add3A_1640 = arith.addf %add3A_1639, %get3A_1638 : vector<8x2048xf32>
    %eq3A_1641 = vector.broadcast %broadcast_in_dim3A : vector<1x2048xf32> to vector<8x2048xf32>
    %eq3A_1642 = arith.cmpf oeq, %add3A_1640, %eq3A_1641 : vector<8x2048xf32>
    %get3A_1643 = arith.constant 424 : index
    %get3A_1644 = arith.constant 0 : index
    %get3A_1645 = vector.load %arg4[%get3A_1643, %get3A_1644] : memref<1024x1xf32, #tpu.memory_space<vmem>>, vector<8x1xf32>
    %jit3A_1646 = arith.constant 0.000000e+00 : f32
    %broadcast_in_dim3A_1647 = vector.shape_cast %get3A_1645 : vector<8x1xf32> to vector<8x1xf32>
    %broadcast_in_dim3A_1648 = vector.broadcast %broadcast_in_dim3A_1647 : vector<8x1xf32> to vector<8x2048xf32>
    %broadcast_in_dim3A_1649 = vector.broadcast %jit3A_1646 : f32 to vector<8x2048xf32>
    %select_n3A_1650 = arith.select %eq3A_1642, %broadcast_in_dim3A_1648, %broadcast_in_dim3A_1649 : vector<8x2048xi1>, vector<8x2048xf32>
    %max3A_1651 = arith.maximumf %max3A_1635, %select_n3A_1650 : vector<8x2048xf32>
    %get3A_1652 = arith.constant 432 : index
    %get3A_1653 = arith.constant 0 : index
    %get3A_1654 = vector.load %arg8[%get3A_1652, %get3A_1653] : memref<1024x2048xf32, #tpu.memory_space<vmem>>, vector<8x2048xf32>
    %add3A_1655 = vector.broadcast %get3A_25 : vector<1x2048xf32> to vector<8x2048xf32>
    %add3A_1656 = arith.addf %add3A_1655, %get3A_1654 : vector<8x2048xf32>
    %eq3A_1657 = vector.broadcast %broadcast_in_dim3A : vector<1x2048xf32> to vector<8x2048xf32>
    %eq3A_1658 = arith.cmpf oeq, %add3A_1656, %eq3A_1657 : vector<8x2048xf32>
    %get3A_1659 = arith.constant 432 : index
    %get3A_1660 = arith.constant 0 : index
    %get3A_1661 = vector.load %arg4[%get3A_1659, %get3A_1660] : memref<1024x1xf32, #tpu.memory_space<vmem>>, vector<8x1xf32>
    %jit3A_1662 = arith.constant 0.000000e+00 : f32
    %broadcast_in_dim3A_1663 = vector.shape_cast %get3A_1661 : vector<8x1xf32> to vector<8x1xf32>
    %broadcast_in_dim3A_1664 = vector.broadcast %broadcast_in_dim3A_1663 : vector<8x1xf32> to vector<8x2048xf32>
    %broadcast_in_dim3A_1665 = vector.broadcast %jit3A_1662 : f32 to vector<8x2048xf32>
    %select_n3A_1666 = arith.select %eq3A_1658, %broadcast_in_dim3A_1664, %broadcast_in_dim3A_1665 : vector<8x2048xi1>, vector<8x2048xf32>
    %max3A_1667 = arith.maximumf %max3A_1651, %select_n3A_1666 : vector<8x2048xf32>
    %get3A_1668 = arith.constant 440 : index
    %get3A_1669 = arith.constant 0 : index
    %get3A_1670 = vector.load %arg8[%get3A_1668, %get3A_1669] : memref<1024x2048xf32, #tpu.memory_space<vmem>>, vector<8x2048xf32>
    %add3A_1671 = vector.broadcast %get3A_25 : vector<1x2048xf32> to vector<8x2048xf32>
    %add3A_1672 = arith.addf %add3A_1671, %get3A_1670 : vector<8x2048xf32>
    %eq3A_1673 = vector.broadcast %broadcast_in_dim3A : vector<1x2048xf32> to vector<8x2048xf32>
    %eq3A_1674 = arith.cmpf oeq, %add3A_1672, %eq3A_1673 : vector<8x2048xf32>
    %get3A_1675 = arith.constant 440 : index
    %get3A_1676 = arith.constant 0 : index
    %get3A_1677 = vector.load %arg4[%get3A_1675, %get3A_1676] : memref<1024x1xf32, #tpu.memory_space<vmem>>, vector<8x1xf32>
    %jit3A_1678 = arith.constant 0.000000e+00 : f32
    %broadcast_in_dim3A_1679 = vector.shape_cast %get3A_1677 : vector<8x1xf32> to vector<8x1xf32>
    %broadcast_in_dim3A_1680 = vector.broadcast %broadcast_in_dim3A_1679 : vector<8x1xf32> to vector<8x2048xf32>
    %broadcast_in_dim3A_1681 = vector.broadcast %jit3A_1678 : f32 to vector<8x2048xf32>
    %select_n3A_1682 = arith.select %eq3A_1674, %broadcast_in_dim3A_1680, %broadcast_in_dim3A_1681 : vector<8x2048xi1>, vector<8x2048xf32>
    %max3A_1683 = arith.maximumf %max3A_1667, %select_n3A_1682 : vector<8x2048xf32>
    %get3A_1684 = arith.constant 448 : index
    %get3A_1685 = arith.constant 0 : index
    %get3A_1686 = vector.load %arg8[%get3A_1684, %get3A_1685] : memref<1024x2048xf32, #tpu.memory_space<vmem>>, vector<8x2048xf32>
    %add3A_1687 = vector.broadcast %get3A_25 : vector<1x2048xf32> to vector<8x2048xf32>
    %add3A_1688 = arith.addf %add3A_1687, %get3A_1686 : vector<8x2048xf32>
    %eq3A_1689 = vector.broadcast %broadcast_in_dim3A : vector<1x2048xf32> to vector<8x2048xf32>
    %eq3A_1690 = arith.cmpf oeq, %add3A_1688, %eq3A_1689 : vector<8x2048xf32>
    %get3A_1691 = arith.constant 448 : index
    %get3A_1692 = arith.constant 0 : index
    %get3A_1693 = vector.load %arg4[%get3A_1691, %get3A_1692] : memref<1024x1xf32, #tpu.memory_space<vmem>>, vector<8x1xf32>
    %jit3A_1694 = arith.constant 0.000000e+00 : f32
    %broadcast_in_dim3A_1695 = vector.shape_cast %get3A_1693 : vector<8x1xf32> to vector<8x1xf32>
    %broadcast_in_dim3A_1696 = vector.broadcast %broadcast_in_dim3A_1695 : vector<8x1xf32> to vector<8x2048xf32>
    %broadcast_in_dim3A_1697 = vector.broadcast %jit3A_1694 : f32 to vector<8x2048xf32>
    %select_n3A_1698 = arith.select %eq3A_1690, %broadcast_in_dim3A_1696, %broadcast_in_dim3A_1697 : vector<8x2048xi1>, vector<8x2048xf32>
    %max3A_1699 = arith.maximumf %max3A_1683, %select_n3A_1698 : vector<8x2048xf32>
    %get3A_1700 = arith.constant 456 : index
    %get3A_1701 = arith.constant 0 : index
    %get3A_1702 = vector.load %arg8[%get3A_1700, %get3A_1701] : memref<1024x2048xf32, #tpu.memory_space<vmem>>, vector<8x2048xf32>
    %add3A_1703 = vector.broadcast %get3A_25 : vector<1x2048xf32> to vector<8x2048xf32>
    %add3A_1704 = arith.addf %add3A_1703, %get3A_1702 : vector<8x2048xf32>
    %eq3A_1705 = vector.broadcast %broadcast_in_dim3A : vector<1x2048xf32> to vector<8x2048xf32>
    %eq3A_1706 = arith.cmpf oeq, %add3A_1704, %eq3A_1705 : vector<8x2048xf32>
    %get3A_1707 = arith.constant 456 : index
    %get3A_1708 = arith.constant 0 : index
    %get3A_1709 = vector.load %arg4[%get3A_1707, %get3A_1708] : memref<1024x1xf32, #tpu.memory_space<vmem>>, vector<8x1xf32>
    %jit3A_1710 = arith.constant 0.000000e+00 : f32
    %broadcast_in_dim3A_1711 = vector.shape_cast %get3A_1709 : vector<8x1xf32> to vector<8x1xf32>
    %broadcast_in_dim3A_1712 = vector.broadcast %broadcast_in_dim3A_1711 : vector<8x1xf32> to vector<8x2048xf32>
    %broadcast_in_dim3A_1713 = vector.broadcast %jit3A_1710 : f32 to vector<8x2048xf32>
    %select_n3A_1714 = arith.select %eq3A_1706, %broadcast_in_dim3A_1712, %broadcast_in_dim3A_1713 : vector<8x2048xi1>, vector<8x2048xf32>
    %max3A_1715 = arith.maximumf %max3A_1699, %select_n3A_1714 : vector<8x2048xf32>
    %get3A_1716 = arith.constant 464 : index
    %get3A_1717 = arith.constant 0 : index
    %get3A_1718 = vector.load %arg8[%get3A_1716, %get3A_1717] : memref<1024x2048xf32, #tpu.memory_space<vmem>>, vector<8x2048xf32>
    %add3A_1719 = vector.broadcast %get3A_25 : vector<1x2048xf32> to vector<8x2048xf32>
    %add3A_1720 = arith.addf %add3A_1719, %get3A_1718 : vector<8x2048xf32>
    %eq3A_1721 = vector.broadcast %broadcast_in_dim3A : vector<1x2048xf32> to vector<8x2048xf32>
    %eq3A_1722 = arith.cmpf oeq, %add3A_1720, %eq3A_1721 : vector<8x2048xf32>
    %get3A_1723 = arith.constant 464 : index
    %get3A_1724 = arith.constant 0 : index
    %get3A_1725 = vector.load %arg4[%get3A_1723, %get3A_1724] : memref<1024x1xf32, #tpu.memory_space<vmem>>, vector<8x1xf32>
    %jit3A_1726 = arith.constant 0.000000e+00 : f32
    %broadcast_in_dim3A_1727 = vector.shape_cast %get3A_1725 : vector<8x1xf32> to vector<8x1xf32>
    %broadcast_in_dim3A_1728 = vector.broadcast %broadcast_in_dim3A_1727 : vector<8x1xf32> to vector<8x2048xf32>
    %broadcast_in_dim3A_1729 = vector.broadcast %jit3A_1726 : f32 to vector<8x2048xf32>
    %select_n3A_1730 = arith.select %eq3A_1722, %broadcast_in_dim3A_1728, %broadcast_in_dim3A_1729 : vector<8x2048xi1>, vector<8x2048xf32>
    %max3A_1731 = arith.maximumf %max3A_1715, %select_n3A_1730 : vector<8x2048xf32>
    %get3A_1732 = arith.constant 472 : index
    %get3A_1733 = arith.constant 0 : index
    %get3A_1734 = vector.load %arg8[%get3A_1732, %get3A_1733] : memref<1024x2048xf32, #tpu.memory_space<vmem>>, vector<8x2048xf32>
    %add3A_1735 = vector.broadcast %get3A_25 : vector<1x2048xf32> to vector<8x2048xf32>
    %add3A_1736 = arith.addf %add3A_1735, %get3A_1734 : vector<8x2048xf32>
    %eq3A_1737 = vector.broadcast %broadcast_in_dim3A : vector<1x2048xf32> to vector<8x2048xf32>
    %eq3A_1738 = arith.cmpf oeq, %add3A_1736, %eq3A_1737 : vector<8x2048xf32>
    %get3A_1739 = arith.constant 472 : index
    %get3A_1740 = arith.constant 0 : index
    %get3A_1741 = vector.load %arg4[%get3A_1739, %get3A_1740] : memref<1024x1xf32, #tpu.memory_space<vmem>>, vector<8x1xf32>
    %jit3A_1742 = arith.constant 0.000000e+00 : f32
    %broadcast_in_dim3A_1743 = vector.shape_cast %get3A_1741 : vector<8x1xf32> to vector<8x1xf32>
    %broadcast_in_dim3A_1744 = vector.broadcast %broadcast_in_dim3A_1743 : vector<8x1xf32> to vector<8x2048xf32>
    %broadcast_in_dim3A_1745 = vector.broadcast %jit3A_1742 : f32 to vector<8x2048xf32>
    %select_n3A_1746 = arith.select %eq3A_1738, %broadcast_in_dim3A_1744, %broadcast_in_dim3A_1745 : vector<8x2048xi1>, vector<8x2048xf32>
    %max3A_1747 = arith.maximumf %max3A_1731, %select_n3A_1746 : vector<8x2048xf32>
    %get3A_1748 = arith.constant 480 : index
    %get3A_1749 = arith.constant 0 : index
    %get3A_1750 = vector.load %arg8[%get3A_1748, %get3A_1749] : memref<1024x2048xf32, #tpu.memory_space<vmem>>, vector<8x2048xf32>
    %add3A_1751 = vector.broadcast %get3A_25 : vector<1x2048xf32> to vector<8x2048xf32>
    %add3A_1752 = arith.addf %add3A_1751, %get3A_1750 : vector<8x2048xf32>
    %eq3A_1753 = vector.broadcast %broadcast_in_dim3A : vector<1x2048xf32> to vector<8x2048xf32>
    %eq3A_1754 = arith.cmpf oeq, %add3A_1752, %eq3A_1753 : vector<8x2048xf32>
    %get3A_1755 = arith.constant 480 : index
    %get3A_1756 = arith.constant 0 : index
    %get3A_1757 = vector.load %arg4[%get3A_1755, %get3A_1756] : memref<1024x1xf32, #tpu.memory_space<vmem>>, vector<8x1xf32>
    %jit3A_1758 = arith.constant 0.000000e+00 : f32
    %broadcast_in_dim3A_1759 = vector.shape_cast %get3A_1757 : vector<8x1xf32> to vector<8x1xf32>
    %broadcast_in_dim3A_1760 = vector.broadcast %broadcast_in_dim3A_1759 : vector<8x1xf32> to vector<8x2048xf32>
    %broadcast_in_dim3A_1761 = vector.broadcast %jit3A_1758 : f32 to vector<8x2048xf32>
    %select_n3A_1762 = arith.select %eq3A_1754, %broadcast_in_dim3A_1760, %broadcast_in_dim3A_1761 : vector<8x2048xi1>, vector<8x2048xf32>
    %max3A_1763 = arith.maximumf %max3A_1747, %select_n3A_1762 : vector<8x2048xf32>
    %get3A_1764 = arith.constant 488 : index
    %get3A_1765 = arith.constant 0 : index
    %get3A_1766 = vector.load %arg8[%get3A_1764, %get3A_1765] : memref<1024x2048xf32, #tpu.memory_space<vmem>>, vector<8x2048xf32>
    %add3A_1767 = vector.broadcast %get3A_25 : vector<1x2048xf32> to vector<8x2048xf32>
    %add3A_1768 = arith.addf %add3A_1767, %get3A_1766 : vector<8x2048xf32>
    %eq3A_1769 = vector.broadcast %broadcast_in_dim3A : vector<1x2048xf32> to vector<8x2048xf32>
    %eq3A_1770 = arith.cmpf oeq, %add3A_1768, %eq3A_1769 : vector<8x2048xf32>
    %get3A_1771 = arith.constant 488 : index
    %get3A_1772 = arith.constant 0 : index
    %get3A_1773 = vector.load %arg4[%get3A_1771, %get3A_1772] : memref<1024x1xf32, #tpu.memory_space<vmem>>, vector<8x1xf32>
    %jit3A_1774 = arith.constant 0.000000e+00 : f32
    %broadcast_in_dim3A_1775 = vector.shape_cast %get3A_1773 : vector<8x1xf32> to vector<8x1xf32>
    %broadcast_in_dim3A_1776 = vector.broadcast %broadcast_in_dim3A_1775 : vector<8x1xf32> to vector<8x2048xf32>
    %broadcast_in_dim3A_1777 = vector.broadcast %jit3A_1774 : f32 to vector<8x2048xf32>
    %select_n3A_1778 = arith.select %eq3A_1770, %broadcast_in_dim3A_1776, %broadcast_in_dim3A_1777 : vector<8x2048xi1>, vector<8x2048xf32>
    %max3A_1779 = arith.maximumf %max3A_1763, %select_n3A_1778 : vector<8x2048xf32>
    %get3A_1780 = arith.constant 496 : index
    %get3A_1781 = arith.constant 0 : index
    %get3A_1782 = vector.load %arg8[%get3A_1780, %get3A_1781] : memref<1024x2048xf32, #tpu.memory_space<vmem>>, vector<8x2048xf32>
    %add3A_1783 = vector.broadcast %get3A_25 : vector<1x2048xf32> to vector<8x2048xf32>
    %add3A_1784 = arith.addf %add3A_1783, %get3A_1782 : vector<8x2048xf32>
    %eq3A_1785 = vector.broadcast %broadcast_in_dim3A : vector<1x2048xf32> to vector<8x2048xf32>
    %eq3A_1786 = arith.cmpf oeq, %add3A_1784, %eq3A_1785 : vector<8x2048xf32>
    %get3A_1787 = arith.constant 496 : index
    %get3A_1788 = arith.constant 0 : index
    %get3A_1789 = vector.load %arg4[%get3A_1787, %get3A_1788] : memref<1024x1xf32, #tpu.memory_space<vmem>>, vector<8x1xf32>
    %jit3A_1790 = arith.constant 0.000000e+00 : f32
    %broadcast_in_dim3A_1791 = vector.shape_cast %get3A_1789 : vector<8x1xf32> to vector<8x1xf32>
    %broadcast_in_dim3A_1792 = vector.broadcast %broadcast_in_dim3A_1791 : vector<8x1xf32> to vector<8x2048xf32>
    %broadcast_in_dim3A_1793 = vector.broadcast %jit3A_1790 : f32 to vector<8x2048xf32>
    %select_n3A_1794 = arith.select %eq3A_1786, %broadcast_in_dim3A_1792, %broadcast_in_dim3A_1793 : vector<8x2048xi1>, vector<8x2048xf32>
    %max3A_1795 = arith.maximumf %max3A_1779, %select_n3A_1794 : vector<8x2048xf32>
    %get3A_1796 = arith.constant 504 : index
    %get3A_1797 = arith.constant 0 : index
    %get3A_1798 = vector.load %arg8[%get3A_1796, %get3A_1797] : memref<1024x2048xf32, #tpu.memory_space<vmem>>, vector<8x2048xf32>
    %add3A_1799 = vector.broadcast %get3A_25 : vector<1x2048xf32> to vector<8x2048xf32>
    %add3A_1800 = arith.addf %add3A_1799, %get3A_1798 : vector<8x2048xf32>
    %eq3A_1801 = vector.broadcast %broadcast_in_dim3A : vector<1x2048xf32> to vector<8x2048xf32>
    %eq3A_1802 = arith.cmpf oeq, %add3A_1800, %eq3A_1801 : vector<8x2048xf32>
    %get3A_1803 = arith.constant 504 : index
    %get3A_1804 = arith.constant 0 : index
    %get3A_1805 = vector.load %arg4[%get3A_1803, %get3A_1804] : memref<1024x1xf32, #tpu.memory_space<vmem>>, vector<8x1xf32>
    %jit3A_1806 = arith.constant 0.000000e+00 : f32
    %broadcast_in_dim3A_1807 = vector.shape_cast %get3A_1805 : vector<8x1xf32> to vector<8x1xf32>
    %broadcast_in_dim3A_1808 = vector.broadcast %broadcast_in_dim3A_1807 : vector<8x1xf32> to vector<8x2048xf32>
    %broadcast_in_dim3A_1809 = vector.broadcast %jit3A_1806 : f32 to vector<8x2048xf32>
    %select_n3A_1810 = arith.select %eq3A_1802, %broadcast_in_dim3A_1808, %broadcast_in_dim3A_1809 : vector<8x2048xi1>, vector<8x2048xf32>
    %max3A_1811 = arith.maximumf %max3A_1795, %select_n3A_1810 : vector<8x2048xf32>
    %get3A_1812 = arith.constant 512 : index
    %get3A_1813 = arith.constant 0 : index
    %get3A_1814 = vector.load %arg8[%get3A_1812, %get3A_1813] : memref<1024x2048xf32, #tpu.memory_space<vmem>>, vector<8x2048xf32>
    %add3A_1815 = vector.broadcast %get3A_25 : vector<1x2048xf32> to vector<8x2048xf32>
    %add3A_1816 = arith.addf %add3A_1815, %get3A_1814 : vector<8x2048xf32>
    %eq3A_1817 = vector.broadcast %broadcast_in_dim3A : vector<1x2048xf32> to vector<8x2048xf32>
    %eq3A_1818 = arith.cmpf oeq, %add3A_1816, %eq3A_1817 : vector<8x2048xf32>
    %get3A_1819 = arith.constant 512 : index
    %get3A_1820 = arith.constant 0 : index
    %get3A_1821 = vector.load %arg4[%get3A_1819, %get3A_1820] : memref<1024x1xf32, #tpu.memory_space<vmem>>, vector<8x1xf32>
    %jit3A_1822 = arith.constant 0.000000e+00 : f32
    %broadcast_in_dim3A_1823 = vector.shape_cast %get3A_1821 : vector<8x1xf32> to vector<8x1xf32>
    %broadcast_in_dim3A_1824 = vector.broadcast %broadcast_in_dim3A_1823 : vector<8x1xf32> to vector<8x2048xf32>
    %broadcast_in_dim3A_1825 = vector.broadcast %jit3A_1822 : f32 to vector<8x2048xf32>
    %select_n3A_1826 = arith.select %eq3A_1818, %broadcast_in_dim3A_1824, %broadcast_in_dim3A_1825 : vector<8x2048xi1>, vector<8x2048xf32>
    %max3A_1827 = arith.maximumf %max3A_1811, %select_n3A_1826 : vector<8x2048xf32>
    %get3A_1828 = arith.constant 520 : index
    %get3A_1829 = arith.constant 0 : index
    %get3A_1830 = vector.load %arg8[%get3A_1828, %get3A_1829] : memref<1024x2048xf32, #tpu.memory_space<vmem>>, vector<8x2048xf32>
    %add3A_1831 = vector.broadcast %get3A_25 : vector<1x2048xf32> to vector<8x2048xf32>
    %add3A_1832 = arith.addf %add3A_1831, %get3A_1830 : vector<8x2048xf32>
    %eq3A_1833 = vector.broadcast %broadcast_in_dim3A : vector<1x2048xf32> to vector<8x2048xf32>
    %eq3A_1834 = arith.cmpf oeq, %add3A_1832, %eq3A_1833 : vector<8x2048xf32>
    %get3A_1835 = arith.constant 520 : index
    %get3A_1836 = arith.constant 0 : index
    %get3A_1837 = vector.load %arg4[%get3A_1835, %get3A_1836] : memref<1024x1xf32, #tpu.memory_space<vmem>>, vector<8x1xf32>
    %jit3A_1838 = arith.constant 0.000000e+00 : f32
    %broadcast_in_dim3A_1839 = vector.shape_cast %get3A_1837 : vector<8x1xf32> to vector<8x1xf32>
    %broadcast_in_dim3A_1840 = vector.broadcast %broadcast_in_dim3A_1839 : vector<8x1xf32> to vector<8x2048xf32>
    %broadcast_in_dim3A_1841 = vector.broadcast %jit3A_1838 : f32 to vector<8x2048xf32>
    %select_n3A_1842 = arith.select %eq3A_1834, %broadcast_in_dim3A_1840, %broadcast_in_dim3A_1841 : vector<8x2048xi1>, vector<8x2048xf32>
    %max3A_1843 = arith.maximumf %max3A_1827, %select_n3A_1842 : vector<8x2048xf32>
    %get3A_1844 = arith.constant 528 : index
    %get3A_1845 = arith.constant 0 : index
    %get3A_1846 = vector.load %arg8[%get3A_1844, %get3A_1845] : memref<1024x2048xf32, #tpu.memory_space<vmem>>, vector<8x2048xf32>
    %add3A_1847 = vector.broadcast %get3A_25 : vector<1x2048xf32> to vector<8x2048xf32>
    %add3A_1848 = arith.addf %add3A_1847, %get3A_1846 : vector<8x2048xf32>
    %eq3A_1849 = vector.broadcast %broadcast_in_dim3A : vector<1x2048xf32> to vector<8x2048xf32>
    %eq3A_1850 = arith.cmpf oeq, %add3A_1848, %eq3A_1849 : vector<8x2048xf32>
    %get3A_1851 = arith.constant 528 : index
    %get3A_1852 = arith.constant 0 : index
    %get3A_1853 = vector.load %arg4[%get3A_1851, %get3A_1852] : memref<1024x1xf32, #tpu.memory_space<vmem>>, vector<8x1xf32>
    %jit3A_1854 = arith.constant 0.000000e+00 : f32
    %broadcast_in_dim3A_1855 = vector.shape_cast %get3A_1853 : vector<8x1xf32> to vector<8x1xf32>
    %broadcast_in_dim3A_1856 = vector.broadcast %broadcast_in_dim3A_1855 : vector<8x1xf32> to vector<8x2048xf32>
    %broadcast_in_dim3A_1857 = vector.broadcast %jit3A_1854 : f32 to vector<8x2048xf32>
    %select_n3A_1858 = arith.select %eq3A_1850, %broadcast_in_dim3A_1856, %broadcast_in_dim3A_1857 : vector<8x2048xi1>, vector<8x2048xf32>
    %max3A_1859 = arith.maximumf %max3A_1843, %select_n3A_1858 : vector<8x2048xf32>
    %get3A_1860 = arith.constant 536 : index
    %get3A_1861 = arith.constant 0 : index
    %get3A_1862 = vector.load %arg8[%get3A_1860, %get3A_1861] : memref<1024x2048xf32, #tpu.memory_space<vmem>>, vector<8x2048xf32>
    %add3A_1863 = vector.broadcast %get3A_25 : vector<1x2048xf32> to vector<8x2048xf32>
    %add3A_1864 = arith.addf %add3A_1863, %get3A_1862 : vector<8x2048xf32>
    %eq3A_1865 = vector.broadcast %broadcast_in_dim3A : vector<1x2048xf32> to vector<8x2048xf32>
    %eq3A_1866 = arith.cmpf oeq, %add3A_1864, %eq3A_1865 : vector<8x2048xf32>
    %get3A_1867 = arith.constant 536 : index
    %get3A_1868 = arith.constant 0 : index
    %get3A_1869 = vector.load %arg4[%get3A_1867, %get3A_1868] : memref<1024x1xf32, #tpu.memory_space<vmem>>, vector<8x1xf32>
    %jit3A_1870 = arith.constant 0.000000e+00 : f32
    %broadcast_in_dim3A_1871 = vector.shape_cast %get3A_1869 : vector<8x1xf32> to vector<8x1xf32>
    %broadcast_in_dim3A_1872 = vector.broadcast %broadcast_in_dim3A_1871 : vector<8x1xf32> to vector<8x2048xf32>
    %broadcast_in_dim3A_1873 = vector.broadcast %jit3A_1870 : f32 to vector<8x2048xf32>
    %select_n3A_1874 = arith.select %eq3A_1866, %broadcast_in_dim3A_1872, %broadcast_in_dim3A_1873 : vector<8x2048xi1>, vector<8x2048xf32>
    %max3A_1875 = arith.maximumf %max3A_1859, %select_n3A_1874 : vector<8x2048xf32>
    %get3A_1876 = arith.constant 544 : index
    %get3A_1877 = arith.constant 0 : index
    %get3A_1878 = vector.load %arg8[%get3A_1876, %get3A_1877] : memref<1024x2048xf32, #tpu.memory_space<vmem>>, vector<8x2048xf32>
    %add3A_1879 = vector.broadcast %get3A_25 : vector<1x2048xf32> to vector<8x2048xf32>
    %add3A_1880 = arith.addf %add3A_1879, %get3A_1878 : vector<8x2048xf32>
    %eq3A_1881 = vector.broadcast %broadcast_in_dim3A : vector<1x2048xf32> to vector<8x2048xf32>
    %eq3A_1882 = arith.cmpf oeq, %add3A_1880, %eq3A_1881 : vector<8x2048xf32>
    %get3A_1883 = arith.constant 544 : index
    %get3A_1884 = arith.constant 0 : index
    %get3A_1885 = vector.load %arg4[%get3A_1883, %get3A_1884] : memref<1024x1xf32, #tpu.memory_space<vmem>>, vector<8x1xf32>
    %jit3A_1886 = arith.constant 0.000000e+00 : f32
    %broadcast_in_dim3A_1887 = vector.shape_cast %get3A_1885 : vector<8x1xf32> to vector<8x1xf32>
    %broadcast_in_dim3A_1888 = vector.broadcast %broadcast_in_dim3A_1887 : vector<8x1xf32> to vector<8x2048xf32>
    %broadcast_in_dim3A_1889 = vector.broadcast %jit3A_1886 : f32 to vector<8x2048xf32>
    %select_n3A_1890 = arith.select %eq3A_1882, %broadcast_in_dim3A_1888, %broadcast_in_dim3A_1889 : vector<8x2048xi1>, vector<8x2048xf32>
    %max3A_1891 = arith.maximumf %max3A_1875, %select_n3A_1890 : vector<8x2048xf32>
    %get3A_1892 = arith.constant 552 : index
    %get3A_1893 = arith.constant 0 : index
    %get3A_1894 = vector.load %arg8[%get3A_1892, %get3A_1893] : memref<1024x2048xf32, #tpu.memory_space<vmem>>, vector<8x2048xf32>
    %add3A_1895 = vector.broadcast %get3A_25 : vector<1x2048xf32> to vector<8x2048xf32>
    %add3A_1896 = arith.addf %add3A_1895, %get3A_1894 : vector<8x2048xf32>
    %eq3A_1897 = vector.broadcast %broadcast_in_dim3A : vector<1x2048xf32> to vector<8x2048xf32>
    %eq3A_1898 = arith.cmpf oeq, %add3A_1896, %eq3A_1897 : vector<8x2048xf32>
    %get3A_1899 = arith.constant 552 : index
    %get3A_1900 = arith.constant 0 : index
    %get3A_1901 = vector.load %arg4[%get3A_1899, %get3A_1900] : memref<1024x1xf32, #tpu.memory_space<vmem>>, vector<8x1xf32>
    %jit3A_1902 = arith.constant 0.000000e+00 : f32
    %broadcast_in_dim3A_1903 = vector.shape_cast %get3A_1901 : vector<8x1xf32> to vector<8x1xf32>
    %broadcast_in_dim3A_1904 = vector.broadcast %broadcast_in_dim3A_1903 : vector<8x1xf32> to vector<8x2048xf32>
    %broadcast_in_dim3A_1905 = vector.broadcast %jit3A_1902 : f32 to vector<8x2048xf32>
    %select_n3A_1906 = arith.select %eq3A_1898, %broadcast_in_dim3A_1904, %broadcast_in_dim3A_1905 : vector<8x2048xi1>, vector<8x2048xf32>
    %max3A_1907 = arith.maximumf %max3A_1891, %select_n3A_1906 : vector<8x2048xf32>
    %get3A_1908 = arith.constant 560 : index
    %get3A_1909 = arith.constant 0 : index
    %get3A_1910 = vector.load %arg8[%get3A_1908, %get3A_1909] : memref<1024x2048xf32, #tpu.memory_space<vmem>>, vector<8x2048xf32>
    %add3A_1911 = vector.broadcast %get3A_25 : vector<1x2048xf32> to vector<8x2048xf32>
    %add3A_1912 = arith.addf %add3A_1911, %get3A_1910 : vector<8x2048xf32>
    %eq3A_1913 = vector.broadcast %broadcast_in_dim3A : vector<1x2048xf32> to vector<8x2048xf32>
    %eq3A_1914 = arith.cmpf oeq, %add3A_1912, %eq3A_1913 : vector<8x2048xf32>
    %get3A_1915 = arith.constant 560 : index
    %get3A_1916 = arith.constant 0 : index
    %get3A_1917 = vector.load %arg4[%get3A_1915, %get3A_1916] : memref<1024x1xf32, #tpu.memory_space<vmem>>, vector<8x1xf32>
    %jit3A_1918 = arith.constant 0.000000e+00 : f32
    %broadcast_in_dim3A_1919 = vector.shape_cast %get3A_1917 : vector<8x1xf32> to vector<8x1xf32>
    %broadcast_in_dim3A_1920 = vector.broadcast %broadcast_in_dim3A_1919 : vector<8x1xf32> to vector<8x2048xf32>
    %broadcast_in_dim3A_1921 = vector.broadcast %jit3A_1918 : f32 to vector<8x2048xf32>
    %select_n3A_1922 = arith.select %eq3A_1914, %broadcast_in_dim3A_1920, %broadcast_in_dim3A_1921 : vector<8x2048xi1>, vector<8x2048xf32>
    %max3A_1923 = arith.maximumf %max3A_1907, %select_n3A_1922 : vector<8x2048xf32>
    %get3A_1924 = arith.constant 568 : index
    %get3A_1925 = arith.constant 0 : index
    %get3A_1926 = vector.load %arg8[%get3A_1924, %get3A_1925] : memref<1024x2048xf32, #tpu.memory_space<vmem>>, vector<8x2048xf32>
    %add3A_1927 = vector.broadcast %get3A_25 : vector<1x2048xf32> to vector<8x2048xf32>
    %add3A_1928 = arith.addf %add3A_1927, %get3A_1926 : vector<8x2048xf32>
    %eq3A_1929 = vector.broadcast %broadcast_in_dim3A : vector<1x2048xf32> to vector<8x2048xf32>
    %eq3A_1930 = arith.cmpf oeq, %add3A_1928, %eq3A_1929 : vector<8x2048xf32>
    %get3A_1931 = arith.constant 568 : index
    %get3A_1932 = arith.constant 0 : index
    %get3A_1933 = vector.load %arg4[%get3A_1931, %get3A_1932] : memref<1024x1xf32, #tpu.memory_space<vmem>>, vector<8x1xf32>
    %jit3A_1934 = arith.constant 0.000000e+00 : f32
    %broadcast_in_dim3A_1935 = vector.shape_cast %get3A_1933 : vector<8x1xf32> to vector<8x1xf32>
    %broadcast_in_dim3A_1936 = vector.broadcast %broadcast_in_dim3A_1935 : vector<8x1xf32> to vector<8x2048xf32>
    %broadcast_in_dim3A_1937 = vector.broadcast %jit3A_1934 : f32 to vector<8x2048xf32>
    %select_n3A_1938 = arith.select %eq3A_1930, %broadcast_in_dim3A_1936, %broadcast_in_dim3A_1937 : vector<8x2048xi1>, vector<8x2048xf32>
    %max3A_1939 = arith.maximumf %max3A_1923, %select_n3A_1938 : vector<8x2048xf32>
    %get3A_1940 = arith.constant 576 : index
    %get3A_1941 = arith.constant 0 : index
    %get3A_1942 = vector.load %arg8[%get3A_1940, %get3A_1941] : memref<1024x2048xf32, #tpu.memory_space<vmem>>, vector<8x2048xf32>
    %add3A_1943 = vector.broadcast %get3A_25 : vector<1x2048xf32> to vector<8x2048xf32>
    %add3A_1944 = arith.addf %add3A_1943, %get3A_1942 : vector<8x2048xf32>
    %eq3A_1945 = vector.broadcast %broadcast_in_dim3A : vector<1x2048xf32> to vector<8x2048xf32>
    %eq3A_1946 = arith.cmpf oeq, %add3A_1944, %eq3A_1945 : vector<8x2048xf32>
    %get3A_1947 = arith.constant 576 : index
    %get3A_1948 = arith.constant 0 : index
    %get3A_1949 = vector.load %arg4[%get3A_1947, %get3A_1948] : memref<1024x1xf32, #tpu.memory_space<vmem>>, vector<8x1xf32>
    %jit3A_1950 = arith.constant 0.000000e+00 : f32
    %broadcast_in_dim3A_1951 = vector.shape_cast %get3A_1949 : vector<8x1xf32> to vector<8x1xf32>
    %broadcast_in_dim3A_1952 = vector.broadcast %broadcast_in_dim3A_1951 : vector<8x1xf32> to vector<8x2048xf32>
    %broadcast_in_dim3A_1953 = vector.broadcast %jit3A_1950 : f32 to vector<8x2048xf32>
    %select_n3A_1954 = arith.select %eq3A_1946, %broadcast_in_dim3A_1952, %broadcast_in_dim3A_1953 : vector<8x2048xi1>, vector<8x2048xf32>
    %max3A_1955 = arith.maximumf %max3A_1939, %select_n3A_1954 : vector<8x2048xf32>
    %get3A_1956 = arith.constant 584 : index
    %get3A_1957 = arith.constant 0 : index
    %get3A_1958 = vector.load %arg8[%get3A_1956, %get3A_1957] : memref<1024x2048xf32, #tpu.memory_space<vmem>>, vector<8x2048xf32>
    %add3A_1959 = vector.broadcast %get3A_25 : vector<1x2048xf32> to vector<8x2048xf32>
    %add3A_1960 = arith.addf %add3A_1959, %get3A_1958 : vector<8x2048xf32>
    %eq3A_1961 = vector.broadcast %broadcast_in_dim3A : vector<1x2048xf32> to vector<8x2048xf32>
    %eq3A_1962 = arith.cmpf oeq, %add3A_1960, %eq3A_1961 : vector<8x2048xf32>
    %get3A_1963 = arith.constant 584 : index
    %get3A_1964 = arith.constant 0 : index
    %get3A_1965 = vector.load %arg4[%get3A_1963, %get3A_1964] : memref<1024x1xf32, #tpu.memory_space<vmem>>, vector<8x1xf32>
    %jit3A_1966 = arith.constant 0.000000e+00 : f32
    %broadcast_in_dim3A_1967 = vector.shape_cast %get3A_1965 : vector<8x1xf32> to vector<8x1xf32>
    %broadcast_in_dim3A_1968 = vector.broadcast %broadcast_in_dim3A_1967 : vector<8x1xf32> to vector<8x2048xf32>
    %broadcast_in_dim3A_1969 = vector.broadcast %jit3A_1966 : f32 to vector<8x2048xf32>
    %select_n3A_1970 = arith.select %eq3A_1962, %broadcast_in_dim3A_1968, %broadcast_in_dim3A_1969 : vector<8x2048xi1>, vector<8x2048xf32>
    %max3A_1971 = arith.maximumf %max3A_1955, %select_n3A_1970 : vector<8x2048xf32>
    %get3A_1972 = arith.constant 592 : index
    %get3A_1973 = arith.constant 0 : index
    %get3A_1974 = vector.load %arg8[%get3A_1972, %get3A_1973] : memref<1024x2048xf32, #tpu.memory_space<vmem>>, vector<8x2048xf32>
    %add3A_1975 = vector.broadcast %get3A_25 : vector<1x2048xf32> to vector<8x2048xf32>
    %add3A_1976 = arith.addf %add3A_1975, %get3A_1974 : vector<8x2048xf32>
    %eq3A_1977 = vector.broadcast %broadcast_in_dim3A : vector<1x2048xf32> to vector<8x2048xf32>
    %eq3A_1978 = arith.cmpf oeq, %add3A_1976, %eq3A_1977 : vector<8x2048xf32>
    %get3A_1979 = arith.constant 592 : index
    %get3A_1980 = arith.constant 0 : index
    %get3A_1981 = vector.load %arg4[%get3A_1979, %get3A_1980] : memref<1024x1xf32, #tpu.memory_space<vmem>>, vector<8x1xf32>
    %jit3A_1982 = arith.constant 0.000000e+00 : f32
    %broadcast_in_dim3A_1983 = vector.shape_cast %get3A_1981 : vector<8x1xf32> to vector<8x1xf32>
    %broadcast_in_dim3A_1984 = vector.broadcast %broadcast_in_dim3A_1983 : vector<8x1xf32> to vector<8x2048xf32>
    %broadcast_in_dim3A_1985 = vector.broadcast %jit3A_1982 : f32 to vector<8x2048xf32>
    %select_n3A_1986 = arith.select %eq3A_1978, %broadcast_in_dim3A_1984, %broadcast_in_dim3A_1985 : vector<8x2048xi1>, vector<8x2048xf32>
    %max3A_1987 = arith.maximumf %max3A_1971, %select_n3A_1986 : vector<8x2048xf32>
    %get3A_1988 = arith.constant 600 : index
    %get3A_1989 = arith.constant 0 : index
    %get3A_1990 = vector.load %arg8[%get3A_1988, %get3A_1989] : memref<1024x2048xf32, #tpu.memory_space<vmem>>, vector<8x2048xf32>
    %add3A_1991 = vector.broadcast %get3A_25 : vector<1x2048xf32> to vector<8x2048xf32>
    %add3A_1992 = arith.addf %add3A_1991, %get3A_1990 : vector<8x2048xf32>
    %eq3A_1993 = vector.broadcast %broadcast_in_dim3A : vector<1x2048xf32> to vector<8x2048xf32>
    %eq3A_1994 = arith.cmpf oeq, %add3A_1992, %eq3A_1993 : vector<8x2048xf32>
    %get3A_1995 = arith.constant 600 : index
    %get3A_1996 = arith.constant 0 : index
    %get3A_1997 = vector.load %arg4[%get3A_1995, %get3A_1996] : memref<1024x1xf32, #tpu.memory_space<vmem>>, vector<8x1xf32>
    %jit3A_1998 = arith.constant 0.000000e+00 : f32
    %broadcast_in_dim3A_1999 = vector.shape_cast %get3A_1997 : vector<8x1xf32> to vector<8x1xf32>
    %broadcast_in_dim3A_2000 = vector.broadcast %broadcast_in_dim3A_1999 : vector<8x1xf32> to vector<8x2048xf32>
    %broadcast_in_dim3A_2001 = vector.broadcast %jit3A_1998 : f32 to vector<8x2048xf32>
    %select_n3A_2002 = arith.select %eq3A_1994, %broadcast_in_dim3A_2000, %broadcast_in_dim3A_2001 : vector<8x2048xi1>, vector<8x2048xf32>
    %max3A_2003 = arith.maximumf %max3A_1987, %select_n3A_2002 : vector<8x2048xf32>
    %get3A_2004 = arith.constant 608 : index
    %get3A_2005 = arith.constant 0 : index
    %get3A_2006 = vector.load %arg8[%get3A_2004, %get3A_2005] : memref<1024x2048xf32, #tpu.memory_space<vmem>>, vector<8x2048xf32>
    %add3A_2007 = vector.broadcast %get3A_25 : vector<1x2048xf32> to vector<8x2048xf32>
    %add3A_2008 = arith.addf %add3A_2007, %get3A_2006 : vector<8x2048xf32>
    %eq3A_2009 = vector.broadcast %broadcast_in_dim3A : vector<1x2048xf32> to vector<8x2048xf32>
    %eq3A_2010 = arith.cmpf oeq, %add3A_2008, %eq3A_2009 : vector<8x2048xf32>
    %get3A_2011 = arith.constant 608 : index
    %get3A_2012 = arith.constant 0 : index
    %get3A_2013 = vector.load %arg4[%get3A_2011, %get3A_2012] : memref<1024x1xf32, #tpu.memory_space<vmem>>, vector<8x1xf32>
    %jit3A_2014 = arith.constant 0.000000e+00 : f32
    %broadcast_in_dim3A_2015 = vector.shape_cast %get3A_2013 : vector<8x1xf32> to vector<8x1xf32>
    %broadcast_in_dim3A_2016 = vector.broadcast %broadcast_in_dim3A_2015 : vector<8x1xf32> to vector<8x2048xf32>
    %broadcast_in_dim3A_2017 = vector.broadcast %jit3A_2014 : f32 to vector<8x2048xf32>
    %select_n3A_2018 = arith.select %eq3A_2010, %broadcast_in_dim3A_2016, %broadcast_in_dim3A_2017 : vector<8x2048xi1>, vector<8x2048xf32>
    %max3A_2019 = arith.maximumf %max3A_2003, %select_n3A_2018 : vector<8x2048xf32>
    %get3A_2020 = arith.constant 616 : index
    %get3A_2021 = arith.constant 0 : index
    %get3A_2022 = vector.load %arg8[%get3A_2020, %get3A_2021] : memref<1024x2048xf32, #tpu.memory_space<vmem>>, vector<8x2048xf32>
    %add3A_2023 = vector.broadcast %get3A_25 : vector<1x2048xf32> to vector<8x2048xf32>
    %add3A_2024 = arith.addf %add3A_2023, %get3A_2022 : vector<8x2048xf32>
    %eq3A_2025 = vector.broadcast %broadcast_in_dim3A : vector<1x2048xf32> to vector<8x2048xf32>
    %eq3A_2026 = arith.cmpf oeq, %add3A_2024, %eq3A_2025 : vector<8x2048xf32>
    %get3A_2027 = arith.constant 616 : index
    %get3A_2028 = arith.constant 0 : index
    %get3A_2029 = vector.load %arg4[%get3A_2027, %get3A_2028] : memref<1024x1xf32, #tpu.memory_space<vmem>>, vector<8x1xf32>
    %jit3A_2030 = arith.constant 0.000000e+00 : f32
    %broadcast_in_dim3A_2031 = vector.shape_cast %get3A_2029 : vector<8x1xf32> to vector<8x1xf32>
    %broadcast_in_dim3A_2032 = vector.broadcast %broadcast_in_dim3A_2031 : vector<8x1xf32> to vector<8x2048xf32>
    %broadcast_in_dim3A_2033 = vector.broadcast %jit3A_2030 : f32 to vector<8x2048xf32>
    %select_n3A_2034 = arith.select %eq3A_2026, %broadcast_in_dim3A_2032, %broadcast_in_dim3A_2033 : vector<8x2048xi1>, vector<8x2048xf32>
    %max3A_2035 = arith.maximumf %max3A_2019, %select_n3A_2034 : vector<8x2048xf32>
    %get3A_2036 = arith.constant 624 : index
    %get3A_2037 = arith.constant 0 : index
    %get3A_2038 = vector.load %arg8[%get3A_2036, %get3A_2037] : memref<1024x2048xf32, #tpu.memory_space<vmem>>, vector<8x2048xf32>
    %add3A_2039 = vector.broadcast %get3A_25 : vector<1x2048xf32> to vector<8x2048xf32>
    %add3A_2040 = arith.addf %add3A_2039, %get3A_2038 : vector<8x2048xf32>
    %eq3A_2041 = vector.broadcast %broadcast_in_dim3A : vector<1x2048xf32> to vector<8x2048xf32>
    %eq3A_2042 = arith.cmpf oeq, %add3A_2040, %eq3A_2041 : vector<8x2048xf32>
    %get3A_2043 = arith.constant 624 : index
    %get3A_2044 = arith.constant 0 : index
    %get3A_2045 = vector.load %arg4[%get3A_2043, %get3A_2044] : memref<1024x1xf32, #tpu.memory_space<vmem>>, vector<8x1xf32>
    %jit3A_2046 = arith.constant 0.000000e+00 : f32
    %broadcast_in_dim3A_2047 = vector.shape_cast %get3A_2045 : vector<8x1xf32> to vector<8x1xf32>
    %broadcast_in_dim3A_2048 = vector.broadcast %broadcast_in_dim3A_2047 : vector<8x1xf32> to vector<8x2048xf32>
    %broadcast_in_dim3A_2049 = vector.broadcast %jit3A_2046 : f32 to vector<8x2048xf32>
    %select_n3A_2050 = arith.select %eq3A_2042, %broadcast_in_dim3A_2048, %broadcast_in_dim3A_2049 : vector<8x2048xi1>, vector<8x2048xf32>
    %max3A_2051 = arith.maximumf %max3A_2035, %select_n3A_2050 : vector<8x2048xf32>
    %get3A_2052 = arith.constant 632 : index
    %get3A_2053 = arith.constant 0 : index
    %get3A_2054 = vector.load %arg8[%get3A_2052, %get3A_2053] : memref<1024x2048xf32, #tpu.memory_space<vmem>>, vector<8x2048xf32>
    %add3A_2055 = vector.broadcast %get3A_25 : vector<1x2048xf32> to vector<8x2048xf32>
    %add3A_2056 = arith.addf %add3A_2055, %get3A_2054 : vector<8x2048xf32>
    %eq3A_2057 = vector.broadcast %broadcast_in_dim3A : vector<1x2048xf32> to vector<8x2048xf32>
    %eq3A_2058 = arith.cmpf oeq, %add3A_2056, %eq3A_2057 : vector<8x2048xf32>
    %get3A_2059 = arith.constant 632 : index
    %get3A_2060 = arith.constant 0 : index
    %get3A_2061 = vector.load %arg4[%get3A_2059, %get3A_2060] : memref<1024x1xf32, #tpu.memory_space<vmem>>, vector<8x1xf32>
    %jit3A_2062 = arith.constant 0.000000e+00 : f32
    %broadcast_in_dim3A_2063 = vector.shape_cast %get3A_2061 : vector<8x1xf32> to vector<8x1xf32>
    %broadcast_in_dim3A_2064 = vector.broadcast %broadcast_in_dim3A_2063 : vector<8x1xf32> to vector<8x2048xf32>
    %broadcast_in_dim3A_2065 = vector.broadcast %jit3A_2062 : f32 to vector<8x2048xf32>
    %select_n3A_2066 = arith.select %eq3A_2058, %broadcast_in_dim3A_2064, %broadcast_in_dim3A_2065 : vector<8x2048xi1>, vector<8x2048xf32>
    %max3A_2067 = arith.maximumf %max3A_2051, %select_n3A_2066 : vector<8x2048xf32>
    %get3A_2068 = arith.constant 640 : index
    %get3A_2069 = arith.constant 0 : index
    %get3A_2070 = vector.load %arg8[%get3A_2068, %get3A_2069] : memref<1024x2048xf32, #tpu.memory_space<vmem>>, vector<8x2048xf32>
    %add3A_2071 = vector.broadcast %get3A_25 : vector<1x2048xf32> to vector<8x2048xf32>
    %add3A_2072 = arith.addf %add3A_2071, %get3A_2070 : vector<8x2048xf32>
    %eq3A_2073 = vector.broadcast %broadcast_in_dim3A : vector<1x2048xf32> to vector<8x2048xf32>
    %eq3A_2074 = arith.cmpf oeq, %add3A_2072, %eq3A_2073 : vector<8x2048xf32>
    %get3A_2075 = arith.constant 640 : index
    %get3A_2076 = arith.constant 0 : index
    %get3A_2077 = vector.load %arg4[%get3A_2075, %get3A_2076] : memref<1024x1xf32, #tpu.memory_space<vmem>>, vector<8x1xf32>
    %jit3A_2078 = arith.constant 0.000000e+00 : f32
    %broadcast_in_dim3A_2079 = vector.shape_cast %get3A_2077 : vector<8x1xf32> to vector<8x1xf32>
    %broadcast_in_dim3A_2080 = vector.broadcast %broadcast_in_dim3A_2079 : vector<8x1xf32> to vector<8x2048xf32>
    %broadcast_in_dim3A_2081 = vector.broadcast %jit3A_2078 : f32 to vector<8x2048xf32>
    %select_n3A_2082 = arith.select %eq3A_2074, %broadcast_in_dim3A_2080, %broadcast_in_dim3A_2081 : vector<8x2048xi1>, vector<8x2048xf32>
    %max3A_2083 = arith.maximumf %max3A_2067, %select_n3A_2082 : vector<8x2048xf32>
    %get3A_2084 = arith.constant 648 : index
    %get3A_2085 = arith.constant 0 : index
    %get3A_2086 = vector.load %arg8[%get3A_2084, %get3A_2085] : memref<1024x2048xf32, #tpu.memory_space<vmem>>, vector<8x2048xf32>
    %add3A_2087 = vector.broadcast %get3A_25 : vector<1x2048xf32> to vector<8x2048xf32>
    %add3A_2088 = arith.addf %add3A_2087, %get3A_2086 : vector<8x2048xf32>
    %eq3A_2089 = vector.broadcast %broadcast_in_dim3A : vector<1x2048xf32> to vector<8x2048xf32>
    %eq3A_2090 = arith.cmpf oeq, %add3A_2088, %eq3A_2089 : vector<8x2048xf32>
    %get3A_2091 = arith.constant 648 : index
    %get3A_2092 = arith.constant 0 : index
    %get3A_2093 = vector.load %arg4[%get3A_2091, %get3A_2092] : memref<1024x1xf32, #tpu.memory_space<vmem>>, vector<8x1xf32>
    %jit3A_2094 = arith.constant 0.000000e+00 : f32
    %broadcast_in_dim3A_2095 = vector.shape_cast %get3A_2093 : vector<8x1xf32> to vector<8x1xf32>
    %broadcast_in_dim3A_2096 = vector.broadcast %broadcast_in_dim3A_2095 : vector<8x1xf32> to vector<8x2048xf32>
    %broadcast_in_dim3A_2097 = vector.broadcast %jit3A_2094 : f32 to vector<8x2048xf32>
    %select_n3A_2098 = arith.select %eq3A_2090, %broadcast_in_dim3A_2096, %broadcast_in_dim3A_2097 : vector<8x2048xi1>, vector<8x2048xf32>
    %max3A_2099 = arith.maximumf %max3A_2083, %select_n3A_2098 : vector<8x2048xf32>
    %get3A_2100 = arith.constant 656 : index
    %get3A_2101 = arith.constant 0 : index
    %get3A_2102 = vector.load %arg8[%get3A_2100, %get3A_2101] : memref<1024x2048xf32, #tpu.memory_space<vmem>>, vector<8x2048xf32>
    %add3A_2103 = vector.broadcast %get3A_25 : vector<1x2048xf32> to vector<8x2048xf32>
    %add3A_2104 = arith.addf %add3A_2103, %get3A_2102 : vector<8x2048xf32>
    %eq3A_2105 = vector.broadcast %broadcast_in_dim3A : vector<1x2048xf32> to vector<8x2048xf32>
    %eq3A_2106 = arith.cmpf oeq, %add3A_2104, %eq3A_2105 : vector<8x2048xf32>
    %get3A_2107 = arith.constant 656 : index
    %get3A_2108 = arith.constant 0 : index
    %get3A_2109 = vector.load %arg4[%get3A_2107, %get3A_2108] : memref<1024x1xf32, #tpu.memory_space<vmem>>, vector<8x1xf32>
    %jit3A_2110 = arith.constant 0.000000e+00 : f32
    %broadcast_in_dim3A_2111 = vector.shape_cast %get3A_2109 : vector<8x1xf32> to vector<8x1xf32>
    %broadcast_in_dim3A_2112 = vector.broadcast %broadcast_in_dim3A_2111 : vector<8x1xf32> to vector<8x2048xf32>
    %broadcast_in_dim3A_2113 = vector.broadcast %jit3A_2110 : f32 to vector<8x2048xf32>
    %select_n3A_2114 = arith.select %eq3A_2106, %broadcast_in_dim3A_2112, %broadcast_in_dim3A_2113 : vector<8x2048xi1>, vector<8x2048xf32>
    %max3A_2115 = arith.maximumf %max3A_2099, %select_n3A_2114 : vector<8x2048xf32>
    %get3A_2116 = arith.constant 664 : index
    %get3A_2117 = arith.constant 0 : index
    %get3A_2118 = vector.load %arg8[%get3A_2116, %get3A_2117] : memref<1024x2048xf32, #tpu.memory_space<vmem>>, vector<8x2048xf32>
    %add3A_2119 = vector.broadcast %get3A_25 : vector<1x2048xf32> to vector<8x2048xf32>
    %add3A_2120 = arith.addf %add3A_2119, %get3A_2118 : vector<8x2048xf32>
    %eq3A_2121 = vector.broadcast %broadcast_in_dim3A : vector<1x2048xf32> to vector<8x2048xf32>
    %eq3A_2122 = arith.cmpf oeq, %add3A_2120, %eq3A_2121 : vector<8x2048xf32>
    %get3A_2123 = arith.constant 664 : index
    %get3A_2124 = arith.constant 0 : index
    %get3A_2125 = vector.load %arg4[%get3A_2123, %get3A_2124] : memref<1024x1xf32, #tpu.memory_space<vmem>>, vector<8x1xf32>
    %jit3A_2126 = arith.constant 0.000000e+00 : f32
    %broadcast_in_dim3A_2127 = vector.shape_cast %get3A_2125 : vector<8x1xf32> to vector<8x1xf32>
    %broadcast_in_dim3A_2128 = vector.broadcast %broadcast_in_dim3A_2127 : vector<8x1xf32> to vector<8x2048xf32>
    %broadcast_in_dim3A_2129 = vector.broadcast %jit3A_2126 : f32 to vector<8x2048xf32>
    %select_n3A_2130 = arith.select %eq3A_2122, %broadcast_in_dim3A_2128, %broadcast_in_dim3A_2129 : vector<8x2048xi1>, vector<8x2048xf32>
    %max3A_2131 = arith.maximumf %max3A_2115, %select_n3A_2130 : vector<8x2048xf32>
    %get3A_2132 = arith.constant 672 : index
    %get3A_2133 = arith.constant 0 : index
    %get3A_2134 = vector.load %arg8[%get3A_2132, %get3A_2133] : memref<1024x2048xf32, #tpu.memory_space<vmem>>, vector<8x2048xf32>
    %add3A_2135 = vector.broadcast %get3A_25 : vector<1x2048xf32> to vector<8x2048xf32>
    %add3A_2136 = arith.addf %add3A_2135, %get3A_2134 : vector<8x2048xf32>
    %eq3A_2137 = vector.broadcast %broadcast_in_dim3A : vector<1x2048xf32> to vector<8x2048xf32>
    %eq3A_2138 = arith.cmpf oeq, %add3A_2136, %eq3A_2137 : vector<8x2048xf32>
    %get3A_2139 = arith.constant 672 : index
    %get3A_2140 = arith.constant 0 : index
    %get3A_2141 = vector.load %arg4[%get3A_2139, %get3A_2140] : memref<1024x1xf32, #tpu.memory_space<vmem>>, vector<8x1xf32>
    %jit3A_2142 = arith.constant 0.000000e+00 : f32
    %broadcast_in_dim3A_2143 = vector.shape_cast %get3A_2141 : vector<8x1xf32> to vector<8x1xf32>
    %broadcast_in_dim3A_2144 = vector.broadcast %broadcast_in_dim3A_2143 : vector<8x1xf32> to vector<8x2048xf32>
    %broadcast_in_dim3A_2145 = vector.broadcast %jit3A_2142 : f32 to vector<8x2048xf32>
    %select_n3A_2146 = arith.select %eq3A_2138, %broadcast_in_dim3A_2144, %broadcast_in_dim3A_2145 : vector<8x2048xi1>, vector<8x2048xf32>
    %max3A_2147 = arith.maximumf %max3A_2131, %select_n3A_2146 : vector<8x2048xf32>
    %get3A_2148 = arith.constant 680 : index
    %get3A_2149 = arith.constant 0 : index
    %get3A_2150 = vector.load %arg8[%get3A_2148, %get3A_2149] : memref<1024x2048xf32, #tpu.memory_space<vmem>>, vector<8x2048xf32>
    %add3A_2151 = vector.broadcast %get3A_25 : vector<1x2048xf32> to vector<8x2048xf32>
    %add3A_2152 = arith.addf %add3A_2151, %get3A_2150 : vector<8x2048xf32>
    %eq3A_2153 = vector.broadcast %broadcast_in_dim3A : vector<1x2048xf32> to vector<8x2048xf32>
    %eq3A_2154 = arith.cmpf oeq, %add3A_2152, %eq3A_2153 : vector<8x2048xf32>
    %get3A_2155 = arith.constant 680 : index
    %get3A_2156 = arith.constant 0 : index
    %get3A_2157 = vector.load %arg4[%get3A_2155, %get3A_2156] : memref<1024x1xf32, #tpu.memory_space<vmem>>, vector<8x1xf32>
    %jit3A_2158 = arith.constant 0.000000e+00 : f32
    %broadcast_in_dim3A_2159 = vector.shape_cast %get3A_2157 : vector<8x1xf32> to vector<8x1xf32>
    %broadcast_in_dim3A_2160 = vector.broadcast %broadcast_in_dim3A_2159 : vector<8x1xf32> to vector<8x2048xf32>
    %broadcast_in_dim3A_2161 = vector.broadcast %jit3A_2158 : f32 to vector<8x2048xf32>
    %select_n3A_2162 = arith.select %eq3A_2154, %broadcast_in_dim3A_2160, %broadcast_in_dim3A_2161 : vector<8x2048xi1>, vector<8x2048xf32>
    %max3A_2163 = arith.maximumf %max3A_2147, %select_n3A_2162 : vector<8x2048xf32>
    %get3A_2164 = arith.constant 688 : index
    %get3A_2165 = arith.constant 0 : index
    %get3A_2166 = vector.load %arg8[%get3A_2164, %get3A_2165] : memref<1024x2048xf32, #tpu.memory_space<vmem>>, vector<8x2048xf32>
    %add3A_2167 = vector.broadcast %get3A_25 : vector<1x2048xf32> to vector<8x2048xf32>
    %add3A_2168 = arith.addf %add3A_2167, %get3A_2166 : vector<8x2048xf32>
    %eq3A_2169 = vector.broadcast %broadcast_in_dim3A : vector<1x2048xf32> to vector<8x2048xf32>
    %eq3A_2170 = arith.cmpf oeq, %add3A_2168, %eq3A_2169 : vector<8x2048xf32>
    %get3A_2171 = arith.constant 688 : index
    %get3A_2172 = arith.constant 0 : index
    %get3A_2173 = vector.load %arg4[%get3A_2171, %get3A_2172] : memref<1024x1xf32, #tpu.memory_space<vmem>>, vector<8x1xf32>
    %jit3A_2174 = arith.constant 0.000000e+00 : f32
    %broadcast_in_dim3A_2175 = vector.shape_cast %get3A_2173 : vector<8x1xf32> to vector<8x1xf32>
    %broadcast_in_dim3A_2176 = vector.broadcast %broadcast_in_dim3A_2175 : vector<8x1xf32> to vector<8x2048xf32>
    %broadcast_in_dim3A_2177 = vector.broadcast %jit3A_2174 : f32 to vector<8x2048xf32>
    %select_n3A_2178 = arith.select %eq3A_2170, %broadcast_in_dim3A_2176, %broadcast_in_dim3A_2177 : vector<8x2048xi1>, vector<8x2048xf32>
    %max3A_2179 = arith.maximumf %max3A_2163, %select_n3A_2178 : vector<8x2048xf32>
    %get3A_2180 = arith.constant 696 : index
    %get3A_2181 = arith.constant 0 : index
    %get3A_2182 = vector.load %arg8[%get3A_2180, %get3A_2181] : memref<1024x2048xf32, #tpu.memory_space<vmem>>, vector<8x2048xf32>
    %add3A_2183 = vector.broadcast %get3A_25 : vector<1x2048xf32> to vector<8x2048xf32>
    %add3A_2184 = arith.addf %add3A_2183, %get3A_2182 : vector<8x2048xf32>
    %eq3A_2185 = vector.broadcast %broadcast_in_dim3A : vector<1x2048xf32> to vector<8x2048xf32>
    %eq3A_2186 = arith.cmpf oeq, %add3A_2184, %eq3A_2185 : vector<8x2048xf32>
    %get3A_2187 = arith.constant 696 : index
    %get3A_2188 = arith.constant 0 : index
    %get3A_2189 = vector.load %arg4[%get3A_2187, %get3A_2188] : memref<1024x1xf32, #tpu.memory_space<vmem>>, vector<8x1xf32>
    %jit3A_2190 = arith.constant 0.000000e+00 : f32
    %broadcast_in_dim3A_2191 = vector.shape_cast %get3A_2189 : vector<8x1xf32> to vector<8x1xf32>
    %broadcast_in_dim3A_2192 = vector.broadcast %broadcast_in_dim3A_2191 : vector<8x1xf32> to vector<8x2048xf32>
    %broadcast_in_dim3A_2193 = vector.broadcast %jit3A_2190 : f32 to vector<8x2048xf32>
    %select_n3A_2194 = arith.select %eq3A_2186, %broadcast_in_dim3A_2192, %broadcast_in_dim3A_2193 : vector<8x2048xi1>, vector<8x2048xf32>
    %max3A_2195 = arith.maximumf %max3A_2179, %select_n3A_2194 : vector<8x2048xf32>
    %get3A_2196 = arith.constant 704 : index
    %get3A_2197 = arith.constant 0 : index
    %get3A_2198 = vector.load %arg8[%get3A_2196, %get3A_2197] : memref<1024x2048xf32, #tpu.memory_space<vmem>>, vector<8x2048xf32>
    %add3A_2199 = vector.broadcast %get3A_25 : vector<1x2048xf32> to vector<8x2048xf32>
    %add3A_2200 = arith.addf %add3A_2199, %get3A_2198 : vector<8x2048xf32>
    %eq3A_2201 = vector.broadcast %broadcast_in_dim3A : vector<1x2048xf32> to vector<8x2048xf32>
    %eq3A_2202 = arith.cmpf oeq, %add3A_2200, %eq3A_2201 : vector<8x2048xf32>
    %get3A_2203 = arith.constant 704 : index
    %get3A_2204 = arith.constant 0 : index
    %get3A_2205 = vector.load %arg4[%get3A_2203, %get3A_2204] : memref<1024x1xf32, #tpu.memory_space<vmem>>, vector<8x1xf32>
    %jit3A_2206 = arith.constant 0.000000e+00 : f32
    %broadcast_in_dim3A_2207 = vector.shape_cast %get3A_2205 : vector<8x1xf32> to vector<8x1xf32>
    %broadcast_in_dim3A_2208 = vector.broadcast %broadcast_in_dim3A_2207 : vector<8x1xf32> to vector<8x2048xf32>
    %broadcast_in_dim3A_2209 = vector.broadcast %jit3A_2206 : f32 to vector<8x2048xf32>
    %select_n3A_2210 = arith.select %eq3A_2202, %broadcast_in_dim3A_2208, %broadcast_in_dim3A_2209 : vector<8x2048xi1>, vector<8x2048xf32>
    %max3A_2211 = arith.maximumf %max3A_2195, %select_n3A_2210 : vector<8x2048xf32>
    %get3A_2212 = arith.constant 712 : index
    %get3A_2213 = arith.constant 0 : index
    %get3A_2214 = vector.load %arg8[%get3A_2212, %get3A_2213] : memref<1024x2048xf32, #tpu.memory_space<vmem>>, vector<8x2048xf32>
    %add3A_2215 = vector.broadcast %get3A_25 : vector<1x2048xf32> to vector<8x2048xf32>
    %add3A_2216 = arith.addf %add3A_2215, %get3A_2214 : vector<8x2048xf32>
    %eq3A_2217 = vector.broadcast %broadcast_in_dim3A : vector<1x2048xf32> to vector<8x2048xf32>
    %eq3A_2218 = arith.cmpf oeq, %add3A_2216, %eq3A_2217 : vector<8x2048xf32>
    %get3A_2219 = arith.constant 712 : index
    %get3A_2220 = arith.constant 0 : index
    %get3A_2221 = vector.load %arg4[%get3A_2219, %get3A_2220] : memref<1024x1xf32, #tpu.memory_space<vmem>>, vector<8x1xf32>
    %jit3A_2222 = arith.constant 0.000000e+00 : f32
    %broadcast_in_dim3A_2223 = vector.shape_cast %get3A_2221 : vector<8x1xf32> to vector<8x1xf32>
    %broadcast_in_dim3A_2224 = vector.broadcast %broadcast_in_dim3A_2223 : vector<8x1xf32> to vector<8x2048xf32>
    %broadcast_in_dim3A_2225 = vector.broadcast %jit3A_2222 : f32 to vector<8x2048xf32>
    %select_n3A_2226 = arith.select %eq3A_2218, %broadcast_in_dim3A_2224, %broadcast_in_dim3A_2225 : vector<8x2048xi1>, vector<8x2048xf32>
    %max3A_2227 = arith.maximumf %max3A_2211, %select_n3A_2226 : vector<8x2048xf32>
    %get3A_2228 = arith.constant 720 : index
    %get3A_2229 = arith.constant 0 : index
    %get3A_2230 = vector.load %arg8[%get3A_2228, %get3A_2229] : memref<1024x2048xf32, #tpu.memory_space<vmem>>, vector<8x2048xf32>
    %add3A_2231 = vector.broadcast %get3A_25 : vector<1x2048xf32> to vector<8x2048xf32>
    %add3A_2232 = arith.addf %add3A_2231, %get3A_2230 : vector<8x2048xf32>
    %eq3A_2233 = vector.broadcast %broadcast_in_dim3A : vector<1x2048xf32> to vector<8x2048xf32>
    %eq3A_2234 = arith.cmpf oeq, %add3A_2232, %eq3A_2233 : vector<8x2048xf32>
    %get3A_2235 = arith.constant 720 : index
    %get3A_2236 = arith.constant 0 : index
    %get3A_2237 = vector.load %arg4[%get3A_2235, %get3A_2236] : memref<1024x1xf32, #tpu.memory_space<vmem>>, vector<8x1xf32>
    %jit3A_2238 = arith.constant 0.000000e+00 : f32
    %broadcast_in_dim3A_2239 = vector.shape_cast %get3A_2237 : vector<8x1xf32> to vector<8x1xf32>
    %broadcast_in_dim3A_2240 = vector.broadcast %broadcast_in_dim3A_2239 : vector<8x1xf32> to vector<8x2048xf32>
    %broadcast_in_dim3A_2241 = vector.broadcast %jit3A_2238 : f32 to vector<8x2048xf32>
    %select_n3A_2242 = arith.select %eq3A_2234, %broadcast_in_dim3A_2240, %broadcast_in_dim3A_2241 : vector<8x2048xi1>, vector<8x2048xf32>
    %max3A_2243 = arith.maximumf %max3A_2227, %select_n3A_2242 : vector<8x2048xf32>
    %get3A_2244 = arith.constant 728 : index
    %get3A_2245 = arith.constant 0 : index
    %get3A_2246 = vector.load %arg8[%get3A_2244, %get3A_2245] : memref<1024x2048xf32, #tpu.memory_space<vmem>>, vector<8x2048xf32>
    %add3A_2247 = vector.broadcast %get3A_25 : vector<1x2048xf32> to vector<8x2048xf32>
    %add3A_2248 = arith.addf %add3A_2247, %get3A_2246 : vector<8x2048xf32>
    %eq3A_2249 = vector.broadcast %broadcast_in_dim3A : vector<1x2048xf32> to vector<8x2048xf32>
    %eq3A_2250 = arith.cmpf oeq, %add3A_2248, %eq3A_2249 : vector<8x2048xf32>
    %get3A_2251 = arith.constant 728 : index
    %get3A_2252 = arith.constant 0 : index
    %get3A_2253 = vector.load %arg4[%get3A_2251, %get3A_2252] : memref<1024x1xf32, #tpu.memory_space<vmem>>, vector<8x1xf32>
    %jit3A_2254 = arith.constant 0.000000e+00 : f32
    %broadcast_in_dim3A_2255 = vector.shape_cast %get3A_2253 : vector<8x1xf32> to vector<8x1xf32>
    %broadcast_in_dim3A_2256 = vector.broadcast %broadcast_in_dim3A_2255 : vector<8x1xf32> to vector<8x2048xf32>
    %broadcast_in_dim3A_2257 = vector.broadcast %jit3A_2254 : f32 to vector<8x2048xf32>
    %select_n3A_2258 = arith.select %eq3A_2250, %broadcast_in_dim3A_2256, %broadcast_in_dim3A_2257 : vector<8x2048xi1>, vector<8x2048xf32>
    %max3A_2259 = arith.maximumf %max3A_2243, %select_n3A_2258 : vector<8x2048xf32>
    %get3A_2260 = arith.constant 736 : index
    %get3A_2261 = arith.constant 0 : index
    %get3A_2262 = vector.load %arg8[%get3A_2260, %get3A_2261] : memref<1024x2048xf32, #tpu.memory_space<vmem>>, vector<8x2048xf32>
    %add3A_2263 = vector.broadcast %get3A_25 : vector<1x2048xf32> to vector<8x2048xf32>
    %add3A_2264 = arith.addf %add3A_2263, %get3A_2262 : vector<8x2048xf32>
    %eq3A_2265 = vector.broadcast %broadcast_in_dim3A : vector<1x2048xf32> to vector<8x2048xf32>
    %eq3A_2266 = arith.cmpf oeq, %add3A_2264, %eq3A_2265 : vector<8x2048xf32>
    %get3A_2267 = arith.constant 736 : index
    %get3A_2268 = arith.constant 0 : index
    %get3A_2269 = vector.load %arg4[%get3A_2267, %get3A_2268] : memref<1024x1xf32, #tpu.memory_space<vmem>>, vector<8x1xf32>
    %jit3A_2270 = arith.constant 0.000000e+00 : f32
    %broadcast_in_dim3A_2271 = vector.shape_cast %get3A_2269 : vector<8x1xf32> to vector<8x1xf32>
    %broadcast_in_dim3A_2272 = vector.broadcast %broadcast_in_dim3A_2271 : vector<8x1xf32> to vector<8x2048xf32>
    %broadcast_in_dim3A_2273 = vector.broadcast %jit3A_2270 : f32 to vector<8x2048xf32>
    %select_n3A_2274 = arith.select %eq3A_2266, %broadcast_in_dim3A_2272, %broadcast_in_dim3A_2273 : vector<8x2048xi1>, vector<8x2048xf32>
    %max3A_2275 = arith.maximumf %max3A_2259, %select_n3A_2274 : vector<8x2048xf32>
    %get3A_2276 = arith.constant 744 : index
    %get3A_2277 = arith.constant 0 : index
    %get3A_2278 = vector.load %arg8[%get3A_2276, %get3A_2277] : memref<1024x2048xf32, #tpu.memory_space<vmem>>, vector<8x2048xf32>
    %add3A_2279 = vector.broadcast %get3A_25 : vector<1x2048xf32> to vector<8x2048xf32>
    %add3A_2280 = arith.addf %add3A_2279, %get3A_2278 : vector<8x2048xf32>
    %eq3A_2281 = vector.broadcast %broadcast_in_dim3A : vector<1x2048xf32> to vector<8x2048xf32>
    %eq3A_2282 = arith.cmpf oeq, %add3A_2280, %eq3A_2281 : vector<8x2048xf32>
    %get3A_2283 = arith.constant 744 : index
    %get3A_2284 = arith.constant 0 : index
    %get3A_2285 = vector.load %arg4[%get3A_2283, %get3A_2284] : memref<1024x1xf32, #tpu.memory_space<vmem>>, vector<8x1xf32>
    %jit3A_2286 = arith.constant 0.000000e+00 : f32
    %broadcast_in_dim3A_2287 = vector.shape_cast %get3A_2285 : vector<8x1xf32> to vector<8x1xf32>
    %broadcast_in_dim3A_2288 = vector.broadcast %broadcast_in_dim3A_2287 : vector<8x1xf32> to vector<8x2048xf32>
    %broadcast_in_dim3A_2289 = vector.broadcast %jit3A_2286 : f32 to vector<8x2048xf32>
    %select_n3A_2290 = arith.select %eq3A_2282, %broadcast_in_dim3A_2288, %broadcast_in_dim3A_2289 : vector<8x2048xi1>, vector<8x2048xf32>
    %max3A_2291 = arith.maximumf %max3A_2275, %select_n3A_2290 : vector<8x2048xf32>
    %get3A_2292 = arith.constant 752 : index
    %get3A_2293 = arith.constant 0 : index
    %get3A_2294 = vector.load %arg8[%get3A_2292, %get3A_2293] : memref<1024x2048xf32, #tpu.memory_space<vmem>>, vector<8x2048xf32>
    %add3A_2295 = vector.broadcast %get3A_25 : vector<1x2048xf32> to vector<8x2048xf32>
    %add3A_2296 = arith.addf %add3A_2295, %get3A_2294 : vector<8x2048xf32>
    %eq3A_2297 = vector.broadcast %broadcast_in_dim3A : vector<1x2048xf32> to vector<8x2048xf32>
    %eq3A_2298 = arith.cmpf oeq, %add3A_2296, %eq3A_2297 : vector<8x2048xf32>
    %get3A_2299 = arith.constant 752 : index
    %get3A_2300 = arith.constant 0 : index
    %get3A_2301 = vector.load %arg4[%get3A_2299, %get3A_2300] : memref<1024x1xf32, #tpu.memory_space<vmem>>, vector<8x1xf32>
    %jit3A_2302 = arith.constant 0.000000e+00 : f32
    %broadcast_in_dim3A_2303 = vector.shape_cast %get3A_2301 : vector<8x1xf32> to vector<8x1xf32>
    %broadcast_in_dim3A_2304 = vector.broadcast %broadcast_in_dim3A_2303 : vector<8x1xf32> to vector<8x2048xf32>
    %broadcast_in_dim3A_2305 = vector.broadcast %jit3A_2302 : f32 to vector<8x2048xf32>
    %select_n3A_2306 = arith.select %eq3A_2298, %broadcast_in_dim3A_2304, %broadcast_in_dim3A_2305 : vector<8x2048xi1>, vector<8x2048xf32>
    %max3A_2307 = arith.maximumf %max3A_2291, %select_n3A_2306 : vector<8x2048xf32>
    %get3A_2308 = arith.constant 760 : index
    %get3A_2309 = arith.constant 0 : index
    %get3A_2310 = vector.load %arg8[%get3A_2308, %get3A_2309] : memref<1024x2048xf32, #tpu.memory_space<vmem>>, vector<8x2048xf32>
    %add3A_2311 = vector.broadcast %get3A_25 : vector<1x2048xf32> to vector<8x2048xf32>
    %add3A_2312 = arith.addf %add3A_2311, %get3A_2310 : vector<8x2048xf32>
    %eq3A_2313 = vector.broadcast %broadcast_in_dim3A : vector<1x2048xf32> to vector<8x2048xf32>
    %eq3A_2314 = arith.cmpf oeq, %add3A_2312, %eq3A_2313 : vector<8x2048xf32>
    %get3A_2315 = arith.constant 760 : index
    %get3A_2316 = arith.constant 0 : index
    %get3A_2317 = vector.load %arg4[%get3A_2315, %get3A_2316] : memref<1024x1xf32, #tpu.memory_space<vmem>>, vector<8x1xf32>
    %jit3A_2318 = arith.constant 0.000000e+00 : f32
    %broadcast_in_dim3A_2319 = vector.shape_cast %get3A_2317 : vector<8x1xf32> to vector<8x1xf32>
    %broadcast_in_dim3A_2320 = vector.broadcast %broadcast_in_dim3A_2319 : vector<8x1xf32> to vector<8x2048xf32>
    %broadcast_in_dim3A_2321 = vector.broadcast %jit3A_2318 : f32 to vector<8x2048xf32>
    %select_n3A_2322 = arith.select %eq3A_2314, %broadcast_in_dim3A_2320, %broadcast_in_dim3A_2321 : vector<8x2048xi1>, vector<8x2048xf32>
    %max3A_2323 = arith.maximumf %max3A_2307, %select_n3A_2322 : vector<8x2048xf32>
    %get3A_2324 = arith.constant 768 : index
    %get3A_2325 = arith.constant 0 : index
    %get3A_2326 = vector.load %arg8[%get3A_2324, %get3A_2325] : memref<1024x2048xf32, #tpu.memory_space<vmem>>, vector<8x2048xf32>
    %add3A_2327 = vector.broadcast %get3A_25 : vector<1x2048xf32> to vector<8x2048xf32>
    %add3A_2328 = arith.addf %add3A_2327, %get3A_2326 : vector<8x2048xf32>
    %eq3A_2329 = vector.broadcast %broadcast_in_dim3A : vector<1x2048xf32> to vector<8x2048xf32>
    %eq3A_2330 = arith.cmpf oeq, %add3A_2328, %eq3A_2329 : vector<8x2048xf32>
    %get3A_2331 = arith.constant 768 : index
    %get3A_2332 = arith.constant 0 : index
    %get3A_2333 = vector.load %arg4[%get3A_2331, %get3A_2332] : memref<1024x1xf32, #tpu.memory_space<vmem>>, vector<8x1xf32>
    %jit3A_2334 = arith.constant 0.000000e+00 : f32
    %broadcast_in_dim3A_2335 = vector.shape_cast %get3A_2333 : vector<8x1xf32> to vector<8x1xf32>
    %broadcast_in_dim3A_2336 = vector.broadcast %broadcast_in_dim3A_2335 : vector<8x1xf32> to vector<8x2048xf32>
    %broadcast_in_dim3A_2337 = vector.broadcast %jit3A_2334 : f32 to vector<8x2048xf32>
    %select_n3A_2338 = arith.select %eq3A_2330, %broadcast_in_dim3A_2336, %broadcast_in_dim3A_2337 : vector<8x2048xi1>, vector<8x2048xf32>
    %max3A_2339 = arith.maximumf %max3A_2323, %select_n3A_2338 : vector<8x2048xf32>
    %get3A_2340 = arith.constant 776 : index
    %get3A_2341 = arith.constant 0 : index
    %get3A_2342 = vector.load %arg8[%get3A_2340, %get3A_2341] : memref<1024x2048xf32, #tpu.memory_space<vmem>>, vector<8x2048xf32>
    %add3A_2343 = vector.broadcast %get3A_25 : vector<1x2048xf32> to vector<8x2048xf32>
    %add3A_2344 = arith.addf %add3A_2343, %get3A_2342 : vector<8x2048xf32>
    %eq3A_2345 = vector.broadcast %broadcast_in_dim3A : vector<1x2048xf32> to vector<8x2048xf32>
    %eq3A_2346 = arith.cmpf oeq, %add3A_2344, %eq3A_2345 : vector<8x2048xf32>
    %get3A_2347 = arith.constant 776 : index
    %get3A_2348 = arith.constant 0 : index
    %get3A_2349 = vector.load %arg4[%get3A_2347, %get3A_2348] : memref<1024x1xf32, #tpu.memory_space<vmem>>, vector<8x1xf32>
    %jit3A_2350 = arith.constant 0.000000e+00 : f32
    %broadcast_in_dim3A_2351 = vector.shape_cast %get3A_2349 : vector<8x1xf32> to vector<8x1xf32>
    %broadcast_in_dim3A_2352 = vector.broadcast %broadcast_in_dim3A_2351 : vector<8x1xf32> to vector<8x2048xf32>
    %broadcast_in_dim3A_2353 = vector.broadcast %jit3A_2350 : f32 to vector<8x2048xf32>
    %select_n3A_2354 = arith.select %eq3A_2346, %broadcast_in_dim3A_2352, %broadcast_in_dim3A_2353 : vector<8x2048xi1>, vector<8x2048xf32>
    %max3A_2355 = arith.maximumf %max3A_2339, %select_n3A_2354 : vector<8x2048xf32>
    %get3A_2356 = arith.constant 784 : index
    %get3A_2357 = arith.constant 0 : index
    %get3A_2358 = vector.load %arg8[%get3A_2356, %get3A_2357] : memref<1024x2048xf32, #tpu.memory_space<vmem>>, vector<8x2048xf32>
    %add3A_2359 = vector.broadcast %get3A_25 : vector<1x2048xf32> to vector<8x2048xf32>
    %add3A_2360 = arith.addf %add3A_2359, %get3A_2358 : vector<8x2048xf32>
    %eq3A_2361 = vector.broadcast %broadcast_in_dim3A : vector<1x2048xf32> to vector<8x2048xf32>
    %eq3A_2362 = arith.cmpf oeq, %add3A_2360, %eq3A_2361 : vector<8x2048xf32>
    %get3A_2363 = arith.constant 784 : index
    %get3A_2364 = arith.constant 0 : index
    %get3A_2365 = vector.load %arg4[%get3A_2363, %get3A_2364] : memref<1024x1xf32, #tpu.memory_space<vmem>>, vector<8x1xf32>
    %jit3A_2366 = arith.constant 0.000000e+00 : f32
    %broadcast_in_dim3A_2367 = vector.shape_cast %get3A_2365 : vector<8x1xf32> to vector<8x1xf32>
    %broadcast_in_dim3A_2368 = vector.broadcast %broadcast_in_dim3A_2367 : vector<8x1xf32> to vector<8x2048xf32>
    %broadcast_in_dim3A_2369 = vector.broadcast %jit3A_2366 : f32 to vector<8x2048xf32>
    %select_n3A_2370 = arith.select %eq3A_2362, %broadcast_in_dim3A_2368, %broadcast_in_dim3A_2369 : vector<8x2048xi1>, vector<8x2048xf32>
    %max3A_2371 = arith.maximumf %max3A_2355, %select_n3A_2370 : vector<8x2048xf32>
    %get3A_2372 = arith.constant 792 : index
    %get3A_2373 = arith.constant 0 : index
    %get3A_2374 = vector.load %arg8[%get3A_2372, %get3A_2373] : memref<1024x2048xf32, #tpu.memory_space<vmem>>, vector<8x2048xf32>
    %add3A_2375 = vector.broadcast %get3A_25 : vector<1x2048xf32> to vector<8x2048xf32>
    %add3A_2376 = arith.addf %add3A_2375, %get3A_2374 : vector<8x2048xf32>
    %eq3A_2377 = vector.broadcast %broadcast_in_dim3A : vector<1x2048xf32> to vector<8x2048xf32>
    %eq3A_2378 = arith.cmpf oeq, %add3A_2376, %eq3A_2377 : vector<8x2048xf32>
    %get3A_2379 = arith.constant 792 : index
    %get3A_2380 = arith.constant 0 : index
    %get3A_2381 = vector.load %arg4[%get3A_2379, %get3A_2380] : memref<1024x1xf32, #tpu.memory_space<vmem>>, vector<8x1xf32>
    %jit3A_2382 = arith.constant 0.000000e+00 : f32
    %broadcast_in_dim3A_2383 = vector.shape_cast %get3A_2381 : vector<8x1xf32> to vector<8x1xf32>
    %broadcast_in_dim3A_2384 = vector.broadcast %broadcast_in_dim3A_2383 : vector<8x1xf32> to vector<8x2048xf32>
    %broadcast_in_dim3A_2385 = vector.broadcast %jit3A_2382 : f32 to vector<8x2048xf32>
    %select_n3A_2386 = arith.select %eq3A_2378, %broadcast_in_dim3A_2384, %broadcast_in_dim3A_2385 : vector<8x2048xi1>, vector<8x2048xf32>
    %max3A_2387 = arith.maximumf %max3A_2371, %select_n3A_2386 : vector<8x2048xf32>
    %get3A_2388 = arith.constant 800 : index
    %get3A_2389 = arith.constant 0 : index
    %get3A_2390 = vector.load %arg8[%get3A_2388, %get3A_2389] : memref<1024x2048xf32, #tpu.memory_space<vmem>>, vector<8x2048xf32>
    %add3A_2391 = vector.broadcast %get3A_25 : vector<1x2048xf32> to vector<8x2048xf32>
    %add3A_2392 = arith.addf %add3A_2391, %get3A_2390 : vector<8x2048xf32>
    %eq3A_2393 = vector.broadcast %broadcast_in_dim3A : vector<1x2048xf32> to vector<8x2048xf32>
    %eq3A_2394 = arith.cmpf oeq, %add3A_2392, %eq3A_2393 : vector<8x2048xf32>
    %get3A_2395 = arith.constant 800 : index
    %get3A_2396 = arith.constant 0 : index
    %get3A_2397 = vector.load %arg4[%get3A_2395, %get3A_2396] : memref<1024x1xf32, #tpu.memory_space<vmem>>, vector<8x1xf32>
    %jit3A_2398 = arith.constant 0.000000e+00 : f32
    %broadcast_in_dim3A_2399 = vector.shape_cast %get3A_2397 : vector<8x1xf32> to vector<8x1xf32>
    %broadcast_in_dim3A_2400 = vector.broadcast %broadcast_in_dim3A_2399 : vector<8x1xf32> to vector<8x2048xf32>
    %broadcast_in_dim3A_2401 = vector.broadcast %jit3A_2398 : f32 to vector<8x2048xf32>
    %select_n3A_2402 = arith.select %eq3A_2394, %broadcast_in_dim3A_2400, %broadcast_in_dim3A_2401 : vector<8x2048xi1>, vector<8x2048xf32>
    %max3A_2403 = arith.maximumf %max3A_2387, %select_n3A_2402 : vector<8x2048xf32>
    %get3A_2404 = arith.constant 808 : index
    %get3A_2405 = arith.constant 0 : index
    %get3A_2406 = vector.load %arg8[%get3A_2404, %get3A_2405] : memref<1024x2048xf32, #tpu.memory_space<vmem>>, vector<8x2048xf32>
    %add3A_2407 = vector.broadcast %get3A_25 : vector<1x2048xf32> to vector<8x2048xf32>
    %add3A_2408 = arith.addf %add3A_2407, %get3A_2406 : vector<8x2048xf32>
    %eq3A_2409 = vector.broadcast %broadcast_in_dim3A : vector<1x2048xf32> to vector<8x2048xf32>
    %eq3A_2410 = arith.cmpf oeq, %add3A_2408, %eq3A_2409 : vector<8x2048xf32>
    %get3A_2411 = arith.constant 808 : index
    %get3A_2412 = arith.constant 0 : index
    %get3A_2413 = vector.load %arg4[%get3A_2411, %get3A_2412] : memref<1024x1xf32, #tpu.memory_space<vmem>>, vector<8x1xf32>
    %jit3A_2414 = arith.constant 0.000000e+00 : f32
    %broadcast_in_dim3A_2415 = vector.shape_cast %get3A_2413 : vector<8x1xf32> to vector<8x1xf32>
    %broadcast_in_dim3A_2416 = vector.broadcast %broadcast_in_dim3A_2415 : vector<8x1xf32> to vector<8x2048xf32>
    %broadcast_in_dim3A_2417 = vector.broadcast %jit3A_2414 : f32 to vector<8x2048xf32>
    %select_n3A_2418 = arith.select %eq3A_2410, %broadcast_in_dim3A_2416, %broadcast_in_dim3A_2417 : vector<8x2048xi1>, vector<8x2048xf32>
    %max3A_2419 = arith.maximumf %max3A_2403, %select_n3A_2418 : vector<8x2048xf32>
    %get3A_2420 = arith.constant 816 : index
    %get3A_2421 = arith.constant 0 : index
    %get3A_2422 = vector.load %arg8[%get3A_2420, %get3A_2421] : memref<1024x2048xf32, #tpu.memory_space<vmem>>, vector<8x2048xf32>
    %add3A_2423 = vector.broadcast %get3A_25 : vector<1x2048xf32> to vector<8x2048xf32>
    %add3A_2424 = arith.addf %add3A_2423, %get3A_2422 : vector<8x2048xf32>
    %eq3A_2425 = vector.broadcast %broadcast_in_dim3A : vector<1x2048xf32> to vector<8x2048xf32>
    %eq3A_2426 = arith.cmpf oeq, %add3A_2424, %eq3A_2425 : vector<8x2048xf32>
    %get3A_2427 = arith.constant 816 : index
    %get3A_2428 = arith.constant 0 : index
    %get3A_2429 = vector.load %arg4[%get3A_2427, %get3A_2428] : memref<1024x1xf32, #tpu.memory_space<vmem>>, vector<8x1xf32>
    %jit3A_2430 = arith.constant 0.000000e+00 : f32
    %broadcast_in_dim3A_2431 = vector.shape_cast %get3A_2429 : vector<8x1xf32> to vector<8x1xf32>
    %broadcast_in_dim3A_2432 = vector.broadcast %broadcast_in_dim3A_2431 : vector<8x1xf32> to vector<8x2048xf32>
    %broadcast_in_dim3A_2433 = vector.broadcast %jit3A_2430 : f32 to vector<8x2048xf32>
    %select_n3A_2434 = arith.select %eq3A_2426, %broadcast_in_dim3A_2432, %broadcast_in_dim3A_2433 : vector<8x2048xi1>, vector<8x2048xf32>
    %max3A_2435 = arith.maximumf %max3A_2419, %select_n3A_2434 : vector<8x2048xf32>
    %get3A_2436 = arith.constant 824 : index
    %get3A_2437 = arith.constant 0 : index
    %get3A_2438 = vector.load %arg8[%get3A_2436, %get3A_2437] : memref<1024x2048xf32, #tpu.memory_space<vmem>>, vector<8x2048xf32>
    %add3A_2439 = vector.broadcast %get3A_25 : vector<1x2048xf32> to vector<8x2048xf32>
    %add3A_2440 = arith.addf %add3A_2439, %get3A_2438 : vector<8x2048xf32>
    %eq3A_2441 = vector.broadcast %broadcast_in_dim3A : vector<1x2048xf32> to vector<8x2048xf32>
    %eq3A_2442 = arith.cmpf oeq, %add3A_2440, %eq3A_2441 : vector<8x2048xf32>
    %get3A_2443 = arith.constant 824 : index
    %get3A_2444 = arith.constant 0 : index
    %get3A_2445 = vector.load %arg4[%get3A_2443, %get3A_2444] : memref<1024x1xf32, #tpu.memory_space<vmem>>, vector<8x1xf32>
    %jit3A_2446 = arith.constant 0.000000e+00 : f32
    %broadcast_in_dim3A_2447 = vector.shape_cast %get3A_2445 : vector<8x1xf32> to vector<8x1xf32>
    %broadcast_in_dim3A_2448 = vector.broadcast %broadcast_in_dim3A_2447 : vector<8x1xf32> to vector<8x2048xf32>
    %broadcast_in_dim3A_2449 = vector.broadcast %jit3A_2446 : f32 to vector<8x2048xf32>
    %select_n3A_2450 = arith.select %eq3A_2442, %broadcast_in_dim3A_2448, %broadcast_in_dim3A_2449 : vector<8x2048xi1>, vector<8x2048xf32>
    %max3A_2451 = arith.maximumf %max3A_2435, %select_n3A_2450 : vector<8x2048xf32>
    %get3A_2452 = arith.constant 832 : index
    %get3A_2453 = arith.constant 0 : index
    %get3A_2454 = vector.load %arg8[%get3A_2452, %get3A_2453] : memref<1024x2048xf32, #tpu.memory_space<vmem>>, vector<8x2048xf32>
    %add3A_2455 = vector.broadcast %get3A_25 : vector<1x2048xf32> to vector<8x2048xf32>
    %add3A_2456 = arith.addf %add3A_2455, %get3A_2454 : vector<8x2048xf32>
    %eq3A_2457 = vector.broadcast %broadcast_in_dim3A : vector<1x2048xf32> to vector<8x2048xf32>
    %eq3A_2458 = arith.cmpf oeq, %add3A_2456, %eq3A_2457 : vector<8x2048xf32>
    %get3A_2459 = arith.constant 832 : index
    %get3A_2460 = arith.constant 0 : index
    %get3A_2461 = vector.load %arg4[%get3A_2459, %get3A_2460] : memref<1024x1xf32, #tpu.memory_space<vmem>>, vector<8x1xf32>
    %jit3A_2462 = arith.constant 0.000000e+00 : f32
    %broadcast_in_dim3A_2463 = vector.shape_cast %get3A_2461 : vector<8x1xf32> to vector<8x1xf32>
    %broadcast_in_dim3A_2464 = vector.broadcast %broadcast_in_dim3A_2463 : vector<8x1xf32> to vector<8x2048xf32>
    %broadcast_in_dim3A_2465 = vector.broadcast %jit3A_2462 : f32 to vector<8x2048xf32>
    %select_n3A_2466 = arith.select %eq3A_2458, %broadcast_in_dim3A_2464, %broadcast_in_dim3A_2465 : vector<8x2048xi1>, vector<8x2048xf32>
    %max3A_2467 = arith.maximumf %max3A_2451, %select_n3A_2466 : vector<8x2048xf32>
    %get3A_2468 = arith.constant 840 : index
    %get3A_2469 = arith.constant 0 : index
    %get3A_2470 = vector.load %arg8[%get3A_2468, %get3A_2469] : memref<1024x2048xf32, #tpu.memory_space<vmem>>, vector<8x2048xf32>
    %add3A_2471 = vector.broadcast %get3A_25 : vector<1x2048xf32> to vector<8x2048xf32>
    %add3A_2472 = arith.addf %add3A_2471, %get3A_2470 : vector<8x2048xf32>
    %eq3A_2473 = vector.broadcast %broadcast_in_dim3A : vector<1x2048xf32> to vector<8x2048xf32>
    %eq3A_2474 = arith.cmpf oeq, %add3A_2472, %eq3A_2473 : vector<8x2048xf32>
    %get3A_2475 = arith.constant 840 : index
    %get3A_2476 = arith.constant 0 : index
    %get3A_2477 = vector.load %arg4[%get3A_2475, %get3A_2476] : memref<1024x1xf32, #tpu.memory_space<vmem>>, vector<8x1xf32>
    %jit3A_2478 = arith.constant 0.000000e+00 : f32
    %broadcast_in_dim3A_2479 = vector.shape_cast %get3A_2477 : vector<8x1xf32> to vector<8x1xf32>
    %broadcast_in_dim3A_2480 = vector.broadcast %broadcast_in_dim3A_2479 : vector<8x1xf32> to vector<8x2048xf32>
    %broadcast_in_dim3A_2481 = vector.broadcast %jit3A_2478 : f32 to vector<8x2048xf32>
    %select_n3A_2482 = arith.select %eq3A_2474, %broadcast_in_dim3A_2480, %broadcast_in_dim3A_2481 : vector<8x2048xi1>, vector<8x2048xf32>
    %max3A_2483 = arith.maximumf %max3A_2467, %select_n3A_2482 : vector<8x2048xf32>
    %get3A_2484 = arith.constant 848 : index
    %get3A_2485 = arith.constant 0 : index
    %get3A_2486 = vector.load %arg8[%get3A_2484, %get3A_2485] : memref<1024x2048xf32, #tpu.memory_space<vmem>>, vector<8x2048xf32>
    %add3A_2487 = vector.broadcast %get3A_25 : vector<1x2048xf32> to vector<8x2048xf32>
    %add3A_2488 = arith.addf %add3A_2487, %get3A_2486 : vector<8x2048xf32>
    %eq3A_2489 = vector.broadcast %broadcast_in_dim3A : vector<1x2048xf32> to vector<8x2048xf32>
    %eq3A_2490 = arith.cmpf oeq, %add3A_2488, %eq3A_2489 : vector<8x2048xf32>
    %get3A_2491 = arith.constant 848 : index
    %get3A_2492 = arith.constant 0 : index
    %get3A_2493 = vector.load %arg4[%get3A_2491, %get3A_2492] : memref<1024x1xf32, #tpu.memory_space<vmem>>, vector<8x1xf32>
    %jit3A_2494 = arith.constant 0.000000e+00 : f32
    %broadcast_in_dim3A_2495 = vector.shape_cast %get3A_2493 : vector<8x1xf32> to vector<8x1xf32>
    %broadcast_in_dim3A_2496 = vector.broadcast %broadcast_in_dim3A_2495 : vector<8x1xf32> to vector<8x2048xf32>
    %broadcast_in_dim3A_2497 = vector.broadcast %jit3A_2494 : f32 to vector<8x2048xf32>
    %select_n3A_2498 = arith.select %eq3A_2490, %broadcast_in_dim3A_2496, %broadcast_in_dim3A_2497 : vector<8x2048xi1>, vector<8x2048xf32>
    %max3A_2499 = arith.maximumf %max3A_2483, %select_n3A_2498 : vector<8x2048xf32>
    %get3A_2500 = arith.constant 856 : index
    %get3A_2501 = arith.constant 0 : index
    %get3A_2502 = vector.load %arg8[%get3A_2500, %get3A_2501] : memref<1024x2048xf32, #tpu.memory_space<vmem>>, vector<8x2048xf32>
    %add3A_2503 = vector.broadcast %get3A_25 : vector<1x2048xf32> to vector<8x2048xf32>
    %add3A_2504 = arith.addf %add3A_2503, %get3A_2502 : vector<8x2048xf32>
    %eq3A_2505 = vector.broadcast %broadcast_in_dim3A : vector<1x2048xf32> to vector<8x2048xf32>
    %eq3A_2506 = arith.cmpf oeq, %add3A_2504, %eq3A_2505 : vector<8x2048xf32>
    %get3A_2507 = arith.constant 856 : index
    %get3A_2508 = arith.constant 0 : index
    %get3A_2509 = vector.load %arg4[%get3A_2507, %get3A_2508] : memref<1024x1xf32, #tpu.memory_space<vmem>>, vector<8x1xf32>
    %jit3A_2510 = arith.constant 0.000000e+00 : f32
    %broadcast_in_dim3A_2511 = vector.shape_cast %get3A_2509 : vector<8x1xf32> to vector<8x1xf32>
    %broadcast_in_dim3A_2512 = vector.broadcast %broadcast_in_dim3A_2511 : vector<8x1xf32> to vector<8x2048xf32>
    %broadcast_in_dim3A_2513 = vector.broadcast %jit3A_2510 : f32 to vector<8x2048xf32>
    %select_n3A_2514 = arith.select %eq3A_2506, %broadcast_in_dim3A_2512, %broadcast_in_dim3A_2513 : vector<8x2048xi1>, vector<8x2048xf32>
    %max3A_2515 = arith.maximumf %max3A_2499, %select_n3A_2514 : vector<8x2048xf32>
    %get3A_2516 = arith.constant 864 : index
    %get3A_2517 = arith.constant 0 : index
    %get3A_2518 = vector.load %arg8[%get3A_2516, %get3A_2517] : memref<1024x2048xf32, #tpu.memory_space<vmem>>, vector<8x2048xf32>
    %add3A_2519 = vector.broadcast %get3A_25 : vector<1x2048xf32> to vector<8x2048xf32>
    %add3A_2520 = arith.addf %add3A_2519, %get3A_2518 : vector<8x2048xf32>
    %eq3A_2521 = vector.broadcast %broadcast_in_dim3A : vector<1x2048xf32> to vector<8x2048xf32>
    %eq3A_2522 = arith.cmpf oeq, %add3A_2520, %eq3A_2521 : vector<8x2048xf32>
    %get3A_2523 = arith.constant 864 : index
    %get3A_2524 = arith.constant 0 : index
    %get3A_2525 = vector.load %arg4[%get3A_2523, %get3A_2524] : memref<1024x1xf32, #tpu.memory_space<vmem>>, vector<8x1xf32>
    %jit3A_2526 = arith.constant 0.000000e+00 : f32
    %broadcast_in_dim3A_2527 = vector.shape_cast %get3A_2525 : vector<8x1xf32> to vector<8x1xf32>
    %broadcast_in_dim3A_2528 = vector.broadcast %broadcast_in_dim3A_2527 : vector<8x1xf32> to vector<8x2048xf32>
    %broadcast_in_dim3A_2529 = vector.broadcast %jit3A_2526 : f32 to vector<8x2048xf32>
    %select_n3A_2530 = arith.select %eq3A_2522, %broadcast_in_dim3A_2528, %broadcast_in_dim3A_2529 : vector<8x2048xi1>, vector<8x2048xf32>
    %max3A_2531 = arith.maximumf %max3A_2515, %select_n3A_2530 : vector<8x2048xf32>
    %get3A_2532 = arith.constant 872 : index
    %get3A_2533 = arith.constant 0 : index
    %get3A_2534 = vector.load %arg8[%get3A_2532, %get3A_2533] : memref<1024x2048xf32, #tpu.memory_space<vmem>>, vector<8x2048xf32>
    %add3A_2535 = vector.broadcast %get3A_25 : vector<1x2048xf32> to vector<8x2048xf32>
    %add3A_2536 = arith.addf %add3A_2535, %get3A_2534 : vector<8x2048xf32>
    %eq3A_2537 = vector.broadcast %broadcast_in_dim3A : vector<1x2048xf32> to vector<8x2048xf32>
    %eq3A_2538 = arith.cmpf oeq, %add3A_2536, %eq3A_2537 : vector<8x2048xf32>
    %get3A_2539 = arith.constant 872 : index
    %get3A_2540 = arith.constant 0 : index
    %get3A_2541 = vector.load %arg4[%get3A_2539, %get3A_2540] : memref<1024x1xf32, #tpu.memory_space<vmem>>, vector<8x1xf32>
    %jit3A_2542 = arith.constant 0.000000e+00 : f32
    %broadcast_in_dim3A_2543 = vector.shape_cast %get3A_2541 : vector<8x1xf32> to vector<8x1xf32>
    %broadcast_in_dim3A_2544 = vector.broadcast %broadcast_in_dim3A_2543 : vector<8x1xf32> to vector<8x2048xf32>
    %broadcast_in_dim3A_2545 = vector.broadcast %jit3A_2542 : f32 to vector<8x2048xf32>
    %select_n3A_2546 = arith.select %eq3A_2538, %broadcast_in_dim3A_2544, %broadcast_in_dim3A_2545 : vector<8x2048xi1>, vector<8x2048xf32>
    %max3A_2547 = arith.maximumf %max3A_2531, %select_n3A_2546 : vector<8x2048xf32>
    %get3A_2548 = arith.constant 880 : index
    %get3A_2549 = arith.constant 0 : index
    %get3A_2550 = vector.load %arg8[%get3A_2548, %get3A_2549] : memref<1024x2048xf32, #tpu.memory_space<vmem>>, vector<8x2048xf32>
    %add3A_2551 = vector.broadcast %get3A_25 : vector<1x2048xf32> to vector<8x2048xf32>
    %add3A_2552 = arith.addf %add3A_2551, %get3A_2550 : vector<8x2048xf32>
    %eq3A_2553 = vector.broadcast %broadcast_in_dim3A : vector<1x2048xf32> to vector<8x2048xf32>
    %eq3A_2554 = arith.cmpf oeq, %add3A_2552, %eq3A_2553 : vector<8x2048xf32>
    %get3A_2555 = arith.constant 880 : index
    %get3A_2556 = arith.constant 0 : index
    %get3A_2557 = vector.load %arg4[%get3A_2555, %get3A_2556] : memref<1024x1xf32, #tpu.memory_space<vmem>>, vector<8x1xf32>
    %jit3A_2558 = arith.constant 0.000000e+00 : f32
    %broadcast_in_dim3A_2559 = vector.shape_cast %get3A_2557 : vector<8x1xf32> to vector<8x1xf32>
    %broadcast_in_dim3A_2560 = vector.broadcast %broadcast_in_dim3A_2559 : vector<8x1xf32> to vector<8x2048xf32>
    %broadcast_in_dim3A_2561 = vector.broadcast %jit3A_2558 : f32 to vector<8x2048xf32>
    %select_n3A_2562 = arith.select %eq3A_2554, %broadcast_in_dim3A_2560, %broadcast_in_dim3A_2561 : vector<8x2048xi1>, vector<8x2048xf32>
    %max3A_2563 = arith.maximumf %max3A_2547, %select_n3A_2562 : vector<8x2048xf32>
    %get3A_2564 = arith.constant 888 : index
    %get3A_2565 = arith.constant 0 : index
    %get3A_2566 = vector.load %arg8[%get3A_2564, %get3A_2565] : memref<1024x2048xf32, #tpu.memory_space<vmem>>, vector<8x2048xf32>
    %add3A_2567 = vector.broadcast %get3A_25 : vector<1x2048xf32> to vector<8x2048xf32>
    %add3A_2568 = arith.addf %add3A_2567, %get3A_2566 : vector<8x2048xf32>
    %eq3A_2569 = vector.broadcast %broadcast_in_dim3A : vector<1x2048xf32> to vector<8x2048xf32>
    %eq3A_2570 = arith.cmpf oeq, %add3A_2568, %eq3A_2569 : vector<8x2048xf32>
    %get3A_2571 = arith.constant 888 : index
    %get3A_2572 = arith.constant 0 : index
    %get3A_2573 = vector.load %arg4[%get3A_2571, %get3A_2572] : memref<1024x1xf32, #tpu.memory_space<vmem>>, vector<8x1xf32>
    %jit3A_2574 = arith.constant 0.000000e+00 : f32
    %broadcast_in_dim3A_2575 = vector.shape_cast %get3A_2573 : vector<8x1xf32> to vector<8x1xf32>
    %broadcast_in_dim3A_2576 = vector.broadcast %broadcast_in_dim3A_2575 : vector<8x1xf32> to vector<8x2048xf32>
    %broadcast_in_dim3A_2577 = vector.broadcast %jit3A_2574 : f32 to vector<8x2048xf32>
    %select_n3A_2578 = arith.select %eq3A_2570, %broadcast_in_dim3A_2576, %broadcast_in_dim3A_2577 : vector<8x2048xi1>, vector<8x2048xf32>
    %max3A_2579 = arith.maximumf %max3A_2563, %select_n3A_2578 : vector<8x2048xf32>
    %get3A_2580 = arith.constant 896 : index
    %get3A_2581 = arith.constant 0 : index
    %get3A_2582 = vector.load %arg8[%get3A_2580, %get3A_2581] : memref<1024x2048xf32, #tpu.memory_space<vmem>>, vector<8x2048xf32>
    %add3A_2583 = vector.broadcast %get3A_25 : vector<1x2048xf32> to vector<8x2048xf32>
    %add3A_2584 = arith.addf %add3A_2583, %get3A_2582 : vector<8x2048xf32>
    %eq3A_2585 = vector.broadcast %broadcast_in_dim3A : vector<1x2048xf32> to vector<8x2048xf32>
    %eq3A_2586 = arith.cmpf oeq, %add3A_2584, %eq3A_2585 : vector<8x2048xf32>
    %get3A_2587 = arith.constant 896 : index
    %get3A_2588 = arith.constant 0 : index
    %get3A_2589 = vector.load %arg4[%get3A_2587, %get3A_2588] : memref<1024x1xf32, #tpu.memory_space<vmem>>, vector<8x1xf32>
    %jit3A_2590 = arith.constant 0.000000e+00 : f32
    %broadcast_in_dim3A_2591 = vector.shape_cast %get3A_2589 : vector<8x1xf32> to vector<8x1xf32>
    %broadcast_in_dim3A_2592 = vector.broadcast %broadcast_in_dim3A_2591 : vector<8x1xf32> to vector<8x2048xf32>
    %broadcast_in_dim3A_2593 = vector.broadcast %jit3A_2590 : f32 to vector<8x2048xf32>
    %select_n3A_2594 = arith.select %eq3A_2586, %broadcast_in_dim3A_2592, %broadcast_in_dim3A_2593 : vector<8x2048xi1>, vector<8x2048xf32>
    %max3A_2595 = arith.maximumf %max3A_2579, %select_n3A_2594 : vector<8x2048xf32>
    %get3A_2596 = arith.constant 904 : index
    %get3A_2597 = arith.constant 0 : index
    %get3A_2598 = vector.load %arg8[%get3A_2596, %get3A_2597] : memref<1024x2048xf32, #tpu.memory_space<vmem>>, vector<8x2048xf32>
    %add3A_2599 = vector.broadcast %get3A_25 : vector<1x2048xf32> to vector<8x2048xf32>
    %add3A_2600 = arith.addf %add3A_2599, %get3A_2598 : vector<8x2048xf32>
    %eq3A_2601 = vector.broadcast %broadcast_in_dim3A : vector<1x2048xf32> to vector<8x2048xf32>
    %eq3A_2602 = arith.cmpf oeq, %add3A_2600, %eq3A_2601 : vector<8x2048xf32>
    %get3A_2603 = arith.constant 904 : index
    %get3A_2604 = arith.constant 0 : index
    %get3A_2605 = vector.load %arg4[%get3A_2603, %get3A_2604] : memref<1024x1xf32, #tpu.memory_space<vmem>>, vector<8x1xf32>
    %jit3A_2606 = arith.constant 0.000000e+00 : f32
    %broadcast_in_dim3A_2607 = vector.shape_cast %get3A_2605 : vector<8x1xf32> to vector<8x1xf32>
    %broadcast_in_dim3A_2608 = vector.broadcast %broadcast_in_dim3A_2607 : vector<8x1xf32> to vector<8x2048xf32>
    %broadcast_in_dim3A_2609 = vector.broadcast %jit3A_2606 : f32 to vector<8x2048xf32>
    %select_n3A_2610 = arith.select %eq3A_2602, %broadcast_in_dim3A_2608, %broadcast_in_dim3A_2609 : vector<8x2048xi1>, vector<8x2048xf32>
    %max3A_2611 = arith.maximumf %max3A_2595, %select_n3A_2610 : vector<8x2048xf32>
    %get3A_2612 = arith.constant 912 : index
    %get3A_2613 = arith.constant 0 : index
    %get3A_2614 = vector.load %arg8[%get3A_2612, %get3A_2613] : memref<1024x2048xf32, #tpu.memory_space<vmem>>, vector<8x2048xf32>
    %add3A_2615 = vector.broadcast %get3A_25 : vector<1x2048xf32> to vector<8x2048xf32>
    %add3A_2616 = arith.addf %add3A_2615, %get3A_2614 : vector<8x2048xf32>
    %eq3A_2617 = vector.broadcast %broadcast_in_dim3A : vector<1x2048xf32> to vector<8x2048xf32>
    %eq3A_2618 = arith.cmpf oeq, %add3A_2616, %eq3A_2617 : vector<8x2048xf32>
    %get3A_2619 = arith.constant 912 : index
    %get3A_2620 = arith.constant 0 : index
    %get3A_2621 = vector.load %arg4[%get3A_2619, %get3A_2620] : memref<1024x1xf32, #tpu.memory_space<vmem>>, vector<8x1xf32>
    %jit3A_2622 = arith.constant 0.000000e+00 : f32
    %broadcast_in_dim3A_2623 = vector.shape_cast %get3A_2621 : vector<8x1xf32> to vector<8x1xf32>
    %broadcast_in_dim3A_2624 = vector.broadcast %broadcast_in_dim3A_2623 : vector<8x1xf32> to vector<8x2048xf32>
    %broadcast_in_dim3A_2625 = vector.broadcast %jit3A_2622 : f32 to vector<8x2048xf32>
    %select_n3A_2626 = arith.select %eq3A_2618, %broadcast_in_dim3A_2624, %broadcast_in_dim3A_2625 : vector<8x2048xi1>, vector<8x2048xf32>
    %max3A_2627 = arith.maximumf %max3A_2611, %select_n3A_2626 : vector<8x2048xf32>
    %get3A_2628 = arith.constant 920 : index
    %get3A_2629 = arith.constant 0 : index
    %get3A_2630 = vector.load %arg8[%get3A_2628, %get3A_2629] : memref<1024x2048xf32, #tpu.memory_space<vmem>>, vector<8x2048xf32>
    %add3A_2631 = vector.broadcast %get3A_25 : vector<1x2048xf32> to vector<8x2048xf32>
    %add3A_2632 = arith.addf %add3A_2631, %get3A_2630 : vector<8x2048xf32>
    %eq3A_2633 = vector.broadcast %broadcast_in_dim3A : vector<1x2048xf32> to vector<8x2048xf32>
    %eq3A_2634 = arith.cmpf oeq, %add3A_2632, %eq3A_2633 : vector<8x2048xf32>
    %get3A_2635 = arith.constant 920 : index
    %get3A_2636 = arith.constant 0 : index
    %get3A_2637 = vector.load %arg4[%get3A_2635, %get3A_2636] : memref<1024x1xf32, #tpu.memory_space<vmem>>, vector<8x1xf32>
    %jit3A_2638 = arith.constant 0.000000e+00 : f32
    %broadcast_in_dim3A_2639 = vector.shape_cast %get3A_2637 : vector<8x1xf32> to vector<8x1xf32>
    %broadcast_in_dim3A_2640 = vector.broadcast %broadcast_in_dim3A_2639 : vector<8x1xf32> to vector<8x2048xf32>
    %broadcast_in_dim3A_2641 = vector.broadcast %jit3A_2638 : f32 to vector<8x2048xf32>
    %select_n3A_2642 = arith.select %eq3A_2634, %broadcast_in_dim3A_2640, %broadcast_in_dim3A_2641 : vector<8x2048xi1>, vector<8x2048xf32>
    %max3A_2643 = arith.maximumf %max3A_2627, %select_n3A_2642 : vector<8x2048xf32>
    %get3A_2644 = arith.constant 928 : index
    %get3A_2645 = arith.constant 0 : index
    %get3A_2646 = vector.load %arg8[%get3A_2644, %get3A_2645] : memref<1024x2048xf32, #tpu.memory_space<vmem>>, vector<8x2048xf32>
    %add3A_2647 = vector.broadcast %get3A_25 : vector<1x2048xf32> to vector<8x2048xf32>
    %add3A_2648 = arith.addf %add3A_2647, %get3A_2646 : vector<8x2048xf32>
    %eq3A_2649 = vector.broadcast %broadcast_in_dim3A : vector<1x2048xf32> to vector<8x2048xf32>
    %eq3A_2650 = arith.cmpf oeq, %add3A_2648, %eq3A_2649 : vector<8x2048xf32>
    %get3A_2651 = arith.constant 928 : index
    %get3A_2652 = arith.constant 0 : index
    %get3A_2653 = vector.load %arg4[%get3A_2651, %get3A_2652] : memref<1024x1xf32, #tpu.memory_space<vmem>>, vector<8x1xf32>
    %jit3A_2654 = arith.constant 0.000000e+00 : f32
    %broadcast_in_dim3A_2655 = vector.shape_cast %get3A_2653 : vector<8x1xf32> to vector<8x1xf32>
    %broadcast_in_dim3A_2656 = vector.broadcast %broadcast_in_dim3A_2655 : vector<8x1xf32> to vector<8x2048xf32>
    %broadcast_in_dim3A_2657 = vector.broadcast %jit3A_2654 : f32 to vector<8x2048xf32>
    %select_n3A_2658 = arith.select %eq3A_2650, %broadcast_in_dim3A_2656, %broadcast_in_dim3A_2657 : vector<8x2048xi1>, vector<8x2048xf32>
    %max3A_2659 = arith.maximumf %max3A_2643, %select_n3A_2658 : vector<8x2048xf32>
    %get3A_2660 = arith.constant 936 : index
    %get3A_2661 = arith.constant 0 : index
    %get3A_2662 = vector.load %arg8[%get3A_2660, %get3A_2661] : memref<1024x2048xf32, #tpu.memory_space<vmem>>, vector<8x2048xf32>
    %add3A_2663 = vector.broadcast %get3A_25 : vector<1x2048xf32> to vector<8x2048xf32>
    %add3A_2664 = arith.addf %add3A_2663, %get3A_2662 : vector<8x2048xf32>
    %eq3A_2665 = vector.broadcast %broadcast_in_dim3A : vector<1x2048xf32> to vector<8x2048xf32>
    %eq3A_2666 = arith.cmpf oeq, %add3A_2664, %eq3A_2665 : vector<8x2048xf32>
    %get3A_2667 = arith.constant 936 : index
    %get3A_2668 = arith.constant 0 : index
    %get3A_2669 = vector.load %arg4[%get3A_2667, %get3A_2668] : memref<1024x1xf32, #tpu.memory_space<vmem>>, vector<8x1xf32>
    %jit3A_2670 = arith.constant 0.000000e+00 : f32
    %broadcast_in_dim3A_2671 = vector.shape_cast %get3A_2669 : vector<8x1xf32> to vector<8x1xf32>
    %broadcast_in_dim3A_2672 = vector.broadcast %broadcast_in_dim3A_2671 : vector<8x1xf32> to vector<8x2048xf32>
    %broadcast_in_dim3A_2673 = vector.broadcast %jit3A_2670 : f32 to vector<8x2048xf32>
    %select_n3A_2674 = arith.select %eq3A_2666, %broadcast_in_dim3A_2672, %broadcast_in_dim3A_2673 : vector<8x2048xi1>, vector<8x2048xf32>
    %max3A_2675 = arith.maximumf %max3A_2659, %select_n3A_2674 : vector<8x2048xf32>
    %get3A_2676 = arith.constant 944 : index
    %get3A_2677 = arith.constant 0 : index
    %get3A_2678 = vector.load %arg8[%get3A_2676, %get3A_2677] : memref<1024x2048xf32, #tpu.memory_space<vmem>>, vector<8x2048xf32>
    %add3A_2679 = vector.broadcast %get3A_25 : vector<1x2048xf32> to vector<8x2048xf32>
    %add3A_2680 = arith.addf %add3A_2679, %get3A_2678 : vector<8x2048xf32>
    %eq3A_2681 = vector.broadcast %broadcast_in_dim3A : vector<1x2048xf32> to vector<8x2048xf32>
    %eq3A_2682 = arith.cmpf oeq, %add3A_2680, %eq3A_2681 : vector<8x2048xf32>
    %get3A_2683 = arith.constant 944 : index
    %get3A_2684 = arith.constant 0 : index
    %get3A_2685 = vector.load %arg4[%get3A_2683, %get3A_2684] : memref<1024x1xf32, #tpu.memory_space<vmem>>, vector<8x1xf32>
    %jit3A_2686 = arith.constant 0.000000e+00 : f32
    %broadcast_in_dim3A_2687 = vector.shape_cast %get3A_2685 : vector<8x1xf32> to vector<8x1xf32>
    %broadcast_in_dim3A_2688 = vector.broadcast %broadcast_in_dim3A_2687 : vector<8x1xf32> to vector<8x2048xf32>
    %broadcast_in_dim3A_2689 = vector.broadcast %jit3A_2686 : f32 to vector<8x2048xf32>
    %select_n3A_2690 = arith.select %eq3A_2682, %broadcast_in_dim3A_2688, %broadcast_in_dim3A_2689 : vector<8x2048xi1>, vector<8x2048xf32>
    %max3A_2691 = arith.maximumf %max3A_2675, %select_n3A_2690 : vector<8x2048xf32>
    %get3A_2692 = arith.constant 952 : index
    %get3A_2693 = arith.constant 0 : index
    %get3A_2694 = vector.load %arg8[%get3A_2692, %get3A_2693] : memref<1024x2048xf32, #tpu.memory_space<vmem>>, vector<8x2048xf32>
    %add3A_2695 = vector.broadcast %get3A_25 : vector<1x2048xf32> to vector<8x2048xf32>
    %add3A_2696 = arith.addf %add3A_2695, %get3A_2694 : vector<8x2048xf32>
    %eq3A_2697 = vector.broadcast %broadcast_in_dim3A : vector<1x2048xf32> to vector<8x2048xf32>
    %eq3A_2698 = arith.cmpf oeq, %add3A_2696, %eq3A_2697 : vector<8x2048xf32>
    %get3A_2699 = arith.constant 952 : index
    %get3A_2700 = arith.constant 0 : index
    %get3A_2701 = vector.load %arg4[%get3A_2699, %get3A_2700] : memref<1024x1xf32, #tpu.memory_space<vmem>>, vector<8x1xf32>
    %jit3A_2702 = arith.constant 0.000000e+00 : f32
    %broadcast_in_dim3A_2703 = vector.shape_cast %get3A_2701 : vector<8x1xf32> to vector<8x1xf32>
    %broadcast_in_dim3A_2704 = vector.broadcast %broadcast_in_dim3A_2703 : vector<8x1xf32> to vector<8x2048xf32>
    %broadcast_in_dim3A_2705 = vector.broadcast %jit3A_2702 : f32 to vector<8x2048xf32>
    %select_n3A_2706 = arith.select %eq3A_2698, %broadcast_in_dim3A_2704, %broadcast_in_dim3A_2705 : vector<8x2048xi1>, vector<8x2048xf32>
    %max3A_2707 = arith.maximumf %max3A_2691, %select_n3A_2706 : vector<8x2048xf32>
    %get3A_2708 = arith.constant 960 : index
    %get3A_2709 = arith.constant 0 : index
    %get3A_2710 = vector.load %arg8[%get3A_2708, %get3A_2709] : memref<1024x2048xf32, #tpu.memory_space<vmem>>, vector<8x2048xf32>
    %add3A_2711 = vector.broadcast %get3A_25 : vector<1x2048xf32> to vector<8x2048xf32>
    %add3A_2712 = arith.addf %add3A_2711, %get3A_2710 : vector<8x2048xf32>
    %eq3A_2713 = vector.broadcast %broadcast_in_dim3A : vector<1x2048xf32> to vector<8x2048xf32>
    %eq3A_2714 = arith.cmpf oeq, %add3A_2712, %eq3A_2713 : vector<8x2048xf32>
    %get3A_2715 = arith.constant 960 : index
    %get3A_2716 = arith.constant 0 : index
    %get3A_2717 = vector.load %arg4[%get3A_2715, %get3A_2716] : memref<1024x1xf32, #tpu.memory_space<vmem>>, vector<8x1xf32>
    %jit3A_2718 = arith.constant 0.000000e+00 : f32
    %broadcast_in_dim3A_2719 = vector.shape_cast %get3A_2717 : vector<8x1xf32> to vector<8x1xf32>
    %broadcast_in_dim3A_2720 = vector.broadcast %broadcast_in_dim3A_2719 : vector<8x1xf32> to vector<8x2048xf32>
    %broadcast_in_dim3A_2721 = vector.broadcast %jit3A_2718 : f32 to vector<8x2048xf32>
    %select_n3A_2722 = arith.select %eq3A_2714, %broadcast_in_dim3A_2720, %broadcast_in_dim3A_2721 : vector<8x2048xi1>, vector<8x2048xf32>
    %max3A_2723 = arith.maximumf %max3A_2707, %select_n3A_2722 : vector<8x2048xf32>
    %get3A_2724 = arith.constant 968 : index
    %get3A_2725 = arith.constant 0 : index
    %get3A_2726 = vector.load %arg8[%get3A_2724, %get3A_2725] : memref<1024x2048xf32, #tpu.memory_space<vmem>>, vector<8x2048xf32>
    %add3A_2727 = vector.broadcast %get3A_25 : vector<1x2048xf32> to vector<8x2048xf32>
    %add3A_2728 = arith.addf %add3A_2727, %get3A_2726 : vector<8x2048xf32>
    %eq3A_2729 = vector.broadcast %broadcast_in_dim3A : vector<1x2048xf32> to vector<8x2048xf32>
    %eq3A_2730 = arith.cmpf oeq, %add3A_2728, %eq3A_2729 : vector<8x2048xf32>
    %get3A_2731 = arith.constant 968 : index
    %get3A_2732 = arith.constant 0 : index
    %get3A_2733 = vector.load %arg4[%get3A_2731, %get3A_2732] : memref<1024x1xf32, #tpu.memory_space<vmem>>, vector<8x1xf32>
    %jit3A_2734 = arith.constant 0.000000e+00 : f32
    %broadcast_in_dim3A_2735 = vector.shape_cast %get3A_2733 : vector<8x1xf32> to vector<8x1xf32>
    %broadcast_in_dim3A_2736 = vector.broadcast %broadcast_in_dim3A_2735 : vector<8x1xf32> to vector<8x2048xf32>
    %broadcast_in_dim3A_2737 = vector.broadcast %jit3A_2734 : f32 to vector<8x2048xf32>
    %select_n3A_2738 = arith.select %eq3A_2730, %broadcast_in_dim3A_2736, %broadcast_in_dim3A_2737 : vector<8x2048xi1>, vector<8x2048xf32>
    %max3A_2739 = arith.maximumf %max3A_2723, %select_n3A_2738 : vector<8x2048xf32>
    %get3A_2740 = arith.constant 976 : index
    %get3A_2741 = arith.constant 0 : index
    %get3A_2742 = vector.load %arg8[%get3A_2740, %get3A_2741] : memref<1024x2048xf32, #tpu.memory_space<vmem>>, vector<8x2048xf32>
    %add3A_2743 = vector.broadcast %get3A_25 : vector<1x2048xf32> to vector<8x2048xf32>
    %add3A_2744 = arith.addf %add3A_2743, %get3A_2742 : vector<8x2048xf32>
    %eq3A_2745 = vector.broadcast %broadcast_in_dim3A : vector<1x2048xf32> to vector<8x2048xf32>
    %eq3A_2746 = arith.cmpf oeq, %add3A_2744, %eq3A_2745 : vector<8x2048xf32>
    %get3A_2747 = arith.constant 976 : index
    %get3A_2748 = arith.constant 0 : index
    %get3A_2749 = vector.load %arg4[%get3A_2747, %get3A_2748] : memref<1024x1xf32, #tpu.memory_space<vmem>>, vector<8x1xf32>
    %jit3A_2750 = arith.constant 0.000000e+00 : f32
    %broadcast_in_dim3A_2751 = vector.shape_cast %get3A_2749 : vector<8x1xf32> to vector<8x1xf32>
    %broadcast_in_dim3A_2752 = vector.broadcast %broadcast_in_dim3A_2751 : vector<8x1xf32> to vector<8x2048xf32>
    %broadcast_in_dim3A_2753 = vector.broadcast %jit3A_2750 : f32 to vector<8x2048xf32>
    %select_n3A_2754 = arith.select %eq3A_2746, %broadcast_in_dim3A_2752, %broadcast_in_dim3A_2753 : vector<8x2048xi1>, vector<8x2048xf32>
    %max3A_2755 = arith.maximumf %max3A_2739, %select_n3A_2754 : vector<8x2048xf32>
    %get3A_2756 = arith.constant 984 : index
    %get3A_2757 = arith.constant 0 : index
    %get3A_2758 = vector.load %arg8[%get3A_2756, %get3A_2757] : memref<1024x2048xf32, #tpu.memory_space<vmem>>, vector<8x2048xf32>
    %add3A_2759 = vector.broadcast %get3A_25 : vector<1x2048xf32> to vector<8x2048xf32>
    %add3A_2760 = arith.addf %add3A_2759, %get3A_2758 : vector<8x2048xf32>
    %eq3A_2761 = vector.broadcast %broadcast_in_dim3A : vector<1x2048xf32> to vector<8x2048xf32>
    %eq3A_2762 = arith.cmpf oeq, %add3A_2760, %eq3A_2761 : vector<8x2048xf32>
    %get3A_2763 = arith.constant 984 : index
    %get3A_2764 = arith.constant 0 : index
    %get3A_2765 = vector.load %arg4[%get3A_2763, %get3A_2764] : memref<1024x1xf32, #tpu.memory_space<vmem>>, vector<8x1xf32>
    %jit3A_2766 = arith.constant 0.000000e+00 : f32
    %broadcast_in_dim3A_2767 = vector.shape_cast %get3A_2765 : vector<8x1xf32> to vector<8x1xf32>
    %broadcast_in_dim3A_2768 = vector.broadcast %broadcast_in_dim3A_2767 : vector<8x1xf32> to vector<8x2048xf32>
    %broadcast_in_dim3A_2769 = vector.broadcast %jit3A_2766 : f32 to vector<8x2048xf32>
    %select_n3A_2770 = arith.select %eq3A_2762, %broadcast_in_dim3A_2768, %broadcast_in_dim3A_2769 : vector<8x2048xi1>, vector<8x2048xf32>
    %max3A_2771 = arith.maximumf %max3A_2755, %select_n3A_2770 : vector<8x2048xf32>
    %get3A_2772 = arith.constant 992 : index
    %get3A_2773 = arith.constant 0 : index
    %get3A_2774 = vector.load %arg8[%get3A_2772, %get3A_2773] : memref<1024x2048xf32, #tpu.memory_space<vmem>>, vector<8x2048xf32>
    %add3A_2775 = vector.broadcast %get3A_25 : vector<1x2048xf32> to vector<8x2048xf32>
    %add3A_2776 = arith.addf %add3A_2775, %get3A_2774 : vector<8x2048xf32>
    %eq3A_2777 = vector.broadcast %broadcast_in_dim3A : vector<1x2048xf32> to vector<8x2048xf32>
    %eq3A_2778 = arith.cmpf oeq, %add3A_2776, %eq3A_2777 : vector<8x2048xf32>
    %get3A_2779 = arith.constant 992 : index
    %get3A_2780 = arith.constant 0 : index
    %get3A_2781 = vector.load %arg4[%get3A_2779, %get3A_2780] : memref<1024x1xf32, #tpu.memory_space<vmem>>, vector<8x1xf32>
    %jit3A_2782 = arith.constant 0.000000e+00 : f32
    %broadcast_in_dim3A_2783 = vector.shape_cast %get3A_2781 : vector<8x1xf32> to vector<8x1xf32>
    %broadcast_in_dim3A_2784 = vector.broadcast %broadcast_in_dim3A_2783 : vector<8x1xf32> to vector<8x2048xf32>
    %broadcast_in_dim3A_2785 = vector.broadcast %jit3A_2782 : f32 to vector<8x2048xf32>
    %select_n3A_2786 = arith.select %eq3A_2778, %broadcast_in_dim3A_2784, %broadcast_in_dim3A_2785 : vector<8x2048xi1>, vector<8x2048xf32>
    %max3A_2787 = arith.maximumf %max3A_2771, %select_n3A_2786 : vector<8x2048xf32>
    %get3A_2788 = arith.constant 1000 : index
    %get3A_2789 = arith.constant 0 : index
    %get3A_2790 = vector.load %arg8[%get3A_2788, %get3A_2789] : memref<1024x2048xf32, #tpu.memory_space<vmem>>, vector<8x2048xf32>
    %add3A_2791 = vector.broadcast %get3A_25 : vector<1x2048xf32> to vector<8x2048xf32>
    %add3A_2792 = arith.addf %add3A_2791, %get3A_2790 : vector<8x2048xf32>
    %eq3A_2793 = vector.broadcast %broadcast_in_dim3A : vector<1x2048xf32> to vector<8x2048xf32>
    %eq3A_2794 = arith.cmpf oeq, %add3A_2792, %eq3A_2793 : vector<8x2048xf32>
    %get3A_2795 = arith.constant 1000 : index
    %get3A_2796 = arith.constant 0 : index
    %get3A_2797 = vector.load %arg4[%get3A_2795, %get3A_2796] : memref<1024x1xf32, #tpu.memory_space<vmem>>, vector<8x1xf32>
    %jit3A_2798 = arith.constant 0.000000e+00 : f32
    %broadcast_in_dim3A_2799 = vector.shape_cast %get3A_2797 : vector<8x1xf32> to vector<8x1xf32>
    %broadcast_in_dim3A_2800 = vector.broadcast %broadcast_in_dim3A_2799 : vector<8x1xf32> to vector<8x2048xf32>
    %broadcast_in_dim3A_2801 = vector.broadcast %jit3A_2798 : f32 to vector<8x2048xf32>
    %select_n3A_2802 = arith.select %eq3A_2794, %broadcast_in_dim3A_2800, %broadcast_in_dim3A_2801 : vector<8x2048xi1>, vector<8x2048xf32>
    %max3A_2803 = arith.maximumf %max3A_2787, %select_n3A_2802 : vector<8x2048xf32>
    %get3A_2804 = arith.constant 1008 : index
    %get3A_2805 = arith.constant 0 : index
    %get3A_2806 = vector.load %arg8[%get3A_2804, %get3A_2805] : memref<1024x2048xf32, #tpu.memory_space<vmem>>, vector<8x2048xf32>
    %add3A_2807 = vector.broadcast %get3A_25 : vector<1x2048xf32> to vector<8x2048xf32>
    %add3A_2808 = arith.addf %add3A_2807, %get3A_2806 : vector<8x2048xf32>
    %eq3A_2809 = vector.broadcast %broadcast_in_dim3A : vector<1x2048xf32> to vector<8x2048xf32>
    %eq3A_2810 = arith.cmpf oeq, %add3A_2808, %eq3A_2809 : vector<8x2048xf32>
    %get3A_2811 = arith.constant 1008 : index
    %get3A_2812 = arith.constant 0 : index
    %get3A_2813 = vector.load %arg4[%get3A_2811, %get3A_2812] : memref<1024x1xf32, #tpu.memory_space<vmem>>, vector<8x1xf32>
    %jit3A_2814 = arith.constant 0.000000e+00 : f32
    %broadcast_in_dim3A_2815 = vector.shape_cast %get3A_2813 : vector<8x1xf32> to vector<8x1xf32>
    %broadcast_in_dim3A_2816 = vector.broadcast %broadcast_in_dim3A_2815 : vector<8x1xf32> to vector<8x2048xf32>
    %broadcast_in_dim3A_2817 = vector.broadcast %jit3A_2814 : f32 to vector<8x2048xf32>
    %select_n3A_2818 = arith.select %eq3A_2810, %broadcast_in_dim3A_2816, %broadcast_in_dim3A_2817 : vector<8x2048xi1>, vector<8x2048xf32>
    %max3A_2819 = arith.maximumf %max3A_2803, %select_n3A_2818 : vector<8x2048xf32>
    %get3A_2820 = arith.constant 1016 : index
    %get3A_2821 = arith.constant 0 : index
    %get3A_2822 = vector.load %arg8[%get3A_2820, %get3A_2821] : memref<1024x2048xf32, #tpu.memory_space<vmem>>, vector<8x2048xf32>
    %add3A_2823 = vector.broadcast %get3A_25 : vector<1x2048xf32> to vector<8x2048xf32>
    %add3A_2824 = arith.addf %add3A_2823, %get3A_2822 : vector<8x2048xf32>
    %eq3A_2825 = vector.broadcast %broadcast_in_dim3A : vector<1x2048xf32> to vector<8x2048xf32>
    %eq3A_2826 = arith.cmpf oeq, %add3A_2824, %eq3A_2825 : vector<8x2048xf32>
    %get3A_2827 = arith.constant 1016 : index
    %get3A_2828 = arith.constant 0 : index
    %get3A_2829 = vector.load %arg4[%get3A_2827, %get3A_2828] : memref<1024x1xf32, #tpu.memory_space<vmem>>, vector<8x1xf32>
    %jit3A_2830 = arith.constant 0.000000e+00 : f32
    %broadcast_in_dim3A_2831 = vector.shape_cast %get3A_2829 : vector<8x1xf32> to vector<8x1xf32>
    %broadcast_in_dim3A_2832 = vector.broadcast %broadcast_in_dim3A_2831 : vector<8x1xf32> to vector<8x2048xf32>
    %broadcast_in_dim3A_2833 = vector.broadcast %jit3A_2830 : f32 to vector<8x2048xf32>
    %select_n3A_2834 = arith.select %eq3A_2826, %broadcast_in_dim3A_2832, %broadcast_in_dim3A_2833 : vector<8x2048xi1>, vector<8x2048xf32>
    %max3A_2835 = arith.maximumf %max3A_2819, %select_n3A_2834 : vector<8x2048xf32>
    %reduce_max3A = arith.constant dense<0xFF800000> : vector<2048xf32>
    %reduce_max3A_2836 = vector.multi_reduction <maximumf>, %max3A_2835, %reduce_max3A [0] : vector<8x2048xf32> to vector<2048xf32>
    %broadcast_in_dim3A_2837 = vector.shape_cast %reduce_max3A_2836 : vector<2048xf32> to vector<1x2048xf32>
    %add3A_2838 = arith.constant 1.024000e+03 : f32
    %add3A_2839 = arith.addf %mul3A_22, %add3A_2838 : f32
    %sub3A = vector.broadcast %add3A_2839 : f32 to vector<1x2048xf32>
    %sub3A_2840 = arith.subf %sub3A, %broadcast_in_dim3A_2837 : vector<1x2048xf32>
    %get3A_2841 = arith.constant 0 : index
    %get3A_2842 = arith.constant 0 : index
    %get3A_2843 = vector.load %arg10[%get3A_2841, %get3A_2842] : memref<1x2048xf32, #tpu.memory_space<vmem>>, vector<1x2048xf32>
    %lt3A = arith.cmpf olt, %broadcast_in_dim3A, %get3A_2843 : vector<1x2048xf32>
    %get3A_2844 = arith.constant 0 : index
    %get3A_2845 = arith.constant 0 : index
    %get3A_2846 = vector.load %arg10[%get3A_2844, %get3A_2845] : memref<1x2048xf32, #tpu.memory_space<vmem>>, vector<1x2048xf32>
    %select_n3A_2847 = arith.select %lt3A, %broadcast_in_dim3A, %get3A_2846 : vector<1x2048xi1>, vector<1x2048xf32>
    %swap3A_2848 = arith.constant 0 : index
    %swap3A_2849 = arith.constant 0 : index
    %swap3A_2850 = vector.load %arg10[%swap3A_2848, %swap3A_2849] : memref<1x2048xf32, #tpu.memory_space<vmem>>, vector<1x2048xf32>
    tpu.vector_store %arg10[%swap3A_2848, %swap3A_2849], %select_n3A_2847 {strides = array<i32>} : memref<1x2048xf32, #tpu.memory_space<vmem>>, vector<1x2048xf32>,
    %get3A_2851 = arith.constant 0 : index
    %get3A_2852 = arith.constant 0 : index
    %get3A_2853 = vector.load %arg11[%get3A_2851, %get3A_2852] : memref<1x2048xf32, #tpu.memory_space<vmem>>, vector<1x2048xf32>
    %select_n3A_2854 = arith.select %lt3A, %sub3A_2840, %get3A_2853 : vector<1x2048xi1>, vector<1x2048xf32>
    %swap3A_2855 = arith.constant 0 : index
    %swap3A_2856 = arith.constant 0 : index
    %swap3A_2857 = vector.load %arg11[%swap3A_2855, %swap3A_2856] : memref<1x2048xf32, #tpu.memory_space<vmem>>, vector<1x2048xf32>
    tpu.vector_store %arg11[%swap3A_2855, %swap3A_2856], %select_n3A_2854 {strides = array<i32>} : memref<1x2048xf32, #tpu.memory_space<vmem>>, vector<1x2048xf32>,
    %convert_element_type3A_2858 = arith.sitofp %arg1 : i32 to f32
    %mul3A_2859 = arith.constant 2.048000e+03 : f32
    %mul3A_2860 = arith.mulf %mul3A_2859, %convert_element_type3A_2858 : f32
    %add3A_2861 = arith.constant 1.024000e+03 : f32
    %add3A_2862 = arith.addf %mul3A_2860, %add3A_2861 : f32
    %get3A_2863 = arith.constant 0 : index
    %get3A_2864 = arith.constant 0 : index
    %get3A_2865 = vector.load %arg3[%get3A_2863, %get3A_2864] : memref<1x2048xf32, #tpu.memory_space<vmem>>, vector<1x2048xf32>
    %get3A_2866 = arith.constant 0 : index
    %get3A_2867 = arith.constant 0 : index
    %get3A_2868 = vector.load %arg9[%get3A_2866, %get3A_2867] : memref<1024x2048xf32, #tpu.memory_space<vmem>>, vector<8x2048xf32>
    %add3A_2869 = vector.broadcast %get3A_2865 : vector<1x2048xf32> to vector<8x2048xf32>
    %add3A_2870 = arith.addf %add3A_2869, %get3A_2868 : vector<8x2048xf32>
    %get3A_2871 = arith.constant 8 : index
    %get3A_2872 = arith.constant 0 : index
    %get3A_2873 = vector.load %arg9[%get3A_2871, %get3A_2872] : memref<1024x2048xf32, #tpu.memory_space<vmem>>, vector<8x2048xf32>
    %add3A_2874 = vector.broadcast %get3A_2865 : vector<1x2048xf32> to vector<8x2048xf32>
    %add3A_2875 = arith.addf %add3A_2874, %get3A_2873 : vector<8x2048xf32>
    %min3A_2876 = arith.minimumf %add3A_2870, %add3A_2875 : vector<8x2048xf32>
    %get3A_2877 = arith.constant 16 : index
    %get3A_2878 = arith.constant 0 : index
    %get3A_2879 = vector.load %arg9[%get3A_2877, %get3A_2878] : memref<1024x2048xf32, #tpu.memory_space<vmem>>, vector<8x2048xf32>
    %add3A_2880 = vector.broadcast %get3A_2865 : vector<1x2048xf32> to vector<8x2048xf32>
    %add3A_2881 = arith.addf %add3A_2880, %get3A_2879 : vector<8x2048xf32>
    %min3A_2882 = arith.minimumf %min3A_2876, %add3A_2881 : vector<8x2048xf32>
    %get3A_2883 = arith.constant 24 : index
    %get3A_2884 = arith.constant 0 : index
    %get3A_2885 = vector.load %arg9[%get3A_2883, %get3A_2884] : memref<1024x2048xf32, #tpu.memory_space<vmem>>, vector<8x2048xf32>
    %add3A_2886 = vector.broadcast %get3A_2865 : vector<1x2048xf32> to vector<8x2048xf32>
    %add3A_2887 = arith.addf %add3A_2886, %get3A_2885 : vector<8x2048xf32>
    %min3A_2888 = arith.minimumf %min3A_2882, %add3A_2887 : vector<8x2048xf32>
    %get3A_2889 = arith.constant 32 : index
    %get3A_2890 = arith.constant 0 : index
    %get3A_2891 = vector.load %arg9[%get3A_2889, %get3A_2890] : memref<1024x2048xf32, #tpu.memory_space<vmem>>, vector<8x2048xf32>
    %add3A_2892 = vector.broadcast %get3A_2865 : vector<1x2048xf32> to vector<8x2048xf32>
    %add3A_2893 = arith.addf %add3A_2892, %get3A_2891 : vector<8x2048xf32>
    %min3A_2894 = arith.minimumf %min3A_2888, %add3A_2893 : vector<8x2048xf32>
    %get3A_2895 = arith.constant 40 : index
    %get3A_2896 = arith.constant 0 : index
    %get3A_2897 = vector.load %arg9[%get3A_2895, %get3A_2896] : memref<1024x2048xf32, #tpu.memory_space<vmem>>, vector<8x2048xf32>
    %add3A_2898 = vector.broadcast %get3A_2865 : vector<1x2048xf32> to vector<8x2048xf32>
    %add3A_2899 = arith.addf %add3A_2898, %get3A_2897 : vector<8x2048xf32>
    %min3A_2900 = arith.minimumf %min3A_2894, %add3A_2899 : vector<8x2048xf32>
    %get3A_2901 = arith.constant 48 : index
    %get3A_2902 = arith.constant 0 : index
    %get3A_2903 = vector.load %arg9[%get3A_2901, %get3A_2902] : memref<1024x2048xf32, #tpu.memory_space<vmem>>, vector<8x2048xf32>
    %add3A_2904 = vector.broadcast %get3A_2865 : vector<1x2048xf32> to vector<8x2048xf32>
    %add3A_2905 = arith.addf %add3A_2904, %get3A_2903 : vector<8x2048xf32>
    %min3A_2906 = arith.minimumf %min3A_2900, %add3A_2905 : vector<8x2048xf32>
    %get3A_2907 = arith.constant 56 : index
    %get3A_2908 = arith.constant 0 : index
    %get3A_2909 = vector.load %arg9[%get3A_2907, %get3A_2908] : memref<1024x2048xf32, #tpu.memory_space<vmem>>, vector<8x2048xf32>
    %add3A_2910 = vector.broadcast %get3A_2865 : vector<1x2048xf32> to vector<8x2048xf32>
    %add3A_2911 = arith.addf %add3A_2910, %get3A_2909 : vector<8x2048xf32>
    %min3A_2912 = arith.minimumf %min3A_2906, %add3A_2911 : vector<8x2048xf32>
    %get3A_2913 = arith.constant 64 : index
    %get3A_2914 = arith.constant 0 : index
    %get3A_2915 = vector.load %arg9[%get3A_2913, %get3A_2914] : memref<1024x2048xf32, #tpu.memory_space<vmem>>, vector<8x2048xf32>
    %add3A_2916 = vector.broadcast %get3A_2865 : vector<1x2048xf32> to vector<8x2048xf32>
    %add3A_2917 = arith.addf %add3A_2916, %get3A_2915 : vector<8x2048xf32>
    %min3A_2918 = arith.minimumf %min3A_2912, %add3A_2917 : vector<8x2048xf32>
    %get3A_2919 = arith.constant 72 : index
    %get3A_2920 = arith.constant 0 : index
    %get3A_2921 = vector.load %arg9[%get3A_2919, %get3A_2920] : memref<1024x2048xf32, #tpu.memory_space<vmem>>, vector<8x2048xf32>
    %add3A_2922 = vector.broadcast %get3A_2865 : vector<1x2048xf32> to vector<8x2048xf32>
    %add3A_2923 = arith.addf %add3A_2922, %get3A_2921 : vector<8x2048xf32>
    %min3A_2924 = arith.minimumf %min3A_2918, %add3A_2923 : vector<8x2048xf32>
    %get3A_2925 = arith.constant 80 : index
    %get3A_2926 = arith.constant 0 : index
    %get3A_2927 = vector.load %arg9[%get3A_2925, %get3A_2926] : memref<1024x2048xf32, #tpu.memory_space<vmem>>, vector<8x2048xf32>
    %add3A_2928 = vector.broadcast %get3A_2865 : vector<1x2048xf32> to vector<8x2048xf32>
    %add3A_2929 = arith.addf %add3A_2928, %get3A_2927 : vector<8x2048xf32>
    %min3A_2930 = arith.minimumf %min3A_2924, %add3A_2929 : vector<8x2048xf32>
    %get3A_2931 = arith.constant 88 : index
    %get3A_2932 = arith.constant 0 : index
    %get3A_2933 = vector.load %arg9[%get3A_2931, %get3A_2932] : memref<1024x2048xf32, #tpu.memory_space<vmem>>, vector<8x2048xf32>
    %add3A_2934 = vector.broadcast %get3A_2865 : vector<1x2048xf32> to vector<8x2048xf32>
    %add3A_2935 = arith.addf %add3A_2934, %get3A_2933 : vector<8x2048xf32>
    %min3A_2936 = arith.minimumf %min3A_2930, %add3A_2935 : vector<8x2048xf32>
    %get3A_2937 = arith.constant 96 : index
    %get3A_2938 = arith.constant 0 : index
    %get3A_2939 = vector.load %arg9[%get3A_2937, %get3A_2938] : memref<1024x2048xf32, #tpu.memory_space<vmem>>, vector<8x2048xf32>
    %add3A_2940 = vector.broadcast %get3A_2865 : vector<1x2048xf32> to vector<8x2048xf32>
    %add3A_2941 = arith.addf %add3A_2940, %get3A_2939 : vector<8x2048xf32>
    %min3A_2942 = arith.minimumf %min3A_2936, %add3A_2941 : vector<8x2048xf32>
    %get3A_2943 = arith.constant 104 : index
    %get3A_2944 = arith.constant 0 : index
    %get3A_2945 = vector.load %arg9[%get3A_2943, %get3A_2944] : memref<1024x2048xf32, #tpu.memory_space<vmem>>, vector<8x2048xf32>
    %add3A_2946 = vector.broadcast %get3A_2865 : vector<1x2048xf32> to vector<8x2048xf32>
    %add3A_2947 = arith.addf %add3A_2946, %get3A_2945 : vector<8x2048xf32>
    %min3A_2948 = arith.minimumf %min3A_2942, %add3A_2947 : vector<8x2048xf32>
    %get3A_2949 = arith.constant 112 : index
    %get3A_2950 = arith.constant 0 : index
    %get3A_2951 = vector.load %arg9[%get3A_2949, %get3A_2950] : memref<1024x2048xf32, #tpu.memory_space<vmem>>, vector<8x2048xf32>
    %add3A_2952 = vector.broadcast %get3A_2865 : vector<1x2048xf32> to vector<8x2048xf32>
    %add3A_2953 = arith.addf %add3A_2952, %get3A_2951 : vector<8x2048xf32>
    %min3A_2954 = arith.minimumf %min3A_2948, %add3A_2953 : vector<8x2048xf32>
    %get3A_2955 = arith.constant 120 : index
    %get3A_2956 = arith.constant 0 : index
    %get3A_2957 = vector.load %arg9[%get3A_2955, %get3A_2956] : memref<1024x2048xf32, #tpu.memory_space<vmem>>, vector<8x2048xf32>
    %add3A_2958 = vector.broadcast %get3A_2865 : vector<1x2048xf32> to vector<8x2048xf32>
    %add3A_2959 = arith.addf %add3A_2958, %get3A_2957 : vector<8x2048xf32>
    %min3A_2960 = arith.minimumf %min3A_2954, %add3A_2959 : vector<8x2048xf32>
    %get3A_2961 = arith.constant 128 : index
    %get3A_2962 = arith.constant 0 : index
    %get3A_2963 = vector.load %arg9[%get3A_2961, %get3A_2962] : memref<1024x2048xf32, #tpu.memory_space<vmem>>, vector<8x2048xf32>
    %add3A_2964 = vector.broadcast %get3A_2865 : vector<1x2048xf32> to vector<8x2048xf32>
    %add3A_2965 = arith.addf %add3A_2964, %get3A_2963 : vector<8x2048xf32>
    %min3A_2966 = arith.minimumf %min3A_2960, %add3A_2965 : vector<8x2048xf32>
    %get3A_2967 = arith.constant 136 : index
    %get3A_2968 = arith.constant 0 : index
    %get3A_2969 = vector.load %arg9[%get3A_2967, %get3A_2968] : memref<1024x2048xf32, #tpu.memory_space<vmem>>, vector<8x2048xf32>
    %add3A_2970 = vector.broadcast %get3A_2865 : vector<1x2048xf32> to vector<8x2048xf32>
    %add3A_2971 = arith.addf %add3A_2970, %get3A_2969 : vector<8x2048xf32>
    %min3A_2972 = arith.minimumf %min3A_2966, %add3A_2971 : vector<8x2048xf32>
    %get3A_2973 = arith.constant 144 : index
    %get3A_2974 = arith.constant 0 : index
    %get3A_2975 = vector.load %arg9[%get3A_2973, %get3A_2974] : memref<1024x2048xf32, #tpu.memory_space<vmem>>, vector<8x2048xf32>
    %add3A_2976 = vector.broadcast %get3A_2865 : vector<1x2048xf32> to vector<8x2048xf32>
    %add3A_2977 = arith.addf %add3A_2976, %get3A_2975 : vector<8x2048xf32>
    %min3A_2978 = arith.minimumf %min3A_2972, %add3A_2977 : vector<8x2048xf32>
    %get3A_2979 = arith.constant 152 : index
    %get3A_2980 = arith.constant 0 : index
    %get3A_2981 = vector.load %arg9[%get3A_2979, %get3A_2980] : memref<1024x2048xf32, #tpu.memory_space<vmem>>, vector<8x2048xf32>
    %add3A_2982 = vector.broadcast %get3A_2865 : vector<1x2048xf32> to vector<8x2048xf32>
    %add3A_2983 = arith.addf %add3A_2982, %get3A_2981 : vector<8x2048xf32>
    %min3A_2984 = arith.minimumf %min3A_2978, %add3A_2983 : vector<8x2048xf32>
    %get3A_2985 = arith.constant 160 : index
    %get3A_2986 = arith.constant 0 : index
    %get3A_2987 = vector.load %arg9[%get3A_2985, %get3A_2986] : memref<1024x2048xf32, #tpu.memory_space<vmem>>, vector<8x2048xf32>
    %add3A_2988 = vector.broadcast %get3A_2865 : vector<1x2048xf32> to vector<8x2048xf32>
    %add3A_2989 = arith.addf %add3A_2988, %get3A_2987 : vector<8x2048xf32>
    %min3A_2990 = arith.minimumf %min3A_2984, %add3A_2989 : vector<8x2048xf32>
    %get3A_2991 = arith.constant 168 : index
    %get3A_2992 = arith.constant 0 : index
    %get3A_2993 = vector.load %arg9[%get3A_2991, %get3A_2992] : memref<1024x2048xf32, #tpu.memory_space<vmem>>, vector<8x2048xf32>
    %add3A_2994 = vector.broadcast %get3A_2865 : vector<1x2048xf32> to vector<8x2048xf32>
    %add3A_2995 = arith.addf %add3A_2994, %get3A_2993 : vector<8x2048xf32>
    %min3A_2996 = arith.minimumf %min3A_2990, %add3A_2995 : vector<8x2048xf32>
    %get3A_2997 = arith.constant 176 : index
    %get3A_2998 = arith.constant 0 : index
    %get3A_2999 = vector.load %arg9[%get3A_2997, %get3A_2998] : memref<1024x2048xf32, #tpu.memory_space<vmem>>, vector<8x2048xf32>
    %add3A_3000 = vector.broadcast %get3A_2865 : vector<1x2048xf32> to vector<8x2048xf32>
    %add3A_3001 = arith.addf %add3A_3000, %get3A_2999 : vector<8x2048xf32>
    %min3A_3002 = arith.minimumf %min3A_2996, %add3A_3001 : vector<8x2048xf32>
    %get3A_3003 = arith.constant 184 : index
    %get3A_3004 = arith.constant 0 : index
    %get3A_3005 = vector.load %arg9[%get3A_3003, %get3A_3004] : memref<1024x2048xf32, #tpu.memory_space<vmem>>, vector<8x2048xf32>
    %add3A_3006 = vector.broadcast %get3A_2865 : vector<1x2048xf32> to vector<8x2048xf32>
    %add3A_3007 = arith.addf %add3A_3006, %get3A_3005 : vector<8x2048xf32>
    %min3A_3008 = arith.minimumf %min3A_3002, %add3A_3007 : vector<8x2048xf32>
    %get3A_3009 = arith.constant 192 : index
    %get3A_3010 = arith.constant 0 : index
    %get3A_3011 = vector.load %arg9[%get3A_3009, %get3A_3010] : memref<1024x2048xf32, #tpu.memory_space<vmem>>, vector<8x2048xf32>
    %add3A_3012 = vector.broadcast %get3A_2865 : vector<1x2048xf32> to vector<8x2048xf32>
    %add3A_3013 = arith.addf %add3A_3012, %get3A_3011 : vector<8x2048xf32>
    %min3A_3014 = arith.minimumf %min3A_3008, %add3A_3013 : vector<8x2048xf32>
    %get3A_3015 = arith.constant 200 : index
    %get3A_3016 = arith.constant 0 : index
    %get3A_3017 = vector.load %arg9[%get3A_3015, %get3A_3016] : memref<1024x2048xf32, #tpu.memory_space<vmem>>, vector<8x2048xf32>
    %add3A_3018 = vector.broadcast %get3A_2865 : vector<1x2048xf32> to vector<8x2048xf32>
    %add3A_3019 = arith.addf %add3A_3018, %get3A_3017 : vector<8x2048xf32>
    %min3A_3020 = arith.minimumf %min3A_3014, %add3A_3019 : vector<8x2048xf32>
    %get3A_3021 = arith.constant 208 : index
    %get3A_3022 = arith.constant 0 : index
    %get3A_3023 = vector.load %arg9[%get3A_3021, %get3A_3022] : memref<1024x2048xf32, #tpu.memory_space<vmem>>, vector<8x2048xf32>
    %add3A_3024 = vector.broadcast %get3A_2865 : vector<1x2048xf32> to vector<8x2048xf32>
    %add3A_3025 = arith.addf %add3A_3024, %get3A_3023 : vector<8x2048xf32>
    %min3A_3026 = arith.minimumf %min3A_3020, %add3A_3025 : vector<8x2048xf32>
    %get3A_3027 = arith.constant 216 : index
    %get3A_3028 = arith.constant 0 : index
    %get3A_3029 = vector.load %arg9[%get3A_3027, %get3A_3028] : memref<1024x2048xf32, #tpu.memory_space<vmem>>, vector<8x2048xf32>
    %add3A_3030 = vector.broadcast %get3A_2865 : vector<1x2048xf32> to vector<8x2048xf32>
    %add3A_3031 = arith.addf %add3A_3030, %get3A_3029 : vector<8x2048xf32>
    %min3A_3032 = arith.minimumf %min3A_3026, %add3A_3031 : vector<8x2048xf32>
    %get3A_3033 = arith.constant 224 : index
    %get3A_3034 = arith.constant 0 : index
    %get3A_3035 = vector.load %arg9[%get3A_3033, %get3A_3034] : memref<1024x2048xf32, #tpu.memory_space<vmem>>, vector<8x2048xf32>
    %add3A_3036 = vector.broadcast %get3A_2865 : vector<1x2048xf32> to vector<8x2048xf32>
    %add3A_3037 = arith.addf %add3A_3036, %get3A_3035 : vector<8x2048xf32>
    %min3A_3038 = arith.minimumf %min3A_3032, %add3A_3037 : vector<8x2048xf32>
    %get3A_3039 = arith.constant 232 : index
    %get3A_3040 = arith.constant 0 : index
    %get3A_3041 = vector.load %arg9[%get3A_3039, %get3A_3040] : memref<1024x2048xf32, #tpu.memory_space<vmem>>, vector<8x2048xf32>
    %add3A_3042 = vector.broadcast %get3A_2865 : vector<1x2048xf32> to vector<8x2048xf32>
    %add3A_3043 = arith.addf %add3A_3042, %get3A_3041 : vector<8x2048xf32>
    %min3A_3044 = arith.minimumf %min3A_3038, %add3A_3043 : vector<8x2048xf32>
    %get3A_3045 = arith.constant 240 : index
    %get3A_3046 = arith.constant 0 : index
    %get3A_3047 = vector.load %arg9[%get3A_3045, %get3A_3046] : memref<1024x2048xf32, #tpu.memory_space<vmem>>, vector<8x2048xf32>
    %add3A_3048 = vector.broadcast %get3A_2865 : vector<1x2048xf32> to vector<8x2048xf32>
    %add3A_3049 = arith.addf %add3A_3048, %get3A_3047 : vector<8x2048xf32>
    %min3A_3050 = arith.minimumf %min3A_3044, %add3A_3049 : vector<8x2048xf32>
    %get3A_3051 = arith.constant 248 : index
    %get3A_3052 = arith.constant 0 : index
    %get3A_3053 = vector.load %arg9[%get3A_3051, %get3A_3052] : memref<1024x2048xf32, #tpu.memory_space<vmem>>, vector<8x2048xf32>
    %add3A_3054 = vector.broadcast %get3A_2865 : vector<1x2048xf32> to vector<8x2048xf32>
    %add3A_3055 = arith.addf %add3A_3054, %get3A_3053 : vector<8x2048xf32>
    %min3A_3056 = arith.minimumf %min3A_3050, %add3A_3055 : vector<8x2048xf32>
    %get3A_3057 = arith.constant 256 : index
    %get3A_3058 = arith.constant 0 : index
    %get3A_3059 = vector.load %arg9[%get3A_3057, %get3A_3058] : memref<1024x2048xf32, #tpu.memory_space<vmem>>, vector<8x2048xf32>
    %add3A_3060 = vector.broadcast %get3A_2865 : vector<1x2048xf32> to vector<8x2048xf32>
    %add3A_3061 = arith.addf %add3A_3060, %get3A_3059 : vector<8x2048xf32>
    %min3A_3062 = arith.minimumf %min3A_3056, %add3A_3061 : vector<8x2048xf32>
    %get3A_3063 = arith.constant 264 : index
    %get3A_3064 = arith.constant 0 : index
    %get3A_3065 = vector.load %arg9[%get3A_3063, %get3A_3064] : memref<1024x2048xf32, #tpu.memory_space<vmem>>, vector<8x2048xf32>
    %add3A_3066 = vector.broadcast %get3A_2865 : vector<1x2048xf32> to vector<8x2048xf32>
    %add3A_3067 = arith.addf %add3A_3066, %get3A_3065 : vector<8x2048xf32>
    %min3A_3068 = arith.minimumf %min3A_3062, %add3A_3067 : vector<8x2048xf32>
    %get3A_3069 = arith.constant 272 : index
    %get3A_3070 = arith.constant 0 : index
    %get3A_3071 = vector.load %arg9[%get3A_3069, %get3A_3070] : memref<1024x2048xf32, #tpu.memory_space<vmem>>, vector<8x2048xf32>
    %add3A_3072 = vector.broadcast %get3A_2865 : vector<1x2048xf32> to vector<8x2048xf32>
    %add3A_3073 = arith.addf %add3A_3072, %get3A_3071 : vector<8x2048xf32>
    %min3A_3074 = arith.minimumf %min3A_3068, %add3A_3073 : vector<8x2048xf32>
    %get3A_3075 = arith.constant 280 : index
    %get3A_3076 = arith.constant 0 : index
    %get3A_3077 = vector.load %arg9[%get3A_3075, %get3A_3076] : memref<1024x2048xf32, #tpu.memory_space<vmem>>, vector<8x2048xf32>
    %add3A_3078 = vector.broadcast %get3A_2865 : vector<1x2048xf32> to vector<8x2048xf32>
    %add3A_3079 = arith.addf %add3A_3078, %get3A_3077 : vector<8x2048xf32>
    %min3A_3080 = arith.minimumf %min3A_3074, %add3A_3079 : vector<8x2048xf32>
    %get3A_3081 = arith.constant 288 : index
    %get3A_3082 = arith.constant 0 : index
    %get3A_3083 = vector.load %arg9[%get3A_3081, %get3A_3082] : memref<1024x2048xf32, #tpu.memory_space<vmem>>, vector<8x2048xf32>
    %add3A_3084 = vector.broadcast %get3A_2865 : vector<1x2048xf32> to vector<8x2048xf32>
    %add3A_3085 = arith.addf %add3A_3084, %get3A_3083 : vector<8x2048xf32>
    %min3A_3086 = arith.minimumf %min3A_3080, %add3A_3085 : vector<8x2048xf32>
    %get3A_3087 = arith.constant 296 : index
    %get3A_3088 = arith.constant 0 : index
    %get3A_3089 = vector.load %arg9[%get3A_3087, %get3A_3088] : memref<1024x2048xf32, #tpu.memory_space<vmem>>, vector<8x2048xf32>
    %add3A_3090 = vector.broadcast %get3A_2865 : vector<1x2048xf32> to vector<8x2048xf32>
    %add3A_3091 = arith.addf %add3A_3090, %get3A_3089 : vector<8x2048xf32>
    %min3A_3092 = arith.minimumf %min3A_3086, %add3A_3091 : vector<8x2048xf32>
    %get3A_3093 = arith.constant 304 : index
    %get3A_3094 = arith.constant 0 : index
    %get3A_3095 = vector.load %arg9[%get3A_3093, %get3A_3094] : memref<1024x2048xf32, #tpu.memory_space<vmem>>, vector<8x2048xf32>
    %add3A_3096 = vector.broadcast %get3A_2865 : vector<1x2048xf32> to vector<8x2048xf32>
    %add3A_3097 = arith.addf %add3A_3096, %get3A_3095 : vector<8x2048xf32>
    %min3A_3098 = arith.minimumf %min3A_3092, %add3A_3097 : vector<8x2048xf32>
    %get3A_3099 = arith.constant 312 : index
    %get3A_3100 = arith.constant 0 : index
    %get3A_3101 = vector.load %arg9[%get3A_3099, %get3A_3100] : memref<1024x2048xf32, #tpu.memory_space<vmem>>, vector<8x2048xf32>
    %add3A_3102 = vector.broadcast %get3A_2865 : vector<1x2048xf32> to vector<8x2048xf32>
    %add3A_3103 = arith.addf %add3A_3102, %get3A_3101 : vector<8x2048xf32>
    %min3A_3104 = arith.minimumf %min3A_3098, %add3A_3103 : vector<8x2048xf32>
    %get3A_3105 = arith.constant 320 : index
    %get3A_3106 = arith.constant 0 : index
    %get3A_3107 = vector.load %arg9[%get3A_3105, %get3A_3106] : memref<1024x2048xf32, #tpu.memory_space<vmem>>, vector<8x2048xf32>
    %add3A_3108 = vector.broadcast %get3A_2865 : vector<1x2048xf32> to vector<8x2048xf32>
    %add3A_3109 = arith.addf %add3A_3108, %get3A_3107 : vector<8x2048xf32>
    %min3A_3110 = arith.minimumf %min3A_3104, %add3A_3109 : vector<8x2048xf32>
    %get3A_3111 = arith.constant 328 : index
    %get3A_3112 = arith.constant 0 : index
    %get3A_3113 = vector.load %arg9[%get3A_3111, %get3A_3112] : memref<1024x2048xf32, #tpu.memory_space<vmem>>, vector<8x2048xf32>
    %add3A_3114 = vector.broadcast %get3A_2865 : vector<1x2048xf32> to vector<8x2048xf32>
    %add3A_3115 = arith.addf %add3A_3114, %get3A_3113 : vector<8x2048xf32>
    %min3A_3116 = arith.minimumf %min3A_3110, %add3A_3115 : vector<8x2048xf32>
    %get3A_3117 = arith.constant 336 : index
    %get3A_3118 = arith.constant 0 : index
    %get3A_3119 = vector.load %arg9[%get3A_3117, %get3A_3118] : memref<1024x2048xf32, #tpu.memory_space<vmem>>, vector<8x2048xf32>
    %add3A_3120 = vector.broadcast %get3A_2865 : vector<1x2048xf32> to vector<8x2048xf32>
    %add3A_3121 = arith.addf %add3A_3120, %get3A_3119 : vector<8x2048xf32>
    %min3A_3122 = arith.minimumf %min3A_3116, %add3A_3121 : vector<8x2048xf32>
    %get3A_3123 = arith.constant 344 : index
    %get3A_3124 = arith.constant 0 : index
    %get3A_3125 = vector.load %arg9[%get3A_3123, %get3A_3124] : memref<1024x2048xf32, #tpu.memory_space<vmem>>, vector<8x2048xf32>
    %add3A_3126 = vector.broadcast %get3A_2865 : vector<1x2048xf32> to vector<8x2048xf32>
    %add3A_3127 = arith.addf %add3A_3126, %get3A_3125 : vector<8x2048xf32>
    %min3A_3128 = arith.minimumf %min3A_3122, %add3A_3127 : vector<8x2048xf32>
    %get3A_3129 = arith.constant 352 : index
    %get3A_3130 = arith.constant 0 : index
    %get3A_3131 = vector.load %arg9[%get3A_3129, %get3A_3130] : memref<1024x2048xf32, #tpu.memory_space<vmem>>, vector<8x2048xf32>
    %add3A_3132 = vector.broadcast %get3A_2865 : vector<1x2048xf32> to vector<8x2048xf32>
    %add3A_3133 = arith.addf %add3A_3132, %get3A_3131 : vector<8x2048xf32>
    %min3A_3134 = arith.minimumf %min3A_3128, %add3A_3133 : vector<8x2048xf32>
    %get3A_3135 = arith.constant 360 : index
    %get3A_3136 = arith.constant 0 : index
    %get3A_3137 = vector.load %arg9[%get3A_3135, %get3A_3136] : memref<1024x2048xf32, #tpu.memory_space<vmem>>, vector<8x2048xf32>
    %add3A_3138 = vector.broadcast %get3A_2865 : vector<1x2048xf32> to vector<8x2048xf32>
    %add3A_3139 = arith.addf %add3A_3138, %get3A_3137 : vector<8x2048xf32>
    %min3A_3140 = arith.minimumf %min3A_3134, %add3A_3139 : vector<8x2048xf32>
    %get3A_3141 = arith.constant 368 : index
    %get3A_3142 = arith.constant 0 : index
    %get3A_3143 = vector.load %arg9[%get3A_3141, %get3A_3142] : memref<1024x2048xf32, #tpu.memory_space<vmem>>, vector<8x2048xf32>
    %add3A_3144 = vector.broadcast %get3A_2865 : vector<1x2048xf32> to vector<8x2048xf32>
    %add3A_3145 = arith.addf %add3A_3144, %get3A_3143 : vector<8x2048xf32>
    %min3A_3146 = arith.minimumf %min3A_3140, %add3A_3145 : vector<8x2048xf32>
    %get3A_3147 = arith.constant 376 : index
    %get3A_3148 = arith.constant 0 : index
    %get3A_3149 = vector.load %arg9[%get3A_3147, %get3A_3148] : memref<1024x2048xf32, #tpu.memory_space<vmem>>, vector<8x2048xf32>
    %add3A_3150 = vector.broadcast %get3A_2865 : vector<1x2048xf32> to vector<8x2048xf32>
    %add3A_3151 = arith.addf %add3A_3150, %get3A_3149 : vector<8x2048xf32>
    %min3A_3152 = arith.minimumf %min3A_3146, %add3A_3151 : vector<8x2048xf32>
    %get3A_3153 = arith.constant 384 : index
    %get3A_3154 = arith.constant 0 : index
    %get3A_3155 = vector.load %arg9[%get3A_3153, %get3A_3154] : memref<1024x2048xf32, #tpu.memory_space<vmem>>, vector<8x2048xf32>
    %add3A_3156 = vector.broadcast %get3A_2865 : vector<1x2048xf32> to vector<8x2048xf32>
    %add3A_3157 = arith.addf %add3A_3156, %get3A_3155 : vector<8x2048xf32>
    %min3A_3158 = arith.minimumf %min3A_3152, %add3A_3157 : vector<8x2048xf32>
    %get3A_3159 = arith.constant 392 : index
    %get3A_3160 = arith.constant 0 : index
    %get3A_3161 = vector.load %arg9[%get3A_3159, %get3A_3160] : memref<1024x2048xf32, #tpu.memory_space<vmem>>, vector<8x2048xf32>
    %add3A_3162 = vector.broadcast %get3A_2865 : vector<1x2048xf32> to vector<8x2048xf32>
    %add3A_3163 = arith.addf %add3A_3162, %get3A_3161 : vector<8x2048xf32>
    %min3A_3164 = arith.minimumf %min3A_3158, %add3A_3163 : vector<8x2048xf32>
    %get3A_3165 = arith.constant 400 : index
    %get3A_3166 = arith.constant 0 : index
    %get3A_3167 = vector.load %arg9[%get3A_3165, %get3A_3166] : memref<1024x2048xf32, #tpu.memory_space<vmem>>, vector<8x2048xf32>
    %add3A_3168 = vector.broadcast %get3A_2865 : vector<1x2048xf32> to vector<8x2048xf32>
    %add3A_3169 = arith.addf %add3A_3168, %get3A_3167 : vector<8x2048xf32>
    %min3A_3170 = arith.minimumf %min3A_3164, %add3A_3169 : vector<8x2048xf32>
    %get3A_3171 = arith.constant 408 : index
    %get3A_3172 = arith.constant 0 : index
    %get3A_3173 = vector.load %arg9[%get3A_3171, %get3A_3172] : memref<1024x2048xf32, #tpu.memory_space<vmem>>, vector<8x2048xf32>
    %add3A_3174 = vector.broadcast %get3A_2865 : vector<1x2048xf32> to vector<8x2048xf32>
    %add3A_3175 = arith.addf %add3A_3174, %get3A_3173 : vector<8x2048xf32>
    %min3A_3176 = arith.minimumf %min3A_3170, %add3A_3175 : vector<8x2048xf32>
    %get3A_3177 = arith.constant 416 : index
    %get3A_3178 = arith.constant 0 : index
    %get3A_3179 = vector.load %arg9[%get3A_3177, %get3A_3178] : memref<1024x2048xf32, #tpu.memory_space<vmem>>, vector<8x2048xf32>
    %add3A_3180 = vector.broadcast %get3A_2865 : vector<1x2048xf32> to vector<8x2048xf32>
    %add3A_3181 = arith.addf %add3A_3180, %get3A_3179 : vector<8x2048xf32>
    %min3A_3182 = arith.minimumf %min3A_3176, %add3A_3181 : vector<8x2048xf32>
    %get3A_3183 = arith.constant 424 : index
    %get3A_3184 = arith.constant 0 : index
    %get3A_3185 = vector.load %arg9[%get3A_3183, %get3A_3184] : memref<1024x2048xf32, #tpu.memory_space<vmem>>, vector<8x2048xf32>
    %add3A_3186 = vector.broadcast %get3A_2865 : vector<1x2048xf32> to vector<8x2048xf32>
    %add3A_3187 = arith.addf %add3A_3186, %get3A_3185 : vector<8x2048xf32>
    %min3A_3188 = arith.minimumf %min3A_3182, %add3A_3187 : vector<8x2048xf32>
    %get3A_3189 = arith.constant 432 : index
    %get3A_3190 = arith.constant 0 : index
    %get3A_3191 = vector.load %arg9[%get3A_3189, %get3A_3190] : memref<1024x2048xf32, #tpu.memory_space<vmem>>, vector<8x2048xf32>
    %add3A_3192 = vector.broadcast %get3A_2865 : vector<1x2048xf32> to vector<8x2048xf32>
    %add3A_3193 = arith.addf %add3A_3192, %get3A_3191 : vector<8x2048xf32>
    %min3A_3194 = arith.minimumf %min3A_3188, %add3A_3193 : vector<8x2048xf32>
    %get3A_3195 = arith.constant 440 : index
    %get3A_3196 = arith.constant 0 : index
    %get3A_3197 = vector.load %arg9[%get3A_3195, %get3A_3196] : memref<1024x2048xf32, #tpu.memory_space<vmem>>, vector<8x2048xf32>
    %add3A_3198 = vector.broadcast %get3A_2865 : vector<1x2048xf32> to vector<8x2048xf32>
    %add3A_3199 = arith.addf %add3A_3198, %get3A_3197 : vector<8x2048xf32>
    %min3A_3200 = arith.minimumf %min3A_3194, %add3A_3199 : vector<8x2048xf32>
    %get3A_3201 = arith.constant 448 : index
    %get3A_3202 = arith.constant 0 : index
    %get3A_3203 = vector.load %arg9[%get3A_3201, %get3A_3202] : memref<1024x2048xf32, #tpu.memory_space<vmem>>, vector<8x2048xf32>
    %add3A_3204 = vector.broadcast %get3A_2865 : vector<1x2048xf32> to vector<8x2048xf32>
    %add3A_3205 = arith.addf %add3A_3204, %get3A_3203 : vector<8x2048xf32>
    %min3A_3206 = arith.minimumf %min3A_3200, %add3A_3205 : vector<8x2048xf32>
    %get3A_3207 = arith.constant 456 : index
    %get3A_3208 = arith.constant 0 : index
    %get3A_3209 = vector.load %arg9[%get3A_3207, %get3A_3208] : memref<1024x2048xf32, #tpu.memory_space<vmem>>, vector<8x2048xf32>
    %add3A_3210 = vector.broadcast %get3A_2865 : vector<1x2048xf32> to vector<8x2048xf32>
    %add3A_3211 = arith.addf %add3A_3210, %get3A_3209 : vector<8x2048xf32>
    %min3A_3212 = arith.minimumf %min3A_3206, %add3A_3211 : vector<8x2048xf32>
    %get3A_3213 = arith.constant 464 : index
    %get3A_3214 = arith.constant 0 : index
    %get3A_3215 = vector.load %arg9[%get3A_3213, %get3A_3214] : memref<1024x2048xf32, #tpu.memory_space<vmem>>, vector<8x2048xf32>
    %add3A_3216 = vector.broadcast %get3A_2865 : vector<1x2048xf32> to vector<8x2048xf32>
    %add3A_3217 = arith.addf %add3A_3216, %get3A_3215 : vector<8x2048xf32>
    %min3A_3218 = arith.minimumf %min3A_3212, %add3A_3217 : vector<8x2048xf32>
    %get3A_3219 = arith.constant 472 : index
    %get3A_3220 = arith.constant 0 : index
    %get3A_3221 = vector.load %arg9[%get3A_3219, %get3A_3220] : memref<1024x2048xf32, #tpu.memory_space<vmem>>, vector<8x2048xf32>
    %add3A_3222 = vector.broadcast %get3A_2865 : vector<1x2048xf32> to vector<8x2048xf32>
    %add3A_3223 = arith.addf %add3A_3222, %get3A_3221 : vector<8x2048xf32>
    %min3A_3224 = arith.minimumf %min3A_3218, %add3A_3223 : vector<8x2048xf32>
    %get3A_3225 = arith.constant 480 : index
    %get3A_3226 = arith.constant 0 : index
    %get3A_3227 = vector.load %arg9[%get3A_3225, %get3A_3226] : memref<1024x2048xf32, #tpu.memory_space<vmem>>, vector<8x2048xf32>
    %add3A_3228 = vector.broadcast %get3A_2865 : vector<1x2048xf32> to vector<8x2048xf32>
    %add3A_3229 = arith.addf %add3A_3228, %get3A_3227 : vector<8x2048xf32>
    %min3A_3230 = arith.minimumf %min3A_3224, %add3A_3229 : vector<8x2048xf32>
    %get3A_3231 = arith.constant 488 : index
    %get3A_3232 = arith.constant 0 : index
    %get3A_3233 = vector.load %arg9[%get3A_3231, %get3A_3232] : memref<1024x2048xf32, #tpu.memory_space<vmem>>, vector<8x2048xf32>
    %add3A_3234 = vector.broadcast %get3A_2865 : vector<1x2048xf32> to vector<8x2048xf32>
    %add3A_3235 = arith.addf %add3A_3234, %get3A_3233 : vector<8x2048xf32>
    %min3A_3236 = arith.minimumf %min3A_3230, %add3A_3235 : vector<8x2048xf32>
    %get3A_3237 = arith.constant 496 : index
    %get3A_3238 = arith.constant 0 : index
    %get3A_3239 = vector.load %arg9[%get3A_3237, %get3A_3238] : memref<1024x2048xf32, #tpu.memory_space<vmem>>, vector<8x2048xf32>
    %add3A_3240 = vector.broadcast %get3A_2865 : vector<1x2048xf32> to vector<8x2048xf32>
    %add3A_3241 = arith.addf %add3A_3240, %get3A_3239 : vector<8x2048xf32>
    %min3A_3242 = arith.minimumf %min3A_3236, %add3A_3241 : vector<8x2048xf32>
    %get3A_3243 = arith.constant 504 : index
    %get3A_3244 = arith.constant 0 : index
    %get3A_3245 = vector.load %arg9[%get3A_3243, %get3A_3244] : memref<1024x2048xf32, #tpu.memory_space<vmem>>, vector<8x2048xf32>
    %add3A_3246 = vector.broadcast %get3A_2865 : vector<1x2048xf32> to vector<8x2048xf32>
    %add3A_3247 = arith.addf %add3A_3246, %get3A_3245 : vector<8x2048xf32>
    %min3A_3248 = arith.minimumf %min3A_3242, %add3A_3247 : vector<8x2048xf32>
    %get3A_3249 = arith.constant 512 : index
    %get3A_3250 = arith.constant 0 : index
    %get3A_3251 = vector.load %arg9[%get3A_3249, %get3A_3250] : memref<1024x2048xf32, #tpu.memory_space<vmem>>, vector<8x2048xf32>
    %add3A_3252 = vector.broadcast %get3A_2865 : vector<1x2048xf32> to vector<8x2048xf32>
    %add3A_3253 = arith.addf %add3A_3252, %get3A_3251 : vector<8x2048xf32>
    %min3A_3254 = arith.minimumf %min3A_3248, %add3A_3253 : vector<8x2048xf32>
    %get3A_3255 = arith.constant 520 : index
    %get3A_3256 = arith.constant 0 : index
    %get3A_3257 = vector.load %arg9[%get3A_3255, %get3A_3256] : memref<1024x2048xf32, #tpu.memory_space<vmem>>, vector<8x2048xf32>
    %add3A_3258 = vector.broadcast %get3A_2865 : vector<1x2048xf32> to vector<8x2048xf32>
    %add3A_3259 = arith.addf %add3A_3258, %get3A_3257 : vector<8x2048xf32>
    %min3A_3260 = arith.minimumf %min3A_3254, %add3A_3259 : vector<8x2048xf32>
    %get3A_3261 = arith.constant 528 : index
    %get3A_3262 = arith.constant 0 : index
    %get3A_3263 = vector.load %arg9[%get3A_3261, %get3A_3262] : memref<1024x2048xf32, #tpu.memory_space<vmem>>, vector<8x2048xf32>
    %add3A_3264 = vector.broadcast %get3A_2865 : vector<1x2048xf32> to vector<8x2048xf32>
    %add3A_3265 = arith.addf %add3A_3264, %get3A_3263 : vector<8x2048xf32>
    %min3A_3266 = arith.minimumf %min3A_3260, %add3A_3265 : vector<8x2048xf32>
    %get3A_3267 = arith.constant 536 : index
    %get3A_3268 = arith.constant 0 : index
    %get3A_3269 = vector.load %arg9[%get3A_3267, %get3A_3268] : memref<1024x2048xf32, #tpu.memory_space<vmem>>, vector<8x2048xf32>
    %add3A_3270 = vector.broadcast %get3A_2865 : vector<1x2048xf32> to vector<8x2048xf32>
    %add3A_3271 = arith.addf %add3A_3270, %get3A_3269 : vector<8x2048xf32>
    %min3A_3272 = arith.minimumf %min3A_3266, %add3A_3271 : vector<8x2048xf32>
    %get3A_3273 = arith.constant 544 : index
    %get3A_3274 = arith.constant 0 : index
    %get3A_3275 = vector.load %arg9[%get3A_3273, %get3A_3274] : memref<1024x2048xf32, #tpu.memory_space<vmem>>, vector<8x2048xf32>
    %add3A_3276 = vector.broadcast %get3A_2865 : vector<1x2048xf32> to vector<8x2048xf32>
    %add3A_3277 = arith.addf %add3A_3276, %get3A_3275 : vector<8x2048xf32>
    %min3A_3278 = arith.minimumf %min3A_3272, %add3A_3277 : vector<8x2048xf32>
    %get3A_3279 = arith.constant 552 : index
    %get3A_3280 = arith.constant 0 : index
    %get3A_3281 = vector.load %arg9[%get3A_3279, %get3A_3280] : memref<1024x2048xf32, #tpu.memory_space<vmem>>, vector<8x2048xf32>
    %add3A_3282 = vector.broadcast %get3A_2865 : vector<1x2048xf32> to vector<8x2048xf32>
    %add3A_3283 = arith.addf %add3A_3282, %get3A_3281 : vector<8x2048xf32>
    %min3A_3284 = arith.minimumf %min3A_3278, %add3A_3283 : vector<8x2048xf32>
    %get3A_3285 = arith.constant 560 : index
    %get3A_3286 = arith.constant 0 : index
    %get3A_3287 = vector.load %arg9[%get3A_3285, %get3A_3286] : memref<1024x2048xf32, #tpu.memory_space<vmem>>, vector<8x2048xf32>
    %add3A_3288 = vector.broadcast %get3A_2865 : vector<1x2048xf32> to vector<8x2048xf32>
    %add3A_3289 = arith.addf %add3A_3288, %get3A_3287 : vector<8x2048xf32>
    %min3A_3290 = arith.minimumf %min3A_3284, %add3A_3289 : vector<8x2048xf32>
    %get3A_3291 = arith.constant 568 : index
    %get3A_3292 = arith.constant 0 : index
    %get3A_3293 = vector.load %arg9[%get3A_3291, %get3A_3292] : memref<1024x2048xf32, #tpu.memory_space<vmem>>, vector<8x2048xf32>
    %add3A_3294 = vector.broadcast %get3A_2865 : vector<1x2048xf32> to vector<8x2048xf32>
    %add3A_3295 = arith.addf %add3A_3294, %get3A_3293 : vector<8x2048xf32>
    %min3A_3296 = arith.minimumf %min3A_3290, %add3A_3295 : vector<8x2048xf32>
    %get3A_3297 = arith.constant 576 : index
    %get3A_3298 = arith.constant 0 : index
    %get3A_3299 = vector.load %arg9[%get3A_3297, %get3A_3298] : memref<1024x2048xf32, #tpu.memory_space<vmem>>, vector<8x2048xf32>
    %add3A_3300 = vector.broadcast %get3A_2865 : vector<1x2048xf32> to vector<8x2048xf32>
    %add3A_3301 = arith.addf %add3A_3300, %get3A_3299 : vector<8x2048xf32>
    %min3A_3302 = arith.minimumf %min3A_3296, %add3A_3301 : vector<8x2048xf32>
    %get3A_3303 = arith.constant 584 : index
    %get3A_3304 = arith.constant 0 : index
    %get3A_3305 = vector.load %arg9[%get3A_3303, %get3A_3304] : memref<1024x2048xf32, #tpu.memory_space<vmem>>, vector<8x2048xf32>
    %add3A_3306 = vector.broadcast %get3A_2865 : vector<1x2048xf32> to vector<8x2048xf32>
    %add3A_3307 = arith.addf %add3A_3306, %get3A_3305 : vector<8x2048xf32>
    %min3A_3308 = arith.minimumf %min3A_3302, %add3A_3307 : vector<8x2048xf32>
    %get3A_3309 = arith.constant 592 : index
    %get3A_3310 = arith.constant 0 : index
    %get3A_3311 = vector.load %arg9[%get3A_3309, %get3A_3310] : memref<1024x2048xf32, #tpu.memory_space<vmem>>, vector<8x2048xf32>
    %add3A_3312 = vector.broadcast %get3A_2865 : vector<1x2048xf32> to vector<8x2048xf32>
    %add3A_3313 = arith.addf %add3A_3312, %get3A_3311 : vector<8x2048xf32>
    %min3A_3314 = arith.minimumf %min3A_3308, %add3A_3313 : vector<8x2048xf32>
    %get3A_3315 = arith.constant 600 : index
    %get3A_3316 = arith.constant 0 : index
    %get3A_3317 = vector.load %arg9[%get3A_3315, %get3A_3316] : memref<1024x2048xf32, #tpu.memory_space<vmem>>, vector<8x2048xf32>
    %add3A_3318 = vector.broadcast %get3A_2865 : vector<1x2048xf32> to vector<8x2048xf32>
    %add3A_3319 = arith.addf %add3A_3318, %get3A_3317 : vector<8x2048xf32>
    %min3A_3320 = arith.minimumf %min3A_3314, %add3A_3319 : vector<8x2048xf32>
    %get3A_3321 = arith.constant 608 : index
    %get3A_3322 = arith.constant 0 : index
    %get3A_3323 = vector.load %arg9[%get3A_3321, %get3A_3322] : memref<1024x2048xf32, #tpu.memory_space<vmem>>, vector<8x2048xf32>
    %add3A_3324 = vector.broadcast %get3A_2865 : vector<1x2048xf32> to vector<8x2048xf32>
    %add3A_3325 = arith.addf %add3A_3324, %get3A_3323 : vector<8x2048xf32>
    %min3A_3326 = arith.minimumf %min3A_3320, %add3A_3325 : vector<8x2048xf32>
    %get3A_3327 = arith.constant 616 : index
    %get3A_3328 = arith.constant 0 : index
    %get3A_3329 = vector.load %arg9[%get3A_3327, %get3A_3328] : memref<1024x2048xf32, #tpu.memory_space<vmem>>, vector<8x2048xf32>
    %add3A_3330 = vector.broadcast %get3A_2865 : vector<1x2048xf32> to vector<8x2048xf32>
    %add3A_3331 = arith.addf %add3A_3330, %get3A_3329 : vector<8x2048xf32>
    %min3A_3332 = arith.minimumf %min3A_3326, %add3A_3331 : vector<8x2048xf32>
    %get3A_3333 = arith.constant 624 : index
    %get3A_3334 = arith.constant 0 : index
    %get3A_3335 = vector.load %arg9[%get3A_3333, %get3A_3334] : memref<1024x2048xf32, #tpu.memory_space<vmem>>, vector<8x2048xf32>
    %add3A_3336 = vector.broadcast %get3A_2865 : vector<1x2048xf32> to vector<8x2048xf32>
    %add3A_3337 = arith.addf %add3A_3336, %get3A_3335 : vector<8x2048xf32>
    %min3A_3338 = arith.minimumf %min3A_3332, %add3A_3337 : vector<8x2048xf32>
    %get3A_3339 = arith.constant 632 : index
    %get3A_3340 = arith.constant 0 : index
    %get3A_3341 = vector.load %arg9[%get3A_3339, %get3A_3340] : memref<1024x2048xf32, #tpu.memory_space<vmem>>, vector<8x2048xf32>
    %add3A_3342 = vector.broadcast %get3A_2865 : vector<1x2048xf32> to vector<8x2048xf32>
    %add3A_3343 = arith.addf %add3A_3342, %get3A_3341 : vector<8x2048xf32>
    %min3A_3344 = arith.minimumf %min3A_3338, %add3A_3343 : vector<8x2048xf32>
    %get3A_3345 = arith.constant 640 : index
    %get3A_3346 = arith.constant 0 : index
    %get3A_3347 = vector.load %arg9[%get3A_3345, %get3A_3346] : memref<1024x2048xf32, #tpu.memory_space<vmem>>, vector<8x2048xf32>
    %add3A_3348 = vector.broadcast %get3A_2865 : vector<1x2048xf32> to vector<8x2048xf32>
    %add3A_3349 = arith.addf %add3A_3348, %get3A_3347 : vector<8x2048xf32>
    %min3A_3350 = arith.minimumf %min3A_3344, %add3A_3349 : vector<8x2048xf32>
    %get3A_3351 = arith.constant 648 : index
    %get3A_3352 = arith.constant 0 : index
    %get3A_3353 = vector.load %arg9[%get3A_3351, %get3A_3352] : memref<1024x2048xf32, #tpu.memory_space<vmem>>, vector<8x2048xf32>
    %add3A_3354 = vector.broadcast %get3A_2865 : vector<1x2048xf32> to vector<8x2048xf32>
    %add3A_3355 = arith.addf %add3A_3354, %get3A_3353 : vector<8x2048xf32>
    %min3A_3356 = arith.minimumf %min3A_3350, %add3A_3355 : vector<8x2048xf32>
    %get3A_3357 = arith.constant 656 : index
    %get3A_3358 = arith.constant 0 : index
    %get3A_3359 = vector.load %arg9[%get3A_3357, %get3A_3358] : memref<1024x2048xf32, #tpu.memory_space<vmem>>, vector<8x2048xf32>
    %add3A_3360 = vector.broadcast %get3A_2865 : vector<1x2048xf32> to vector<8x2048xf32>
    %add3A_3361 = arith.addf %add3A_3360, %get3A_3359 : vector<8x2048xf32>
    %min3A_3362 = arith.minimumf %min3A_3356, %add3A_3361 : vector<8x2048xf32>
    %get3A_3363 = arith.constant 664 : index
    %get3A_3364 = arith.constant 0 : index
    %get3A_3365 = vector.load %arg9[%get3A_3363, %get3A_3364] : memref<1024x2048xf32, #tpu.memory_space<vmem>>, vector<8x2048xf32>
    %add3A_3366 = vector.broadcast %get3A_2865 : vector<1x2048xf32> to vector<8x2048xf32>
    %add3A_3367 = arith.addf %add3A_3366, %get3A_3365 : vector<8x2048xf32>
    %min3A_3368 = arith.minimumf %min3A_3362, %add3A_3367 : vector<8x2048xf32>
    %get3A_3369 = arith.constant 672 : index
    %get3A_3370 = arith.constant 0 : index
    %get3A_3371 = vector.load %arg9[%get3A_3369, %get3A_3370] : memref<1024x2048xf32, #tpu.memory_space<vmem>>, vector<8x2048xf32>
    %add3A_3372 = vector.broadcast %get3A_2865 : vector<1x2048xf32> to vector<8x2048xf32>
    %add3A_3373 = arith.addf %add3A_3372, %get3A_3371 : vector<8x2048xf32>
    %min3A_3374 = arith.minimumf %min3A_3368, %add3A_3373 : vector<8x2048xf32>
    %get3A_3375 = arith.constant 680 : index
    %get3A_3376 = arith.constant 0 : index
    %get3A_3377 = vector.load %arg9[%get3A_3375, %get3A_3376] : memref<1024x2048xf32, #tpu.memory_space<vmem>>, vector<8x2048xf32>
    %add3A_3378 = vector.broadcast %get3A_2865 : vector<1x2048xf32> to vector<8x2048xf32>
    %add3A_3379 = arith.addf %add3A_3378, %get3A_3377 : vector<8x2048xf32>
    %min3A_3380 = arith.minimumf %min3A_3374, %add3A_3379 : vector<8x2048xf32>
    %get3A_3381 = arith.constant 688 : index
    %get3A_3382 = arith.constant 0 : index
    %get3A_3383 = vector.load %arg9[%get3A_3381, %get3A_3382] : memref<1024x2048xf32, #tpu.memory_space<vmem>>, vector<8x2048xf32>
    %add3A_3384 = vector.broadcast %get3A_2865 : vector<1x2048xf32> to vector<8x2048xf32>
    %add3A_3385 = arith.addf %add3A_3384, %get3A_3383 : vector<8x2048xf32>
    %min3A_3386 = arith.minimumf %min3A_3380, %add3A_3385 : vector<8x2048xf32>
    %get3A_3387 = arith.constant 696 : index
    %get3A_3388 = arith.constant 0 : index
    %get3A_3389 = vector.load %arg9[%get3A_3387, %get3A_3388] : memref<1024x2048xf32, #tpu.memory_space<vmem>>, vector<8x2048xf32>
    %add3A_3390 = vector.broadcast %get3A_2865 : vector<1x2048xf32> to vector<8x2048xf32>
    %add3A_3391 = arith.addf %add3A_3390, %get3A_3389 : vector<8x2048xf32>
    %min3A_3392 = arith.minimumf %min3A_3386, %add3A_3391 : vector<8x2048xf32>
    %get3A_3393 = arith.constant 704 : index
    %get3A_3394 = arith.constant 0 : index
    %get3A_3395 = vector.load %arg9[%get3A_3393, %get3A_3394] : memref<1024x2048xf32, #tpu.memory_space<vmem>>, vector<8x2048xf32>
    %add3A_3396 = vector.broadcast %get3A_2865 : vector<1x2048xf32> to vector<8x2048xf32>
    %add3A_3397 = arith.addf %add3A_3396, %get3A_3395 : vector<8x2048xf32>
    %min3A_3398 = arith.minimumf %min3A_3392, %add3A_3397 : vector<8x2048xf32>
    %get3A_3399 = arith.constant 712 : index
    %get3A_3400 = arith.constant 0 : index
    %get3A_3401 = vector.load %arg9[%get3A_3399, %get3A_3400] : memref<1024x2048xf32, #tpu.memory_space<vmem>>, vector<8x2048xf32>
    %add3A_3402 = vector.broadcast %get3A_2865 : vector<1x2048xf32> to vector<8x2048xf32>
    %add3A_3403 = arith.addf %add3A_3402, %get3A_3401 : vector<8x2048xf32>
    %min3A_3404 = arith.minimumf %min3A_3398, %add3A_3403 : vector<8x2048xf32>
    %get3A_3405 = arith.constant 720 : index
    %get3A_3406 = arith.constant 0 : index
    %get3A_3407 = vector.load %arg9[%get3A_3405, %get3A_3406] : memref<1024x2048xf32, #tpu.memory_space<vmem>>, vector<8x2048xf32>
    %add3A_3408 = vector.broadcast %get3A_2865 : vector<1x2048xf32> to vector<8x2048xf32>
    %add3A_3409 = arith.addf %add3A_3408, %get3A_3407 : vector<8x2048xf32>
    %min3A_3410 = arith.minimumf %min3A_3404, %add3A_3409 : vector<8x2048xf32>
    %get3A_3411 = arith.constant 728 : index
    %get3A_3412 = arith.constant 0 : index
    %get3A_3413 = vector.load %arg9[%get3A_3411, %get3A_3412] : memref<1024x2048xf32, #tpu.memory_space<vmem>>, vector<8x2048xf32>
    %add3A_3414 = vector.broadcast %get3A_2865 : vector<1x2048xf32> to vector<8x2048xf32>
    %add3A_3415 = arith.addf %add3A_3414, %get3A_3413 : vector<8x2048xf32>
    %min3A_3416 = arith.minimumf %min3A_3410, %add3A_3415 : vector<8x2048xf32>
    %get3A_3417 = arith.constant 736 : index
    %get3A_3418 = arith.constant 0 : index
    %get3A_3419 = vector.load %arg9[%get3A_3417, %get3A_3418] : memref<1024x2048xf32, #tpu.memory_space<vmem>>, vector<8x2048xf32>
    %add3A_3420 = vector.broadcast %get3A_2865 : vector<1x2048xf32> to vector<8x2048xf32>
    %add3A_3421 = arith.addf %add3A_3420, %get3A_3419 : vector<8x2048xf32>
    %min3A_3422 = arith.minimumf %min3A_3416, %add3A_3421 : vector<8x2048xf32>
    %get3A_3423 = arith.constant 744 : index
    %get3A_3424 = arith.constant 0 : index
    %get3A_3425 = vector.load %arg9[%get3A_3423, %get3A_3424] : memref<1024x2048xf32, #tpu.memory_space<vmem>>, vector<8x2048xf32>
    %add3A_3426 = vector.broadcast %get3A_2865 : vector<1x2048xf32> to vector<8x2048xf32>
    %add3A_3427 = arith.addf %add3A_3426, %get3A_3425 : vector<8x2048xf32>
    %min3A_3428 = arith.minimumf %min3A_3422, %add3A_3427 : vector<8x2048xf32>
    %get3A_3429 = arith.constant 752 : index
    %get3A_3430 = arith.constant 0 : index
    %get3A_3431 = vector.load %arg9[%get3A_3429, %get3A_3430] : memref<1024x2048xf32, #tpu.memory_space<vmem>>, vector<8x2048xf32>
    %add3A_3432 = vector.broadcast %get3A_2865 : vector<1x2048xf32> to vector<8x2048xf32>
    %add3A_3433 = arith.addf %add3A_3432, %get3A_3431 : vector<8x2048xf32>
    %min3A_3434 = arith.minimumf %min3A_3428, %add3A_3433 : vector<8x2048xf32>
    %get3A_3435 = arith.constant 760 : index
    %get3A_3436 = arith.constant 0 : index
    %get3A_3437 = vector.load %arg9[%get3A_3435, %get3A_3436] : memref<1024x2048xf32, #tpu.memory_space<vmem>>, vector<8x2048xf32>
    %add3A_3438 = vector.broadcast %get3A_2865 : vector<1x2048xf32> to vector<8x2048xf32>
    %add3A_3439 = arith.addf %add3A_3438, %get3A_3437 : vector<8x2048xf32>
    %min3A_3440 = arith.minimumf %min3A_3434, %add3A_3439 : vector<8x2048xf32>
    %get3A_3441 = arith.constant 768 : index
    %get3A_3442 = arith.constant 0 : index
    %get3A_3443 = vector.load %arg9[%get3A_3441, %get3A_3442] : memref<1024x2048xf32, #tpu.memory_space<vmem>>, vector<8x2048xf32>
    %add3A_3444 = vector.broadcast %get3A_2865 : vector<1x2048xf32> to vector<8x2048xf32>
    %add3A_3445 = arith.addf %add3A_3444, %get3A_3443 : vector<8x2048xf32>
    %min3A_3446 = arith.minimumf %min3A_3440, %add3A_3445 : vector<8x2048xf32>
    %get3A_3447 = arith.constant 776 : index
    %get3A_3448 = arith.constant 0 : index
    %get3A_3449 = vector.load %arg9[%get3A_3447, %get3A_3448] : memref<1024x2048xf32, #tpu.memory_space<vmem>>, vector<8x2048xf32>
    %add3A_3450 = vector.broadcast %get3A_2865 : vector<1x2048xf32> to vector<8x2048xf32>
    %add3A_3451 = arith.addf %add3A_3450, %get3A_3449 : vector<8x2048xf32>
    %min3A_3452 = arith.minimumf %min3A_3446, %add3A_3451 : vector<8x2048xf32>
    %get3A_3453 = arith.constant 784 : index
    %get3A_3454 = arith.constant 0 : index
    %get3A_3455 = vector.load %arg9[%get3A_3453, %get3A_3454] : memref<1024x2048xf32, #tpu.memory_space<vmem>>, vector<8x2048xf32>
    %add3A_3456 = vector.broadcast %get3A_2865 : vector<1x2048xf32> to vector<8x2048xf32>
    %add3A_3457 = arith.addf %add3A_3456, %get3A_3455 : vector<8x2048xf32>
    %min3A_3458 = arith.minimumf %min3A_3452, %add3A_3457 : vector<8x2048xf32>
    %get3A_3459 = arith.constant 792 : index
    %get3A_3460 = arith.constant 0 : index
    %get3A_3461 = vector.load %arg9[%get3A_3459, %get3A_3460] : memref<1024x2048xf32, #tpu.memory_space<vmem>>, vector<8x2048xf32>
    %add3A_3462 = vector.broadcast %get3A_2865 : vector<1x2048xf32> to vector<8x2048xf32>
    %add3A_3463 = arith.addf %add3A_3462, %get3A_3461 : vector<8x2048xf32>
    %min3A_3464 = arith.minimumf %min3A_3458, %add3A_3463 : vector<8x2048xf32>
    %get3A_3465 = arith.constant 800 : index
    %get3A_3466 = arith.constant 0 : index
    %get3A_3467 = vector.load %arg9[%get3A_3465, %get3A_3466] : memref<1024x2048xf32, #tpu.memory_space<vmem>>, vector<8x2048xf32>
    %add3A_3468 = vector.broadcast %get3A_2865 : vector<1x2048xf32> to vector<8x2048xf32>
    %add3A_3469 = arith.addf %add3A_3468, %get3A_3467 : vector<8x2048xf32>
    %min3A_3470 = arith.minimumf %min3A_3464, %add3A_3469 : vector<8x2048xf32>
    %get3A_3471 = arith.constant 808 : index
    %get3A_3472 = arith.constant 0 : index
    %get3A_3473 = vector.load %arg9[%get3A_3471, %get3A_3472] : memref<1024x2048xf32, #tpu.memory_space<vmem>>, vector<8x2048xf32>
    %add3A_3474 = vector.broadcast %get3A_2865 : vector<1x2048xf32> to vector<8x2048xf32>
    %add3A_3475 = arith.addf %add3A_3474, %get3A_3473 : vector<8x2048xf32>
    %min3A_3476 = arith.minimumf %min3A_3470, %add3A_3475 : vector<8x2048xf32>
    %get3A_3477 = arith.constant 816 : index
    %get3A_3478 = arith.constant 0 : index
    %get3A_3479 = vector.load %arg9[%get3A_3477, %get3A_3478] : memref<1024x2048xf32, #tpu.memory_space<vmem>>, vector<8x2048xf32>
    %add3A_3480 = vector.broadcast %get3A_2865 : vector<1x2048xf32> to vector<8x2048xf32>
    %add3A_3481 = arith.addf %add3A_3480, %get3A_3479 : vector<8x2048xf32>
    %min3A_3482 = arith.minimumf %min3A_3476, %add3A_3481 : vector<8x2048xf32>
    %get3A_3483 = arith.constant 824 : index
    %get3A_3484 = arith.constant 0 : index
    %get3A_3485 = vector.load %arg9[%get3A_3483, %get3A_3484] : memref<1024x2048xf32, #tpu.memory_space<vmem>>, vector<8x2048xf32>
    %add3A_3486 = vector.broadcast %get3A_2865 : vector<1x2048xf32> to vector<8x2048xf32>
    %add3A_3487 = arith.addf %add3A_3486, %get3A_3485 : vector<8x2048xf32>
    %min3A_3488 = arith.minimumf %min3A_3482, %add3A_3487 : vector<8x2048xf32>
    %get3A_3489 = arith.constant 832 : index
    %get3A_3490 = arith.constant 0 : index
    %get3A_3491 = vector.load %arg9[%get3A_3489, %get3A_3490] : memref<1024x2048xf32, #tpu.memory_space<vmem>>, vector<8x2048xf32>
    %add3A_3492 = vector.broadcast %get3A_2865 : vector<1x2048xf32> to vector<8x2048xf32>
    %add3A_3493 = arith.addf %add3A_3492, %get3A_3491 : vector<8x2048xf32>
    %min3A_3494 = arith.minimumf %min3A_3488, %add3A_3493 : vector<8x2048xf32>
    %get3A_3495 = arith.constant 840 : index
    %get3A_3496 = arith.constant 0 : index
    %get3A_3497 = vector.load %arg9[%get3A_3495, %get3A_3496] : memref<1024x2048xf32, #tpu.memory_space<vmem>>, vector<8x2048xf32>
    %add3A_3498 = vector.broadcast %get3A_2865 : vector<1x2048xf32> to vector<8x2048xf32>
    %add3A_3499 = arith.addf %add3A_3498, %get3A_3497 : vector<8x2048xf32>
    %min3A_3500 = arith.minimumf %min3A_3494, %add3A_3499 : vector<8x2048xf32>
    %get3A_3501 = arith.constant 848 : index
    %get3A_3502 = arith.constant 0 : index
    %get3A_3503 = vector.load %arg9[%get3A_3501, %get3A_3502] : memref<1024x2048xf32, #tpu.memory_space<vmem>>, vector<8x2048xf32>
    %add3A_3504 = vector.broadcast %get3A_2865 : vector<1x2048xf32> to vector<8x2048xf32>
    %add3A_3505 = arith.addf %add3A_3504, %get3A_3503 : vector<8x2048xf32>
    %min3A_3506 = arith.minimumf %min3A_3500, %add3A_3505 : vector<8x2048xf32>
    %get3A_3507 = arith.constant 856 : index
    %get3A_3508 = arith.constant 0 : index
    %get3A_3509 = vector.load %arg9[%get3A_3507, %get3A_3508] : memref<1024x2048xf32, #tpu.memory_space<vmem>>, vector<8x2048xf32>
    %add3A_3510 = vector.broadcast %get3A_2865 : vector<1x2048xf32> to vector<8x2048xf32>
    %add3A_3511 = arith.addf %add3A_3510, %get3A_3509 : vector<8x2048xf32>
    %min3A_3512 = arith.minimumf %min3A_3506, %add3A_3511 : vector<8x2048xf32>
    %get3A_3513 = arith.constant 864 : index
    %get3A_3514 = arith.constant 0 : index
    %get3A_3515 = vector.load %arg9[%get3A_3513, %get3A_3514] : memref<1024x2048xf32, #tpu.memory_space<vmem>>, vector<8x2048xf32>
    %add3A_3516 = vector.broadcast %get3A_2865 : vector<1x2048xf32> to vector<8x2048xf32>
    %add3A_3517 = arith.addf %add3A_3516, %get3A_3515 : vector<8x2048xf32>
    %min3A_3518 = arith.minimumf %min3A_3512, %add3A_3517 : vector<8x2048xf32>
    %get3A_3519 = arith.constant 872 : index
    %get3A_3520 = arith.constant 0 : index
    %get3A_3521 = vector.load %arg9[%get3A_3519, %get3A_3520] : memref<1024x2048xf32, #tpu.memory_space<vmem>>, vector<8x2048xf32>
    %add3A_3522 = vector.broadcast %get3A_2865 : vector<1x2048xf32> to vector<8x2048xf32>
    %add3A_3523 = arith.addf %add3A_3522, %get3A_3521 : vector<8x2048xf32>
    %min3A_3524 = arith.minimumf %min3A_3518, %add3A_3523 : vector<8x2048xf32>
    %get3A_3525 = arith.constant 880 : index
    %get3A_3526 = arith.constant 0 : index
    %get3A_3527 = vector.load %arg9[%get3A_3525, %get3A_3526] : memref<1024x2048xf32, #tpu.memory_space<vmem>>, vector<8x2048xf32>
    %add3A_3528 = vector.broadcast %get3A_2865 : vector<1x2048xf32> to vector<8x2048xf32>
    %add3A_3529 = arith.addf %add3A_3528, %get3A_3527 : vector<8x2048xf32>
    %min3A_3530 = arith.minimumf %min3A_3524, %add3A_3529 : vector<8x2048xf32>
    %get3A_3531 = arith.constant 888 : index
    %get3A_3532 = arith.constant 0 : index
    %get3A_3533 = vector.load %arg9[%get3A_3531, %get3A_3532] : memref<1024x2048xf32, #tpu.memory_space<vmem>>, vector<8x2048xf32>
    %add3A_3534 = vector.broadcast %get3A_2865 : vector<1x2048xf32> to vector<8x2048xf32>
    %add3A_3535 = arith.addf %add3A_3534, %get3A_3533 : vector<8x2048xf32>
    %min3A_3536 = arith.minimumf %min3A_3530, %add3A_3535 : vector<8x2048xf32>
    %get3A_3537 = arith.constant 896 : index
    %get3A_3538 = arith.constant 0 : index
    %get3A_3539 = vector.load %arg9[%get3A_3537, %get3A_3538] : memref<1024x2048xf32, #tpu.memory_space<vmem>>, vector<8x2048xf32>
    %add3A_3540 = vector.broadcast %get3A_2865 : vector<1x2048xf32> to vector<8x2048xf32>
    %add3A_3541 = arith.addf %add3A_3540, %get3A_3539 : vector<8x2048xf32>
    %min3A_3542 = arith.minimumf %min3A_3536, %add3A_3541 : vector<8x2048xf32>
    %get3A_3543 = arith.constant 904 : index
    %get3A_3544 = arith.constant 0 : index
    %get3A_3545 = vector.load %arg9[%get3A_3543, %get3A_3544] : memref<1024x2048xf32, #tpu.memory_space<vmem>>, vector<8x2048xf32>
    %add3A_3546 = vector.broadcast %get3A_2865 : vector<1x2048xf32> to vector<8x2048xf32>
    %add3A_3547 = arith.addf %add3A_3546, %get3A_3545 : vector<8x2048xf32>
    %min3A_3548 = arith.minimumf %min3A_3542, %add3A_3547 : vector<8x2048xf32>
    %get3A_3549 = arith.constant 912 : index
    %get3A_3550 = arith.constant 0 : index
    %get3A_3551 = vector.load %arg9[%get3A_3549, %get3A_3550] : memref<1024x2048xf32, #tpu.memory_space<vmem>>, vector<8x2048xf32>
    %add3A_3552 = vector.broadcast %get3A_2865 : vector<1x2048xf32> to vector<8x2048xf32>
    %add3A_3553 = arith.addf %add3A_3552, %get3A_3551 : vector<8x2048xf32>
    %min3A_3554 = arith.minimumf %min3A_3548, %add3A_3553 : vector<8x2048xf32>
    %get3A_3555 = arith.constant 920 : index
    %get3A_3556 = arith.constant 0 : index
    %get3A_3557 = vector.load %arg9[%get3A_3555, %get3A_3556] : memref<1024x2048xf32, #tpu.memory_space<vmem>>, vector<8x2048xf32>
    %add3A_3558 = vector.broadcast %get3A_2865 : vector<1x2048xf32> to vector<8x2048xf32>
    %add3A_3559 = arith.addf %add3A_3558, %get3A_3557 : vector<8x2048xf32>
    %min3A_3560 = arith.minimumf %min3A_3554, %add3A_3559 : vector<8x2048xf32>
    %get3A_3561 = arith.constant 928 : index
    %get3A_3562 = arith.constant 0 : index
    %get3A_3563 = vector.load %arg9[%get3A_3561, %get3A_3562] : memref<1024x2048xf32, #tpu.memory_space<vmem>>, vector<8x2048xf32>
    %add3A_3564 = vector.broadcast %get3A_2865 : vector<1x2048xf32> to vector<8x2048xf32>
    %add3A_3565 = arith.addf %add3A_3564, %get3A_3563 : vector<8x2048xf32>
    %min3A_3566 = arith.minimumf %min3A_3560, %add3A_3565 : vector<8x2048xf32>
    %get3A_3567 = arith.constant 936 : index
    %get3A_3568 = arith.constant 0 : index
    %get3A_3569 = vector.load %arg9[%get3A_3567, %get3A_3568] : memref<1024x2048xf32, #tpu.memory_space<vmem>>, vector<8x2048xf32>
    %add3A_3570 = vector.broadcast %get3A_2865 : vector<1x2048xf32> to vector<8x2048xf32>
    %add3A_3571 = arith.addf %add3A_3570, %get3A_3569 : vector<8x2048xf32>
    %min3A_3572 = arith.minimumf %min3A_3566, %add3A_3571 : vector<8x2048xf32>
    %get3A_3573 = arith.constant 944 : index
    %get3A_3574 = arith.constant 0 : index
    %get3A_3575 = vector.load %arg9[%get3A_3573, %get3A_3574] : memref<1024x2048xf32, #tpu.memory_space<vmem>>, vector<8x2048xf32>
    %add3A_3576 = vector.broadcast %get3A_2865 : vector<1x2048xf32> to vector<8x2048xf32>
    %add3A_3577 = arith.addf %add3A_3576, %get3A_3575 : vector<8x2048xf32>
    %min3A_3578 = arith.minimumf %min3A_3572, %add3A_3577 : vector<8x2048xf32>
    %get3A_3579 = arith.constant 952 : index
    %get3A_3580 = arith.constant 0 : index
    %get3A_3581 = vector.load %arg9[%get3A_3579, %get3A_3580] : memref<1024x2048xf32, #tpu.memory_space<vmem>>, vector<8x2048xf32>
    %add3A_3582 = vector.broadcast %get3A_2865 : vector<1x2048xf32> to vector<8x2048xf32>
    %add3A_3583 = arith.addf %add3A_3582, %get3A_3581 : vector<8x2048xf32>
    %min3A_3584 = arith.minimumf %min3A_3578, %add3A_3583 : vector<8x2048xf32>
    %get3A_3585 = arith.constant 960 : index
    %get3A_3586 = arith.constant 0 : index
    %get3A_3587 = vector.load %arg9[%get3A_3585, %get3A_3586] : memref<1024x2048xf32, #tpu.memory_space<vmem>>, vector<8x2048xf32>
    %add3A_3588 = vector.broadcast %get3A_2865 : vector<1x2048xf32> to vector<8x2048xf32>
    %add3A_3589 = arith.addf %add3A_3588, %get3A_3587 : vector<8x2048xf32>
    %min3A_3590 = arith.minimumf %min3A_3584, %add3A_3589 : vector<8x2048xf32>
    %get3A_3591 = arith.constant 968 : index
    %get3A_3592 = arith.constant 0 : index
    %get3A_3593 = vector.load %arg9[%get3A_3591, %get3A_3592] : memref<1024x2048xf32, #tpu.memory_space<vmem>>, vector<8x2048xf32>
    %add3A_3594 = vector.broadcast %get3A_2865 : vector<1x2048xf32> to vector<8x2048xf32>
    %add3A_3595 = arith.addf %add3A_3594, %get3A_3593 : vector<8x2048xf32>
    %min3A_3596 = arith.minimumf %min3A_3590, %add3A_3595 : vector<8x2048xf32>
    %get3A_3597 = arith.constant 976 : index
    %get3A_3598 = arith.constant 0 : index
    %get3A_3599 = vector.load %arg9[%get3A_3597, %get3A_3598] : memref<1024x2048xf32, #tpu.memory_space<vmem>>, vector<8x2048xf32>
    %add3A_3600 = vector.broadcast %get3A_2865 : vector<1x2048xf32> to vector<8x2048xf32>
    %add3A_3601 = arith.addf %add3A_3600, %get3A_3599 : vector<8x2048xf32>
    %min3A_3602 = arith.minimumf %min3A_3596, %add3A_3601 : vector<8x2048xf32>
    %get3A_3603 = arith.constant 984 : index
    %get3A_3604 = arith.constant 0 : index
    %get3A_3605 = vector.load %arg9[%get3A_3603, %get3A_3604] : memref<1024x2048xf32, #tpu.memory_space<vmem>>, vector<8x2048xf32>
    %add3A_3606 = vector.broadcast %get3A_2865 : vector<1x2048xf32> to vector<8x2048xf32>
    %add3A_3607 = arith.addf %add3A_3606, %get3A_3605 : vector<8x2048xf32>
    %min3A_3608 = arith.minimumf %min3A_3602, %add3A_3607 : vector<8x2048xf32>
    %get3A_3609 = arith.constant 992 : index
    %get3A_3610 = arith.constant 0 : index
    %get3A_3611 = vector.load %arg9[%get3A_3609, %get3A_3610] : memref<1024x2048xf32, #tpu.memory_space<vmem>>, vector<8x2048xf32>
    %add3A_3612 = vector.broadcast %get3A_2865 : vector<1x2048xf32> to vector<8x2048xf32>
    %add3A_3613 = arith.addf %add3A_3612, %get3A_3611 : vector<8x2048xf32>
    %min3A_3614 = arith.minimumf %min3A_3608, %add3A_3613 : vector<8x2048xf32>
    %get3A_3615 = arith.constant 1000 : index
    %get3A_3616 = arith.constant 0 : index
    %get3A_3617 = vector.load %arg9[%get3A_3615, %get3A_3616] : memref<1024x2048xf32, #tpu.memory_space<vmem>>, vector<8x2048xf32>
    %add3A_3618 = vector.broadcast %get3A_2865 : vector<1x2048xf32> to vector<8x2048xf32>
    %add3A_3619 = arith.addf %add3A_3618, %get3A_3617 : vector<8x2048xf32>
    %min3A_3620 = arith.minimumf %min3A_3614, %add3A_3619 : vector<8x2048xf32>
    %get3A_3621 = arith.constant 1008 : index
    %get3A_3622 = arith.constant 0 : index
    %get3A_3623 = vector.load %arg9[%get3A_3621, %get3A_3622] : memref<1024x2048xf32, #tpu.memory_space<vmem>>, vector<8x2048xf32>
    %add3A_3624 = vector.broadcast %get3A_2865 : vector<1x2048xf32> to vector<8x2048xf32>
    %add3A_3625 = arith.addf %add3A_3624, %get3A_3623 : vector<8x2048xf32>
    %min3A_3626 = arith.minimumf %min3A_3620, %add3A_3625 : vector<8x2048xf32>
    %get3A_3627 = arith.constant 1016 : index
    %get3A_3628 = arith.constant 0 : index
    %get3A_3629 = vector.load %arg9[%get3A_3627, %get3A_3628] : memref<1024x2048xf32, #tpu.memory_space<vmem>>, vector<8x2048xf32>
    %add3A_3630 = vector.broadcast %get3A_2865 : vector<1x2048xf32> to vector<8x2048xf32>
    %add3A_3631 = arith.addf %add3A_3630, %get3A_3629 : vector<8x2048xf32>
    %min3A_3632 = arith.minimumf %min3A_3626, %add3A_3631 : vector<8x2048xf32>
    %reduce_min3A_3633 = arith.constant dense<0x7F800000> : vector<2048xf32>
    %reduce_min3A_3634 = vector.multi_reduction <minimumf>, %min3A_3632, %reduce_min3A_3633 [0] : vector<8x2048xf32> to vector<2048xf32>
    %broadcast_in_dim3A_3635 = vector.shape_cast %reduce_min3A_3634 : vector<2048xf32> to vector<1x2048xf32>
    %get3A_3636 = arith.constant 0 : index
    %get3A_3637 = arith.constant 0 : index
    %get3A_3638 = vector.load %arg9[%get3A_3636, %get3A_3637] : memref<1024x2048xf32, #tpu.memory_space<vmem>>, vector<8x2048xf32>
    %add3A_3639 = vector.broadcast %get3A_2865 : vector<1x2048xf32> to vector<8x2048xf32>
    %add3A_3640 = arith.addf %add3A_3639, %get3A_3638 : vector<8x2048xf32>
    %eq3A_3641 = vector.broadcast %broadcast_in_dim3A_3635 : vector<1x2048xf32> to vector<8x2048xf32>
    %eq3A_3642 = arith.cmpf oeq, %add3A_3640, %eq3A_3641 : vector<8x2048xf32>
    %get3A_3643 = arith.constant 0 : index
    %get3A_3644 = arith.constant 0 : index
    %get3A_3645 = vector.load %arg4[%get3A_3643, %get3A_3644] : memref<1024x1xf32, #tpu.memory_space<vmem>>, vector<8x1xf32>
    %jit3A_3646 = arith.constant 0.000000e+00 : f32
    %broadcast_in_dim3A_3647 = vector.shape_cast %get3A_3645 : vector<8x1xf32> to vector<8x1xf32>
    %broadcast_in_dim3A_3648 = vector.broadcast %broadcast_in_dim3A_3647 : vector<8x1xf32> to vector<8x2048xf32>
    %broadcast_in_dim3A_3649 = vector.broadcast %jit3A_3646 : f32 to vector<8x2048xf32>
    %select_n3A_3650 = arith.select %eq3A_3642, %broadcast_in_dim3A_3648, %broadcast_in_dim3A_3649 : vector<8x2048xi1>, vector<8x2048xf32>
    %get3A_3651 = arith.constant 8 : index
    %get3A_3652 = arith.constant 0 : index
    %get3A_3653 = vector.load %arg9[%get3A_3651, %get3A_3652] : memref<1024x2048xf32, #tpu.memory_space<vmem>>, vector<8x2048xf32>
    %add3A_3654 = vector.broadcast %get3A_2865 : vector<1x2048xf32> to vector<8x2048xf32>
    %add3A_3655 = arith.addf %add3A_3654, %get3A_3653 : vector<8x2048xf32>
    %eq3A_3656 = vector.broadcast %broadcast_in_dim3A_3635 : vector<1x2048xf32> to vector<8x2048xf32>
    %eq3A_3657 = arith.cmpf oeq, %add3A_3655, %eq3A_3656 : vector<8x2048xf32>
    %get3A_3658 = arith.constant 8 : index
    %get3A_3659 = arith.constant 0 : index
    %get3A_3660 = vector.load %arg4[%get3A_3658, %get3A_3659] : memref<1024x1xf32, #tpu.memory_space<vmem>>, vector<8x1xf32>
    %jit3A_3661 = arith.constant 0.000000e+00 : f32
    %broadcast_in_dim3A_3662 = vector.shape_cast %get3A_3660 : vector<8x1xf32> to vector<8x1xf32>
    %broadcast_in_dim3A_3663 = vector.broadcast %broadcast_in_dim3A_3662 : vector<8x1xf32> to vector<8x2048xf32>
    %broadcast_in_dim3A_3664 = vector.broadcast %jit3A_3661 : f32 to vector<8x2048xf32>
    %select_n3A_3665 = arith.select %eq3A_3657, %broadcast_in_dim3A_3663, %broadcast_in_dim3A_3664 : vector<8x2048xi1>, vector<8x2048xf32>
    %max3A_3666 = arith.maximumf %select_n3A_3650, %select_n3A_3665 : vector<8x2048xf32>
    %get3A_3667 = arith.constant 16 : index
    %get3A_3668 = arith.constant 0 : index
    %get3A_3669 = vector.load %arg9[%get3A_3667, %get3A_3668] : memref<1024x2048xf32, #tpu.memory_space<vmem>>, vector<8x2048xf32>
    %add3A_3670 = vector.broadcast %get3A_2865 : vector<1x2048xf32> to vector<8x2048xf32>
    %add3A_3671 = arith.addf %add3A_3670, %get3A_3669 : vector<8x2048xf32>
    %eq3A_3672 = vector.broadcast %broadcast_in_dim3A_3635 : vector<1x2048xf32> to vector<8x2048xf32>
    %eq3A_3673 = arith.cmpf oeq, %add3A_3671, %eq3A_3672 : vector<8x2048xf32>
    %get3A_3674 = arith.constant 16 : index
    %get3A_3675 = arith.constant 0 : index
    %get3A_3676 = vector.load %arg4[%get3A_3674, %get3A_3675] : memref<1024x1xf32, #tpu.memory_space<vmem>>, vector<8x1xf32>
    %jit3A_3677 = arith.constant 0.000000e+00 : f32
    %broadcast_in_dim3A_3678 = vector.shape_cast %get3A_3676 : vector<8x1xf32> to vector<8x1xf32>
    %broadcast_in_dim3A_3679 = vector.broadcast %broadcast_in_dim3A_3678 : vector<8x1xf32> to vector<8x2048xf32>
    %broadcast_in_dim3A_3680 = vector.broadcast %jit3A_3677 : f32 to vector<8x2048xf32>
    %select_n3A_3681 = arith.select %eq3A_3673, %broadcast_in_dim3A_3679, %broadcast_in_dim3A_3680 : vector<8x2048xi1>, vector<8x2048xf32>
    %max3A_3682 = arith.maximumf %max3A_3666, %select_n3A_3681 : vector<8x2048xf32>
    %get3A_3683 = arith.constant 24 : index
    %get3A_3684 = arith.constant 0 : index
    %get3A_3685 = vector.load %arg9[%get3A_3683, %get3A_3684] : memref<1024x2048xf32, #tpu.memory_space<vmem>>, vector<8x2048xf32>
    %add3A_3686 = vector.broadcast %get3A_2865 : vector<1x2048xf32> to vector<8x2048xf32>
    %add3A_3687 = arith.addf %add3A_3686, %get3A_3685 : vector<8x2048xf32>
    %eq3A_3688 = vector.broadcast %broadcast_in_dim3A_3635 : vector<1x2048xf32> to vector<8x2048xf32>
    %eq3A_3689 = arith.cmpf oeq, %add3A_3687, %eq3A_3688 : vector<8x2048xf32>
    %get3A_3690 = arith.constant 24 : index
    %get3A_3691 = arith.constant 0 : index
    %get3A_3692 = vector.load %arg4[%get3A_3690, %get3A_3691] : memref<1024x1xf32, #tpu.memory_space<vmem>>, vector<8x1xf32>
    %jit3A_3693 = arith.constant 0.000000e+00 : f32
    %broadcast_in_dim3A_3694 = vector.shape_cast %get3A_3692 : vector<8x1xf32> to vector<8x1xf32>
    %broadcast_in_dim3A_3695 = vector.broadcast %broadcast_in_dim3A_3694 : vector<8x1xf32> to vector<8x2048xf32>
    %broadcast_in_dim3A_3696 = vector.broadcast %jit3A_3693 : f32 to vector<8x2048xf32>
    %select_n3A_3697 = arith.select %eq3A_3689, %broadcast_in_dim3A_3695, %broadcast_in_dim3A_3696 : vector<8x2048xi1>, vector<8x2048xf32>
    %max3A_3698 = arith.maximumf %max3A_3682, %select_n3A_3697 : vector<8x2048xf32>
    %get3A_3699 = arith.constant 32 : index
    %get3A_3700 = arith.constant 0 : index
    %get3A_3701 = vector.load %arg9[%get3A_3699, %get3A_3700] : memref<1024x2048xf32, #tpu.memory_space<vmem>>, vector<8x2048xf32>
    %add3A_3702 = vector.broadcast %get3A_2865 : vector<1x2048xf32> to vector<8x2048xf32>
    %add3A_3703 = arith.addf %add3A_3702, %get3A_3701 : vector<8x2048xf32>
    %eq3A_3704 = vector.broadcast %broadcast_in_dim3A_3635 : vector<1x2048xf32> to vector<8x2048xf32>
    %eq3A_3705 = arith.cmpf oeq, %add3A_3703, %eq3A_3704 : vector<8x2048xf32>
    %get3A_3706 = arith.constant 32 : index
    %get3A_3707 = arith.constant 0 : index
    %get3A_3708 = vector.load %arg4[%get3A_3706, %get3A_3707] : memref<1024x1xf32, #tpu.memory_space<vmem>>, vector<8x1xf32>
    %jit3A_3709 = arith.constant 0.000000e+00 : f32
    %broadcast_in_dim3A_3710 = vector.shape_cast %get3A_3708 : vector<8x1xf32> to vector<8x1xf32>
    %broadcast_in_dim3A_3711 = vector.broadcast %broadcast_in_dim3A_3710 : vector<8x1xf32> to vector<8x2048xf32>
    %broadcast_in_dim3A_3712 = vector.broadcast %jit3A_3709 : f32 to vector<8x2048xf32>
    %select_n3A_3713 = arith.select %eq3A_3705, %broadcast_in_dim3A_3711, %broadcast_in_dim3A_3712 : vector<8x2048xi1>, vector<8x2048xf32>
    %max3A_3714 = arith.maximumf %max3A_3698, %select_n3A_3713 : vector<8x2048xf32>
    %get3A_3715 = arith.constant 40 : index
    %get3A_3716 = arith.constant 0 : index
    %get3A_3717 = vector.load %arg9[%get3A_3715, %get3A_3716] : memref<1024x2048xf32, #tpu.memory_space<vmem>>, vector<8x2048xf32>
    %add3A_3718 = vector.broadcast %get3A_2865 : vector<1x2048xf32> to vector<8x2048xf32>
    %add3A_3719 = arith.addf %add3A_3718, %get3A_3717 : vector<8x2048xf32>
    %eq3A_3720 = vector.broadcast %broadcast_in_dim3A_3635 : vector<1x2048xf32> to vector<8x2048xf32>
    %eq3A_3721 = arith.cmpf oeq, %add3A_3719, %eq3A_3720 : vector<8x2048xf32>
    %get3A_3722 = arith.constant 40 : index
    %get3A_3723 = arith.constant 0 : index
    %get3A_3724 = vector.load %arg4[%get3A_3722, %get3A_3723] : memref<1024x1xf32, #tpu.memory_space<vmem>>, vector<8x1xf32>
    %jit3A_3725 = arith.constant 0.000000e+00 : f32
    %broadcast_in_dim3A_3726 = vector.shape_cast %get3A_3724 : vector<8x1xf32> to vector<8x1xf32>
    %broadcast_in_dim3A_3727 = vector.broadcast %broadcast_in_dim3A_3726 : vector<8x1xf32> to vector<8x2048xf32>
    %broadcast_in_dim3A_3728 = vector.broadcast %jit3A_3725 : f32 to vector<8x2048xf32>
    %select_n3A_3729 = arith.select %eq3A_3721, %broadcast_in_dim3A_3727, %broadcast_in_dim3A_3728 : vector<8x2048xi1>, vector<8x2048xf32>
    %max3A_3730 = arith.maximumf %max3A_3714, %select_n3A_3729 : vector<8x2048xf32>
    %get3A_3731 = arith.constant 48 : index
    %get3A_3732 = arith.constant 0 : index
    %get3A_3733 = vector.load %arg9[%get3A_3731, %get3A_3732] : memref<1024x2048xf32, #tpu.memory_space<vmem>>, vector<8x2048xf32>
    %add3A_3734 = vector.broadcast %get3A_2865 : vector<1x2048xf32> to vector<8x2048xf32>
    %add3A_3735 = arith.addf %add3A_3734, %get3A_3733 : vector<8x2048xf32>
    %eq3A_3736 = vector.broadcast %broadcast_in_dim3A_3635 : vector<1x2048xf32> to vector<8x2048xf32>
    %eq3A_3737 = arith.cmpf oeq, %add3A_3735, %eq3A_3736 : vector<8x2048xf32>
    %get3A_3738 = arith.constant 48 : index
    %get3A_3739 = arith.constant 0 : index
    %get3A_3740 = vector.load %arg4[%get3A_3738, %get3A_3739] : memref<1024x1xf32, #tpu.memory_space<vmem>>, vector<8x1xf32>
    %jit3A_3741 = arith.constant 0.000000e+00 : f32
    %broadcast_in_dim3A_3742 = vector.shape_cast %get3A_3740 : vector<8x1xf32> to vector<8x1xf32>
    %broadcast_in_dim3A_3743 = vector.broadcast %broadcast_in_dim3A_3742 : vector<8x1xf32> to vector<8x2048xf32>
    %broadcast_in_dim3A_3744 = vector.broadcast %jit3A_3741 : f32 to vector<8x2048xf32>
    %select_n3A_3745 = arith.select %eq3A_3737, %broadcast_in_dim3A_3743, %broadcast_in_dim3A_3744 : vector<8x2048xi1>, vector<8x2048xf32>
    %max3A_3746 = arith.maximumf %max3A_3730, %select_n3A_3745 : vector<8x2048xf32>
    %get3A_3747 = arith.constant 56 : index
    %get3A_3748 = arith.constant 0 : index
    %get3A_3749 = vector.load %arg9[%get3A_3747, %get3A_3748] : memref<1024x2048xf32, #tpu.memory_space<vmem>>, vector<8x2048xf32>
    %add3A_3750 = vector.broadcast %get3A_2865 : vector<1x2048xf32> to vector<8x2048xf32>
    %add3A_3751 = arith.addf %add3A_3750, %get3A_3749 : vector<8x2048xf32>
    %eq3A_3752 = vector.broadcast %broadcast_in_dim3A_3635 : vector<1x2048xf32> to vector<8x2048xf32>
    %eq3A_3753 = arith.cmpf oeq, %add3A_3751, %eq3A_3752 : vector<8x2048xf32>
    %get3A_3754 = arith.constant 56 : index
    %get3A_3755 = arith.constant 0 : index
    %get3A_3756 = vector.load %arg4[%get3A_3754, %get3A_3755] : memref<1024x1xf32, #tpu.memory_space<vmem>>, vector<8x1xf32>
    %jit3A_3757 = arith.constant 0.000000e+00 : f32
    %broadcast_in_dim3A_3758 = vector.shape_cast %get3A_3756 : vector<8x1xf32> to vector<8x1xf32>
    %broadcast_in_dim3A_3759 = vector.broadcast %broadcast_in_dim3A_3758 : vector<8x1xf32> to vector<8x2048xf32>
    %broadcast_in_dim3A_3760 = vector.broadcast %jit3A_3757 : f32 to vector<8x2048xf32>
    %select_n3A_3761 = arith.select %eq3A_3753, %broadcast_in_dim3A_3759, %broadcast_in_dim3A_3760 : vector<8x2048xi1>, vector<8x2048xf32>
    %max3A_3762 = arith.maximumf %max3A_3746, %select_n3A_3761 : vector<8x2048xf32>
    %get3A_3763 = arith.constant 64 : index
    %get3A_3764 = arith.constant 0 : index
    %get3A_3765 = vector.load %arg9[%get3A_3763, %get3A_3764] : memref<1024x2048xf32, #tpu.memory_space<vmem>>, vector<8x2048xf32>
    %add3A_3766 = vector.broadcast %get3A_2865 : vector<1x2048xf32> to vector<8x2048xf32>
    %add3A_3767 = arith.addf %add3A_3766, %get3A_3765 : vector<8x2048xf32>
    %eq3A_3768 = vector.broadcast %broadcast_in_dim3A_3635 : vector<1x2048xf32> to vector<8x2048xf32>
    %eq3A_3769 = arith.cmpf oeq, %add3A_3767, %eq3A_3768 : vector<8x2048xf32>
    %get3A_3770 = arith.constant 64 : index
    %get3A_3771 = arith.constant 0 : index
    %get3A_3772 = vector.load %arg4[%get3A_3770, %get3A_3771] : memref<1024x1xf32, #tpu.memory_space<vmem>>, vector<8x1xf32>
    %jit3A_3773 = arith.constant 0.000000e+00 : f32
    %broadcast_in_dim3A_3774 = vector.shape_cast %get3A_3772 : vector<8x1xf32> to vector<8x1xf32>
    %broadcast_in_dim3A_3775 = vector.broadcast %broadcast_in_dim3A_3774 : vector<8x1xf32> to vector<8x2048xf32>
    %broadcast_in_dim3A_3776 = vector.broadcast %jit3A_3773 : f32 to vector<8x2048xf32>
    %select_n3A_3777 = arith.select %eq3A_3769, %broadcast_in_dim3A_3775, %broadcast_in_dim3A_3776 : vector<8x2048xi1>, vector<8x2048xf32>
    %max3A_3778 = arith.maximumf %max3A_3762, %select_n3A_3777 : vector<8x2048xf32>
    %get3A_3779 = arith.constant 72 : index
    %get3A_3780 = arith.constant 0 : index
    %get3A_3781 = vector.load %arg9[%get3A_3779, %get3A_3780] : memref<1024x2048xf32, #tpu.memory_space<vmem>>, vector<8x2048xf32>
    %add3A_3782 = vector.broadcast %get3A_2865 : vector<1x2048xf32> to vector<8x2048xf32>
    %add3A_3783 = arith.addf %add3A_3782, %get3A_3781 : vector<8x2048xf32>
    %eq3A_3784 = vector.broadcast %broadcast_in_dim3A_3635 : vector<1x2048xf32> to vector<8x2048xf32>
    %eq3A_3785 = arith.cmpf oeq, %add3A_3783, %eq3A_3784 : vector<8x2048xf32>
    %get3A_3786 = arith.constant 72 : index
    %get3A_3787 = arith.constant 0 : index
    %get3A_3788 = vector.load %arg4[%get3A_3786, %get3A_3787] : memref<1024x1xf32, #tpu.memory_space<vmem>>, vector<8x1xf32>
    %jit3A_3789 = arith.constant 0.000000e+00 : f32
    %broadcast_in_dim3A_3790 = vector.shape_cast %get3A_3788 : vector<8x1xf32> to vector<8x1xf32>
    %broadcast_in_dim3A_3791 = vector.broadcast %broadcast_in_dim3A_3790 : vector<8x1xf32> to vector<8x2048xf32>
    %broadcast_in_dim3A_3792 = vector.broadcast %jit3A_3789 : f32 to vector<8x2048xf32>
    %select_n3A_3793 = arith.select %eq3A_3785, %broadcast_in_dim3A_3791, %broadcast_in_dim3A_3792 : vector<8x2048xi1>, vector<8x2048xf32>
    %max3A_3794 = arith.maximumf %max3A_3778, %select_n3A_3793 : vector<8x2048xf32>
    %get3A_3795 = arith.constant 80 : index
    %get3A_3796 = arith.constant 0 : index
    %get3A_3797 = vector.load %arg9[%get3A_3795, %get3A_3796] : memref<1024x2048xf32, #tpu.memory_space<vmem>>, vector<8x2048xf32>
    %add3A_3798 = vector.broadcast %get3A_2865 : vector<1x2048xf32> to vector<8x2048xf32>
    %add3A_3799 = arith.addf %add3A_3798, %get3A_3797 : vector<8x2048xf32>
    %eq3A_3800 = vector.broadcast %broadcast_in_dim3A_3635 : vector<1x2048xf32> to vector<8x2048xf32>
    %eq3A_3801 = arith.cmpf oeq, %add3A_3799, %eq3A_3800 : vector<8x2048xf32>
    %get3A_3802 = arith.constant 80 : index
    %get3A_3803 = arith.constant 0 : index
    %get3A_3804 = vector.load %arg4[%get3A_3802, %get3A_3803] : memref<1024x1xf32, #tpu.memory_space<vmem>>, vector<8x1xf32>
    %jit3A_3805 = arith.constant 0.000000e+00 : f32
    %broadcast_in_dim3A_3806 = vector.shape_cast %get3A_3804 : vector<8x1xf32> to vector<8x1xf32>
    %broadcast_in_dim3A_3807 = vector.broadcast %broadcast_in_dim3A_3806 : vector<8x1xf32> to vector<8x2048xf32>
    %broadcast_in_dim3A_3808 = vector.broadcast %jit3A_3805 : f32 to vector<8x2048xf32>
    %select_n3A_3809 = arith.select %eq3A_3801, %broadcast_in_dim3A_3807, %broadcast_in_dim3A_3808 : vector<8x2048xi1>, vector<8x2048xf32>
    %max3A_3810 = arith.maximumf %max3A_3794, %select_n3A_3809 : vector<8x2048xf32>
    %get3A_3811 = arith.constant 88 : index
    %get3A_3812 = arith.constant 0 : index
    %get3A_3813 = vector.load %arg9[%get3A_3811, %get3A_3812] : memref<1024x2048xf32, #tpu.memory_space<vmem>>, vector<8x2048xf32>
    %add3A_3814 = vector.broadcast %get3A_2865 : vector<1x2048xf32> to vector<8x2048xf32>
    %add3A_3815 = arith.addf %add3A_3814, %get3A_3813 : vector<8x2048xf32>
    %eq3A_3816 = vector.broadcast %broadcast_in_dim3A_3635 : vector<1x2048xf32> to vector<8x2048xf32>
    %eq3A_3817 = arith.cmpf oeq, %add3A_3815, %eq3A_3816 : vector<8x2048xf32>
    %get3A_3818 = arith.constant 88 : index
    %get3A_3819 = arith.constant 0 : index
    %get3A_3820 = vector.load %arg4[%get3A_3818, %get3A_3819] : memref<1024x1xf32, #tpu.memory_space<vmem>>, vector<8x1xf32>
    %jit3A_3821 = arith.constant 0.000000e+00 : f32
    %broadcast_in_dim3A_3822 = vector.shape_cast %get3A_3820 : vector<8x1xf32> to vector<8x1xf32>
    %broadcast_in_dim3A_3823 = vector.broadcast %broadcast_in_dim3A_3822 : vector<8x1xf32> to vector<8x2048xf32>
    %broadcast_in_dim3A_3824 = vector.broadcast %jit3A_3821 : f32 to vector<8x2048xf32>
    %select_n3A_3825 = arith.select %eq3A_3817, %broadcast_in_dim3A_3823, %broadcast_in_dim3A_3824 : vector<8x2048xi1>, vector<8x2048xf32>
    %max3A_3826 = arith.maximumf %max3A_3810, %select_n3A_3825 : vector<8x2048xf32>
    %get3A_3827 = arith.constant 96 : index
    %get3A_3828 = arith.constant 0 : index
    %get3A_3829 = vector.load %arg9[%get3A_3827, %get3A_3828] : memref<1024x2048xf32, #tpu.memory_space<vmem>>, vector<8x2048xf32>
    %add3A_3830 = vector.broadcast %get3A_2865 : vector<1x2048xf32> to vector<8x2048xf32>
    %add3A_3831 = arith.addf %add3A_3830, %get3A_3829 : vector<8x2048xf32>
    %eq3A_3832 = vector.broadcast %broadcast_in_dim3A_3635 : vector<1x2048xf32> to vector<8x2048xf32>
    %eq3A_3833 = arith.cmpf oeq, %add3A_3831, %eq3A_3832 : vector<8x2048xf32>
    %get3A_3834 = arith.constant 96 : index
    %get3A_3835 = arith.constant 0 : index
    %get3A_3836 = vector.load %arg4[%get3A_3834, %get3A_3835] : memref<1024x1xf32, #tpu.memory_space<vmem>>, vector<8x1xf32>
    %jit3A_3837 = arith.constant 0.000000e+00 : f32
    %broadcast_in_dim3A_3838 = vector.shape_cast %get3A_3836 : vector<8x1xf32> to vector<8x1xf32>
    %broadcast_in_dim3A_3839 = vector.broadcast %broadcast_in_dim3A_3838 : vector<8x1xf32> to vector<8x2048xf32>
    %broadcast_in_dim3A_3840 = vector.broadcast %jit3A_3837 : f32 to vector<8x2048xf32>
    %select_n3A_3841 = arith.select %eq3A_3833, %broadcast_in_dim3A_3839, %broadcast_in_dim3A_3840 : vector<8x2048xi1>, vector<8x2048xf32>
    %max3A_3842 = arith.maximumf %max3A_3826, %select_n3A_3841 : vector<8x2048xf32>
    %get3A_3843 = arith.constant 104 : index
    %get3A_3844 = arith.constant 0 : index
    %get3A_3845 = vector.load %arg9[%get3A_3843, %get3A_3844] : memref<1024x2048xf32, #tpu.memory_space<vmem>>, vector<8x2048xf32>
    %add3A_3846 = vector.broadcast %get3A_2865 : vector<1x2048xf32> to vector<8x2048xf32>
    %add3A_3847 = arith.addf %add3A_3846, %get3A_3845 : vector<8x2048xf32>
    %eq3A_3848 = vector.broadcast %broadcast_in_dim3A_3635 : vector<1x2048xf32> to vector<8x2048xf32>
    %eq3A_3849 = arith.cmpf oeq, %add3A_3847, %eq3A_3848 : vector<8x2048xf32>
    %get3A_3850 = arith.constant 104 : index
    %get3A_3851 = arith.constant 0 : index
    %get3A_3852 = vector.load %arg4[%get3A_3850, %get3A_3851] : memref<1024x1xf32, #tpu.memory_space<vmem>>, vector<8x1xf32>
    %jit3A_3853 = arith.constant 0.000000e+00 : f32
    %broadcast_in_dim3A_3854 = vector.shape_cast %get3A_3852 : vector<8x1xf32> to vector<8x1xf32>
    %broadcast_in_dim3A_3855 = vector.broadcast %broadcast_in_dim3A_3854 : vector<8x1xf32> to vector<8x2048xf32>
    %broadcast_in_dim3A_3856 = vector.broadcast %jit3A_3853 : f32 to vector<8x2048xf32>
    %select_n3A_3857 = arith.select %eq3A_3849, %broadcast_in_dim3A_3855, %broadcast_in_dim3A_3856 : vector<8x2048xi1>, vector<8x2048xf32>
    %max3A_3858 = arith.maximumf %max3A_3842, %select_n3A_3857 : vector<8x2048xf32>
    %get3A_3859 = arith.constant 112 : index
    %get3A_3860 = arith.constant 0 : index
    %get3A_3861 = vector.load %arg9[%get3A_3859, %get3A_3860] : memref<1024x2048xf32, #tpu.memory_space<vmem>>, vector<8x2048xf32>
    %add3A_3862 = vector.broadcast %get3A_2865 : vector<1x2048xf32> to vector<8x2048xf32>
    %add3A_3863 = arith.addf %add3A_3862, %get3A_3861 : vector<8x2048xf32>
    %eq3A_3864 = vector.broadcast %broadcast_in_dim3A_3635 : vector<1x2048xf32> to vector<8x2048xf32>
    %eq3A_3865 = arith.cmpf oeq, %add3A_3863, %eq3A_3864 : vector<8x2048xf32>
    %get3A_3866 = arith.constant 112 : index
    %get3A_3867 = arith.constant 0 : index
    %get3A_3868 = vector.load %arg4[%get3A_3866, %get3A_3867] : memref<1024x1xf32, #tpu.memory_space<vmem>>, vector<8x1xf32>
    %jit3A_3869 = arith.constant 0.000000e+00 : f32
    %broadcast_in_dim3A_3870 = vector.shape_cast %get3A_3868 : vector<8x1xf32> to vector<8x1xf32>
    %broadcast_in_dim3A_3871 = vector.broadcast %broadcast_in_dim3A_3870 : vector<8x1xf32> to vector<8x2048xf32>
    %broadcast_in_dim3A_3872 = vector.broadcast %jit3A_3869 : f32 to vector<8x2048xf32>
    %select_n3A_3873 = arith.select %eq3A_3865, %broadcast_in_dim3A_3871, %broadcast_in_dim3A_3872 : vector<8x2048xi1>, vector<8x2048xf32>
    %max3A_3874 = arith.maximumf %max3A_3858, %select_n3A_3873 : vector<8x2048xf32>
    %get3A_3875 = arith.constant 120 : index
    %get3A_3876 = arith.constant 0 : index
    %get3A_3877 = vector.load %arg9[%get3A_3875, %get3A_3876] : memref<1024x2048xf32, #tpu.memory_space<vmem>>, vector<8x2048xf32>
    %add3A_3878 = vector.broadcast %get3A_2865 : vector<1x2048xf32> to vector<8x2048xf32>
    %add3A_3879 = arith.addf %add3A_3878, %get3A_3877 : vector<8x2048xf32>
    %eq3A_3880 = vector.broadcast %broadcast_in_dim3A_3635 : vector<1x2048xf32> to vector<8x2048xf32>
    %eq3A_3881 = arith.cmpf oeq, %add3A_3879, %eq3A_3880 : vector<8x2048xf32>
    %get3A_3882 = arith.constant 120 : index
    %get3A_3883 = arith.constant 0 : index
    %get3A_3884 = vector.load %arg4[%get3A_3882, %get3A_3883] : memref<1024x1xf32, #tpu.memory_space<vmem>>, vector<8x1xf32>
    %jit3A_3885 = arith.constant 0.000000e+00 : f32
    %broadcast_in_dim3A_3886 = vector.shape_cast %get3A_3884 : vector<8x1xf32> to vector<8x1xf32>
    %broadcast_in_dim3A_3887 = vector.broadcast %broadcast_in_dim3A_3886 : vector<8x1xf32> to vector<8x2048xf32>
    %broadcast_in_dim3A_3888 = vector.broadcast %jit3A_3885 : f32 to vector<8x2048xf32>
    %select_n3A_3889 = arith.select %eq3A_3881, %broadcast_in_dim3A_3887, %broadcast_in_dim3A_3888 : vector<8x2048xi1>, vector<8x2048xf32>
    %max3A_3890 = arith.maximumf %max3A_3874, %select_n3A_3889 : vector<8x2048xf32>
    %get3A_3891 = arith.constant 128 : index
    %get3A_3892 = arith.constant 0 : index
    %get3A_3893 = vector.load %arg9[%get3A_3891, %get3A_3892] : memref<1024x2048xf32, #tpu.memory_space<vmem>>, vector<8x2048xf32>
    %add3A_3894 = vector.broadcast %get3A_2865 : vector<1x2048xf32> to vector<8x2048xf32>
    %add3A_3895 = arith.addf %add3A_3894, %get3A_3893 : vector<8x2048xf32>
    %eq3A_3896 = vector.broadcast %broadcast_in_dim3A_3635 : vector<1x2048xf32> to vector<8x2048xf32>
    %eq3A_3897 = arith.cmpf oeq, %add3A_3895, %eq3A_3896 : vector<8x2048xf32>
    %get3A_3898 = arith.constant 128 : index
    %get3A_3899 = arith.constant 0 : index
    %get3A_3900 = vector.load %arg4[%get3A_3898, %get3A_3899] : memref<1024x1xf32, #tpu.memory_space<vmem>>, vector<8x1xf32>
    %jit3A_3901 = arith.constant 0.000000e+00 : f32
    %broadcast_in_dim3A_3902 = vector.shape_cast %get3A_3900 : vector<8x1xf32> to vector<8x1xf32>
    %broadcast_in_dim3A_3903 = vector.broadcast %broadcast_in_dim3A_3902 : vector<8x1xf32> to vector<8x2048xf32>
    %broadcast_in_dim3A_3904 = vector.broadcast %jit3A_3901 : f32 to vector<8x2048xf32>
    %select_n3A_3905 = arith.select %eq3A_3897, %broadcast_in_dim3A_3903, %broadcast_in_dim3A_3904 : vector<8x2048xi1>, vector<8x2048xf32>
    %max3A_3906 = arith.maximumf %max3A_3890, %select_n3A_3905 : vector<8x2048xf32>
    %get3A_3907 = arith.constant 136 : index
    %get3A_3908 = arith.constant 0 : index
    %get3A_3909 = vector.load %arg9[%get3A_3907, %get3A_3908] : memref<1024x2048xf32, #tpu.memory_space<vmem>>, vector<8x2048xf32>
    %add3A_3910 = vector.broadcast %get3A_2865 : vector<1x2048xf32> to vector<8x2048xf32>
    %add3A_3911 = arith.addf %add3A_3910, %get3A_3909 : vector<8x2048xf32>
    %eq3A_3912 = vector.broadcast %broadcast_in_dim3A_3635 : vector<1x2048xf32> to vector<8x2048xf32>
    %eq3A_3913 = arith.cmpf oeq, %add3A_3911, %eq3A_3912 : vector<8x2048xf32>
    %get3A_3914 = arith.constant 136 : index
    %get3A_3915 = arith.constant 0 : index
    %get3A_3916 = vector.load %arg4[%get3A_3914, %get3A_3915] : memref<1024x1xf32, #tpu.memory_space<vmem>>, vector<8x1xf32>
    %jit3A_3917 = arith.constant 0.000000e+00 : f32
    %broadcast_in_dim3A_3918 = vector.shape_cast %get3A_3916 : vector<8x1xf32> to vector<8x1xf32>
    %broadcast_in_dim3A_3919 = vector.broadcast %broadcast_in_dim3A_3918 : vector<8x1xf32> to vector<8x2048xf32>
    %broadcast_in_dim3A_3920 = vector.broadcast %jit3A_3917 : f32 to vector<8x2048xf32>
    %select_n3A_3921 = arith.select %eq3A_3913, %broadcast_in_dim3A_3919, %broadcast_in_dim3A_3920 : vector<8x2048xi1>, vector<8x2048xf32>
    %max3A_3922 = arith.maximumf %max3A_3906, %select_n3A_3921 : vector<8x2048xf32>
    %get3A_3923 = arith.constant 144 : index
    %get3A_3924 = arith.constant 0 : index
    %get3A_3925 = vector.load %arg9[%get3A_3923, %get3A_3924] : memref<1024x2048xf32, #tpu.memory_space<vmem>>, vector<8x2048xf32>
    %add3A_3926 = vector.broadcast %get3A_2865 : vector<1x2048xf32> to vector<8x2048xf32>
    %add3A_3927 = arith.addf %add3A_3926, %get3A_3925 : vector<8x2048xf32>
    %eq3A_3928 = vector.broadcast %broadcast_in_dim3A_3635 : vector<1x2048xf32> to vector<8x2048xf32>
    %eq3A_3929 = arith.cmpf oeq, %add3A_3927, %eq3A_3928 : vector<8x2048xf32>
    %get3A_3930 = arith.constant 144 : index
    %get3A_3931 = arith.constant 0 : index
    %get3A_3932 = vector.load %arg4[%get3A_3930, %get3A_3931] : memref<1024x1xf32, #tpu.memory_space<vmem>>, vector<8x1xf32>
    %jit3A_3933 = arith.constant 0.000000e+00 : f32
    %broadcast_in_dim3A_3934 = vector.shape_cast %get3A_3932 : vector<8x1xf32> to vector<8x1xf32>
    %broadcast_in_dim3A_3935 = vector.broadcast %broadcast_in_dim3A_3934 : vector<8x1xf32> to vector<8x2048xf32>
    %broadcast_in_dim3A_3936 = vector.broadcast %jit3A_3933 : f32 to vector<8x2048xf32>
    %select_n3A_3937 = arith.select %eq3A_3929, %broadcast_in_dim3A_3935, %broadcast_in_dim3A_3936 : vector<8x2048xi1>, vector<8x2048xf32>
    %max3A_3938 = arith.maximumf %max3A_3922, %select_n3A_3937 : vector<8x2048xf32>
    %get3A_3939 = arith.constant 152 : index
    %get3A_3940 = arith.constant 0 : index
    %get3A_3941 = vector.load %arg9[%get3A_3939, %get3A_3940] : memref<1024x2048xf32, #tpu.memory_space<vmem>>, vector<8x2048xf32>
    %add3A_3942 = vector.broadcast %get3A_2865 : vector<1x2048xf32> to vector<8x2048xf32>
    %add3A_3943 = arith.addf %add3A_3942, %get3A_3941 : vector<8x2048xf32>
    %eq3A_3944 = vector.broadcast %broadcast_in_dim3A_3635 : vector<1x2048xf32> to vector<8x2048xf32>
    %eq3A_3945 = arith.cmpf oeq, %add3A_3943, %eq3A_3944 : vector<8x2048xf32>
    %get3A_3946 = arith.constant 152 : index
    %get3A_3947 = arith.constant 0 : index
    %get3A_3948 = vector.load %arg4[%get3A_3946, %get3A_3947] : memref<1024x1xf32, #tpu.memory_space<vmem>>, vector<8x1xf32>
    %jit3A_3949 = arith.constant 0.000000e+00 : f32
    %broadcast_in_dim3A_3950 = vector.shape_cast %get3A_3948 : vector<8x1xf32> to vector<8x1xf32>
    %broadcast_in_dim3A_3951 = vector.broadcast %broadcast_in_dim3A_3950 : vector<8x1xf32> to vector<8x2048xf32>
    %broadcast_in_dim3A_3952 = vector.broadcast %jit3A_3949 : f32 to vector<8x2048xf32>
    %select_n3A_3953 = arith.select %eq3A_3945, %broadcast_in_dim3A_3951, %broadcast_in_dim3A_3952 : vector<8x2048xi1>, vector<8x2048xf32>
    %max3A_3954 = arith.maximumf %max3A_3938, %select_n3A_3953 : vector<8x2048xf32>
    %get3A_3955 = arith.constant 160 : index
    %get3A_3956 = arith.constant 0 : index
    %get3A_3957 = vector.load %arg9[%get3A_3955, %get3A_3956] : memref<1024x2048xf32, #tpu.memory_space<vmem>>, vector<8x2048xf32>
    %add3A_3958 = vector.broadcast %get3A_2865 : vector<1x2048xf32> to vector<8x2048xf32>
    %add3A_3959 = arith.addf %add3A_3958, %get3A_3957 : vector<8x2048xf32>
    %eq3A_3960 = vector.broadcast %broadcast_in_dim3A_3635 : vector<1x2048xf32> to vector<8x2048xf32>
    %eq3A_3961 = arith.cmpf oeq, %add3A_3959, %eq3A_3960 : vector<8x2048xf32>
    %get3A_3962 = arith.constant 160 : index
    %get3A_3963 = arith.constant 0 : index
    %get3A_3964 = vector.load %arg4[%get3A_3962, %get3A_3963] : memref<1024x1xf32, #tpu.memory_space<vmem>>, vector<8x1xf32>
    %jit3A_3965 = arith.constant 0.000000e+00 : f32
    %broadcast_in_dim3A_3966 = vector.shape_cast %get3A_3964 : vector<8x1xf32> to vector<8x1xf32>
    %broadcast_in_dim3A_3967 = vector.broadcast %broadcast_in_dim3A_3966 : vector<8x1xf32> to vector<8x2048xf32>
    %broadcast_in_dim3A_3968 = vector.broadcast %jit3A_3965 : f32 to vector<8x2048xf32>
    %select_n3A_3969 = arith.select %eq3A_3961, %broadcast_in_dim3A_3967, %broadcast_in_dim3A_3968 : vector<8x2048xi1>, vector<8x2048xf32>
    %max3A_3970 = arith.maximumf %max3A_3954, %select_n3A_3969 : vector<8x2048xf32>
    %get3A_3971 = arith.constant 168 : index
    %get3A_3972 = arith.constant 0 : index
    %get3A_3973 = vector.load %arg9[%get3A_3971, %get3A_3972] : memref<1024x2048xf32, #tpu.memory_space<vmem>>, vector<8x2048xf32>
    %add3A_3974 = vector.broadcast %get3A_2865 : vector<1x2048xf32> to vector<8x2048xf32>
    %add3A_3975 = arith.addf %add3A_3974, %get3A_3973 : vector<8x2048xf32>
    %eq3A_3976 = vector.broadcast %broadcast_in_dim3A_3635 : vector<1x2048xf32> to vector<8x2048xf32>
    %eq3A_3977 = arith.cmpf oeq, %add3A_3975, %eq3A_3976 : vector<8x2048xf32>
    %get3A_3978 = arith.constant 168 : index
    %get3A_3979 = arith.constant 0 : index
    %get3A_3980 = vector.load %arg4[%get3A_3978, %get3A_3979] : memref<1024x1xf32, #tpu.memory_space<vmem>>, vector<8x1xf32>
    %jit3A_3981 = arith.constant 0.000000e+00 : f32
    %broadcast_in_dim3A_3982 = vector.shape_cast %get3A_3980 : vector<8x1xf32> to vector<8x1xf32>
    %broadcast_in_dim3A_3983 = vector.broadcast %broadcast_in_dim3A_3982 : vector<8x1xf32> to vector<8x2048xf32>
    %broadcast_in_dim3A_3984 = vector.broadcast %jit3A_3981 : f32 to vector<8x2048xf32>
    %select_n3A_3985 = arith.select %eq3A_3977, %broadcast_in_dim3A_3983, %broadcast_in_dim3A_3984 : vector<8x2048xi1>, vector<8x2048xf32>
    %max3A_3986 = arith.maximumf %max3A_3970, %select_n3A_3985 : vector<8x2048xf32>
    %get3A_3987 = arith.constant 176 : index
    %get3A_3988 = arith.constant 0 : index
    %get3A_3989 = vector.load %arg9[%get3A_3987, %get3A_3988] : memref<1024x2048xf32, #tpu.memory_space<vmem>>, vector<8x2048xf32>
    %add3A_3990 = vector.broadcast %get3A_2865 : vector<1x2048xf32> to vector<8x2048xf32>
    %add3A_3991 = arith.addf %add3A_3990, %get3A_3989 : vector<8x2048xf32>
    %eq3A_3992 = vector.broadcast %broadcast_in_dim3A_3635 : vector<1x2048xf32> to vector<8x2048xf32>
    %eq3A_3993 = arith.cmpf oeq, %add3A_3991, %eq3A_3992 : vector<8x2048xf32>
    %get3A_3994 = arith.constant 176 : index
    %get3A_3995 = arith.constant 0 : index
    %get3A_3996 = vector.load %arg4[%get3A_3994, %get3A_3995] : memref<1024x1xf32, #tpu.memory_space<vmem>>, vector<8x1xf32>
    %jit3A_3997 = arith.constant 0.000000e+00 : f32
    %broadcast_in_dim3A_3998 = vector.shape_cast %get3A_3996 : vector<8x1xf32> to vector<8x1xf32>
    %broadcast_in_dim3A_3999 = vector.broadcast %broadcast_in_dim3A_3998 : vector<8x1xf32> to vector<8x2048xf32>
    %broadcast_in_dim3A_4000 = vector.broadcast %jit3A_3997 : f32 to vector<8x2048xf32>
    %select_n3A_4001 = arith.select %eq3A_3993, %broadcast_in_dim3A_3999, %broadcast_in_dim3A_4000 : vector<8x2048xi1>, vector<8x2048xf32>
    %max3A_4002 = arith.maximumf %max3A_3986, %select_n3A_4001 : vector<8x2048xf32>
    %get3A_4003 = arith.constant 184 : index
    %get3A_4004 = arith.constant 0 : index
    %get3A_4005 = vector.load %arg9[%get3A_4003, %get3A_4004] : memref<1024x2048xf32, #tpu.memory_space<vmem>>, vector<8x2048xf32>
    %add3A_4006 = vector.broadcast %get3A_2865 : vector<1x2048xf32> to vector<8x2048xf32>
    %add3A_4007 = arith.addf %add3A_4006, %get3A_4005 : vector<8x2048xf32>
    %eq3A_4008 = vector.broadcast %broadcast_in_dim3A_3635 : vector<1x2048xf32> to vector<8x2048xf32>
    %eq3A_4009 = arith.cmpf oeq, %add3A_4007, %eq3A_4008 : vector<8x2048xf32>
    %get3A_4010 = arith.constant 184 : index
    %get3A_4011 = arith.constant 0 : index
    %get3A_4012 = vector.load %arg4[%get3A_4010, %get3A_4011] : memref<1024x1xf32, #tpu.memory_space<vmem>>, vector<8x1xf32>
    %jit3A_4013 = arith.constant 0.000000e+00 : f32
    %broadcast_in_dim3A_4014 = vector.shape_cast %get3A_4012 : vector<8x1xf32> to vector<8x1xf32>
    %broadcast_in_dim3A_4015 = vector.broadcast %broadcast_in_dim3A_4014 : vector<8x1xf32> to vector<8x2048xf32>
    %broadcast_in_dim3A_4016 = vector.broadcast %jit3A_4013 : f32 to vector<8x2048xf32>
    %select_n3A_4017 = arith.select %eq3A_4009, %broadcast_in_dim3A_4015, %broadcast_in_dim3A_4016 : vector<8x2048xi1>, vector<8x2048xf32>
    %max3A_4018 = arith.maximumf %max3A_4002, %select_n3A_4017 : vector<8x2048xf32>
    %get3A_4019 = arith.constant 192 : index
    %get3A_4020 = arith.constant 0 : index
    %get3A_4021 = vector.load %arg9[%get3A_4019, %get3A_4020] : memref<1024x2048xf32, #tpu.memory_space<vmem>>, vector<8x2048xf32>
    %add3A_4022 = vector.broadcast %get3A_2865 : vector<1x2048xf32> to vector<8x2048xf32>
    %add3A_4023 = arith.addf %add3A_4022, %get3A_4021 : vector<8x2048xf32>
    %eq3A_4024 = vector.broadcast %broadcast_in_dim3A_3635 : vector<1x2048xf32> to vector<8x2048xf32>
    %eq3A_4025 = arith.cmpf oeq, %add3A_4023, %eq3A_4024 : vector<8x2048xf32>
    %get3A_4026 = arith.constant 192 : index
    %get3A_4027 = arith.constant 0 : index
    %get3A_4028 = vector.load %arg4[%get3A_4026, %get3A_4027] : memref<1024x1xf32, #tpu.memory_space<vmem>>, vector<8x1xf32>
    %jit3A_4029 = arith.constant 0.000000e+00 : f32
    %broadcast_in_dim3A_4030 = vector.shape_cast %get3A_4028 : vector<8x1xf32> to vector<8x1xf32>
    %broadcast_in_dim3A_4031 = vector.broadcast %broadcast_in_dim3A_4030 : vector<8x1xf32> to vector<8x2048xf32>
    %broadcast_in_dim3A_4032 = vector.broadcast %jit3A_4029 : f32 to vector<8x2048xf32>
    %select_n3A_4033 = arith.select %eq3A_4025, %broadcast_in_dim3A_4031, %broadcast_in_dim3A_4032 : vector<8x2048xi1>, vector<8x2048xf32>
    %max3A_4034 = arith.maximumf %max3A_4018, %select_n3A_4033 : vector<8x2048xf32>
    %get3A_4035 = arith.constant 200 : index
    %get3A_4036 = arith.constant 0 : index
    %get3A_4037 = vector.load %arg9[%get3A_4035, %get3A_4036] : memref<1024x2048xf32, #tpu.memory_space<vmem>>, vector<8x2048xf32>
    %add3A_4038 = vector.broadcast %get3A_2865 : vector<1x2048xf32> to vector<8x2048xf32>
    %add3A_4039 = arith.addf %add3A_4038, %get3A_4037 : vector<8x2048xf32>
    %eq3A_4040 = vector.broadcast %broadcast_in_dim3A_3635 : vector<1x2048xf32> to vector<8x2048xf32>
    %eq3A_4041 = arith.cmpf oeq, %add3A_4039, %eq3A_4040 : vector<8x2048xf32>
    %get3A_4042 = arith.constant 200 : index
    %get3A_4043 = arith.constant 0 : index
    %get3A_4044 = vector.load %arg4[%get3A_4042, %get3A_4043] : memref<1024x1xf32, #tpu.memory_space<vmem>>, vector<8x1xf32>
    %jit3A_4045 = arith.constant 0.000000e+00 : f32
    %broadcast_in_dim3A_4046 = vector.shape_cast %get3A_4044 : vector<8x1xf32> to vector<8x1xf32>
    %broadcast_in_dim3A_4047 = vector.broadcast %broadcast_in_dim3A_4046 : vector<8x1xf32> to vector<8x2048xf32>
    %broadcast_in_dim3A_4048 = vector.broadcast %jit3A_4045 : f32 to vector<8x2048xf32>
    %select_n3A_4049 = arith.select %eq3A_4041, %broadcast_in_dim3A_4047, %broadcast_in_dim3A_4048 : vector<8x2048xi1>, vector<8x2048xf32>
    %max3A_4050 = arith.maximumf %max3A_4034, %select_n3A_4049 : vector<8x2048xf32>
    %get3A_4051 = arith.constant 208 : index
    %get3A_4052 = arith.constant 0 : index
    %get3A_4053 = vector.load %arg9[%get3A_4051, %get3A_4052] : memref<1024x2048xf32, #tpu.memory_space<vmem>>, vector<8x2048xf32>
    %add3A_4054 = vector.broadcast %get3A_2865 : vector<1x2048xf32> to vector<8x2048xf32>
    %add3A_4055 = arith.addf %add3A_4054, %get3A_4053 : vector<8x2048xf32>
    %eq3A_4056 = vector.broadcast %broadcast_in_dim3A_3635 : vector<1x2048xf32> to vector<8x2048xf32>
    %eq3A_4057 = arith.cmpf oeq, %add3A_4055, %eq3A_4056 : vector<8x2048xf32>
    %get3A_4058 = arith.constant 208 : index
    %get3A_4059 = arith.constant 0 : index
    %get3A_4060 = vector.load %arg4[%get3A_4058, %get3A_4059] : memref<1024x1xf32, #tpu.memory_space<vmem>>, vector<8x1xf32>
    %jit3A_4061 = arith.constant 0.000000e+00 : f32
    %broadcast_in_dim3A_4062 = vector.shape_cast %get3A_4060 : vector<8x1xf32> to vector<8x1xf32>
    %broadcast_in_dim3A_4063 = vector.broadcast %broadcast_in_dim3A_4062 : vector<8x1xf32> to vector<8x2048xf32>
    %broadcast_in_dim3A_4064 = vector.broadcast %jit3A_4061 : f32 to vector<8x2048xf32>
    %select_n3A_4065 = arith.select %eq3A_4057, %broadcast_in_dim3A_4063, %broadcast_in_dim3A_4064 : vector<8x2048xi1>, vector<8x2048xf32>
    %max3A_4066 = arith.maximumf %max3A_4050, %select_n3A_4065 : vector<8x2048xf32>
    %get3A_4067 = arith.constant 216 : index
    %get3A_4068 = arith.constant 0 : index
    %get3A_4069 = vector.load %arg9[%get3A_4067, %get3A_4068] : memref<1024x2048xf32, #tpu.memory_space<vmem>>, vector<8x2048xf32>
    %add3A_4070 = vector.broadcast %get3A_2865 : vector<1x2048xf32> to vector<8x2048xf32>
    %add3A_4071 = arith.addf %add3A_4070, %get3A_4069 : vector<8x2048xf32>
    %eq3A_4072 = vector.broadcast %broadcast_in_dim3A_3635 : vector<1x2048xf32> to vector<8x2048xf32>
    %eq3A_4073 = arith.cmpf oeq, %add3A_4071, %eq3A_4072 : vector<8x2048xf32>
    %get3A_4074 = arith.constant 216 : index
    %get3A_4075 = arith.constant 0 : index
    %get3A_4076 = vector.load %arg4[%get3A_4074, %get3A_4075] : memref<1024x1xf32, #tpu.memory_space<vmem>>, vector<8x1xf32>
    %jit3A_4077 = arith.constant 0.000000e+00 : f32
    %broadcast_in_dim3A_4078 = vector.shape_cast %get3A_4076 : vector<8x1xf32> to vector<8x1xf32>
    %broadcast_in_dim3A_4079 = vector.broadcast %broadcast_in_dim3A_4078 : vector<8x1xf32> to vector<8x2048xf32>
    %broadcast_in_dim3A_4080 = vector.broadcast %jit3A_4077 : f32 to vector<8x2048xf32>
    %select_n3A_4081 = arith.select %eq3A_4073, %broadcast_in_dim3A_4079, %broadcast_in_dim3A_4080 : vector<8x2048xi1>, vector<8x2048xf32>
    %max3A_4082 = arith.maximumf %max3A_4066, %select_n3A_4081 : vector<8x2048xf32>
    %get3A_4083 = arith.constant 224 : index
    %get3A_4084 = arith.constant 0 : index
    %get3A_4085 = vector.load %arg9[%get3A_4083, %get3A_4084] : memref<1024x2048xf32, #tpu.memory_space<vmem>>, vector<8x2048xf32>
    %add3A_4086 = vector.broadcast %get3A_2865 : vector<1x2048xf32> to vector<8x2048xf32>
    %add3A_4087 = arith.addf %add3A_4086, %get3A_4085 : vector<8x2048xf32>
    %eq3A_4088 = vector.broadcast %broadcast_in_dim3A_3635 : vector<1x2048xf32> to vector<8x2048xf32>
    %eq3A_4089 = arith.cmpf oeq, %add3A_4087, %eq3A_4088 : vector<8x2048xf32>
    %get3A_4090 = arith.constant 224 : index
    %get3A_4091 = arith.constant 0 : index
    %get3A_4092 = vector.load %arg4[%get3A_4090, %get3A_4091] : memref<1024x1xf32, #tpu.memory_space<vmem>>, vector<8x1xf32>
    %jit3A_4093 = arith.constant 0.000000e+00 : f32
    %broadcast_in_dim3A_4094 = vector.shape_cast %get3A_4092 : vector<8x1xf32> to vector<8x1xf32>
    %broadcast_in_dim3A_4095 = vector.broadcast %broadcast_in_dim3A_4094 : vector<8x1xf32> to vector<8x2048xf32>
    %broadcast_in_dim3A_4096 = vector.broadcast %jit3A_4093 : f32 to vector<8x2048xf32>
    %select_n3A_4097 = arith.select %eq3A_4089, %broadcast_in_dim3A_4095, %broadcast_in_dim3A_4096 : vector<8x2048xi1>, vector<8x2048xf32>
    %max3A_4098 = arith.maximumf %max3A_4082, %select_n3A_4097 : vector<8x2048xf32>
    %get3A_4099 = arith.constant 232 : index
    %get3A_4100 = arith.constant 0 : index
    %get3A_4101 = vector.load %arg9[%get3A_4099, %get3A_4100] : memref<1024x2048xf32, #tpu.memory_space<vmem>>, vector<8x2048xf32>
    %add3A_4102 = vector.broadcast %get3A_2865 : vector<1x2048xf32> to vector<8x2048xf32>
    %add3A_4103 = arith.addf %add3A_4102, %get3A_4101 : vector<8x2048xf32>
    %eq3A_4104 = vector.broadcast %broadcast_in_dim3A_3635 : vector<1x2048xf32> to vector<8x2048xf32>
    %eq3A_4105 = arith.cmpf oeq, %add3A_4103, %eq3A_4104 : vector<8x2048xf32>
    %get3A_4106 = arith.constant 232 : index
    %get3A_4107 = arith.constant 0 : index
    %get3A_4108 = vector.load %arg4[%get3A_4106, %get3A_4107] : memref<1024x1xf32, #tpu.memory_space<vmem>>, vector<8x1xf32>
    %jit3A_4109 = arith.constant 0.000000e+00 : f32
    %broadcast_in_dim3A_4110 = vector.shape_cast %get3A_4108 : vector<8x1xf32> to vector<8x1xf32>
    %broadcast_in_dim3A_4111 = vector.broadcast %broadcast_in_dim3A_4110 : vector<8x1xf32> to vector<8x2048xf32>
    %broadcast_in_dim3A_4112 = vector.broadcast %jit3A_4109 : f32 to vector<8x2048xf32>
    %select_n3A_4113 = arith.select %eq3A_4105, %broadcast_in_dim3A_4111, %broadcast_in_dim3A_4112 : vector<8x2048xi1>, vector<8x2048xf32>
    %max3A_4114 = arith.maximumf %max3A_4098, %select_n3A_4113 : vector<8x2048xf32>
    %get3A_4115 = arith.constant 240 : index
    %get3A_4116 = arith.constant 0 : index
    %get3A_4117 = vector.load %arg9[%get3A_4115, %get3A_4116] : memref<1024x2048xf32, #tpu.memory_space<vmem>>, vector<8x2048xf32>
    %add3A_4118 = vector.broadcast %get3A_2865 : vector<1x2048xf32> to vector<8x2048xf32>
    %add3A_4119 = arith.addf %add3A_4118, %get3A_4117 : vector<8x2048xf32>
    %eq3A_4120 = vector.broadcast %broadcast_in_dim3A_3635 : vector<1x2048xf32> to vector<8x2048xf32>
    %eq3A_4121 = arith.cmpf oeq, %add3A_4119, %eq3A_4120 : vector<8x2048xf32>
    %get3A_4122 = arith.constant 240 : index
    %get3A_4123 = arith.constant 0 : index
    %get3A_4124 = vector.load %arg4[%get3A_4122, %get3A_4123] : memref<1024x1xf32, #tpu.memory_space<vmem>>, vector<8x1xf32>
    %jit3A_4125 = arith.constant 0.000000e+00 : f32
    %broadcast_in_dim3A_4126 = vector.shape_cast %get3A_4124 : vector<8x1xf32> to vector<8x1xf32>
    %broadcast_in_dim3A_4127 = vector.broadcast %broadcast_in_dim3A_4126 : vector<8x1xf32> to vector<8x2048xf32>
    %broadcast_in_dim3A_4128 = vector.broadcast %jit3A_4125 : f32 to vector<8x2048xf32>
    %select_n3A_4129 = arith.select %eq3A_4121, %broadcast_in_dim3A_4127, %broadcast_in_dim3A_4128 : vector<8x2048xi1>, vector<8x2048xf32>
    %max3A_4130 = arith.maximumf %max3A_4114, %select_n3A_4129 : vector<8x2048xf32>
    %get3A_4131 = arith.constant 248 : index
    %get3A_4132 = arith.constant 0 : index
    %get3A_4133 = vector.load %arg9[%get3A_4131, %get3A_4132] : memref<1024x2048xf32, #tpu.memory_space<vmem>>, vector<8x2048xf32>
    %add3A_4134 = vector.broadcast %get3A_2865 : vector<1x2048xf32> to vector<8x2048xf32>
    %add3A_4135 = arith.addf %add3A_4134, %get3A_4133 : vector<8x2048xf32>
    %eq3A_4136 = vector.broadcast %broadcast_in_dim3A_3635 : vector<1x2048xf32> to vector<8x2048xf32>
    %eq3A_4137 = arith.cmpf oeq, %add3A_4135, %eq3A_4136 : vector<8x2048xf32>
    %get3A_4138 = arith.constant 248 : index
    %get3A_4139 = arith.constant 0 : index
    %get3A_4140 = vector.load %arg4[%get3A_4138, %get3A_4139] : memref<1024x1xf32, #tpu.memory_space<vmem>>, vector<8x1xf32>
    %jit3A_4141 = arith.constant 0.000000e+00 : f32
    %broadcast_in_dim3A_4142 = vector.shape_cast %get3A_4140 : vector<8x1xf32> to vector<8x1xf32>
    %broadcast_in_dim3A_4143 = vector.broadcast %broadcast_in_dim3A_4142 : vector<8x1xf32> to vector<8x2048xf32>
    %broadcast_in_dim3A_4144 = vector.broadcast %jit3A_4141 : f32 to vector<8x2048xf32>
    %select_n3A_4145 = arith.select %eq3A_4137, %broadcast_in_dim3A_4143, %broadcast_in_dim3A_4144 : vector<8x2048xi1>, vector<8x2048xf32>
    %max3A_4146 = arith.maximumf %max3A_4130, %select_n3A_4145 : vector<8x2048xf32>
    %get3A_4147 = arith.constant 256 : index
    %get3A_4148 = arith.constant 0 : index
    %get3A_4149 = vector.load %arg9[%get3A_4147, %get3A_4148] : memref<1024x2048xf32, #tpu.memory_space<vmem>>, vector<8x2048xf32>
    %add3A_4150 = vector.broadcast %get3A_2865 : vector<1x2048xf32> to vector<8x2048xf32>
    %add3A_4151 = arith.addf %add3A_4150, %get3A_4149 : vector<8x2048xf32>
    %eq3A_4152 = vector.broadcast %broadcast_in_dim3A_3635 : vector<1x2048xf32> to vector<8x2048xf32>
    %eq3A_4153 = arith.cmpf oeq, %add3A_4151, %eq3A_4152 : vector<8x2048xf32>
    %get3A_4154 = arith.constant 256 : index
    %get3A_4155 = arith.constant 0 : index
    %get3A_4156 = vector.load %arg4[%get3A_4154, %get3A_4155] : memref<1024x1xf32, #tpu.memory_space<vmem>>, vector<8x1xf32>
    %jit3A_4157 = arith.constant 0.000000e+00 : f32
    %broadcast_in_dim3A_4158 = vector.shape_cast %get3A_4156 : vector<8x1xf32> to vector<8x1xf32>
    %broadcast_in_dim3A_4159 = vector.broadcast %broadcast_in_dim3A_4158 : vector<8x1xf32> to vector<8x2048xf32>
    %broadcast_in_dim3A_4160 = vector.broadcast %jit3A_4157 : f32 to vector<8x2048xf32>
    %select_n3A_4161 = arith.select %eq3A_4153, %broadcast_in_dim3A_4159, %broadcast_in_dim3A_4160 : vector<8x2048xi1>, vector<8x2048xf32>
    %max3A_4162 = arith.maximumf %max3A_4146, %select_n3A_4161 : vector<8x2048xf32>
    %get3A_4163 = arith.constant 264 : index
    %get3A_4164 = arith.constant 0 : index
    %get3A_4165 = vector.load %arg9[%get3A_4163, %get3A_4164] : memref<1024x2048xf32, #tpu.memory_space<vmem>>, vector<8x2048xf32>
    %add3A_4166 = vector.broadcast %get3A_2865 : vector<1x2048xf32> to vector<8x2048xf32>
    %add3A_4167 = arith.addf %add3A_4166, %get3A_4165 : vector<8x2048xf32>
    %eq3A_4168 = vector.broadcast %broadcast_in_dim3A_3635 : vector<1x2048xf32> to vector<8x2048xf32>
    %eq3A_4169 = arith.cmpf oeq, %add3A_4167, %eq3A_4168 : vector<8x2048xf32>
    %get3A_4170 = arith.constant 264 : index
    %get3A_4171 = arith.constant 0 : index
    %get3A_4172 = vector.load %arg4[%get3A_4170, %get3A_4171] : memref<1024x1xf32, #tpu.memory_space<vmem>>, vector<8x1xf32>
    %jit3A_4173 = arith.constant 0.000000e+00 : f32
    %broadcast_in_dim3A_4174 = vector.shape_cast %get3A_4172 : vector<8x1xf32> to vector<8x1xf32>
    %broadcast_in_dim3A_4175 = vector.broadcast %broadcast_in_dim3A_4174 : vector<8x1xf32> to vector<8x2048xf32>
    %broadcast_in_dim3A_4176 = vector.broadcast %jit3A_4173 : f32 to vector<8x2048xf32>
    %select_n3A_4177 = arith.select %eq3A_4169, %broadcast_in_dim3A_4175, %broadcast_in_dim3A_4176 : vector<8x2048xi1>, vector<8x2048xf32>
    %max3A_4178 = arith.maximumf %max3A_4162, %select_n3A_4177 : vector<8x2048xf32>
    %get3A_4179 = arith.constant 272 : index
    %get3A_4180 = arith.constant 0 : index
    %get3A_4181 = vector.load %arg9[%get3A_4179, %get3A_4180] : memref<1024x2048xf32, #tpu.memory_space<vmem>>, vector<8x2048xf32>
    %add3A_4182 = vector.broadcast %get3A_2865 : vector<1x2048xf32> to vector<8x2048xf32>
    %add3A_4183 = arith.addf %add3A_4182, %get3A_4181 : vector<8x2048xf32>
    %eq3A_4184 = vector.broadcast %broadcast_in_dim3A_3635 : vector<1x2048xf32> to vector<8x2048xf32>
    %eq3A_4185 = arith.cmpf oeq, %add3A_4183, %eq3A_4184 : vector<8x2048xf32>
    %get3A_4186 = arith.constant 272 : index
    %get3A_4187 = arith.constant 0 : index
    %get3A_4188 = vector.load %arg4[%get3A_4186, %get3A_4187] : memref<1024x1xf32, #tpu.memory_space<vmem>>, vector<8x1xf32>
    %jit3A_4189 = arith.constant 0.000000e+00 : f32
    %broadcast_in_dim3A_4190 = vector.shape_cast %get3A_4188 : vector<8x1xf32> to vector<8x1xf32>
    %broadcast_in_dim3A_4191 = vector.broadcast %broadcast_in_dim3A_4190 : vector<8x1xf32> to vector<8x2048xf32>
    %broadcast_in_dim3A_4192 = vector.broadcast %jit3A_4189 : f32 to vector<8x2048xf32>
    %select_n3A_4193 = arith.select %eq3A_4185, %broadcast_in_dim3A_4191, %broadcast_in_dim3A_4192 : vector<8x2048xi1>, vector<8x2048xf32>
    %max3A_4194 = arith.maximumf %max3A_4178, %select_n3A_4193 : vector<8x2048xf32>
    %get3A_4195 = arith.constant 280 : index
    %get3A_4196 = arith.constant 0 : index
    %get3A_4197 = vector.load %arg9[%get3A_4195, %get3A_4196] : memref<1024x2048xf32, #tpu.memory_space<vmem>>, vector<8x2048xf32>
    %add3A_4198 = vector.broadcast %get3A_2865 : vector<1x2048xf32> to vector<8x2048xf32>
    %add3A_4199 = arith.addf %add3A_4198, %get3A_4197 : vector<8x2048xf32>
    %eq3A_4200 = vector.broadcast %broadcast_in_dim3A_3635 : vector<1x2048xf32> to vector<8x2048xf32>
    %eq3A_4201 = arith.cmpf oeq, %add3A_4199, %eq3A_4200 : vector<8x2048xf32>
    %get3A_4202 = arith.constant 280 : index
    %get3A_4203 = arith.constant 0 : index
    %get3A_4204 = vector.load %arg4[%get3A_4202, %get3A_4203] : memref<1024x1xf32, #tpu.memory_space<vmem>>, vector<8x1xf32>
    %jit3A_4205 = arith.constant 0.000000e+00 : f32
    %broadcast_in_dim3A_4206 = vector.shape_cast %get3A_4204 : vector<8x1xf32> to vector<8x1xf32>
    %broadcast_in_dim3A_4207 = vector.broadcast %broadcast_in_dim3A_4206 : vector<8x1xf32> to vector<8x2048xf32>
    %broadcast_in_dim3A_4208 = vector.broadcast %jit3A_4205 : f32 to vector<8x2048xf32>
    %select_n3A_4209 = arith.select %eq3A_4201, %broadcast_in_dim3A_4207, %broadcast_in_dim3A_4208 : vector<8x2048xi1>, vector<8x2048xf32>
    %max3A_4210 = arith.maximumf %max3A_4194, %select_n3A_4209 : vector<8x2048xf32>
    %get3A_4211 = arith.constant 288 : index
    %get3A_4212 = arith.constant 0 : index
    %get3A_4213 = vector.load %arg9[%get3A_4211, %get3A_4212] : memref<1024x2048xf32, #tpu.memory_space<vmem>>, vector<8x2048xf32>
    %add3A_4214 = vector.broadcast %get3A_2865 : vector<1x2048xf32> to vector<8x2048xf32>
    %add3A_4215 = arith.addf %add3A_4214, %get3A_4213 : vector<8x2048xf32>
    %eq3A_4216 = vector.broadcast %broadcast_in_dim3A_3635 : vector<1x2048xf32> to vector<8x2048xf32>
    %eq3A_4217 = arith.cmpf oeq, %add3A_4215, %eq3A_4216 : vector<8x2048xf32>
    %get3A_4218 = arith.constant 288 : index
    %get3A_4219 = arith.constant 0 : index
    %get3A_4220 = vector.load %arg4[%get3A_4218, %get3A_4219] : memref<1024x1xf32, #tpu.memory_space<vmem>>, vector<8x1xf32>
    %jit3A_4221 = arith.constant 0.000000e+00 : f32
    %broadcast_in_dim3A_4222 = vector.shape_cast %get3A_4220 : vector<8x1xf32> to vector<8x1xf32>
    %broadcast_in_dim3A_4223 = vector.broadcast %broadcast_in_dim3A_4222 : vector<8x1xf32> to vector<8x2048xf32>
    %broadcast_in_dim3A_4224 = vector.broadcast %jit3A_4221 : f32 to vector<8x2048xf32>
    %select_n3A_4225 = arith.select %eq3A_4217, %broadcast_in_dim3A_4223, %broadcast_in_dim3A_4224 : vector<8x2048xi1>, vector<8x2048xf32>
    %max3A_4226 = arith.maximumf %max3A_4210, %select_n3A_4225 : vector<8x2048xf32>
    %get3A_4227 = arith.constant 296 : index
    %get3A_4228 = arith.constant 0 : index
    %get3A_4229 = vector.load %arg9[%get3A_4227, %get3A_4228] : memref<1024x2048xf32, #tpu.memory_space<vmem>>, vector<8x2048xf32>
    %add3A_4230 = vector.broadcast %get3A_2865 : vector<1x2048xf32> to vector<8x2048xf32>
    %add3A_4231 = arith.addf %add3A_4230, %get3A_4229 : vector<8x2048xf32>
    %eq3A_4232 = vector.broadcast %broadcast_in_dim3A_3635 : vector<1x2048xf32> to vector<8x2048xf32>
    %eq3A_4233 = arith.cmpf oeq, %add3A_4231, %eq3A_4232 : vector<8x2048xf32>
    %get3A_4234 = arith.constant 296 : index
    %get3A_4235 = arith.constant 0 : index
    %get3A_4236 = vector.load %arg4[%get3A_4234, %get3A_4235] : memref<1024x1xf32, #tpu.memory_space<vmem>>, vector<8x1xf32>
    %jit3A_4237 = arith.constant 0.000000e+00 : f32
    %broadcast_in_dim3A_4238 = vector.shape_cast %get3A_4236 : vector<8x1xf32> to vector<8x1xf32>
    %broadcast_in_dim3A_4239 = vector.broadcast %broadcast_in_dim3A_4238 : vector<8x1xf32> to vector<8x2048xf32>
    %broadcast_in_dim3A_4240 = vector.broadcast %jit3A_4237 : f32 to vector<8x2048xf32>
    %select_n3A_4241 = arith.select %eq3A_4233, %broadcast_in_dim3A_4239, %broadcast_in_dim3A_4240 : vector<8x2048xi1>, vector<8x2048xf32>
    %max3A_4242 = arith.maximumf %max3A_4226, %select_n3A_4241 : vector<8x2048xf32>
    %get3A_4243 = arith.constant 304 : index
    %get3A_4244 = arith.constant 0 : index
    %get3A_4245 = vector.load %arg9[%get3A_4243, %get3A_4244] : memref<1024x2048xf32, #tpu.memory_space<vmem>>, vector<8x2048xf32>
    %add3A_4246 = vector.broadcast %get3A_2865 : vector<1x2048xf32> to vector<8x2048xf32>
    %add3A_4247 = arith.addf %add3A_4246, %get3A_4245 : vector<8x2048xf32>
    %eq3A_4248 = vector.broadcast %broadcast_in_dim3A_3635 : vector<1x2048xf32> to vector<8x2048xf32>
    %eq3A_4249 = arith.cmpf oeq, %add3A_4247, %eq3A_4248 : vector<8x2048xf32>
    %get3A_4250 = arith.constant 304 : index
    %get3A_4251 = arith.constant 0 : index
    %get3A_4252 = vector.load %arg4[%get3A_4250, %get3A_4251] : memref<1024x1xf32, #tpu.memory_space<vmem>>, vector<8x1xf32>
    %jit3A_4253 = arith.constant 0.000000e+00 : f32
    %broadcast_in_dim3A_4254 = vector.shape_cast %get3A_4252 : vector<8x1xf32> to vector<8x1xf32>
    %broadcast_in_dim3A_4255 = vector.broadcast %broadcast_in_dim3A_4254 : vector<8x1xf32> to vector<8x2048xf32>
    %broadcast_in_dim3A_4256 = vector.broadcast %jit3A_4253 : f32 to vector<8x2048xf32>
    %select_n3A_4257 = arith.select %eq3A_4249, %broadcast_in_dim3A_4255, %broadcast_in_dim3A_4256 : vector<8x2048xi1>, vector<8x2048xf32>
    %max3A_4258 = arith.maximumf %max3A_4242, %select_n3A_4257 : vector<8x2048xf32>
    %get3A_4259 = arith.constant 312 : index
    %get3A_4260 = arith.constant 0 : index
    %get3A_4261 = vector.load %arg9[%get3A_4259, %get3A_4260] : memref<1024x2048xf32, #tpu.memory_space<vmem>>, vector<8x2048xf32>
    %add3A_4262 = vector.broadcast %get3A_2865 : vector<1x2048xf32> to vector<8x2048xf32>
    %add3A_4263 = arith.addf %add3A_4262, %get3A_4261 : vector<8x2048xf32>
    %eq3A_4264 = vector.broadcast %broadcast_in_dim3A_3635 : vector<1x2048xf32> to vector<8x2048xf32>
    %eq3A_4265 = arith.cmpf oeq, %add3A_4263, %eq3A_4264 : vector<8x2048xf32>
    %get3A_4266 = arith.constant 312 : index
    %get3A_4267 = arith.constant 0 : index
    %get3A_4268 = vector.load %arg4[%get3A_4266, %get3A_4267] : memref<1024x1xf32, #tpu.memory_space<vmem>>, vector<8x1xf32>
    %jit3A_4269 = arith.constant 0.000000e+00 : f32
    %broadcast_in_dim3A_4270 = vector.shape_cast %get3A_4268 : vector<8x1xf32> to vector<8x1xf32>
    %broadcast_in_dim3A_4271 = vector.broadcast %broadcast_in_dim3A_4270 : vector<8x1xf32> to vector<8x2048xf32>
    %broadcast_in_dim3A_4272 = vector.broadcast %jit3A_4269 : f32 to vector<8x2048xf32>
    %select_n3A_4273 = arith.select %eq3A_4265, %broadcast_in_dim3A_4271, %broadcast_in_dim3A_4272 : vector<8x2048xi1>, vector<8x2048xf32>
    %max3A_4274 = arith.maximumf %max3A_4258, %select_n3A_4273 : vector<8x2048xf32>
    %get3A_4275 = arith.constant 320 : index
    %get3A_4276 = arith.constant 0 : index
    %get3A_4277 = vector.load %arg9[%get3A_4275, %get3A_4276] : memref<1024x2048xf32, #tpu.memory_space<vmem>>, vector<8x2048xf32>
    %add3A_4278 = vector.broadcast %get3A_2865 : vector<1x2048xf32> to vector<8x2048xf32>
    %add3A_4279 = arith.addf %add3A_4278, %get3A_4277 : vector<8x2048xf32>
    %eq3A_4280 = vector.broadcast %broadcast_in_dim3A_3635 : vector<1x2048xf32> to vector<8x2048xf32>
    %eq3A_4281 = arith.cmpf oeq, %add3A_4279, %eq3A_4280 : vector<8x2048xf32>
    %get3A_4282 = arith.constant 320 : index
    %get3A_4283 = arith.constant 0 : index
    %get3A_4284 = vector.load %arg4[%get3A_4282, %get3A_4283] : memref<1024x1xf32, #tpu.memory_space<vmem>>, vector<8x1xf32>
    %jit3A_4285 = arith.constant 0.000000e+00 : f32
    %broadcast_in_dim3A_4286 = vector.shape_cast %get3A_4284 : vector<8x1xf32> to vector<8x1xf32>
    %broadcast_in_dim3A_4287 = vector.broadcast %broadcast_in_dim3A_4286 : vector<8x1xf32> to vector<8x2048xf32>
    %broadcast_in_dim3A_4288 = vector.broadcast %jit3A_4285 : f32 to vector<8x2048xf32>
    %select_n3A_4289 = arith.select %eq3A_4281, %broadcast_in_dim3A_4287, %broadcast_in_dim3A_4288 : vector<8x2048xi1>, vector<8x2048xf32>
    %max3A_4290 = arith.maximumf %max3A_4274, %select_n3A_4289 : vector<8x2048xf32>
    %get3A_4291 = arith.constant 328 : index
    %get3A_4292 = arith.constant 0 : index
    %get3A_4293 = vector.load %arg9[%get3A_4291, %get3A_4292] : memref<1024x2048xf32, #tpu.memory_space<vmem>>, vector<8x2048xf32>
    %add3A_4294 = vector.broadcast %get3A_2865 : vector<1x2048xf32> to vector<8x2048xf32>
    %add3A_4295 = arith.addf %add3A_4294, %get3A_4293 : vector<8x2048xf32>
    %eq3A_4296 = vector.broadcast %broadcast_in_dim3A_3635 : vector<1x2048xf32> to vector<8x2048xf32>
    %eq3A_4297 = arith.cmpf oeq, %add3A_4295, %eq3A_4296 : vector<8x2048xf32>
    %get3A_4298 = arith.constant 328 : index
    %get3A_4299 = arith.constant 0 : index
    %get3A_4300 = vector.load %arg4[%get3A_4298, %get3A_4299] : memref<1024x1xf32, #tpu.memory_space<vmem>>, vector<8x1xf32>
    %jit3A_4301 = arith.constant 0.000000e+00 : f32
    %broadcast_in_dim3A_4302 = vector.shape_cast %get3A_4300 : vector<8x1xf32> to vector<8x1xf32>
    %broadcast_in_dim3A_4303 = vector.broadcast %broadcast_in_dim3A_4302 : vector<8x1xf32> to vector<8x2048xf32>
    %broadcast_in_dim3A_4304 = vector.broadcast %jit3A_4301 : f32 to vector<8x2048xf32>
    %select_n3A_4305 = arith.select %eq3A_4297, %broadcast_in_dim3A_4303, %broadcast_in_dim3A_4304 : vector<8x2048xi1>, vector<8x2048xf32>
    %max3A_4306 = arith.maximumf %max3A_4290, %select_n3A_4305 : vector<8x2048xf32>
    %get3A_4307 = arith.constant 336 : index
    %get3A_4308 = arith.constant 0 : index
    %get3A_4309 = vector.load %arg9[%get3A_4307, %get3A_4308] : memref<1024x2048xf32, #tpu.memory_space<vmem>>, vector<8x2048xf32>
    %add3A_4310 = vector.broadcast %get3A_2865 : vector<1x2048xf32> to vector<8x2048xf32>
    %add3A_4311 = arith.addf %add3A_4310, %get3A_4309 : vector<8x2048xf32>
    %eq3A_4312 = vector.broadcast %broadcast_in_dim3A_3635 : vector<1x2048xf32> to vector<8x2048xf32>
    %eq3A_4313 = arith.cmpf oeq, %add3A_4311, %eq3A_4312 : vector<8x2048xf32>
    %get3A_4314 = arith.constant 336 : index
    %get3A_4315 = arith.constant 0 : index
    %get3A_4316 = vector.load %arg4[%get3A_4314, %get3A_4315] : memref<1024x1xf32, #tpu.memory_space<vmem>>, vector<8x1xf32>
    %jit3A_4317 = arith.constant 0.000000e+00 : f32
    %broadcast_in_dim3A_4318 = vector.shape_cast %get3A_4316 : vector<8x1xf32> to vector<8x1xf32>
    %broadcast_in_dim3A_4319 = vector.broadcast %broadcast_in_dim3A_4318 : vector<8x1xf32> to vector<8x2048xf32>
    %broadcast_in_dim3A_4320 = vector.broadcast %jit3A_4317 : f32 to vector<8x2048xf32>
    %select_n3A_4321 = arith.select %eq3A_4313, %broadcast_in_dim3A_4319, %broadcast_in_dim3A_4320 : vector<8x2048xi1>, vector<8x2048xf32>
    %max3A_4322 = arith.maximumf %max3A_4306, %select_n3A_4321 : vector<8x2048xf32>
    %get3A_4323 = arith.constant 344 : index
    %get3A_4324 = arith.constant 0 : index
    %get3A_4325 = vector.load %arg9[%get3A_4323, %get3A_4324] : memref<1024x2048xf32, #tpu.memory_space<vmem>>, vector<8x2048xf32>
    %add3A_4326 = vector.broadcast %get3A_2865 : vector<1x2048xf32> to vector<8x2048xf32>
    %add3A_4327 = arith.addf %add3A_4326, %get3A_4325 : vector<8x2048xf32>
    %eq3A_4328 = vector.broadcast %broadcast_in_dim3A_3635 : vector<1x2048xf32> to vector<8x2048xf32>
    %eq3A_4329 = arith.cmpf oeq, %add3A_4327, %eq3A_4328 : vector<8x2048xf32>
    %get3A_4330 = arith.constant 344 : index
    %get3A_4331 = arith.constant 0 : index
    %get3A_4332 = vector.load %arg4[%get3A_4330, %get3A_4331] : memref<1024x1xf32, #tpu.memory_space<vmem>>, vector<8x1xf32>
    %jit3A_4333 = arith.constant 0.000000e+00 : f32
    %broadcast_in_dim3A_4334 = vector.shape_cast %get3A_4332 : vector<8x1xf32> to vector<8x1xf32>
    %broadcast_in_dim3A_4335 = vector.broadcast %broadcast_in_dim3A_4334 : vector<8x1xf32> to vector<8x2048xf32>
    %broadcast_in_dim3A_4336 = vector.broadcast %jit3A_4333 : f32 to vector<8x2048xf32>
    %select_n3A_4337 = arith.select %eq3A_4329, %broadcast_in_dim3A_4335, %broadcast_in_dim3A_4336 : vector<8x2048xi1>, vector<8x2048xf32>
    %max3A_4338 = arith.maximumf %max3A_4322, %select_n3A_4337 : vector<8x2048xf32>
    %get3A_4339 = arith.constant 352 : index
    %get3A_4340 = arith.constant 0 : index
    %get3A_4341 = vector.load %arg9[%get3A_4339, %get3A_4340] : memref<1024x2048xf32, #tpu.memory_space<vmem>>, vector<8x2048xf32>
    %add3A_4342 = vector.broadcast %get3A_2865 : vector<1x2048xf32> to vector<8x2048xf32>
    %add3A_4343 = arith.addf %add3A_4342, %get3A_4341 : vector<8x2048xf32>
    %eq3A_4344 = vector.broadcast %broadcast_in_dim3A_3635 : vector<1x2048xf32> to vector<8x2048xf32>
    %eq3A_4345 = arith.cmpf oeq, %add3A_4343, %eq3A_4344 : vector<8x2048xf32>
    %get3A_4346 = arith.constant 352 : index
    %get3A_4347 = arith.constant 0 : index
    %get3A_4348 = vector.load %arg4[%get3A_4346, %get3A_4347] : memref<1024x1xf32, #tpu.memory_space<vmem>>, vector<8x1xf32>
    %jit3A_4349 = arith.constant 0.000000e+00 : f32
    %broadcast_in_dim3A_4350 = vector.shape_cast %get3A_4348 : vector<8x1xf32> to vector<8x1xf32>
    %broadcast_in_dim3A_4351 = vector.broadcast %broadcast_in_dim3A_4350 : vector<8x1xf32> to vector<8x2048xf32>
    %broadcast_in_dim3A_4352 = vector.broadcast %jit3A_4349 : f32 to vector<8x2048xf32>
    %select_n3A_4353 = arith.select %eq3A_4345, %broadcast_in_dim3A_4351, %broadcast_in_dim3A_4352 : vector<8x2048xi1>, vector<8x2048xf32>
    %max3A_4354 = arith.maximumf %max3A_4338, %select_n3A_4353 : vector<8x2048xf32>
    %get3A_4355 = arith.constant 360 : index
    %get3A_4356 = arith.constant 0 : index
    %get3A_4357 = vector.load %arg9[%get3A_4355, %get3A_4356] : memref<1024x2048xf32, #tpu.memory_space<vmem>>, vector<8x2048xf32>
    %add3A_4358 = vector.broadcast %get3A_2865 : vector<1x2048xf32> to vector<8x2048xf32>
    %add3A_4359 = arith.addf %add3A_4358, %get3A_4357 : vector<8x2048xf32>
    %eq3A_4360 = vector.broadcast %broadcast_in_dim3A_3635 : vector<1x2048xf32> to vector<8x2048xf32>
    %eq3A_4361 = arith.cmpf oeq, %add3A_4359, %eq3A_4360 : vector<8x2048xf32>
    %get3A_4362 = arith.constant 360 : index
    %get3A_4363 = arith.constant 0 : index
    %get3A_4364 = vector.load %arg4[%get3A_4362, %get3A_4363] : memref<1024x1xf32, #tpu.memory_space<vmem>>, vector<8x1xf32>
    %jit3A_4365 = arith.constant 0.000000e+00 : f32
    %broadcast_in_dim3A_4366 = vector.shape_cast %get3A_4364 : vector<8x1xf32> to vector<8x1xf32>
    %broadcast_in_dim3A_4367 = vector.broadcast %broadcast_in_dim3A_4366 : vector<8x1xf32> to vector<8x2048xf32>
    %broadcast_in_dim3A_4368 = vector.broadcast %jit3A_4365 : f32 to vector<8x2048xf32>
    %select_n3A_4369 = arith.select %eq3A_4361, %broadcast_in_dim3A_4367, %broadcast_in_dim3A_4368 : vector<8x2048xi1>, vector<8x2048xf32>
    %max3A_4370 = arith.maximumf %max3A_4354, %select_n3A_4369 : vector<8x2048xf32>
    %get3A_4371 = arith.constant 368 : index
    %get3A_4372 = arith.constant 0 : index
    %get3A_4373 = vector.load %arg9[%get3A_4371, %get3A_4372] : memref<1024x2048xf32, #tpu.memory_space<vmem>>, vector<8x2048xf32>
    %add3A_4374 = vector.broadcast %get3A_2865 : vector<1x2048xf32> to vector<8x2048xf32>
    %add3A_4375 = arith.addf %add3A_4374, %get3A_4373 : vector<8x2048xf32>
    %eq3A_4376 = vector.broadcast %broadcast_in_dim3A_3635 : vector<1x2048xf32> to vector<8x2048xf32>
    %eq3A_4377 = arith.cmpf oeq, %add3A_4375, %eq3A_4376 : vector<8x2048xf32>
    %get3A_4378 = arith.constant 368 : index
    %get3A_4379 = arith.constant 0 : index
    %get3A_4380 = vector.load %arg4[%get3A_4378, %get3A_4379] : memref<1024x1xf32, #tpu.memory_space<vmem>>, vector<8x1xf32>
    %jit3A_4381 = arith.constant 0.000000e+00 : f32
    %broadcast_in_dim3A_4382 = vector.shape_cast %get3A_4380 : vector<8x1xf32> to vector<8x1xf32>
    %broadcast_in_dim3A_4383 = vector.broadcast %broadcast_in_dim3A_4382 : vector<8x1xf32> to vector<8x2048xf32>
    %broadcast_in_dim3A_4384 = vector.broadcast %jit3A_4381 : f32 to vector<8x2048xf32>
    %select_n3A_4385 = arith.select %eq3A_4377, %broadcast_in_dim3A_4383, %broadcast_in_dim3A_4384 : vector<8x2048xi1>, vector<8x2048xf32>
    %max3A_4386 = arith.maximumf %max3A_4370, %select_n3A_4385 : vector<8x2048xf32>
    %get3A_4387 = arith.constant 376 : index
    %get3A_4388 = arith.constant 0 : index
    %get3A_4389 = vector.load %arg9[%get3A_4387, %get3A_4388] : memref<1024x2048xf32, #tpu.memory_space<vmem>>, vector<8x2048xf32>
    %add3A_4390 = vector.broadcast %get3A_2865 : vector<1x2048xf32> to vector<8x2048xf32>
    %add3A_4391 = arith.addf %add3A_4390, %get3A_4389 : vector<8x2048xf32>
    %eq3A_4392 = vector.broadcast %broadcast_in_dim3A_3635 : vector<1x2048xf32> to vector<8x2048xf32>
    %eq3A_4393 = arith.cmpf oeq, %add3A_4391, %eq3A_4392 : vector<8x2048xf32>
    %get3A_4394 = arith.constant 376 : index
    %get3A_4395 = arith.constant 0 : index
    %get3A_4396 = vector.load %arg4[%get3A_4394, %get3A_4395] : memref<1024x1xf32, #tpu.memory_space<vmem>>, vector<8x1xf32>
    %jit3A_4397 = arith.constant 0.000000e+00 : f32
    %broadcast_in_dim3A_4398 = vector.shape_cast %get3A_4396 : vector<8x1xf32> to vector<8x1xf32>
    %broadcast_in_dim3A_4399 = vector.broadcast %broadcast_in_dim3A_4398 : vector<8x1xf32> to vector<8x2048xf32>
    %broadcast_in_dim3A_4400 = vector.broadcast %jit3A_4397 : f32 to vector<8x2048xf32>
    %select_n3A_4401 = arith.select %eq3A_4393, %broadcast_in_dim3A_4399, %broadcast_in_dim3A_4400 : vector<8x2048xi1>, vector<8x2048xf32>
    %max3A_4402 = arith.maximumf %max3A_4386, %select_n3A_4401 : vector<8x2048xf32>
    %get3A_4403 = arith.constant 384 : index
    %get3A_4404 = arith.constant 0 : index
    %get3A_4405 = vector.load %arg9[%get3A_4403, %get3A_4404] : memref<1024x2048xf32, #tpu.memory_space<vmem>>, vector<8x2048xf32>
    %add3A_4406 = vector.broadcast %get3A_2865 : vector<1x2048xf32> to vector<8x2048xf32>
    %add3A_4407 = arith.addf %add3A_4406, %get3A_4405 : vector<8x2048xf32>
    %eq3A_4408 = vector.broadcast %broadcast_in_dim3A_3635 : vector<1x2048xf32> to vector<8x2048xf32>
    %eq3A_4409 = arith.cmpf oeq, %add3A_4407, %eq3A_4408 : vector<8x2048xf32>
    %get3A_4410 = arith.constant 384 : index
    %get3A_4411 = arith.constant 0 : index
    %get3A_4412 = vector.load %arg4[%get3A_4410, %get3A_4411] : memref<1024x1xf32, #tpu.memory_space<vmem>>, vector<8x1xf32>
    %jit3A_4413 = arith.constant 0.000000e+00 : f32
    %broadcast_in_dim3A_4414 = vector.shape_cast %get3A_4412 : vector<8x1xf32> to vector<8x1xf32>
    %broadcast_in_dim3A_4415 = vector.broadcast %broadcast_in_dim3A_4414 : vector<8x1xf32> to vector<8x2048xf32>
    %broadcast_in_dim3A_4416 = vector.broadcast %jit3A_4413 : f32 to vector<8x2048xf32>
    %select_n3A_4417 = arith.select %eq3A_4409, %broadcast_in_dim3A_4415, %broadcast_in_dim3A_4416 : vector<8x2048xi1>, vector<8x2048xf32>
    %max3A_4418 = arith.maximumf %max3A_4402, %select_n3A_4417 : vector<8x2048xf32>
    %get3A_4419 = arith.constant 392 : index
    %get3A_4420 = arith.constant 0 : index
    %get3A_4421 = vector.load %arg9[%get3A_4419, %get3A_4420] : memref<1024x2048xf32, #tpu.memory_space<vmem>>, vector<8x2048xf32>
    %add3A_4422 = vector.broadcast %get3A_2865 : vector<1x2048xf32> to vector<8x2048xf32>
    %add3A_4423 = arith.addf %add3A_4422, %get3A_4421 : vector<8x2048xf32>
    %eq3A_4424 = vector.broadcast %broadcast_in_dim3A_3635 : vector<1x2048xf32> to vector<8x2048xf32>
    %eq3A_4425 = arith.cmpf oeq, %add3A_4423, %eq3A_4424 : vector<8x2048xf32>
    %get3A_4426 = arith.constant 392 : index
    %get3A_4427 = arith.constant 0 : index
    %get3A_4428 = vector.load %arg4[%get3A_4426, %get3A_4427] : memref<1024x1xf32, #tpu.memory_space<vmem>>, vector<8x1xf32>
    %jit3A_4429 = arith.constant 0.000000e+00 : f32
    %broadcast_in_dim3A_4430 = vector.shape_cast %get3A_4428 : vector<8x1xf32> to vector<8x1xf32>
    %broadcast_in_dim3A_4431 = vector.broadcast %broadcast_in_dim3A_4430 : vector<8x1xf32> to vector<8x2048xf32>
    %broadcast_in_dim3A_4432 = vector.broadcast %jit3A_4429 : f32 to vector<8x2048xf32>
    %select_n3A_4433 = arith.select %eq3A_4425, %broadcast_in_dim3A_4431, %broadcast_in_dim3A_4432 : vector<8x2048xi1>, vector<8x2048xf32>
    %max3A_4434 = arith.maximumf %max3A_4418, %select_n3A_4433 : vector<8x2048xf32>
    %get3A_4435 = arith.constant 400 : index
    %get3A_4436 = arith.constant 0 : index
    %get3A_4437 = vector.load %arg9[%get3A_4435, %get3A_4436] : memref<1024x2048xf32, #tpu.memory_space<vmem>>, vector<8x2048xf32>
    %add3A_4438 = vector.broadcast %get3A_2865 : vector<1x2048xf32> to vector<8x2048xf32>
    %add3A_4439 = arith.addf %add3A_4438, %get3A_4437 : vector<8x2048xf32>
    %eq3A_4440 = vector.broadcast %broadcast_in_dim3A_3635 : vector<1x2048xf32> to vector<8x2048xf32>
    %eq3A_4441 = arith.cmpf oeq, %add3A_4439, %eq3A_4440 : vector<8x2048xf32>
    %get3A_4442 = arith.constant 400 : index
    %get3A_4443 = arith.constant 0 : index
    %get3A_4444 = vector.load %arg4[%get3A_4442, %get3A_4443] : memref<1024x1xf32, #tpu.memory_space<vmem>>, vector<8x1xf32>
    %jit3A_4445 = arith.constant 0.000000e+00 : f32
    %broadcast_in_dim3A_4446 = vector.shape_cast %get3A_4444 : vector<8x1xf32> to vector<8x1xf32>
    %broadcast_in_dim3A_4447 = vector.broadcast %broadcast_in_dim3A_4446 : vector<8x1xf32> to vector<8x2048xf32>
    %broadcast_in_dim3A_4448 = vector.broadcast %jit3A_4445 : f32 to vector<8x2048xf32>
    %select_n3A_4449 = arith.select %eq3A_4441, %broadcast_in_dim3A_4447, %broadcast_in_dim3A_4448 : vector<8x2048xi1>, vector<8x2048xf32>
    %max3A_4450 = arith.maximumf %max3A_4434, %select_n3A_4449 : vector<8x2048xf32>
    %get3A_4451 = arith.constant 408 : index
    %get3A_4452 = arith.constant 0 : index
    %get3A_4453 = vector.load %arg9[%get3A_4451, %get3A_4452] : memref<1024x2048xf32, #tpu.memory_space<vmem>>, vector<8x2048xf32>
    %add3A_4454 = vector.broadcast %get3A_2865 : vector<1x2048xf32> to vector<8x2048xf32>
    %add3A_4455 = arith.addf %add3A_4454, %get3A_4453 : vector<8x2048xf32>
    %eq3A_4456 = vector.broadcast %broadcast_in_dim3A_3635 : vector<1x2048xf32> to vector<8x2048xf32>
    %eq3A_4457 = arith.cmpf oeq, %add3A_4455, %eq3A_4456 : vector<8x2048xf32>
    %get3A_4458 = arith.constant 408 : index
    %get3A_4459 = arith.constant 0 : index
    %get3A_4460 = vector.load %arg4[%get3A_4458, %get3A_4459] : memref<1024x1xf32, #tpu.memory_space<vmem>>, vector<8x1xf32>
    %jit3A_4461 = arith.constant 0.000000e+00 : f32
    %broadcast_in_dim3A_4462 = vector.shape_cast %get3A_4460 : vector<8x1xf32> to vector<8x1xf32>
    %broadcast_in_dim3A_4463 = vector.broadcast %broadcast_in_dim3A_4462 : vector<8x1xf32> to vector<8x2048xf32>
    %broadcast_in_dim3A_4464 = vector.broadcast %jit3A_4461 : f32 to vector<8x2048xf32>
    %select_n3A_4465 = arith.select %eq3A_4457, %broadcast_in_dim3A_4463, %broadcast_in_dim3A_4464 : vector<8x2048xi1>, vector<8x2048xf32>
    %max3A_4466 = arith.maximumf %max3A_4450, %select_n3A_4465 : vector<8x2048xf32>
    %get3A_4467 = arith.constant 416 : index
    %get3A_4468 = arith.constant 0 : index
    %get3A_4469 = vector.load %arg9[%get3A_4467, %get3A_4468] : memref<1024x2048xf32, #tpu.memory_space<vmem>>, vector<8x2048xf32>
    %add3A_4470 = vector.broadcast %get3A_2865 : vector<1x2048xf32> to vector<8x2048xf32>
    %add3A_4471 = arith.addf %add3A_4470, %get3A_4469 : vector<8x2048xf32>
    %eq3A_4472 = vector.broadcast %broadcast_in_dim3A_3635 : vector<1x2048xf32> to vector<8x2048xf32>
    %eq3A_4473 = arith.cmpf oeq, %add3A_4471, %eq3A_4472 : vector<8x2048xf32>
    %get3A_4474 = arith.constant 416 : index
    %get3A_4475 = arith.constant 0 : index
    %get3A_4476 = vector.load %arg4[%get3A_4474, %get3A_4475] : memref<1024x1xf32, #tpu.memory_space<vmem>>, vector<8x1xf32>
    %jit3A_4477 = arith.constant 0.000000e+00 : f32
    %broadcast_in_dim3A_4478 = vector.shape_cast %get3A_4476 : vector<8x1xf32> to vector<8x1xf32>
    %broadcast_in_dim3A_4479 = vector.broadcast %broadcast_in_dim3A_4478 : vector<8x1xf32> to vector<8x2048xf32>
    %broadcast_in_dim3A_4480 = vector.broadcast %jit3A_4477 : f32 to vector<8x2048xf32>
    %select_n3A_4481 = arith.select %eq3A_4473, %broadcast_in_dim3A_4479, %broadcast_in_dim3A_4480 : vector<8x2048xi1>, vector<8x2048xf32>
    %max3A_4482 = arith.maximumf %max3A_4466, %select_n3A_4481 : vector<8x2048xf32>
    %get3A_4483 = arith.constant 424 : index
    %get3A_4484 = arith.constant 0 : index
    %get3A_4485 = vector.load %arg9[%get3A_4483, %get3A_4484] : memref<1024x2048xf32, #tpu.memory_space<vmem>>, vector<8x2048xf32>
    %add3A_4486 = vector.broadcast %get3A_2865 : vector<1x2048xf32> to vector<8x2048xf32>
    %add3A_4487 = arith.addf %add3A_4486, %get3A_4485 : vector<8x2048xf32>
    %eq3A_4488 = vector.broadcast %broadcast_in_dim3A_3635 : vector<1x2048xf32> to vector<8x2048xf32>
    %eq3A_4489 = arith.cmpf oeq, %add3A_4487, %eq3A_4488 : vector<8x2048xf32>
    %get3A_4490 = arith.constant 424 : index
    %get3A_4491 = arith.constant 0 : index
    %get3A_4492 = vector.load %arg4[%get3A_4490, %get3A_4491] : memref<1024x1xf32, #tpu.memory_space<vmem>>, vector<8x1xf32>
    %jit3A_4493 = arith.constant 0.000000e+00 : f32
    %broadcast_in_dim3A_4494 = vector.shape_cast %get3A_4492 : vector<8x1xf32> to vector<8x1xf32>
    %broadcast_in_dim3A_4495 = vector.broadcast %broadcast_in_dim3A_4494 : vector<8x1xf32> to vector<8x2048xf32>
    %broadcast_in_dim3A_4496 = vector.broadcast %jit3A_4493 : f32 to vector<8x2048xf32>
    %select_n3A_4497 = arith.select %eq3A_4489, %broadcast_in_dim3A_4495, %broadcast_in_dim3A_4496 : vector<8x2048xi1>, vector<8x2048xf32>
    %max3A_4498 = arith.maximumf %max3A_4482, %select_n3A_4497 : vector<8x2048xf32>
    %get3A_4499 = arith.constant 432 : index
    %get3A_4500 = arith.constant 0 : index
    %get3A_4501 = vector.load %arg9[%get3A_4499, %get3A_4500] : memref<1024x2048xf32, #tpu.memory_space<vmem>>, vector<8x2048xf32>
    %add3A_4502 = vector.broadcast %get3A_2865 : vector<1x2048xf32> to vector<8x2048xf32>
    %add3A_4503 = arith.addf %add3A_4502, %get3A_4501 : vector<8x2048xf32>
    %eq3A_4504 = vector.broadcast %broadcast_in_dim3A_3635 : vector<1x2048xf32> to vector<8x2048xf32>
    %eq3A_4505 = arith.cmpf oeq, %add3A_4503, %eq3A_4504 : vector<8x2048xf32>
    %get3A_4506 = arith.constant 432 : index
    %get3A_4507 = arith.constant 0 : index
    %get3A_4508 = vector.load %arg4[%get3A_4506, %get3A_4507] : memref<1024x1xf32, #tpu.memory_space<vmem>>, vector<8x1xf32>
    %jit3A_4509 = arith.constant 0.000000e+00 : f32
    %broadcast_in_dim3A_4510 = vector.shape_cast %get3A_4508 : vector<8x1xf32> to vector<8x1xf32>
    %broadcast_in_dim3A_4511 = vector.broadcast %broadcast_in_dim3A_4510 : vector<8x1xf32> to vector<8x2048xf32>
    %broadcast_in_dim3A_4512 = vector.broadcast %jit3A_4509 : f32 to vector<8x2048xf32>
    %select_n3A_4513 = arith.select %eq3A_4505, %broadcast_in_dim3A_4511, %broadcast_in_dim3A_4512 : vector<8x2048xi1>, vector<8x2048xf32>
    %max3A_4514 = arith.maximumf %max3A_4498, %select_n3A_4513 : vector<8x2048xf32>
    %get3A_4515 = arith.constant 440 : index
    %get3A_4516 = arith.constant 0 : index
    %get3A_4517 = vector.load %arg9[%get3A_4515, %get3A_4516] : memref<1024x2048xf32, #tpu.memory_space<vmem>>, vector<8x2048xf32>
    %add3A_4518 = vector.broadcast %get3A_2865 : vector<1x2048xf32> to vector<8x2048xf32>
    %add3A_4519 = arith.addf %add3A_4518, %get3A_4517 : vector<8x2048xf32>
    %eq3A_4520 = vector.broadcast %broadcast_in_dim3A_3635 : vector<1x2048xf32> to vector<8x2048xf32>
    %eq3A_4521 = arith.cmpf oeq, %add3A_4519, %eq3A_4520 : vector<8x2048xf32>
    %get3A_4522 = arith.constant 440 : index
    %get3A_4523 = arith.constant 0 : index
    %get3A_4524 = vector.load %arg4[%get3A_4522, %get3A_4523] : memref<1024x1xf32, #tpu.memory_space<vmem>>, vector<8x1xf32>
    %jit3A_4525 = arith.constant 0.000000e+00 : f32
    %broadcast_in_dim3A_4526 = vector.shape_cast %get3A_4524 : vector<8x1xf32> to vector<8x1xf32>
    %broadcast_in_dim3A_4527 = vector.broadcast %broadcast_in_dim3A_4526 : vector<8x1xf32> to vector<8x2048xf32>
    %broadcast_in_dim3A_4528 = vector.broadcast %jit3A_4525 : f32 to vector<8x2048xf32>
    %select_n3A_4529 = arith.select %eq3A_4521, %broadcast_in_dim3A_4527, %broadcast_in_dim3A_4528 : vector<8x2048xi1>, vector<8x2048xf32>
    %max3A_4530 = arith.maximumf %max3A_4514, %select_n3A_4529 : vector<8x2048xf32>
    %get3A_4531 = arith.constant 448 : index
    %get3A_4532 = arith.constant 0 : index
    %get3A_4533 = vector.load %arg9[%get3A_4531, %get3A_4532] : memref<1024x2048xf32, #tpu.memory_space<vmem>>, vector<8x2048xf32>
    %add3A_4534 = vector.broadcast %get3A_2865 : vector<1x2048xf32> to vector<8x2048xf32>
    %add3A_4535 = arith.addf %add3A_4534, %get3A_4533 : vector<8x2048xf32>
    %eq3A_4536 = vector.broadcast %broadcast_in_dim3A_3635 : vector<1x2048xf32> to vector<8x2048xf32>
    %eq3A_4537 = arith.cmpf oeq, %add3A_4535, %eq3A_4536 : vector<8x2048xf32>
    %get3A_4538 = arith.constant 448 : index
    %get3A_4539 = arith.constant 0 : index
    %get3A_4540 = vector.load %arg4[%get3A_4538, %get3A_4539] : memref<1024x1xf32, #tpu.memory_space<vmem>>, vector<8x1xf32>
    %jit3A_4541 = arith.constant 0.000000e+00 : f32
    %broadcast_in_dim3A_4542 = vector.shape_cast %get3A_4540 : vector<8x1xf32> to vector<8x1xf32>
    %broadcast_in_dim3A_4543 = vector.broadcast %broadcast_in_dim3A_4542 : vector<8x1xf32> to vector<8x2048xf32>
    %broadcast_in_dim3A_4544 = vector.broadcast %jit3A_4541 : f32 to vector<8x2048xf32>
    %select_n3A_4545 = arith.select %eq3A_4537, %broadcast_in_dim3A_4543, %broadcast_in_dim3A_4544 : vector<8x2048xi1>, vector<8x2048xf32>
    %max3A_4546 = arith.maximumf %max3A_4530, %select_n3A_4545 : vector<8x2048xf32>
    %get3A_4547 = arith.constant 456 : index
    %get3A_4548 = arith.constant 0 : index
    %get3A_4549 = vector.load %arg9[%get3A_4547, %get3A_4548] : memref<1024x2048xf32, #tpu.memory_space<vmem>>, vector<8x2048xf32>
    %add3A_4550 = vector.broadcast %get3A_2865 : vector<1x2048xf32> to vector<8x2048xf32>
    %add3A_4551 = arith.addf %add3A_4550, %get3A_4549 : vector<8x2048xf32>
    %eq3A_4552 = vector.broadcast %broadcast_in_dim3A_3635 : vector<1x2048xf32> to vector<8x2048xf32>
    %eq3A_4553 = arith.cmpf oeq, %add3A_4551, %eq3A_4552 : vector<8x2048xf32>
    %get3A_4554 = arith.constant 456 : index
    %get3A_4555 = arith.constant 0 : index
    %get3A_4556 = vector.load %arg4[%get3A_4554, %get3A_4555] : memref<1024x1xf32, #tpu.memory_space<vmem>>, vector<8x1xf32>
    %jit3A_4557 = arith.constant 0.000000e+00 : f32
    %broadcast_in_dim3A_4558 = vector.shape_cast %get3A_4556 : vector<8x1xf32> to vector<8x1xf32>
    %broadcast_in_dim3A_4559 = vector.broadcast %broadcast_in_dim3A_4558 : vector<8x1xf32> to vector<8x2048xf32>
    %broadcast_in_dim3A_4560 = vector.broadcast %jit3A_4557 : f32 to vector<8x2048xf32>
    %select_n3A_4561 = arith.select %eq3A_4553, %broadcast_in_dim3A_4559, %broadcast_in_dim3A_4560 : vector<8x2048xi1>, vector<8x2048xf32>
    %max3A_4562 = arith.maximumf %max3A_4546, %select_n3A_4561 : vector<8x2048xf32>
    %get3A_4563 = arith.constant 464 : index
    %get3A_4564 = arith.constant 0 : index
    %get3A_4565 = vector.load %arg9[%get3A_4563, %get3A_4564] : memref<1024x2048xf32, #tpu.memory_space<vmem>>, vector<8x2048xf32>
    %add3A_4566 = vector.broadcast %get3A_2865 : vector<1x2048xf32> to vector<8x2048xf32>
    %add3A_4567 = arith.addf %add3A_4566, %get3A_4565 : vector<8x2048xf32>
    %eq3A_4568 = vector.broadcast %broadcast_in_dim3A_3635 : vector<1x2048xf32> to vector<8x2048xf32>
    %eq3A_4569 = arith.cmpf oeq, %add3A_4567, %eq3A_4568 : vector<8x2048xf32>
    %get3A_4570 = arith.constant 464 : index
    %get3A_4571 = arith.constant 0 : index
    %get3A_4572 = vector.load %arg4[%get3A_4570, %get3A_4571] : memref<1024x1xf32, #tpu.memory_space<vmem>>, vector<8x1xf32>
    %jit3A_4573 = arith.constant 0.000000e+00 : f32
    %broadcast_in_dim3A_4574 = vector.shape_cast %get3A_4572 : vector<8x1xf32> to vector<8x1xf32>
    %broadcast_in_dim3A_4575 = vector.broadcast %broadcast_in_dim3A_4574 : vector<8x1xf32> to vector<8x2048xf32>
    %broadcast_in_dim3A_4576 = vector.broadcast %jit3A_4573 : f32 to vector<8x2048xf32>
    %select_n3A_4577 = arith.select %eq3A_4569, %broadcast_in_dim3A_4575, %broadcast_in_dim3A_4576 : vector<8x2048xi1>, vector<8x2048xf32>
    %max3A_4578 = arith.maximumf %max3A_4562, %select_n3A_4577 : vector<8x2048xf32>
    %get3A_4579 = arith.constant 472 : index
    %get3A_4580 = arith.constant 0 : index
    %get3A_4581 = vector.load %arg9[%get3A_4579, %get3A_4580] : memref<1024x2048xf32, #tpu.memory_space<vmem>>, vector<8x2048xf32>
    %add3A_4582 = vector.broadcast %get3A_2865 : vector<1x2048xf32> to vector<8x2048xf32>
    %add3A_4583 = arith.addf %add3A_4582, %get3A_4581 : vector<8x2048xf32>
    %eq3A_4584 = vector.broadcast %broadcast_in_dim3A_3635 : vector<1x2048xf32> to vector<8x2048xf32>
    %eq3A_4585 = arith.cmpf oeq, %add3A_4583, %eq3A_4584 : vector<8x2048xf32>
    %get3A_4586 = arith.constant 472 : index
    %get3A_4587 = arith.constant 0 : index
    %get3A_4588 = vector.load %arg4[%get3A_4586, %get3A_4587] : memref<1024x1xf32, #tpu.memory_space<vmem>>, vector<8x1xf32>
    %jit3A_4589 = arith.constant 0.000000e+00 : f32
    %broadcast_in_dim3A_4590 = vector.shape_cast %get3A_4588 : vector<8x1xf32> to vector<8x1xf32>
    %broadcast_in_dim3A_4591 = vector.broadcast %broadcast_in_dim3A_4590 : vector<8x1xf32> to vector<8x2048xf32>
    %broadcast_in_dim3A_4592 = vector.broadcast %jit3A_4589 : f32 to vector<8x2048xf32>
    %select_n3A_4593 = arith.select %eq3A_4585, %broadcast_in_dim3A_4591, %broadcast_in_dim3A_4592 : vector<8x2048xi1>, vector<8x2048xf32>
    %max3A_4594 = arith.maximumf %max3A_4578, %select_n3A_4593 : vector<8x2048xf32>
    %get3A_4595 = arith.constant 480 : index
    %get3A_4596 = arith.constant 0 : index
    %get3A_4597 = vector.load %arg9[%get3A_4595, %get3A_4596] : memref<1024x2048xf32, #tpu.memory_space<vmem>>, vector<8x2048xf32>
    %add3A_4598 = vector.broadcast %get3A_2865 : vector<1x2048xf32> to vector<8x2048xf32>
    %add3A_4599 = arith.addf %add3A_4598, %get3A_4597 : vector<8x2048xf32>
    %eq3A_4600 = vector.broadcast %broadcast_in_dim3A_3635 : vector<1x2048xf32> to vector<8x2048xf32>
    %eq3A_4601 = arith.cmpf oeq, %add3A_4599, %eq3A_4600 : vector<8x2048xf32>
    %get3A_4602 = arith.constant 480 : index
    %get3A_4603 = arith.constant 0 : index
    %get3A_4604 = vector.load %arg4[%get3A_4602, %get3A_4603] : memref<1024x1xf32, #tpu.memory_space<vmem>>, vector<8x1xf32>
    %jit3A_4605 = arith.constant 0.000000e+00 : f32
    %broadcast_in_dim3A_4606 = vector.shape_cast %get3A_4604 : vector<8x1xf32> to vector<8x1xf32>
    %broadcast_in_dim3A_4607 = vector.broadcast %broadcast_in_dim3A_4606 : vector<8x1xf32> to vector<8x2048xf32>
    %broadcast_in_dim3A_4608 = vector.broadcast %jit3A_4605 : f32 to vector<8x2048xf32>
    %select_n3A_4609 = arith.select %eq3A_4601, %broadcast_in_dim3A_4607, %broadcast_in_dim3A_4608 : vector<8x2048xi1>, vector<8x2048xf32>
    %max3A_4610 = arith.maximumf %max3A_4594, %select_n3A_4609 : vector<8x2048xf32>
    %get3A_4611 = arith.constant 488 : index
    %get3A_4612 = arith.constant 0 : index
    %get3A_4613 = vector.load %arg9[%get3A_4611, %get3A_4612] : memref<1024x2048xf32, #tpu.memory_space<vmem>>, vector<8x2048xf32>
    %add3A_4614 = vector.broadcast %get3A_2865 : vector<1x2048xf32> to vector<8x2048xf32>
    %add3A_4615 = arith.addf %add3A_4614, %get3A_4613 : vector<8x2048xf32>
    %eq3A_4616 = vector.broadcast %broadcast_in_dim3A_3635 : vector<1x2048xf32> to vector<8x2048xf32>
    %eq3A_4617 = arith.cmpf oeq, %add3A_4615, %eq3A_4616 : vector<8x2048xf32>
    %get3A_4618 = arith.constant 488 : index
    %get3A_4619 = arith.constant 0 : index
    %get3A_4620 = vector.load %arg4[%get3A_4618, %get3A_4619] : memref<1024x1xf32, #tpu.memory_space<vmem>>, vector<8x1xf32>
    %jit3A_4621 = arith.constant 0.000000e+00 : f32
    %broadcast_in_dim3A_4622 = vector.shape_cast %get3A_4620 : vector<8x1xf32> to vector<8x1xf32>
    %broadcast_in_dim3A_4623 = vector.broadcast %broadcast_in_dim3A_4622 : vector<8x1xf32> to vector<8x2048xf32>
    %broadcast_in_dim3A_4624 = vector.broadcast %jit3A_4621 : f32 to vector<8x2048xf32>
    %select_n3A_4625 = arith.select %eq3A_4617, %broadcast_in_dim3A_4623, %broadcast_in_dim3A_4624 : vector<8x2048xi1>, vector<8x2048xf32>
    %max3A_4626 = arith.maximumf %max3A_4610, %select_n3A_4625 : vector<8x2048xf32>
    %get3A_4627 = arith.constant 496 : index
    %get3A_4628 = arith.constant 0 : index
    %get3A_4629 = vector.load %arg9[%get3A_4627, %get3A_4628] : memref<1024x2048xf32, #tpu.memory_space<vmem>>, vector<8x2048xf32>
    %add3A_4630 = vector.broadcast %get3A_2865 : vector<1x2048xf32> to vector<8x2048xf32>
    %add3A_4631 = arith.addf %add3A_4630, %get3A_4629 : vector<8x2048xf32>
    %eq3A_4632 = vector.broadcast %broadcast_in_dim3A_3635 : vector<1x2048xf32> to vector<8x2048xf32>
    %eq3A_4633 = arith.cmpf oeq, %add3A_4631, %eq3A_4632 : vector<8x2048xf32>
    %get3A_4634 = arith.constant 496 : index
    %get3A_4635 = arith.constant 0 : index
    %get3A_4636 = vector.load %arg4[%get3A_4634, %get3A_4635] : memref<1024x1xf32, #tpu.memory_space<vmem>>, vector<8x1xf32>
    %jit3A_4637 = arith.constant 0.000000e+00 : f32
    %broadcast_in_dim3A_4638 = vector.shape_cast %get3A_4636 : vector<8x1xf32> to vector<8x1xf32>
    %broadcast_in_dim3A_4639 = vector.broadcast %broadcast_in_dim3A_4638 : vector<8x1xf32> to vector<8x2048xf32>
    %broadcast_in_dim3A_4640 = vector.broadcast %jit3A_4637 : f32 to vector<8x2048xf32>
    %select_n3A_4641 = arith.select %eq3A_4633, %broadcast_in_dim3A_4639, %broadcast_in_dim3A_4640 : vector<8x2048xi1>, vector<8x2048xf32>
    %max3A_4642 = arith.maximumf %max3A_4626, %select_n3A_4641 : vector<8x2048xf32>
    %get3A_4643 = arith.constant 504 : index
    %get3A_4644 = arith.constant 0 : index
    %get3A_4645 = vector.load %arg9[%get3A_4643, %get3A_4644] : memref<1024x2048xf32, #tpu.memory_space<vmem>>, vector<8x2048xf32>
    %add3A_4646 = vector.broadcast %get3A_2865 : vector<1x2048xf32> to vector<8x2048xf32>
    %add3A_4647 = arith.addf %add3A_4646, %get3A_4645 : vector<8x2048xf32>
    %eq3A_4648 = vector.broadcast %broadcast_in_dim3A_3635 : vector<1x2048xf32> to vector<8x2048xf32>
    %eq3A_4649 = arith.cmpf oeq, %add3A_4647, %eq3A_4648 : vector<8x2048xf32>
    %get3A_4650 = arith.constant 504 : index
    %get3A_4651 = arith.constant 0 : index
    %get3A_4652 = vector.load %arg4[%get3A_4650, %get3A_4651] : memref<1024x1xf32, #tpu.memory_space<vmem>>, vector<8x1xf32>
    %jit3A_4653 = arith.constant 0.000000e+00 : f32
    %broadcast_in_dim3A_4654 = vector.shape_cast %get3A_4652 : vector<8x1xf32> to vector<8x1xf32>
    %broadcast_in_dim3A_4655 = vector.broadcast %broadcast_in_dim3A_4654 : vector<8x1xf32> to vector<8x2048xf32>
    %broadcast_in_dim3A_4656 = vector.broadcast %jit3A_4653 : f32 to vector<8x2048xf32>
    %select_n3A_4657 = arith.select %eq3A_4649, %broadcast_in_dim3A_4655, %broadcast_in_dim3A_4656 : vector<8x2048xi1>, vector<8x2048xf32>
    %max3A_4658 = arith.maximumf %max3A_4642, %select_n3A_4657 : vector<8x2048xf32>
    %get3A_4659 = arith.constant 512 : index
    %get3A_4660 = arith.constant 0 : index
    %get3A_4661 = vector.load %arg9[%get3A_4659, %get3A_4660] : memref<1024x2048xf32, #tpu.memory_space<vmem>>, vector<8x2048xf32>
    %add3A_4662 = vector.broadcast %get3A_2865 : vector<1x2048xf32> to vector<8x2048xf32>
    %add3A_4663 = arith.addf %add3A_4662, %get3A_4661 : vector<8x2048xf32>
    %eq3A_4664 = vector.broadcast %broadcast_in_dim3A_3635 : vector<1x2048xf32> to vector<8x2048xf32>
    %eq3A_4665 = arith.cmpf oeq, %add3A_4663, %eq3A_4664 : vector<8x2048xf32>
    %get3A_4666 = arith.constant 512 : index
    %get3A_4667 = arith.constant 0 : index
    %get3A_4668 = vector.load %arg4[%get3A_4666, %get3A_4667] : memref<1024x1xf32, #tpu.memory_space<vmem>>, vector<8x1xf32>
    %jit3A_4669 = arith.constant 0.000000e+00 : f32
    %broadcast_in_dim3A_4670 = vector.shape_cast %get3A_4668 : vector<8x1xf32> to vector<8x1xf32>
    %broadcast_in_dim3A_4671 = vector.broadcast %broadcast_in_dim3A_4670 : vector<8x1xf32> to vector<8x2048xf32>
    %broadcast_in_dim3A_4672 = vector.broadcast %jit3A_4669 : f32 to vector<8x2048xf32>
    %select_n3A_4673 = arith.select %eq3A_4665, %broadcast_in_dim3A_4671, %broadcast_in_dim3A_4672 : vector<8x2048xi1>, vector<8x2048xf32>
    %max3A_4674 = arith.maximumf %max3A_4658, %select_n3A_4673 : vector<8x2048xf32>
    %get3A_4675 = arith.constant 520 : index
    %get3A_4676 = arith.constant 0 : index
    %get3A_4677 = vector.load %arg9[%get3A_4675, %get3A_4676] : memref<1024x2048xf32, #tpu.memory_space<vmem>>, vector<8x2048xf32>
    %add3A_4678 = vector.broadcast %get3A_2865 : vector<1x2048xf32> to vector<8x2048xf32>
    %add3A_4679 = arith.addf %add3A_4678, %get3A_4677 : vector<8x2048xf32>
    %eq3A_4680 = vector.broadcast %broadcast_in_dim3A_3635 : vector<1x2048xf32> to vector<8x2048xf32>
    %eq3A_4681 = arith.cmpf oeq, %add3A_4679, %eq3A_4680 : vector<8x2048xf32>
    %get3A_4682 = arith.constant 520 : index
    %get3A_4683 = arith.constant 0 : index
    %get3A_4684 = vector.load %arg4[%get3A_4682, %get3A_4683] : memref<1024x1xf32, #tpu.memory_space<vmem>>, vector<8x1xf32>
    %jit3A_4685 = arith.constant 0.000000e+00 : f32
    %broadcast_in_dim3A_4686 = vector.shape_cast %get3A_4684 : vector<8x1xf32> to vector<8x1xf32>
    %broadcast_in_dim3A_4687 = vector.broadcast %broadcast_in_dim3A_4686 : vector<8x1xf32> to vector<8x2048xf32>
    %broadcast_in_dim3A_4688 = vector.broadcast %jit3A_4685 : f32 to vector<8x2048xf32>
    %select_n3A_4689 = arith.select %eq3A_4681, %broadcast_in_dim3A_4687, %broadcast_in_dim3A_4688 : vector<8x2048xi1>, vector<8x2048xf32>
    %max3A_4690 = arith.maximumf %max3A_4674, %select_n3A_4689 : vector<8x2048xf32>
    %get3A_4691 = arith.constant 528 : index
    %get3A_4692 = arith.constant 0 : index
    %get3A_4693 = vector.load %arg9[%get3A_4691, %get3A_4692] : memref<1024x2048xf32, #tpu.memory_space<vmem>>, vector<8x2048xf32>
    %add3A_4694 = vector.broadcast %get3A_2865 : vector<1x2048xf32> to vector<8x2048xf32>
    %add3A_4695 = arith.addf %add3A_4694, %get3A_4693 : vector<8x2048xf32>
    %eq3A_4696 = vector.broadcast %broadcast_in_dim3A_3635 : vector<1x2048xf32> to vector<8x2048xf32>
    %eq3A_4697 = arith.cmpf oeq, %add3A_4695, %eq3A_4696 : vector<8x2048xf32>
    %get3A_4698 = arith.constant 528 : index
    %get3A_4699 = arith.constant 0 : index
    %get3A_4700 = vector.load %arg4[%get3A_4698, %get3A_4699] : memref<1024x1xf32, #tpu.memory_space<vmem>>, vector<8x1xf32>
    %jit3A_4701 = arith.constant 0.000000e+00 : f32
    %broadcast_in_dim3A_4702 = vector.shape_cast %get3A_4700 : vector<8x1xf32> to vector<8x1xf32>
    %broadcast_in_dim3A_4703 = vector.broadcast %broadcast_in_dim3A_4702 : vector<8x1xf32> to vector<8x2048xf32>
    %broadcast_in_dim3A_4704 = vector.broadcast %jit3A_4701 : f32 to vector<8x2048xf32>
    %select_n3A_4705 = arith.select %eq3A_4697, %broadcast_in_dim3A_4703, %broadcast_in_dim3A_4704 : vector<8x2048xi1>, vector<8x2048xf32>
    %max3A_4706 = arith.maximumf %max3A_4690, %select_n3A_4705 : vector<8x2048xf32>
    %get3A_4707 = arith.constant 536 : index
    %get3A_4708 = arith.constant 0 : index
    %get3A_4709 = vector.load %arg9[%get3A_4707, %get3A_4708] : memref<1024x2048xf32, #tpu.memory_space<vmem>>, vector<8x2048xf32>
    %add3A_4710 = vector.broadcast %get3A_2865 : vector<1x2048xf32> to vector<8x2048xf32>
    %add3A_4711 = arith.addf %add3A_4710, %get3A_4709 : vector<8x2048xf32>
    %eq3A_4712 = vector.broadcast %broadcast_in_dim3A_3635 : vector<1x2048xf32> to vector<8x2048xf32>
    %eq3A_4713 = arith.cmpf oeq, %add3A_4711, %eq3A_4712 : vector<8x2048xf32>
    %get3A_4714 = arith.constant 536 : index
    %get3A_4715 = arith.constant 0 : index
    %get3A_4716 = vector.load %arg4[%get3A_4714, %get3A_4715] : memref<1024x1xf32, #tpu.memory_space<vmem>>, vector<8x1xf32>
    %jit3A_4717 = arith.constant 0.000000e+00 : f32
    %broadcast_in_dim3A_4718 = vector.shape_cast %get3A_4716 : vector<8x1xf32> to vector<8x1xf32>
    %broadcast_in_dim3A_4719 = vector.broadcast %broadcast_in_dim3A_4718 : vector<8x1xf32> to vector<8x2048xf32>
    %broadcast_in_dim3A_4720 = vector.broadcast %jit3A_4717 : f32 to vector<8x2048xf32>
    %select_n3A_4721 = arith.select %eq3A_4713, %broadcast_in_dim3A_4719, %broadcast_in_dim3A_4720 : vector<8x2048xi1>, vector<8x2048xf32>
    %max3A_4722 = arith.maximumf %max3A_4706, %select_n3A_4721 : vector<8x2048xf32>
    %get3A_4723 = arith.constant 544 : index
    %get3A_4724 = arith.constant 0 : index
    %get3A_4725 = vector.load %arg9[%get3A_4723, %get3A_4724] : memref<1024x2048xf32, #tpu.memory_space<vmem>>, vector<8x2048xf32>
    %add3A_4726 = vector.broadcast %get3A_2865 : vector<1x2048xf32> to vector<8x2048xf32>
    %add3A_4727 = arith.addf %add3A_4726, %get3A_4725 : vector<8x2048xf32>
    %eq3A_4728 = vector.broadcast %broadcast_in_dim3A_3635 : vector<1x2048xf32> to vector<8x2048xf32>
    %eq3A_4729 = arith.cmpf oeq, %add3A_4727, %eq3A_4728 : vector<8x2048xf32>
    %get3A_4730 = arith.constant 544 : index
    %get3A_4731 = arith.constant 0 : index
    %get3A_4732 = vector.load %arg4[%get3A_4730, %get3A_4731] : memref<1024x1xf32, #tpu.memory_space<vmem>>, vector<8x1xf32>
    %jit3A_4733 = arith.constant 0.000000e+00 : f32
    %broadcast_in_dim3A_4734 = vector.shape_cast %get3A_4732 : vector<8x1xf32> to vector<8x1xf32>
    %broadcast_in_dim3A_4735 = vector.broadcast %broadcast_in_dim3A_4734 : vector<8x1xf32> to vector<8x2048xf32>
    %broadcast_in_dim3A_4736 = vector.broadcast %jit3A_4733 : f32 to vector<8x2048xf32>
    %select_n3A_4737 = arith.select %eq3A_4729, %broadcast_in_dim3A_4735, %broadcast_in_dim3A_4736 : vector<8x2048xi1>, vector<8x2048xf32>
    %max3A_4738 = arith.maximumf %max3A_4722, %select_n3A_4737 : vector<8x2048xf32>
    %get3A_4739 = arith.constant 552 : index
    %get3A_4740 = arith.constant 0 : index
    %get3A_4741 = vector.load %arg9[%get3A_4739, %get3A_4740] : memref<1024x2048xf32, #tpu.memory_space<vmem>>, vector<8x2048xf32>
    %add3A_4742 = vector.broadcast %get3A_2865 : vector<1x2048xf32> to vector<8x2048xf32>
    %add3A_4743 = arith.addf %add3A_4742, %get3A_4741 : vector<8x2048xf32>
    %eq3A_4744 = vector.broadcast %broadcast_in_dim3A_3635 : vector<1x2048xf32> to vector<8x2048xf32>
    %eq3A_4745 = arith.cmpf oeq, %add3A_4743, %eq3A_4744 : vector<8x2048xf32>
    %get3A_4746 = arith.constant 552 : index
    %get3A_4747 = arith.constant 0 : index
    %get3A_4748 = vector.load %arg4[%get3A_4746, %get3A_4747] : memref<1024x1xf32, #tpu.memory_space<vmem>>, vector<8x1xf32>
    %jit3A_4749 = arith.constant 0.000000e+00 : f32
    %broadcast_in_dim3A_4750 = vector.shape_cast %get3A_4748 : vector<8x1xf32> to vector<8x1xf32>
    %broadcast_in_dim3A_4751 = vector.broadcast %broadcast_in_dim3A_4750 : vector<8x1xf32> to vector<8x2048xf32>
    %broadcast_in_dim3A_4752 = vector.broadcast %jit3A_4749 : f32 to vector<8x2048xf32>
    %select_n3A_4753 = arith.select %eq3A_4745, %broadcast_in_dim3A_4751, %broadcast_in_dim3A_4752 : vector<8x2048xi1>, vector<8x2048xf32>
    %max3A_4754 = arith.maximumf %max3A_4738, %select_n3A_4753 : vector<8x2048xf32>
    %get3A_4755 = arith.constant 560 : index
    %get3A_4756 = arith.constant 0 : index
    %get3A_4757 = vector.load %arg9[%get3A_4755, %get3A_4756] : memref<1024x2048xf32, #tpu.memory_space<vmem>>, vector<8x2048xf32>
    %add3A_4758 = vector.broadcast %get3A_2865 : vector<1x2048xf32> to vector<8x2048xf32>
    %add3A_4759 = arith.addf %add3A_4758, %get3A_4757 : vector<8x2048xf32>
    %eq3A_4760 = vector.broadcast %broadcast_in_dim3A_3635 : vector<1x2048xf32> to vector<8x2048xf32>
    %eq3A_4761 = arith.cmpf oeq, %add3A_4759, %eq3A_4760 : vector<8x2048xf32>
    %get3A_4762 = arith.constant 560 : index
    %get3A_4763 = arith.constant 0 : index
    %get3A_4764 = vector.load %arg4[%get3A_4762, %get3A_4763] : memref<1024x1xf32, #tpu.memory_space<vmem>>, vector<8x1xf32>
    %jit3A_4765 = arith.constant 0.000000e+00 : f32
    %broadcast_in_dim3A_4766 = vector.shape_cast %get3A_4764 : vector<8x1xf32> to vector<8x1xf32>
    %broadcast_in_dim3A_4767 = vector.broadcast %broadcast_in_dim3A_4766 : vector<8x1xf32> to vector<8x2048xf32>
    %broadcast_in_dim3A_4768 = vector.broadcast %jit3A_4765 : f32 to vector<8x2048xf32>
    %select_n3A_4769 = arith.select %eq3A_4761, %broadcast_in_dim3A_4767, %broadcast_in_dim3A_4768 : vector<8x2048xi1>, vector<8x2048xf32>
    %max3A_4770 = arith.maximumf %max3A_4754, %select_n3A_4769 : vector<8x2048xf32>
    %get3A_4771 = arith.constant 568 : index
    %get3A_4772 = arith.constant 0 : index
    %get3A_4773 = vector.load %arg9[%get3A_4771, %get3A_4772] : memref<1024x2048xf32, #tpu.memory_space<vmem>>, vector<8x2048xf32>
    %add3A_4774 = vector.broadcast %get3A_2865 : vector<1x2048xf32> to vector<8x2048xf32>
    %add3A_4775 = arith.addf %add3A_4774, %get3A_4773 : vector<8x2048xf32>
    %eq3A_4776 = vector.broadcast %broadcast_in_dim3A_3635 : vector<1x2048xf32> to vector<8x2048xf32>
    %eq3A_4777 = arith.cmpf oeq, %add3A_4775, %eq3A_4776 : vector<8x2048xf32>
    %get3A_4778 = arith.constant 568 : index
    %get3A_4779 = arith.constant 0 : index
    %get3A_4780 = vector.load %arg4[%get3A_4778, %get3A_4779] : memref<1024x1xf32, #tpu.memory_space<vmem>>, vector<8x1xf32>
    %jit3A_4781 = arith.constant 0.000000e+00 : f32
    %broadcast_in_dim3A_4782 = vector.shape_cast %get3A_4780 : vector<8x1xf32> to vector<8x1xf32>
    %broadcast_in_dim3A_4783 = vector.broadcast %broadcast_in_dim3A_4782 : vector<8x1xf32> to vector<8x2048xf32>
    %broadcast_in_dim3A_4784 = vector.broadcast %jit3A_4781 : f32 to vector<8x2048xf32>
    %select_n3A_4785 = arith.select %eq3A_4777, %broadcast_in_dim3A_4783, %broadcast_in_dim3A_4784 : vector<8x2048xi1>, vector<8x2048xf32>
    %max3A_4786 = arith.maximumf %max3A_4770, %select_n3A_4785 : vector<8x2048xf32>
    %get3A_4787 = arith.constant 576 : index
    %get3A_4788 = arith.constant 0 : index
    %get3A_4789 = vector.load %arg9[%get3A_4787, %get3A_4788] : memref<1024x2048xf32, #tpu.memory_space<vmem>>, vector<8x2048xf32>
    %add3A_4790 = vector.broadcast %get3A_2865 : vector<1x2048xf32> to vector<8x2048xf32>
    %add3A_4791 = arith.addf %add3A_4790, %get3A_4789 : vector<8x2048xf32>
    %eq3A_4792 = vector.broadcast %broadcast_in_dim3A_3635 : vector<1x2048xf32> to vector<8x2048xf32>
    %eq3A_4793 = arith.cmpf oeq, %add3A_4791, %eq3A_4792 : vector<8x2048xf32>
    %get3A_4794 = arith.constant 576 : index
    %get3A_4795 = arith.constant 0 : index
    %get3A_4796 = vector.load %arg4[%get3A_4794, %get3A_4795] : memref<1024x1xf32, #tpu.memory_space<vmem>>, vector<8x1xf32>
    %jit3A_4797 = arith.constant 0.000000e+00 : f32
    %broadcast_in_dim3A_4798 = vector.shape_cast %get3A_4796 : vector<8x1xf32> to vector<8x1xf32>
    %broadcast_in_dim3A_4799 = vector.broadcast %broadcast_in_dim3A_4798 : vector<8x1xf32> to vector<8x2048xf32>
    %broadcast_in_dim3A_4800 = vector.broadcast %jit3A_4797 : f32 to vector<8x2048xf32>
    %select_n3A_4801 = arith.select %eq3A_4793, %broadcast_in_dim3A_4799, %broadcast_in_dim3A_4800 : vector<8x2048xi1>, vector<8x2048xf32>
    %max3A_4802 = arith.maximumf %max3A_4786, %select_n3A_4801 : vector<8x2048xf32>
    %get3A_4803 = arith.constant 584 : index
    %get3A_4804 = arith.constant 0 : index
    %get3A_4805 = vector.load %arg9[%get3A_4803, %get3A_4804] : memref<1024x2048xf32, #tpu.memory_space<vmem>>, vector<8x2048xf32>
    %add3A_4806 = vector.broadcast %get3A_2865 : vector<1x2048xf32> to vector<8x2048xf32>
    %add3A_4807 = arith.addf %add3A_4806, %get3A_4805 : vector<8x2048xf32>
    %eq3A_4808 = vector.broadcast %broadcast_in_dim3A_3635 : vector<1x2048xf32> to vector<8x2048xf32>
    %eq3A_4809 = arith.cmpf oeq, %add3A_4807, %eq3A_4808 : vector<8x2048xf32>
    %get3A_4810 = arith.constant 584 : index
    %get3A_4811 = arith.constant 0 : index
    %get3A_4812 = vector.load %arg4[%get3A_4810, %get3A_4811] : memref<1024x1xf32, #tpu.memory_space<vmem>>, vector<8x1xf32>
    %jit3A_4813 = arith.constant 0.000000e+00 : f32
    %broadcast_in_dim3A_4814 = vector.shape_cast %get3A_4812 : vector<8x1xf32> to vector<8x1xf32>
    %broadcast_in_dim3A_4815 = vector.broadcast %broadcast_in_dim3A_4814 : vector<8x1xf32> to vector<8x2048xf32>
    %broadcast_in_dim3A_4816 = vector.broadcast %jit3A_4813 : f32 to vector<8x2048xf32>
    %select_n3A_4817 = arith.select %eq3A_4809, %broadcast_in_dim3A_4815, %broadcast_in_dim3A_4816 : vector<8x2048xi1>, vector<8x2048xf32>
    %max3A_4818 = arith.maximumf %max3A_4802, %select_n3A_4817 : vector<8x2048xf32>
    %get3A_4819 = arith.constant 592 : index
    %get3A_4820 = arith.constant 0 : index
    %get3A_4821 = vector.load %arg9[%get3A_4819, %get3A_4820] : memref<1024x2048xf32, #tpu.memory_space<vmem>>, vector<8x2048xf32>
    %add3A_4822 = vector.broadcast %get3A_2865 : vector<1x2048xf32> to vector<8x2048xf32>
    %add3A_4823 = arith.addf %add3A_4822, %get3A_4821 : vector<8x2048xf32>
    %eq3A_4824 = vector.broadcast %broadcast_in_dim3A_3635 : vector<1x2048xf32> to vector<8x2048xf32>
    %eq3A_4825 = arith.cmpf oeq, %add3A_4823, %eq3A_4824 : vector<8x2048xf32>
    %get3A_4826 = arith.constant 592 : index
    %get3A_4827 = arith.constant 0 : index
    %get3A_4828 = vector.load %arg4[%get3A_4826, %get3A_4827] : memref<1024x1xf32, #tpu.memory_space<vmem>>, vector<8x1xf32>
    %jit3A_4829 = arith.constant 0.000000e+00 : f32
    %broadcast_in_dim3A_4830 = vector.shape_cast %get3A_4828 : vector<8x1xf32> to vector<8x1xf32>
    %broadcast_in_dim3A_4831 = vector.broadcast %broadcast_in_dim3A_4830 : vector<8x1xf32> to vector<8x2048xf32>
    %broadcast_in_dim3A_4832 = vector.broadcast %jit3A_4829 : f32 to vector<8x2048xf32>
    %select_n3A_4833 = arith.select %eq3A_4825, %broadcast_in_dim3A_4831, %broadcast_in_dim3A_4832 : vector<8x2048xi1>, vector<8x2048xf32>
    %max3A_4834 = arith.maximumf %max3A_4818, %select_n3A_4833 : vector<8x2048xf32>
    %get3A_4835 = arith.constant 600 : index
    %get3A_4836 = arith.constant 0 : index
    %get3A_4837 = vector.load %arg9[%get3A_4835, %get3A_4836] : memref<1024x2048xf32, #tpu.memory_space<vmem>>, vector<8x2048xf32>
    %add3A_4838 = vector.broadcast %get3A_2865 : vector<1x2048xf32> to vector<8x2048xf32>
    %add3A_4839 = arith.addf %add3A_4838, %get3A_4837 : vector<8x2048xf32>
    %eq3A_4840 = vector.broadcast %broadcast_in_dim3A_3635 : vector<1x2048xf32> to vector<8x2048xf32>
    %eq3A_4841 = arith.cmpf oeq, %add3A_4839, %eq3A_4840 : vector<8x2048xf32>
    %get3A_4842 = arith.constant 600 : index
    %get3A_4843 = arith.constant 0 : index
    %get3A_4844 = vector.load %arg4[%get3A_4842, %get3A_4843] : memref<1024x1xf32, #tpu.memory_space<vmem>>, vector<8x1xf32>
    %jit3A_4845 = arith.constant 0.000000e+00 : f32
    %broadcast_in_dim3A_4846 = vector.shape_cast %get3A_4844 : vector<8x1xf32> to vector<8x1xf32>
    %broadcast_in_dim3A_4847 = vector.broadcast %broadcast_in_dim3A_4846 : vector<8x1xf32> to vector<8x2048xf32>
    %broadcast_in_dim3A_4848 = vector.broadcast %jit3A_4845 : f32 to vector<8x2048xf32>
    %select_n3A_4849 = arith.select %eq3A_4841, %broadcast_in_dim3A_4847, %broadcast_in_dim3A_4848 : vector<8x2048xi1>, vector<8x2048xf32>
    %max3A_4850 = arith.maximumf %max3A_4834, %select_n3A_4849 : vector<8x2048xf32>
    %get3A_4851 = arith.constant 608 : index
    %get3A_4852 = arith.constant 0 : index
    %get3A_4853 = vector.load %arg9[%get3A_4851, %get3A_4852] : memref<1024x2048xf32, #tpu.memory_space<vmem>>, vector<8x2048xf32>
    %add3A_4854 = vector.broadcast %get3A_2865 : vector<1x2048xf32> to vector<8x2048xf32>
    %add3A_4855 = arith.addf %add3A_4854, %get3A_4853 : vector<8x2048xf32>
    %eq3A_4856 = vector.broadcast %broadcast_in_dim3A_3635 : vector<1x2048xf32> to vector<8x2048xf32>
    %eq3A_4857 = arith.cmpf oeq, %add3A_4855, %eq3A_4856 : vector<8x2048xf32>
    %get3A_4858 = arith.constant 608 : index
    %get3A_4859 = arith.constant 0 : index
    %get3A_4860 = vector.load %arg4[%get3A_4858, %get3A_4859] : memref<1024x1xf32, #tpu.memory_space<vmem>>, vector<8x1xf32>
    %jit3A_4861 = arith.constant 0.000000e+00 : f32
    %broadcast_in_dim3A_4862 = vector.shape_cast %get3A_4860 : vector<8x1xf32> to vector<8x1xf32>
    %broadcast_in_dim3A_4863 = vector.broadcast %broadcast_in_dim3A_4862 : vector<8x1xf32> to vector<8x2048xf32>
    %broadcast_in_dim3A_4864 = vector.broadcast %jit3A_4861 : f32 to vector<8x2048xf32>
    %select_n3A_4865 = arith.select %eq3A_4857, %broadcast_in_dim3A_4863, %broadcast_in_dim3A_4864 : vector<8x2048xi1>, vector<8x2048xf32>
    %max3A_4866 = arith.maximumf %max3A_4850, %select_n3A_4865 : vector<8x2048xf32>
    %get3A_4867 = arith.constant 616 : index
    %get3A_4868 = arith.constant 0 : index
    %get3A_4869 = vector.load %arg9[%get3A_4867, %get3A_4868] : memref<1024x2048xf32, #tpu.memory_space<vmem>>, vector<8x2048xf32>
    %add3A_4870 = vector.broadcast %get3A_2865 : vector<1x2048xf32> to vector<8x2048xf32>
    %add3A_4871 = arith.addf %add3A_4870, %get3A_4869 : vector<8x2048xf32>
    %eq3A_4872 = vector.broadcast %broadcast_in_dim3A_3635 : vector<1x2048xf32> to vector<8x2048xf32>
    %eq3A_4873 = arith.cmpf oeq, %add3A_4871, %eq3A_4872 : vector<8x2048xf32>
    %get3A_4874 = arith.constant 616 : index
    %get3A_4875 = arith.constant 0 : index
    %get3A_4876 = vector.load %arg4[%get3A_4874, %get3A_4875] : memref<1024x1xf32, #tpu.memory_space<vmem>>, vector<8x1xf32>
    %jit3A_4877 = arith.constant 0.000000e+00 : f32
    %broadcast_in_dim3A_4878 = vector.shape_cast %get3A_4876 : vector<8x1xf32> to vector<8x1xf32>
    %broadcast_in_dim3A_4879 = vector.broadcast %broadcast_in_dim3A_4878 : vector<8x1xf32> to vector<8x2048xf32>
    %broadcast_in_dim3A_4880 = vector.broadcast %jit3A_4877 : f32 to vector<8x2048xf32>
    %select_n3A_4881 = arith.select %eq3A_4873, %broadcast_in_dim3A_4879, %broadcast_in_dim3A_4880 : vector<8x2048xi1>, vector<8x2048xf32>
    %max3A_4882 = arith.maximumf %max3A_4866, %select_n3A_4881 : vector<8x2048xf32>
    %get3A_4883 = arith.constant 624 : index
    %get3A_4884 = arith.constant 0 : index
    %get3A_4885 = vector.load %arg9[%get3A_4883, %get3A_4884] : memref<1024x2048xf32, #tpu.memory_space<vmem>>, vector<8x2048xf32>
    %add3A_4886 = vector.broadcast %get3A_2865 : vector<1x2048xf32> to vector<8x2048xf32>
    %add3A_4887 = arith.addf %add3A_4886, %get3A_4885 : vector<8x2048xf32>
    %eq3A_4888 = vector.broadcast %broadcast_in_dim3A_3635 : vector<1x2048xf32> to vector<8x2048xf32>
    %eq3A_4889 = arith.cmpf oeq, %add3A_4887, %eq3A_4888 : vector<8x2048xf32>
    %get3A_4890 = arith.constant 624 : index
    %get3A_4891 = arith.constant 0 : index
    %get3A_4892 = vector.load %arg4[%get3A_4890, %get3A_4891] : memref<1024x1xf32, #tpu.memory_space<vmem>>, vector<8x1xf32>
    %jit3A_4893 = arith.constant 0.000000e+00 : f32
    %broadcast_in_dim3A_4894 = vector.shape_cast %get3A_4892 : vector<8x1xf32> to vector<8x1xf32>
    %broadcast_in_dim3A_4895 = vector.broadcast %broadcast_in_dim3A_4894 : vector<8x1xf32> to vector<8x2048xf32>
    %broadcast_in_dim3A_4896 = vector.broadcast %jit3A_4893 : f32 to vector<8x2048xf32>
    %select_n3A_4897 = arith.select %eq3A_4889, %broadcast_in_dim3A_4895, %broadcast_in_dim3A_4896 : vector<8x2048xi1>, vector<8x2048xf32>
    %max3A_4898 = arith.maximumf %max3A_4882, %select_n3A_4897 : vector<8x2048xf32>
    %get3A_4899 = arith.constant 632 : index
    %get3A_4900 = arith.constant 0 : index
    %get3A_4901 = vector.load %arg9[%get3A_4899, %get3A_4900] : memref<1024x2048xf32, #tpu.memory_space<vmem>>, vector<8x2048xf32>
    %add3A_4902 = vector.broadcast %get3A_2865 : vector<1x2048xf32> to vector<8x2048xf32>
    %add3A_4903 = arith.addf %add3A_4902, %get3A_4901 : vector<8x2048xf32>
    %eq3A_4904 = vector.broadcast %broadcast_in_dim3A_3635 : vector<1x2048xf32> to vector<8x2048xf32>
    %eq3A_4905 = arith.cmpf oeq, %add3A_4903, %eq3A_4904 : vector<8x2048xf32>
    %get3A_4906 = arith.constant 632 : index
    %get3A_4907 = arith.constant 0 : index
    %get3A_4908 = vector.load %arg4[%get3A_4906, %get3A_4907] : memref<1024x1xf32, #tpu.memory_space<vmem>>, vector<8x1xf32>
    %jit3A_4909 = arith.constant 0.000000e+00 : f32
    %broadcast_in_dim3A_4910 = vector.shape_cast %get3A_4908 : vector<8x1xf32> to vector<8x1xf32>
    %broadcast_in_dim3A_4911 = vector.broadcast %broadcast_in_dim3A_4910 : vector<8x1xf32> to vector<8x2048xf32>
    %broadcast_in_dim3A_4912 = vector.broadcast %jit3A_4909 : f32 to vector<8x2048xf32>
    %select_n3A_4913 = arith.select %eq3A_4905, %broadcast_in_dim3A_4911, %broadcast_in_dim3A_4912 : vector<8x2048xi1>, vector<8x2048xf32>
    %max3A_4914 = arith.maximumf %max3A_4898, %select_n3A_4913 : vector<8x2048xf32>
    %get3A_4915 = arith.constant 640 : index
    %get3A_4916 = arith.constant 0 : index
    %get3A_4917 = vector.load %arg9[%get3A_4915, %get3A_4916] : memref<1024x2048xf32, #tpu.memory_space<vmem>>, vector<8x2048xf32>
    %add3A_4918 = vector.broadcast %get3A_2865 : vector<1x2048xf32> to vector<8x2048xf32>
    %add3A_4919 = arith.addf %add3A_4918, %get3A_4917 : vector<8x2048xf32>
    %eq3A_4920 = vector.broadcast %broadcast_in_dim3A_3635 : vector<1x2048xf32> to vector<8x2048xf32>
    %eq3A_4921 = arith.cmpf oeq, %add3A_4919, %eq3A_4920 : vector<8x2048xf32>
    %get3A_4922 = arith.constant 640 : index
    %get3A_4923 = arith.constant 0 : index
    %get3A_4924 = vector.load %arg4[%get3A_4922, %get3A_4923] : memref<1024x1xf32, #tpu.memory_space<vmem>>, vector<8x1xf32>
    %jit3A_4925 = arith.constant 0.000000e+00 : f32
    %broadcast_in_dim3A_4926 = vector.shape_cast %get3A_4924 : vector<8x1xf32> to vector<8x1xf32>
    %broadcast_in_dim3A_4927 = vector.broadcast %broadcast_in_dim3A_4926 : vector<8x1xf32> to vector<8x2048xf32>
    %broadcast_in_dim3A_4928 = vector.broadcast %jit3A_4925 : f32 to vector<8x2048xf32>
    %select_n3A_4929 = arith.select %eq3A_4921, %broadcast_in_dim3A_4927, %broadcast_in_dim3A_4928 : vector<8x2048xi1>, vector<8x2048xf32>
    %max3A_4930 = arith.maximumf %max3A_4914, %select_n3A_4929 : vector<8x2048xf32>
    %get3A_4931 = arith.constant 648 : index
    %get3A_4932 = arith.constant 0 : index
    %get3A_4933 = vector.load %arg9[%get3A_4931, %get3A_4932] : memref<1024x2048xf32, #tpu.memory_space<vmem>>, vector<8x2048xf32>
    %add3A_4934 = vector.broadcast %get3A_2865 : vector<1x2048xf32> to vector<8x2048xf32>
    %add3A_4935 = arith.addf %add3A_4934, %get3A_4933 : vector<8x2048xf32>
    %eq3A_4936 = vector.broadcast %broadcast_in_dim3A_3635 : vector<1x2048xf32> to vector<8x2048xf32>
    %eq3A_4937 = arith.cmpf oeq, %add3A_4935, %eq3A_4936 : vector<8x2048xf32>
    %get3A_4938 = arith.constant 648 : index
    %get3A_4939 = arith.constant 0 : index
    %get3A_4940 = vector.load %arg4[%get3A_4938, %get3A_4939] : memref<1024x1xf32, #tpu.memory_space<vmem>>, vector<8x1xf32>
    %jit3A_4941 = arith.constant 0.000000e+00 : f32
    %broadcast_in_dim3A_4942 = vector.shape_cast %get3A_4940 : vector<8x1xf32> to vector<8x1xf32>
    %broadcast_in_dim3A_4943 = vector.broadcast %broadcast_in_dim3A_4942 : vector<8x1xf32> to vector<8x2048xf32>
    %broadcast_in_dim3A_4944 = vector.broadcast %jit3A_4941 : f32 to vector<8x2048xf32>
    %select_n3A_4945 = arith.select %eq3A_4937, %broadcast_in_dim3A_4943, %broadcast_in_dim3A_4944 : vector<8x2048xi1>, vector<8x2048xf32>
    %max3A_4946 = arith.maximumf %max3A_4930, %select_n3A_4945 : vector<8x2048xf32>
    %get3A_4947 = arith.constant 656 : index
    %get3A_4948 = arith.constant 0 : index
    %get3A_4949 = vector.load %arg9[%get3A_4947, %get3A_4948] : memref<1024x2048xf32, #tpu.memory_space<vmem>>, vector<8x2048xf32>
    %add3A_4950 = vector.broadcast %get3A_2865 : vector<1x2048xf32> to vector<8x2048xf32>
    %add3A_4951 = arith.addf %add3A_4950, %get3A_4949 : vector<8x2048xf32>
    %eq3A_4952 = vector.broadcast %broadcast_in_dim3A_3635 : vector<1x2048xf32> to vector<8x2048xf32>
    %eq3A_4953 = arith.cmpf oeq, %add3A_4951, %eq3A_4952 : vector<8x2048xf32>
    %get3A_4954 = arith.constant 656 : index
    %get3A_4955 = arith.constant 0 : index
    %get3A_4956 = vector.load %arg4[%get3A_4954, %get3A_4955] : memref<1024x1xf32, #tpu.memory_space<vmem>>, vector<8x1xf32>
    %jit3A_4957 = arith.constant 0.000000e+00 : f32
    %broadcast_in_dim3A_4958 = vector.shape_cast %get3A_4956 : vector<8x1xf32> to vector<8x1xf32>
    %broadcast_in_dim3A_4959 = vector.broadcast %broadcast_in_dim3A_4958 : vector<8x1xf32> to vector<8x2048xf32>
    %broadcast_in_dim3A_4960 = vector.broadcast %jit3A_4957 : f32 to vector<8x2048xf32>
    %select_n3A_4961 = arith.select %eq3A_4953, %broadcast_in_dim3A_4959, %broadcast_in_dim3A_4960 : vector<8x2048xi1>, vector<8x2048xf32>
    %max3A_4962 = arith.maximumf %max3A_4946, %select_n3A_4961 : vector<8x2048xf32>
    %get3A_4963 = arith.constant 664 : index
    %get3A_4964 = arith.constant 0 : index
    %get3A_4965 = vector.load %arg9[%get3A_4963, %get3A_4964] : memref<1024x2048xf32, #tpu.memory_space<vmem>>, vector<8x2048xf32>
    %add3A_4966 = vector.broadcast %get3A_2865 : vector<1x2048xf32> to vector<8x2048xf32>
    %add3A_4967 = arith.addf %add3A_4966, %get3A_4965 : vector<8x2048xf32>
    %eq3A_4968 = vector.broadcast %broadcast_in_dim3A_3635 : vector<1x2048xf32> to vector<8x2048xf32>
    %eq3A_4969 = arith.cmpf oeq, %add3A_4967, %eq3A_4968 : vector<8x2048xf32>
    %get3A_4970 = arith.constant 664 : index
    %get3A_4971 = arith.constant 0 : index
    %get3A_4972 = vector.load %arg4[%get3A_4970, %get3A_4971] : memref<1024x1xf32, #tpu.memory_space<vmem>>, vector<8x1xf32>
    %jit3A_4973 = arith.constant 0.000000e+00 : f32
    %broadcast_in_dim3A_4974 = vector.shape_cast %get3A_4972 : vector<8x1xf32> to vector<8x1xf32>
    %broadcast_in_dim3A_4975 = vector.broadcast %broadcast_in_dim3A_4974 : vector<8x1xf32> to vector<8x2048xf32>
    %broadcast_in_dim3A_4976 = vector.broadcast %jit3A_4973 : f32 to vector<8x2048xf32>
    %select_n3A_4977 = arith.select %eq3A_4969, %broadcast_in_dim3A_4975, %broadcast_in_dim3A_4976 : vector<8x2048xi1>, vector<8x2048xf32>
    %max3A_4978 = arith.maximumf %max3A_4962, %select_n3A_4977 : vector<8x2048xf32>
    %get3A_4979 = arith.constant 672 : index
    %get3A_4980 = arith.constant 0 : index
    %get3A_4981 = vector.load %arg9[%get3A_4979, %get3A_4980] : memref<1024x2048xf32, #tpu.memory_space<vmem>>, vector<8x2048xf32>
    %add3A_4982 = vector.broadcast %get3A_2865 : vector<1x2048xf32> to vector<8x2048xf32>
    %add3A_4983 = arith.addf %add3A_4982, %get3A_4981 : vector<8x2048xf32>
    %eq3A_4984 = vector.broadcast %broadcast_in_dim3A_3635 : vector<1x2048xf32> to vector<8x2048xf32>
    %eq3A_4985 = arith.cmpf oeq, %add3A_4983, %eq3A_4984 : vector<8x2048xf32>
    %get3A_4986 = arith.constant 672 : index
    %get3A_4987 = arith.constant 0 : index
    %get3A_4988 = vector.load %arg4[%get3A_4986, %get3A_4987] : memref<1024x1xf32, #tpu.memory_space<vmem>>, vector<8x1xf32>
    %jit3A_4989 = arith.constant 0.000000e+00 : f32
    %broadcast_in_dim3A_4990 = vector.shape_cast %get3A_4988 : vector<8x1xf32> to vector<8x1xf32>
    %broadcast_in_dim3A_4991 = vector.broadcast %broadcast_in_dim3A_4990 : vector<8x1xf32> to vector<8x2048xf32>
    %broadcast_in_dim3A_4992 = vector.broadcast %jit3A_4989 : f32 to vector<8x2048xf32>
    %select_n3A_4993 = arith.select %eq3A_4985, %broadcast_in_dim3A_4991, %broadcast_in_dim3A_4992 : vector<8x2048xi1>, vector<8x2048xf32>
    %max3A_4994 = arith.maximumf %max3A_4978, %select_n3A_4993 : vector<8x2048xf32>
    %get3A_4995 = arith.constant 680 : index
    %get3A_4996 = arith.constant 0 : index
    %get3A_4997 = vector.load %arg9[%get3A_4995, %get3A_4996] : memref<1024x2048xf32, #tpu.memory_space<vmem>>, vector<8x2048xf32>
    %add3A_4998 = vector.broadcast %get3A_2865 : vector<1x2048xf32> to vector<8x2048xf32>
    %add3A_4999 = arith.addf %add3A_4998, %get3A_4997 : vector<8x2048xf32>
    %eq3A_5000 = vector.broadcast %broadcast_in_dim3A_3635 : vector<1x2048xf32> to vector<8x2048xf32>
    %eq3A_5001 = arith.cmpf oeq, %add3A_4999, %eq3A_5000 : vector<8x2048xf32>
    %get3A_5002 = arith.constant 680 : index
    %get3A_5003 = arith.constant 0 : index
    %get3A_5004 = vector.load %arg4[%get3A_5002, %get3A_5003] : memref<1024x1xf32, #tpu.memory_space<vmem>>, vector<8x1xf32>
    %jit3A_5005 = arith.constant 0.000000e+00 : f32
    %broadcast_in_dim3A_5006 = vector.shape_cast %get3A_5004 : vector<8x1xf32> to vector<8x1xf32>
    %broadcast_in_dim3A_5007 = vector.broadcast %broadcast_in_dim3A_5006 : vector<8x1xf32> to vector<8x2048xf32>
    %broadcast_in_dim3A_5008 = vector.broadcast %jit3A_5005 : f32 to vector<8x2048xf32>
    %select_n3A_5009 = arith.select %eq3A_5001, %broadcast_in_dim3A_5007, %broadcast_in_dim3A_5008 : vector<8x2048xi1>, vector<8x2048xf32>
    %max3A_5010 = arith.maximumf %max3A_4994, %select_n3A_5009 : vector<8x2048xf32>
    %get3A_5011 = arith.constant 688 : index
    %get3A_5012 = arith.constant 0 : index
    %get3A_5013 = vector.load %arg9[%get3A_5011, %get3A_5012] : memref<1024x2048xf32, #tpu.memory_space<vmem>>, vector<8x2048xf32>
    %add3A_5014 = vector.broadcast %get3A_2865 : vector<1x2048xf32> to vector<8x2048xf32>
    %add3A_5015 = arith.addf %add3A_5014, %get3A_5013 : vector<8x2048xf32>
    %eq3A_5016 = vector.broadcast %broadcast_in_dim3A_3635 : vector<1x2048xf32> to vector<8x2048xf32>
    %eq3A_5017 = arith.cmpf oeq, %add3A_5015, %eq3A_5016 : vector<8x2048xf32>
    %get3A_5018 = arith.constant 688 : index
    %get3A_5019 = arith.constant 0 : index
    %get3A_5020 = vector.load %arg4[%get3A_5018, %get3A_5019] : memref<1024x1xf32, #tpu.memory_space<vmem>>, vector<8x1xf32>
    %jit3A_5021 = arith.constant 0.000000e+00 : f32
    %broadcast_in_dim3A_5022 = vector.shape_cast %get3A_5020 : vector<8x1xf32> to vector<8x1xf32>
    %broadcast_in_dim3A_5023 = vector.broadcast %broadcast_in_dim3A_5022 : vector<8x1xf32> to vector<8x2048xf32>
    %broadcast_in_dim3A_5024 = vector.broadcast %jit3A_5021 : f32 to vector<8x2048xf32>
    %select_n3A_5025 = arith.select %eq3A_5017, %broadcast_in_dim3A_5023, %broadcast_in_dim3A_5024 : vector<8x2048xi1>, vector<8x2048xf32>
    %max3A_5026 = arith.maximumf %max3A_5010, %select_n3A_5025 : vector<8x2048xf32>
    %get3A_5027 = arith.constant 696 : index
    %get3A_5028 = arith.constant 0 : index
    %get3A_5029 = vector.load %arg9[%get3A_5027, %get3A_5028] : memref<1024x2048xf32, #tpu.memory_space<vmem>>, vector<8x2048xf32>
    %add3A_5030 = vector.broadcast %get3A_2865 : vector<1x2048xf32> to vector<8x2048xf32>
    %add3A_5031 = arith.addf %add3A_5030, %get3A_5029 : vector<8x2048xf32>
    %eq3A_5032 = vector.broadcast %broadcast_in_dim3A_3635 : vector<1x2048xf32> to vector<8x2048xf32>
    %eq3A_5033 = arith.cmpf oeq, %add3A_5031, %eq3A_5032 : vector<8x2048xf32>
    %get3A_5034 = arith.constant 696 : index
    %get3A_5035 = arith.constant 0 : index
    %get3A_5036 = vector.load %arg4[%get3A_5034, %get3A_5035] : memref<1024x1xf32, #tpu.memory_space<vmem>>, vector<8x1xf32>
    %jit3A_5037 = arith.constant 0.000000e+00 : f32
    %broadcast_in_dim3A_5038 = vector.shape_cast %get3A_5036 : vector<8x1xf32> to vector<8x1xf32>
    %broadcast_in_dim3A_5039 = vector.broadcast %broadcast_in_dim3A_5038 : vector<8x1xf32> to vector<8x2048xf32>
    %broadcast_in_dim3A_5040 = vector.broadcast %jit3A_5037 : f32 to vector<8x2048xf32>
    %select_n3A_5041 = arith.select %eq3A_5033, %broadcast_in_dim3A_5039, %broadcast_in_dim3A_5040 : vector<8x2048xi1>, vector<8x2048xf32>
    %max3A_5042 = arith.maximumf %max3A_5026, %select_n3A_5041 : vector<8x2048xf32>
    %get3A_5043 = arith.constant 704 : index
    %get3A_5044 = arith.constant 0 : index
    %get3A_5045 = vector.load %arg9[%get3A_5043, %get3A_5044] : memref<1024x2048xf32, #tpu.memory_space<vmem>>, vector<8x2048xf32>
    %add3A_5046 = vector.broadcast %get3A_2865 : vector<1x2048xf32> to vector<8x2048xf32>
    %add3A_5047 = arith.addf %add3A_5046, %get3A_5045 : vector<8x2048xf32>
    %eq3A_5048 = vector.broadcast %broadcast_in_dim3A_3635 : vector<1x2048xf32> to vector<8x2048xf32>
    %eq3A_5049 = arith.cmpf oeq, %add3A_5047, %eq3A_5048 : vector<8x2048xf32>
    %get3A_5050 = arith.constant 704 : index
    %get3A_5051 = arith.constant 0 : index
    %get3A_5052 = vector.load %arg4[%get3A_5050, %get3A_5051] : memref<1024x1xf32, #tpu.memory_space<vmem>>, vector<8x1xf32>
    %jit3A_5053 = arith.constant 0.000000e+00 : f32
    %broadcast_in_dim3A_5054 = vector.shape_cast %get3A_5052 : vector<8x1xf32> to vector<8x1xf32>
    %broadcast_in_dim3A_5055 = vector.broadcast %broadcast_in_dim3A_5054 : vector<8x1xf32> to vector<8x2048xf32>
    %broadcast_in_dim3A_5056 = vector.broadcast %jit3A_5053 : f32 to vector<8x2048xf32>
    %select_n3A_5057 = arith.select %eq3A_5049, %broadcast_in_dim3A_5055, %broadcast_in_dim3A_5056 : vector<8x2048xi1>, vector<8x2048xf32>
    %max3A_5058 = arith.maximumf %max3A_5042, %select_n3A_5057 : vector<8x2048xf32>
    %get3A_5059 = arith.constant 712 : index
    %get3A_5060 = arith.constant 0 : index
    %get3A_5061 = vector.load %arg9[%get3A_5059, %get3A_5060] : memref<1024x2048xf32, #tpu.memory_space<vmem>>, vector<8x2048xf32>
    %add3A_5062 = vector.broadcast %get3A_2865 : vector<1x2048xf32> to vector<8x2048xf32>
    %add3A_5063 = arith.addf %add3A_5062, %get3A_5061 : vector<8x2048xf32>
    %eq3A_5064 = vector.broadcast %broadcast_in_dim3A_3635 : vector<1x2048xf32> to vector<8x2048xf32>
    %eq3A_5065 = arith.cmpf oeq, %add3A_5063, %eq3A_5064 : vector<8x2048xf32>
    %get3A_5066 = arith.constant 712 : index
    %get3A_5067 = arith.constant 0 : index
    %get3A_5068 = vector.load %arg4[%get3A_5066, %get3A_5067] : memref<1024x1xf32, #tpu.memory_space<vmem>>, vector<8x1xf32>
    %jit3A_5069 = arith.constant 0.000000e+00 : f32
    %broadcast_in_dim3A_5070 = vector.shape_cast %get3A_5068 : vector<8x1xf32> to vector<8x1xf32>
    %broadcast_in_dim3A_5071 = vector.broadcast %broadcast_in_dim3A_5070 : vector<8x1xf32> to vector<8x2048xf32>
    %broadcast_in_dim3A_5072 = vector.broadcast %jit3A_5069 : f32 to vector<8x2048xf32>
    %select_n3A_5073 = arith.select %eq3A_5065, %broadcast_in_dim3A_5071, %broadcast_in_dim3A_5072 : vector<8x2048xi1>, vector<8x2048xf32>
    %max3A_5074 = arith.maximumf %max3A_5058, %select_n3A_5073 : vector<8x2048xf32>
    %get3A_5075 = arith.constant 720 : index
    %get3A_5076 = arith.constant 0 : index
    %get3A_5077 = vector.load %arg9[%get3A_5075, %get3A_5076] : memref<1024x2048xf32, #tpu.memory_space<vmem>>, vector<8x2048xf32>
    %add3A_5078 = vector.broadcast %get3A_2865 : vector<1x2048xf32> to vector<8x2048xf32>
    %add3A_5079 = arith.addf %add3A_5078, %get3A_5077 : vector<8x2048xf32>
    %eq3A_5080 = vector.broadcast %broadcast_in_dim3A_3635 : vector<1x2048xf32> to vector<8x2048xf32>
    %eq3A_5081 = arith.cmpf oeq, %add3A_5079, %eq3A_5080 : vector<8x2048xf32>
    %get3A_5082 = arith.constant 720 : index
    %get3A_5083 = arith.constant 0 : index
    %get3A_5084 = vector.load %arg4[%get3A_5082, %get3A_5083] : memref<1024x1xf32, #tpu.memory_space<vmem>>, vector<8x1xf32>
    %jit3A_5085 = arith.constant 0.000000e+00 : f32
    %broadcast_in_dim3A_5086 = vector.shape_cast %get3A_5084 : vector<8x1xf32> to vector<8x1xf32>
    %broadcast_in_dim3A_5087 = vector.broadcast %broadcast_in_dim3A_5086 : vector<8x1xf32> to vector<8x2048xf32>
    %broadcast_in_dim3A_5088 = vector.broadcast %jit3A_5085 : f32 to vector<8x2048xf32>
    %select_n3A_5089 = arith.select %eq3A_5081, %broadcast_in_dim3A_5087, %broadcast_in_dim3A_5088 : vector<8x2048xi1>, vector<8x2048xf32>
    %max3A_5090 = arith.maximumf %max3A_5074, %select_n3A_5089 : vector<8x2048xf32>
    %get3A_5091 = arith.constant 728 : index
    %get3A_5092 = arith.constant 0 : index
    %get3A_5093 = vector.load %arg9[%get3A_5091, %get3A_5092] : memref<1024x2048xf32, #tpu.memory_space<vmem>>, vector<8x2048xf32>
    %add3A_5094 = vector.broadcast %get3A_2865 : vector<1x2048xf32> to vector<8x2048xf32>
    %add3A_5095 = arith.addf %add3A_5094, %get3A_5093 : vector<8x2048xf32>
    %eq3A_5096 = vector.broadcast %broadcast_in_dim3A_3635 : vector<1x2048xf32> to vector<8x2048xf32>
    %eq3A_5097 = arith.cmpf oeq, %add3A_5095, %eq3A_5096 : vector<8x2048xf32>
    %get3A_5098 = arith.constant 728 : index
    %get3A_5099 = arith.constant 0 : index
    %get3A_5100 = vector.load %arg4[%get3A_5098, %get3A_5099] : memref<1024x1xf32, #tpu.memory_space<vmem>>, vector<8x1xf32>
    %jit3A_5101 = arith.constant 0.000000e+00 : f32
    %broadcast_in_dim3A_5102 = vector.shape_cast %get3A_5100 : vector<8x1xf32> to vector<8x1xf32>
    %broadcast_in_dim3A_5103 = vector.broadcast %broadcast_in_dim3A_5102 : vector<8x1xf32> to vector<8x2048xf32>
    %broadcast_in_dim3A_5104 = vector.broadcast %jit3A_5101 : f32 to vector<8x2048xf32>
    %select_n3A_5105 = arith.select %eq3A_5097, %broadcast_in_dim3A_5103, %broadcast_in_dim3A_5104 : vector<8x2048xi1>, vector<8x2048xf32>
    %max3A_5106 = arith.maximumf %max3A_5090, %select_n3A_5105 : vector<8x2048xf32>
    %get3A_5107 = arith.constant 736 : index
    %get3A_5108 = arith.constant 0 : index
    %get3A_5109 = vector.load %arg9[%get3A_5107, %get3A_5108] : memref<1024x2048xf32, #tpu.memory_space<vmem>>, vector<8x2048xf32>
    %add3A_5110 = vector.broadcast %get3A_2865 : vector<1x2048xf32> to vector<8x2048xf32>
    %add3A_5111 = arith.addf %add3A_5110, %get3A_5109 : vector<8x2048xf32>
    %eq3A_5112 = vector.broadcast %broadcast_in_dim3A_3635 : vector<1x2048xf32> to vector<8x2048xf32>
    %eq3A_5113 = arith.cmpf oeq, %add3A_5111, %eq3A_5112 : vector<8x2048xf32>
    %get3A_5114 = arith.constant 736 : index
    %get3A_5115 = arith.constant 0 : index
    %get3A_5116 = vector.load %arg4[%get3A_5114, %get3A_5115] : memref<1024x1xf32, #tpu.memory_space<vmem>>, vector<8x1xf32>
    %jit3A_5117 = arith.constant 0.000000e+00 : f32
    %broadcast_in_dim3A_5118 = vector.shape_cast %get3A_5116 : vector<8x1xf32> to vector<8x1xf32>
    %broadcast_in_dim3A_5119 = vector.broadcast %broadcast_in_dim3A_5118 : vector<8x1xf32> to vector<8x2048xf32>
    %broadcast_in_dim3A_5120 = vector.broadcast %jit3A_5117 : f32 to vector<8x2048xf32>
    %select_n3A_5121 = arith.select %eq3A_5113, %broadcast_in_dim3A_5119, %broadcast_in_dim3A_5120 : vector<8x2048xi1>, vector<8x2048xf32>
    %max3A_5122 = arith.maximumf %max3A_5106, %select_n3A_5121 : vector<8x2048xf32>
    %get3A_5123 = arith.constant 744 : index
    %get3A_5124 = arith.constant 0 : index
    %get3A_5125 = vector.load %arg9[%get3A_5123, %get3A_5124] : memref<1024x2048xf32, #tpu.memory_space<vmem>>, vector<8x2048xf32>
    %add3A_5126 = vector.broadcast %get3A_2865 : vector<1x2048xf32> to vector<8x2048xf32>
    %add3A_5127 = arith.addf %add3A_5126, %get3A_5125 : vector<8x2048xf32>
    %eq3A_5128 = vector.broadcast %broadcast_in_dim3A_3635 : vector<1x2048xf32> to vector<8x2048xf32>
    %eq3A_5129 = arith.cmpf oeq, %add3A_5127, %eq3A_5128 : vector<8x2048xf32>
    %get3A_5130 = arith.constant 744 : index
    %get3A_5131 = arith.constant 0 : index
    %get3A_5132 = vector.load %arg4[%get3A_5130, %get3A_5131] : memref<1024x1xf32, #tpu.memory_space<vmem>>, vector<8x1xf32>
    %jit3A_5133 = arith.constant 0.000000e+00 : f32
    %broadcast_in_dim3A_5134 = vector.shape_cast %get3A_5132 : vector<8x1xf32> to vector<8x1xf32>
    %broadcast_in_dim3A_5135 = vector.broadcast %broadcast_in_dim3A_5134 : vector<8x1xf32> to vector<8x2048xf32>
    %broadcast_in_dim3A_5136 = vector.broadcast %jit3A_5133 : f32 to vector<8x2048xf32>
    %select_n3A_5137 = arith.select %eq3A_5129, %broadcast_in_dim3A_5135, %broadcast_in_dim3A_5136 : vector<8x2048xi1>, vector<8x2048xf32>
    %max3A_5138 = arith.maximumf %max3A_5122, %select_n3A_5137 : vector<8x2048xf32>
    %get3A_5139 = arith.constant 752 : index
    %get3A_5140 = arith.constant 0 : index
    %get3A_5141 = vector.load %arg9[%get3A_5139, %get3A_5140] : memref<1024x2048xf32, #tpu.memory_space<vmem>>, vector<8x2048xf32>
    %add3A_5142 = vector.broadcast %get3A_2865 : vector<1x2048xf32> to vector<8x2048xf32>
    %add3A_5143 = arith.addf %add3A_5142, %get3A_5141 : vector<8x2048xf32>
    %eq3A_5144 = vector.broadcast %broadcast_in_dim3A_3635 : vector<1x2048xf32> to vector<8x2048xf32>
    %eq3A_5145 = arith.cmpf oeq, %add3A_5143, %eq3A_5144 : vector<8x2048xf32>
    %get3A_5146 = arith.constant 752 : index
    %get3A_5147 = arith.constant 0 : index
    %get3A_5148 = vector.load %arg4[%get3A_5146, %get3A_5147] : memref<1024x1xf32, #tpu.memory_space<vmem>>, vector<8x1xf32>
    %jit3A_5149 = arith.constant 0.000000e+00 : f32
    %broadcast_in_dim3A_5150 = vector.shape_cast %get3A_5148 : vector<8x1xf32> to vector<8x1xf32>
    %broadcast_in_dim3A_5151 = vector.broadcast %broadcast_in_dim3A_5150 : vector<8x1xf32> to vector<8x2048xf32>
    %broadcast_in_dim3A_5152 = vector.broadcast %jit3A_5149 : f32 to vector<8x2048xf32>
    %select_n3A_5153 = arith.select %eq3A_5145, %broadcast_in_dim3A_5151, %broadcast_in_dim3A_5152 : vector<8x2048xi1>, vector<8x2048xf32>
    %max3A_5154 = arith.maximumf %max3A_5138, %select_n3A_5153 : vector<8x2048xf32>
    %get3A_5155 = arith.constant 760 : index
    %get3A_5156 = arith.constant 0 : index
    %get3A_5157 = vector.load %arg9[%get3A_5155, %get3A_5156] : memref<1024x2048xf32, #tpu.memory_space<vmem>>, vector<8x2048xf32>
    %add3A_5158 = vector.broadcast %get3A_2865 : vector<1x2048xf32> to vector<8x2048xf32>
    %add3A_5159 = arith.addf %add3A_5158, %get3A_5157 : vector<8x2048xf32>
    %eq3A_5160 = vector.broadcast %broadcast_in_dim3A_3635 : vector<1x2048xf32> to vector<8x2048xf32>
    %eq3A_5161 = arith.cmpf oeq, %add3A_5159, %eq3A_5160 : vector<8x2048xf32>
    %get3A_5162 = arith.constant 760 : index
    %get3A_5163 = arith.constant 0 : index
    %get3A_5164 = vector.load %arg4[%get3A_5162, %get3A_5163] : memref<1024x1xf32, #tpu.memory_space<vmem>>, vector<8x1xf32>
    %jit3A_5165 = arith.constant 0.000000e+00 : f32
    %broadcast_in_dim3A_5166 = vector.shape_cast %get3A_5164 : vector<8x1xf32> to vector<8x1xf32>
    %broadcast_in_dim3A_5167 = vector.broadcast %broadcast_in_dim3A_5166 : vector<8x1xf32> to vector<8x2048xf32>
    %broadcast_in_dim3A_5168 = vector.broadcast %jit3A_5165 : f32 to vector<8x2048xf32>
    %select_n3A_5169 = arith.select %eq3A_5161, %broadcast_in_dim3A_5167, %broadcast_in_dim3A_5168 : vector<8x2048xi1>, vector<8x2048xf32>
    %max3A_5170 = arith.maximumf %max3A_5154, %select_n3A_5169 : vector<8x2048xf32>
    %get3A_5171 = arith.constant 768 : index
    %get3A_5172 = arith.constant 0 : index
    %get3A_5173 = vector.load %arg9[%get3A_5171, %get3A_5172] : memref<1024x2048xf32, #tpu.memory_space<vmem>>, vector<8x2048xf32>
    %add3A_5174 = vector.broadcast %get3A_2865 : vector<1x2048xf32> to vector<8x2048xf32>
    %add3A_5175 = arith.addf %add3A_5174, %get3A_5173 : vector<8x2048xf32>
    %eq3A_5176 = vector.broadcast %broadcast_in_dim3A_3635 : vector<1x2048xf32> to vector<8x2048xf32>
    %eq3A_5177 = arith.cmpf oeq, %add3A_5175, %eq3A_5176 : vector<8x2048xf32>
    %get3A_5178 = arith.constant 768 : index
    %get3A_5179 = arith.constant 0 : index
    %get3A_5180 = vector.load %arg4[%get3A_5178, %get3A_5179] : memref<1024x1xf32, #tpu.memory_space<vmem>>, vector<8x1xf32>
    %jit3A_5181 = arith.constant 0.000000e+00 : f32
    %broadcast_in_dim3A_5182 = vector.shape_cast %get3A_5180 : vector<8x1xf32> to vector<8x1xf32>
    %broadcast_in_dim3A_5183 = vector.broadcast %broadcast_in_dim3A_5182 : vector<8x1xf32> to vector<8x2048xf32>
    %broadcast_in_dim3A_5184 = vector.broadcast %jit3A_5181 : f32 to vector<8x2048xf32>
    %select_n3A_5185 = arith.select %eq3A_5177, %broadcast_in_dim3A_5183, %broadcast_in_dim3A_5184 : vector<8x2048xi1>, vector<8x2048xf32>
    %max3A_5186 = arith.maximumf %max3A_5170, %select_n3A_5185 : vector<8x2048xf32>
    %get3A_5187 = arith.constant 776 : index
    %get3A_5188 = arith.constant 0 : index
    %get3A_5189 = vector.load %arg9[%get3A_5187, %get3A_5188] : memref<1024x2048xf32, #tpu.memory_space<vmem>>, vector<8x2048xf32>
    %add3A_5190 = vector.broadcast %get3A_2865 : vector<1x2048xf32> to vector<8x2048xf32>
    %add3A_5191 = arith.addf %add3A_5190, %get3A_5189 : vector<8x2048xf32>
    %eq3A_5192 = vector.broadcast %broadcast_in_dim3A_3635 : vector<1x2048xf32> to vector<8x2048xf32>
    %eq3A_5193 = arith.cmpf oeq, %add3A_5191, %eq3A_5192 : vector<8x2048xf32>
    %get3A_5194 = arith.constant 776 : index
    %get3A_5195 = arith.constant 0 : index
    %get3A_5196 = vector.load %arg4[%get3A_5194, %get3A_5195] : memref<1024x1xf32, #tpu.memory_space<vmem>>, vector<8x1xf32>
    %jit3A_5197 = arith.constant 0.000000e+00 : f32
    %broadcast_in_dim3A_5198 = vector.shape_cast %get3A_5196 : vector<8x1xf32> to vector<8x1xf32>
    %broadcast_in_dim3A_5199 = vector.broadcast %broadcast_in_dim3A_5198 : vector<8x1xf32> to vector<8x2048xf32>
    %broadcast_in_dim3A_5200 = vector.broadcast %jit3A_5197 : f32 to vector<8x2048xf32>
    %select_n3A_5201 = arith.select %eq3A_5193, %broadcast_in_dim3A_5199, %broadcast_in_dim3A_5200 : vector<8x2048xi1>, vector<8x2048xf32>
    %max3A_5202 = arith.maximumf %max3A_5186, %select_n3A_5201 : vector<8x2048xf32>
    %get3A_5203 = arith.constant 784 : index
    %get3A_5204 = arith.constant 0 : index
    %get3A_5205 = vector.load %arg9[%get3A_5203, %get3A_5204] : memref<1024x2048xf32, #tpu.memory_space<vmem>>, vector<8x2048xf32>
    %add3A_5206 = vector.broadcast %get3A_2865 : vector<1x2048xf32> to vector<8x2048xf32>
    %add3A_5207 = arith.addf %add3A_5206, %get3A_5205 : vector<8x2048xf32>
    %eq3A_5208 = vector.broadcast %broadcast_in_dim3A_3635 : vector<1x2048xf32> to vector<8x2048xf32>
    %eq3A_5209 = arith.cmpf oeq, %add3A_5207, %eq3A_5208 : vector<8x2048xf32>
    %get3A_5210 = arith.constant 784 : index
    %get3A_5211 = arith.constant 0 : index
    %get3A_5212 = vector.load %arg4[%get3A_5210, %get3A_5211] : memref<1024x1xf32, #tpu.memory_space<vmem>>, vector<8x1xf32>
    %jit3A_5213 = arith.constant 0.000000e+00 : f32
    %broadcast_in_dim3A_5214 = vector.shape_cast %get3A_5212 : vector<8x1xf32> to vector<8x1xf32>
    %broadcast_in_dim3A_5215 = vector.broadcast %broadcast_in_dim3A_5214 : vector<8x1xf32> to vector<8x2048xf32>
    %broadcast_in_dim3A_5216 = vector.broadcast %jit3A_5213 : f32 to vector<8x2048xf32>
    %select_n3A_5217 = arith.select %eq3A_5209, %broadcast_in_dim3A_5215, %broadcast_in_dim3A_5216 : vector<8x2048xi1>, vector<8x2048xf32>
    %max3A_5218 = arith.maximumf %max3A_5202, %select_n3A_5217 : vector<8x2048xf32>
    %get3A_5219 = arith.constant 792 : index
    %get3A_5220 = arith.constant 0 : index
    %get3A_5221 = vector.load %arg9[%get3A_5219, %get3A_5220] : memref<1024x2048xf32, #tpu.memory_space<vmem>>, vector<8x2048xf32>
    %add3A_5222 = vector.broadcast %get3A_2865 : vector<1x2048xf32> to vector<8x2048xf32>
    %add3A_5223 = arith.addf %add3A_5222, %get3A_5221 : vector<8x2048xf32>
    %eq3A_5224 = vector.broadcast %broadcast_in_dim3A_3635 : vector<1x2048xf32> to vector<8x2048xf32>
    %eq3A_5225 = arith.cmpf oeq, %add3A_5223, %eq3A_5224 : vector<8x2048xf32>
    %get3A_5226 = arith.constant 792 : index
    %get3A_5227 = arith.constant 0 : index
    %get3A_5228 = vector.load %arg4[%get3A_5226, %get3A_5227] : memref<1024x1xf32, #tpu.memory_space<vmem>>, vector<8x1xf32>
    %jit3A_5229 = arith.constant 0.000000e+00 : f32
    %broadcast_in_dim3A_5230 = vector.shape_cast %get3A_5228 : vector<8x1xf32> to vector<8x1xf32>
    %broadcast_in_dim3A_5231 = vector.broadcast %broadcast_in_dim3A_5230 : vector<8x1xf32> to vector<8x2048xf32>
    %broadcast_in_dim3A_5232 = vector.broadcast %jit3A_5229 : f32 to vector<8x2048xf32>
    %select_n3A_5233 = arith.select %eq3A_5225, %broadcast_in_dim3A_5231, %broadcast_in_dim3A_5232 : vector<8x2048xi1>, vector<8x2048xf32>
    %max3A_5234 = arith.maximumf %max3A_5218, %select_n3A_5233 : vector<8x2048xf32>
    %get3A_5235 = arith.constant 800 : index
    %get3A_5236 = arith.constant 0 : index
    %get3A_5237 = vector.load %arg9[%get3A_5235, %get3A_5236] : memref<1024x2048xf32, #tpu.memory_space<vmem>>, vector<8x2048xf32>
    %add3A_5238 = vector.broadcast %get3A_2865 : vector<1x2048xf32> to vector<8x2048xf32>
    %add3A_5239 = arith.addf %add3A_5238, %get3A_5237 : vector<8x2048xf32>
    %eq3A_5240 = vector.broadcast %broadcast_in_dim3A_3635 : vector<1x2048xf32> to vector<8x2048xf32>
    %eq3A_5241 = arith.cmpf oeq, %add3A_5239, %eq3A_5240 : vector<8x2048xf32>
    %get3A_5242 = arith.constant 800 : index
    %get3A_5243 = arith.constant 0 : index
    %get3A_5244 = vector.load %arg4[%get3A_5242, %get3A_5243] : memref<1024x1xf32, #tpu.memory_space<vmem>>, vector<8x1xf32>
    %jit3A_5245 = arith.constant 0.000000e+00 : f32
    %broadcast_in_dim3A_5246 = vector.shape_cast %get3A_5244 : vector<8x1xf32> to vector<8x1xf32>
    %broadcast_in_dim3A_5247 = vector.broadcast %broadcast_in_dim3A_5246 : vector<8x1xf32> to vector<8x2048xf32>
    %broadcast_in_dim3A_5248 = vector.broadcast %jit3A_5245 : f32 to vector<8x2048xf32>
    %select_n3A_5249 = arith.select %eq3A_5241, %broadcast_in_dim3A_5247, %broadcast_in_dim3A_5248 : vector<8x2048xi1>, vector<8x2048xf32>
    %max3A_5250 = arith.maximumf %max3A_5234, %select_n3A_5249 : vector<8x2048xf32>
    %get3A_5251 = arith.constant 808 : index
    %get3A_5252 = arith.constant 0 : index
    %get3A_5253 = vector.load %arg9[%get3A_5251, %get3A_5252] : memref<1024x2048xf32, #tpu.memory_space<vmem>>, vector<8x2048xf32>
    %add3A_5254 = vector.broadcast %get3A_2865 : vector<1x2048xf32> to vector<8x2048xf32>
    %add3A_5255 = arith.addf %add3A_5254, %get3A_5253 : vector<8x2048xf32>
    %eq3A_5256 = vector.broadcast %broadcast_in_dim3A_3635 : vector<1x2048xf32> to vector<8x2048xf32>
    %eq3A_5257 = arith.cmpf oeq, %add3A_5255, %eq3A_5256 : vector<8x2048xf32>
    %get3A_5258 = arith.constant 808 : index
    %get3A_5259 = arith.constant 0 : index
    %get3A_5260 = vector.load %arg4[%get3A_5258, %get3A_5259] : memref<1024x1xf32, #tpu.memory_space<vmem>>, vector<8x1xf32>
    %jit3A_5261 = arith.constant 0.000000e+00 : f32
    %broadcast_in_dim3A_5262 = vector.shape_cast %get3A_5260 : vector<8x1xf32> to vector<8x1xf32>
    %broadcast_in_dim3A_5263 = vector.broadcast %broadcast_in_dim3A_5262 : vector<8x1xf32> to vector<8x2048xf32>
    %broadcast_in_dim3A_5264 = vector.broadcast %jit3A_5261 : f32 to vector<8x2048xf32>
    %select_n3A_5265 = arith.select %eq3A_5257, %broadcast_in_dim3A_5263, %broadcast_in_dim3A_5264 : vector<8x2048xi1>, vector<8x2048xf32>
    %max3A_5266 = arith.maximumf %max3A_5250, %select_n3A_5265 : vector<8x2048xf32>
    %get3A_5267 = arith.constant 816 : index
    %get3A_5268 = arith.constant 0 : index
    %get3A_5269 = vector.load %arg9[%get3A_5267, %get3A_5268] : memref<1024x2048xf32, #tpu.memory_space<vmem>>, vector<8x2048xf32>
    %add3A_5270 = vector.broadcast %get3A_2865 : vector<1x2048xf32> to vector<8x2048xf32>
    %add3A_5271 = arith.addf %add3A_5270, %get3A_5269 : vector<8x2048xf32>
    %eq3A_5272 = vector.broadcast %broadcast_in_dim3A_3635 : vector<1x2048xf32> to vector<8x2048xf32>
    %eq3A_5273 = arith.cmpf oeq, %add3A_5271, %eq3A_5272 : vector<8x2048xf32>
    %get3A_5274 = arith.constant 816 : index
    %get3A_5275 = arith.constant 0 : index
    %get3A_5276 = vector.load %arg4[%get3A_5274, %get3A_5275] : memref<1024x1xf32, #tpu.memory_space<vmem>>, vector<8x1xf32>
    %jit3A_5277 = arith.constant 0.000000e+00 : f32
    %broadcast_in_dim3A_5278 = vector.shape_cast %get3A_5276 : vector<8x1xf32> to vector<8x1xf32>
    %broadcast_in_dim3A_5279 = vector.broadcast %broadcast_in_dim3A_5278 : vector<8x1xf32> to vector<8x2048xf32>
    %broadcast_in_dim3A_5280 = vector.broadcast %jit3A_5277 : f32 to vector<8x2048xf32>
    %select_n3A_5281 = arith.select %eq3A_5273, %broadcast_in_dim3A_5279, %broadcast_in_dim3A_5280 : vector<8x2048xi1>, vector<8x2048xf32>
    %max3A_5282 = arith.maximumf %max3A_5266, %select_n3A_5281 : vector<8x2048xf32>
    %get3A_5283 = arith.constant 824 : index
    %get3A_5284 = arith.constant 0 : index
    %get3A_5285 = vector.load %arg9[%get3A_5283, %get3A_5284] : memref<1024x2048xf32, #tpu.memory_space<vmem>>, vector<8x2048xf32>
    %add3A_5286 = vector.broadcast %get3A_2865 : vector<1x2048xf32> to vector<8x2048xf32>
    %add3A_5287 = arith.addf %add3A_5286, %get3A_5285 : vector<8x2048xf32>
    %eq3A_5288 = vector.broadcast %broadcast_in_dim3A_3635 : vector<1x2048xf32> to vector<8x2048xf32>
    %eq3A_5289 = arith.cmpf oeq, %add3A_5287, %eq3A_5288 : vector<8x2048xf32>
    %get3A_5290 = arith.constant 824 : index
    %get3A_5291 = arith.constant 0 : index
    %get3A_5292 = vector.load %arg4[%get3A_5290, %get3A_5291] : memref<1024x1xf32, #tpu.memory_space<vmem>>, vector<8x1xf32>
    %jit3A_5293 = arith.constant 0.000000e+00 : f32
    %broadcast_in_dim3A_5294 = vector.shape_cast %get3A_5292 : vector<8x1xf32> to vector<8x1xf32>
    %broadcast_in_dim3A_5295 = vector.broadcast %broadcast_in_dim3A_5294 : vector<8x1xf32> to vector<8x2048xf32>
    %broadcast_in_dim3A_5296 = vector.broadcast %jit3A_5293 : f32 to vector<8x2048xf32>
    %select_n3A_5297 = arith.select %eq3A_5289, %broadcast_in_dim3A_5295, %broadcast_in_dim3A_5296 : vector<8x2048xi1>, vector<8x2048xf32>
    %max3A_5298 = arith.maximumf %max3A_5282, %select_n3A_5297 : vector<8x2048xf32>
    %get3A_5299 = arith.constant 832 : index
    %get3A_5300 = arith.constant 0 : index
    %get3A_5301 = vector.load %arg9[%get3A_5299, %get3A_5300] : memref<1024x2048xf32, #tpu.memory_space<vmem>>, vector<8x2048xf32>
    %add3A_5302 = vector.broadcast %get3A_2865 : vector<1x2048xf32> to vector<8x2048xf32>
    %add3A_5303 = arith.addf %add3A_5302, %get3A_5301 : vector<8x2048xf32>
    %eq3A_5304 = vector.broadcast %broadcast_in_dim3A_3635 : vector<1x2048xf32> to vector<8x2048xf32>
    %eq3A_5305 = arith.cmpf oeq, %add3A_5303, %eq3A_5304 : vector<8x2048xf32>
    %get3A_5306 = arith.constant 832 : index
    %get3A_5307 = arith.constant 0 : index
    %get3A_5308 = vector.load %arg4[%get3A_5306, %get3A_5307] : memref<1024x1xf32, #tpu.memory_space<vmem>>, vector<8x1xf32>
    %jit3A_5309 = arith.constant 0.000000e+00 : f32
    %broadcast_in_dim3A_5310 = vector.shape_cast %get3A_5308 : vector<8x1xf32> to vector<8x1xf32>
    %broadcast_in_dim3A_5311 = vector.broadcast %broadcast_in_dim3A_5310 : vector<8x1xf32> to vector<8x2048xf32>
    %broadcast_in_dim3A_5312 = vector.broadcast %jit3A_5309 : f32 to vector<8x2048xf32>
    %select_n3A_5313 = arith.select %eq3A_5305, %broadcast_in_dim3A_5311, %broadcast_in_dim3A_5312 : vector<8x2048xi1>, vector<8x2048xf32>
    %max3A_5314 = arith.maximumf %max3A_5298, %select_n3A_5313 : vector<8x2048xf32>
    %get3A_5315 = arith.constant 840 : index
    %get3A_5316 = arith.constant 0 : index
    %get3A_5317 = vector.load %arg9[%get3A_5315, %get3A_5316] : memref<1024x2048xf32, #tpu.memory_space<vmem>>, vector<8x2048xf32>
    %add3A_5318 = vector.broadcast %get3A_2865 : vector<1x2048xf32> to vector<8x2048xf32>
    %add3A_5319 = arith.addf %add3A_5318, %get3A_5317 : vector<8x2048xf32>
    %eq3A_5320 = vector.broadcast %broadcast_in_dim3A_3635 : vector<1x2048xf32> to vector<8x2048xf32>
    %eq3A_5321 = arith.cmpf oeq, %add3A_5319, %eq3A_5320 : vector<8x2048xf32>
    %get3A_5322 = arith.constant 840 : index
    %get3A_5323 = arith.constant 0 : index
    %get3A_5324 = vector.load %arg4[%get3A_5322, %get3A_5323] : memref<1024x1xf32, #tpu.memory_space<vmem>>, vector<8x1xf32>
    %jit3A_5325 = arith.constant 0.000000e+00 : f32
    %broadcast_in_dim3A_5326 = vector.shape_cast %get3A_5324 : vector<8x1xf32> to vector<8x1xf32>
    %broadcast_in_dim3A_5327 = vector.broadcast %broadcast_in_dim3A_5326 : vector<8x1xf32> to vector<8x2048xf32>
    %broadcast_in_dim3A_5328 = vector.broadcast %jit3A_5325 : f32 to vector<8x2048xf32>
    %select_n3A_5329 = arith.select %eq3A_5321, %broadcast_in_dim3A_5327, %broadcast_in_dim3A_5328 : vector<8x2048xi1>, vector<8x2048xf32>
    %max3A_5330 = arith.maximumf %max3A_5314, %select_n3A_5329 : vector<8x2048xf32>
    %get3A_5331 = arith.constant 848 : index
    %get3A_5332 = arith.constant 0 : index
    %get3A_5333 = vector.load %arg9[%get3A_5331, %get3A_5332] : memref<1024x2048xf32, #tpu.memory_space<vmem>>, vector<8x2048xf32>
    %add3A_5334 = vector.broadcast %get3A_2865 : vector<1x2048xf32> to vector<8x2048xf32>
    %add3A_5335 = arith.addf %add3A_5334, %get3A_5333 : vector<8x2048xf32>
    %eq3A_5336 = vector.broadcast %broadcast_in_dim3A_3635 : vector<1x2048xf32> to vector<8x2048xf32>
    %eq3A_5337 = arith.cmpf oeq, %add3A_5335, %eq3A_5336 : vector<8x2048xf32>
    %get3A_5338 = arith.constant 848 : index
    %get3A_5339 = arith.constant 0 : index
    %get3A_5340 = vector.load %arg4[%get3A_5338, %get3A_5339] : memref<1024x1xf32, #tpu.memory_space<vmem>>, vector<8x1xf32>
    %jit3A_5341 = arith.constant 0.000000e+00 : f32
    %broadcast_in_dim3A_5342 = vector.shape_cast %get3A_5340 : vector<8x1xf32> to vector<8x1xf32>
    %broadcast_in_dim3A_5343 = vector.broadcast %broadcast_in_dim3A_5342 : vector<8x1xf32> to vector<8x2048xf32>
    %broadcast_in_dim3A_5344 = vector.broadcast %jit3A_5341 : f32 to vector<8x2048xf32>
    %select_n3A_5345 = arith.select %eq3A_5337, %broadcast_in_dim3A_5343, %broadcast_in_dim3A_5344 : vector<8x2048xi1>, vector<8x2048xf32>
    %max3A_5346 = arith.maximumf %max3A_5330, %select_n3A_5345 : vector<8x2048xf32>
    %get3A_5347 = arith.constant 856 : index
    %get3A_5348 = arith.constant 0 : index
    %get3A_5349 = vector.load %arg9[%get3A_5347, %get3A_5348] : memref<1024x2048xf32, #tpu.memory_space<vmem>>, vector<8x2048xf32>
    %add3A_5350 = vector.broadcast %get3A_2865 : vector<1x2048xf32> to vector<8x2048xf32>
    %add3A_5351 = arith.addf %add3A_5350, %get3A_5349 : vector<8x2048xf32>
    %eq3A_5352 = vector.broadcast %broadcast_in_dim3A_3635 : vector<1x2048xf32> to vector<8x2048xf32>
    %eq3A_5353 = arith.cmpf oeq, %add3A_5351, %eq3A_5352 : vector<8x2048xf32>
    %get3A_5354 = arith.constant 856 : index
    %get3A_5355 = arith.constant 0 : index
    %get3A_5356 = vector.load %arg4[%get3A_5354, %get3A_5355] : memref<1024x1xf32, #tpu.memory_space<vmem>>, vector<8x1xf32>
    %jit3A_5357 = arith.constant 0.000000e+00 : f32
    %broadcast_in_dim3A_5358 = vector.shape_cast %get3A_5356 : vector<8x1xf32> to vector<8x1xf32>
    %broadcast_in_dim3A_5359 = vector.broadcast %broadcast_in_dim3A_5358 : vector<8x1xf32> to vector<8x2048xf32>
    %broadcast_in_dim3A_5360 = vector.broadcast %jit3A_5357 : f32 to vector<8x2048xf32>
    %select_n3A_5361 = arith.select %eq3A_5353, %broadcast_in_dim3A_5359, %broadcast_in_dim3A_5360 : vector<8x2048xi1>, vector<8x2048xf32>
    %max3A_5362 = arith.maximumf %max3A_5346, %select_n3A_5361 : vector<8x2048xf32>
    %get3A_5363 = arith.constant 864 : index
    %get3A_5364 = arith.constant 0 : index
    %get3A_5365 = vector.load %arg9[%get3A_5363, %get3A_5364] : memref<1024x2048xf32, #tpu.memory_space<vmem>>, vector<8x2048xf32>
    %add3A_5366 = vector.broadcast %get3A_2865 : vector<1x2048xf32> to vector<8x2048xf32>
    %add3A_5367 = arith.addf %add3A_5366, %get3A_5365 : vector<8x2048xf32>
    %eq3A_5368 = vector.broadcast %broadcast_in_dim3A_3635 : vector<1x2048xf32> to vector<8x2048xf32>
    %eq3A_5369 = arith.cmpf oeq, %add3A_5367, %eq3A_5368 : vector<8x2048xf32>
    %get3A_5370 = arith.constant 864 : index
    %get3A_5371 = arith.constant 0 : index
    %get3A_5372 = vector.load %arg4[%get3A_5370, %get3A_5371] : memref<1024x1xf32, #tpu.memory_space<vmem>>, vector<8x1xf32>
    %jit3A_5373 = arith.constant 0.000000e+00 : f32
    %broadcast_in_dim3A_5374 = vector.shape_cast %get3A_5372 : vector<8x1xf32> to vector<8x1xf32>
    %broadcast_in_dim3A_5375 = vector.broadcast %broadcast_in_dim3A_5374 : vector<8x1xf32> to vector<8x2048xf32>
    %broadcast_in_dim3A_5376 = vector.broadcast %jit3A_5373 : f32 to vector<8x2048xf32>
    %select_n3A_5377 = arith.select %eq3A_5369, %broadcast_in_dim3A_5375, %broadcast_in_dim3A_5376 : vector<8x2048xi1>, vector<8x2048xf32>
    %max3A_5378 = arith.maximumf %max3A_5362, %select_n3A_5377 : vector<8x2048xf32>
    %get3A_5379 = arith.constant 872 : index
    %get3A_5380 = arith.constant 0 : index
    %get3A_5381 = vector.load %arg9[%get3A_5379, %get3A_5380] : memref<1024x2048xf32, #tpu.memory_space<vmem>>, vector<8x2048xf32>
    %add3A_5382 = vector.broadcast %get3A_2865 : vector<1x2048xf32> to vector<8x2048xf32>
    %add3A_5383 = arith.addf %add3A_5382, %get3A_5381 : vector<8x2048xf32>
    %eq3A_5384 = vector.broadcast %broadcast_in_dim3A_3635 : vector<1x2048xf32> to vector<8x2048xf32>
    %eq3A_5385 = arith.cmpf oeq, %add3A_5383, %eq3A_5384 : vector<8x2048xf32>
    %get3A_5386 = arith.constant 872 : index
    %get3A_5387 = arith.constant 0 : index
    %get3A_5388 = vector.load %arg4[%get3A_5386, %get3A_5387] : memref<1024x1xf32, #tpu.memory_space<vmem>>, vector<8x1xf32>
    %jit3A_5389 = arith.constant 0.000000e+00 : f32
    %broadcast_in_dim3A_5390 = vector.shape_cast %get3A_5388 : vector<8x1xf32> to vector<8x1xf32>
    %broadcast_in_dim3A_5391 = vector.broadcast %broadcast_in_dim3A_5390 : vector<8x1xf32> to vector<8x2048xf32>
    %broadcast_in_dim3A_5392 = vector.broadcast %jit3A_5389 : f32 to vector<8x2048xf32>
    %select_n3A_5393 = arith.select %eq3A_5385, %broadcast_in_dim3A_5391, %broadcast_in_dim3A_5392 : vector<8x2048xi1>, vector<8x2048xf32>
    %max3A_5394 = arith.maximumf %max3A_5378, %select_n3A_5393 : vector<8x2048xf32>
    %get3A_5395 = arith.constant 880 : index
    %get3A_5396 = arith.constant 0 : index
    %get3A_5397 = vector.load %arg9[%get3A_5395, %get3A_5396] : memref<1024x2048xf32, #tpu.memory_space<vmem>>, vector<8x2048xf32>
    %add3A_5398 = vector.broadcast %get3A_2865 : vector<1x2048xf32> to vector<8x2048xf32>
    %add3A_5399 = arith.addf %add3A_5398, %get3A_5397 : vector<8x2048xf32>
    %eq3A_5400 = vector.broadcast %broadcast_in_dim3A_3635 : vector<1x2048xf32> to vector<8x2048xf32>
    %eq3A_5401 = arith.cmpf oeq, %add3A_5399, %eq3A_5400 : vector<8x2048xf32>
    %get3A_5402 = arith.constant 880 : index
    %get3A_5403 = arith.constant 0 : index
    %get3A_5404 = vector.load %arg4[%get3A_5402, %get3A_5403] : memref<1024x1xf32, #tpu.memory_space<vmem>>, vector<8x1xf32>
    %jit3A_5405 = arith.constant 0.000000e+00 : f32
    %broadcast_in_dim3A_5406 = vector.shape_cast %get3A_5404 : vector<8x1xf32> to vector<8x1xf32>
    %broadcast_in_dim3A_5407 = vector.broadcast %broadcast_in_dim3A_5406 : vector<8x1xf32> to vector<8x2048xf32>
    %broadcast_in_dim3A_5408 = vector.broadcast %jit3A_5405 : f32 to vector<8x2048xf32>
    %select_n3A_5409 = arith.select %eq3A_5401, %broadcast_in_dim3A_5407, %broadcast_in_dim3A_5408 : vector<8x2048xi1>, vector<8x2048xf32>
    %max3A_5410 = arith.maximumf %max3A_5394, %select_n3A_5409 : vector<8x2048xf32>
    %get3A_5411 = arith.constant 888 : index
    %get3A_5412 = arith.constant 0 : index
    %get3A_5413 = vector.load %arg9[%get3A_5411, %get3A_5412] : memref<1024x2048xf32, #tpu.memory_space<vmem>>, vector<8x2048xf32>
    %add3A_5414 = vector.broadcast %get3A_2865 : vector<1x2048xf32> to vector<8x2048xf32>
    %add3A_5415 = arith.addf %add3A_5414, %get3A_5413 : vector<8x2048xf32>
    %eq3A_5416 = vector.broadcast %broadcast_in_dim3A_3635 : vector<1x2048xf32> to vector<8x2048xf32>
    %eq3A_5417 = arith.cmpf oeq, %add3A_5415, %eq3A_5416 : vector<8x2048xf32>
    %get3A_5418 = arith.constant 888 : index
    %get3A_5419 = arith.constant 0 : index
    %get3A_5420 = vector.load %arg4[%get3A_5418, %get3A_5419] : memref<1024x1xf32, #tpu.memory_space<vmem>>, vector<8x1xf32>
    %jit3A_5421 = arith.constant 0.000000e+00 : f32
    %broadcast_in_dim3A_5422 = vector.shape_cast %get3A_5420 : vector<8x1xf32> to vector<8x1xf32>
    %broadcast_in_dim3A_5423 = vector.broadcast %broadcast_in_dim3A_5422 : vector<8x1xf32> to vector<8x2048xf32>
    %broadcast_in_dim3A_5424 = vector.broadcast %jit3A_5421 : f32 to vector<8x2048xf32>
    %select_n3A_5425 = arith.select %eq3A_5417, %broadcast_in_dim3A_5423, %broadcast_in_dim3A_5424 : vector<8x2048xi1>, vector<8x2048xf32>
    %max3A_5426 = arith.maximumf %max3A_5410, %select_n3A_5425 : vector<8x2048xf32>
    %get3A_5427 = arith.constant 896 : index
    %get3A_5428 = arith.constant 0 : index
    %get3A_5429 = vector.load %arg9[%get3A_5427, %get3A_5428] : memref<1024x2048xf32, #tpu.memory_space<vmem>>, vector<8x2048xf32>
    %add3A_5430 = vector.broadcast %get3A_2865 : vector<1x2048xf32> to vector<8x2048xf32>
    %add3A_5431 = arith.addf %add3A_5430, %get3A_5429 : vector<8x2048xf32>
    %eq3A_5432 = vector.broadcast %broadcast_in_dim3A_3635 : vector<1x2048xf32> to vector<8x2048xf32>
    %eq3A_5433 = arith.cmpf oeq, %add3A_5431, %eq3A_5432 : vector<8x2048xf32>
    %get3A_5434 = arith.constant 896 : index
    %get3A_5435 = arith.constant 0 : index
    %get3A_5436 = vector.load %arg4[%get3A_5434, %get3A_5435] : memref<1024x1xf32, #tpu.memory_space<vmem>>, vector<8x1xf32>
    %jit3A_5437 = arith.constant 0.000000e+00 : f32
    %broadcast_in_dim3A_5438 = vector.shape_cast %get3A_5436 : vector<8x1xf32> to vector<8x1xf32>
    %broadcast_in_dim3A_5439 = vector.broadcast %broadcast_in_dim3A_5438 : vector<8x1xf32> to vector<8x2048xf32>
    %broadcast_in_dim3A_5440 = vector.broadcast %jit3A_5437 : f32 to vector<8x2048xf32>
    %select_n3A_5441 = arith.select %eq3A_5433, %broadcast_in_dim3A_5439, %broadcast_in_dim3A_5440 : vector<8x2048xi1>, vector<8x2048xf32>
    %max3A_5442 = arith.maximumf %max3A_5426, %select_n3A_5441 : vector<8x2048xf32>
    %get3A_5443 = arith.constant 904 : index
    %get3A_5444 = arith.constant 0 : index
    %get3A_5445 = vector.load %arg9[%get3A_5443, %get3A_5444] : memref<1024x2048xf32, #tpu.memory_space<vmem>>, vector<8x2048xf32>
    %add3A_5446 = vector.broadcast %get3A_2865 : vector<1x2048xf32> to vector<8x2048xf32>
    %add3A_5447 = arith.addf %add3A_5446, %get3A_5445 : vector<8x2048xf32>
    %eq3A_5448 = vector.broadcast %broadcast_in_dim3A_3635 : vector<1x2048xf32> to vector<8x2048xf32>
    %eq3A_5449 = arith.cmpf oeq, %add3A_5447, %eq3A_5448 : vector<8x2048xf32>
    %get3A_5450 = arith.constant 904 : index
    %get3A_5451 = arith.constant 0 : index
    %get3A_5452 = vector.load %arg4[%get3A_5450, %get3A_5451] : memref<1024x1xf32, #tpu.memory_space<vmem>>, vector<8x1xf32>
    %jit3A_5453 = arith.constant 0.000000e+00 : f32
    %broadcast_in_dim3A_5454 = vector.shape_cast %get3A_5452 : vector<8x1xf32> to vector<8x1xf32>
    %broadcast_in_dim3A_5455 = vector.broadcast %broadcast_in_dim3A_5454 : vector<8x1xf32> to vector<8x2048xf32>
    %broadcast_in_dim3A_5456 = vector.broadcast %jit3A_5453 : f32 to vector<8x2048xf32>
    %select_n3A_5457 = arith.select %eq3A_5449, %broadcast_in_dim3A_5455, %broadcast_in_dim3A_5456 : vector<8x2048xi1>, vector<8x2048xf32>
    %max3A_5458 = arith.maximumf %max3A_5442, %select_n3A_5457 : vector<8x2048xf32>
    %get3A_5459 = arith.constant 912 : index
    %get3A_5460 = arith.constant 0 : index
    %get3A_5461 = vector.load %arg9[%get3A_5459, %get3A_5460] : memref<1024x2048xf32, #tpu.memory_space<vmem>>, vector<8x2048xf32>
    %add3A_5462 = vector.broadcast %get3A_2865 : vector<1x2048xf32> to vector<8x2048xf32>
    %add3A_5463 = arith.addf %add3A_5462, %get3A_5461 : vector<8x2048xf32>
    %eq3A_5464 = vector.broadcast %broadcast_in_dim3A_3635 : vector<1x2048xf32> to vector<8x2048xf32>
    %eq3A_5465 = arith.cmpf oeq, %add3A_5463, %eq3A_5464 : vector<8x2048xf32>
    %get3A_5466 = arith.constant 912 : index
    %get3A_5467 = arith.constant 0 : index
    %get3A_5468 = vector.load %arg4[%get3A_5466, %get3A_5467] : memref<1024x1xf32, #tpu.memory_space<vmem>>, vector<8x1xf32>
    %jit3A_5469 = arith.constant 0.000000e+00 : f32
    %broadcast_in_dim3A_5470 = vector.shape_cast %get3A_5468 : vector<8x1xf32> to vector<8x1xf32>
    %broadcast_in_dim3A_5471 = vector.broadcast %broadcast_in_dim3A_5470 : vector<8x1xf32> to vector<8x2048xf32>
    %broadcast_in_dim3A_5472 = vector.broadcast %jit3A_5469 : f32 to vector<8x2048xf32>
    %select_n3A_5473 = arith.select %eq3A_5465, %broadcast_in_dim3A_5471, %broadcast_in_dim3A_5472 : vector<8x2048xi1>, vector<8x2048xf32>
    %max3A_5474 = arith.maximumf %max3A_5458, %select_n3A_5473 : vector<8x2048xf32>
    %get3A_5475 = arith.constant 920 : index
    %get3A_5476 = arith.constant 0 : index
    %get3A_5477 = vector.load %arg9[%get3A_5475, %get3A_5476] : memref<1024x2048xf32, #tpu.memory_space<vmem>>, vector<8x2048xf32>
    %add3A_5478 = vector.broadcast %get3A_2865 : vector<1x2048xf32> to vector<8x2048xf32>
    %add3A_5479 = arith.addf %add3A_5478, %get3A_5477 : vector<8x2048xf32>
    %eq3A_5480 = vector.broadcast %broadcast_in_dim3A_3635 : vector<1x2048xf32> to vector<8x2048xf32>
    %eq3A_5481 = arith.cmpf oeq, %add3A_5479, %eq3A_5480 : vector<8x2048xf32>
    %get3A_5482 = arith.constant 920 : index
    %get3A_5483 = arith.constant 0 : index
    %get3A_5484 = vector.load %arg4[%get3A_5482, %get3A_5483] : memref<1024x1xf32, #tpu.memory_space<vmem>>, vector<8x1xf32>
    %jit3A_5485 = arith.constant 0.000000e+00 : f32
    %broadcast_in_dim3A_5486 = vector.shape_cast %get3A_5484 : vector<8x1xf32> to vector<8x1xf32>
    %broadcast_in_dim3A_5487 = vector.broadcast %broadcast_in_dim3A_5486 : vector<8x1xf32> to vector<8x2048xf32>
    %broadcast_in_dim3A_5488 = vector.broadcast %jit3A_5485 : f32 to vector<8x2048xf32>
    %select_n3A_5489 = arith.select %eq3A_5481, %broadcast_in_dim3A_5487, %broadcast_in_dim3A_5488 : vector<8x2048xi1>, vector<8x2048xf32>
    %max3A_5490 = arith.maximumf %max3A_5474, %select_n3A_5489 : vector<8x2048xf32>
    %get3A_5491 = arith.constant 928 : index
    %get3A_5492 = arith.constant 0 : index
    %get3A_5493 = vector.load %arg9[%get3A_5491, %get3A_5492] : memref<1024x2048xf32, #tpu.memory_space<vmem>>, vector<8x2048xf32>
    %add3A_5494 = vector.broadcast %get3A_2865 : vector<1x2048xf32> to vector<8x2048xf32>
    %add3A_5495 = arith.addf %add3A_5494, %get3A_5493 : vector<8x2048xf32>
    %eq3A_5496 = vector.broadcast %broadcast_in_dim3A_3635 : vector<1x2048xf32> to vector<8x2048xf32>
    %eq3A_5497 = arith.cmpf oeq, %add3A_5495, %eq3A_5496 : vector<8x2048xf32>
    %get3A_5498 = arith.constant 928 : index
    %get3A_5499 = arith.constant 0 : index
    %get3A_5500 = vector.load %arg4[%get3A_5498, %get3A_5499] : memref<1024x1xf32, #tpu.memory_space<vmem>>, vector<8x1xf32>
    %jit3A_5501 = arith.constant 0.000000e+00 : f32
    %broadcast_in_dim3A_5502 = vector.shape_cast %get3A_5500 : vector<8x1xf32> to vector<8x1xf32>
    %broadcast_in_dim3A_5503 = vector.broadcast %broadcast_in_dim3A_5502 : vector<8x1xf32> to vector<8x2048xf32>
    %broadcast_in_dim3A_5504 = vector.broadcast %jit3A_5501 : f32 to vector<8x2048xf32>
    %select_n3A_5505 = arith.select %eq3A_5497, %broadcast_in_dim3A_5503, %broadcast_in_dim3A_5504 : vector<8x2048xi1>, vector<8x2048xf32>
    %max3A_5506 = arith.maximumf %max3A_5490, %select_n3A_5505 : vector<8x2048xf32>
    %get3A_5507 = arith.constant 936 : index
    %get3A_5508 = arith.constant 0 : index
    %get3A_5509 = vector.load %arg9[%get3A_5507, %get3A_5508] : memref<1024x2048xf32, #tpu.memory_space<vmem>>, vector<8x2048xf32>
    %add3A_5510 = vector.broadcast %get3A_2865 : vector<1x2048xf32> to vector<8x2048xf32>
    %add3A_5511 = arith.addf %add3A_5510, %get3A_5509 : vector<8x2048xf32>
    %eq3A_5512 = vector.broadcast %broadcast_in_dim3A_3635 : vector<1x2048xf32> to vector<8x2048xf32>
    %eq3A_5513 = arith.cmpf oeq, %add3A_5511, %eq3A_5512 : vector<8x2048xf32>
    %get3A_5514 = arith.constant 936 : index
    %get3A_5515 = arith.constant 0 : index
    %get3A_5516 = vector.load %arg4[%get3A_5514, %get3A_5515] : memref<1024x1xf32, #tpu.memory_space<vmem>>, vector<8x1xf32>
    %jit3A_5517 = arith.constant 0.000000e+00 : f32
    %broadcast_in_dim3A_5518 = vector.shape_cast %get3A_5516 : vector<8x1xf32> to vector<8x1xf32>
    %broadcast_in_dim3A_5519 = vector.broadcast %broadcast_in_dim3A_5518 : vector<8x1xf32> to vector<8x2048xf32>
    %broadcast_in_dim3A_5520 = vector.broadcast %jit3A_5517 : f32 to vector<8x2048xf32>
    %select_n3A_5521 = arith.select %eq3A_5513, %broadcast_in_dim3A_5519, %broadcast_in_dim3A_5520 : vector<8x2048xi1>, vector<8x2048xf32>
    %max3A_5522 = arith.maximumf %max3A_5506, %select_n3A_5521 : vector<8x2048xf32>
    %get3A_5523 = arith.constant 944 : index
    %get3A_5524 = arith.constant 0 : index
    %get3A_5525 = vector.load %arg9[%get3A_5523, %get3A_5524] : memref<1024x2048xf32, #tpu.memory_space<vmem>>, vector<8x2048xf32>
    %add3A_5526 = vector.broadcast %get3A_2865 : vector<1x2048xf32> to vector<8x2048xf32>
    %add3A_5527 = arith.addf %add3A_5526, %get3A_5525 : vector<8x2048xf32>
    %eq3A_5528 = vector.broadcast %broadcast_in_dim3A_3635 : vector<1x2048xf32> to vector<8x2048xf32>
    %eq3A_5529 = arith.cmpf oeq, %add3A_5527, %eq3A_5528 : vector<8x2048xf32>
    %get3A_5530 = arith.constant 944 : index
    %get3A_5531 = arith.constant 0 : index
    %get3A_5532 = vector.load %arg4[%get3A_5530, %get3A_5531] : memref<1024x1xf32, #tpu.memory_space<vmem>>, vector<8x1xf32>
    %jit3A_5533 = arith.constant 0.000000e+00 : f32
    %broadcast_in_dim3A_5534 = vector.shape_cast %get3A_5532 : vector<8x1xf32> to vector<8x1xf32>
    %broadcast_in_dim3A_5535 = vector.broadcast %broadcast_in_dim3A_5534 : vector<8x1xf32> to vector<8x2048xf32>
    %broadcast_in_dim3A_5536 = vector.broadcast %jit3A_5533 : f32 to vector<8x2048xf32>
    %select_n3A_5537 = arith.select %eq3A_5529, %broadcast_in_dim3A_5535, %broadcast_in_dim3A_5536 : vector<8x2048xi1>, vector<8x2048xf32>
    %max3A_5538 = arith.maximumf %max3A_5522, %select_n3A_5537 : vector<8x2048xf32>
    %get3A_5539 = arith.constant 952 : index
    %get3A_5540 = arith.constant 0 : index
    %get3A_5541 = vector.load %arg9[%get3A_5539, %get3A_5540] : memref<1024x2048xf32, #tpu.memory_space<vmem>>, vector<8x2048xf32>
    %add3A_5542 = vector.broadcast %get3A_2865 : vector<1x2048xf32> to vector<8x2048xf32>
    %add3A_5543 = arith.addf %add3A_5542, %get3A_5541 : vector<8x2048xf32>
    %eq3A_5544 = vector.broadcast %broadcast_in_dim3A_3635 : vector<1x2048xf32> to vector<8x2048xf32>
    %eq3A_5545 = arith.cmpf oeq, %add3A_5543, %eq3A_5544 : vector<8x2048xf32>
    %get3A_5546 = arith.constant 952 : index
    %get3A_5547 = arith.constant 0 : index
    %get3A_5548 = vector.load %arg4[%get3A_5546, %get3A_5547] : memref<1024x1xf32, #tpu.memory_space<vmem>>, vector<8x1xf32>
    %jit3A_5549 = arith.constant 0.000000e+00 : f32
    %broadcast_in_dim3A_5550 = vector.shape_cast %get3A_5548 : vector<8x1xf32> to vector<8x1xf32>
    %broadcast_in_dim3A_5551 = vector.broadcast %broadcast_in_dim3A_5550 : vector<8x1xf32> to vector<8x2048xf32>
    %broadcast_in_dim3A_5552 = vector.broadcast %jit3A_5549 : f32 to vector<8x2048xf32>
    %select_n3A_5553 = arith.select %eq3A_5545, %broadcast_in_dim3A_5551, %broadcast_in_dim3A_5552 : vector<8x2048xi1>, vector<8x2048xf32>
    %max3A_5554 = arith.maximumf %max3A_5538, %select_n3A_5553 : vector<8x2048xf32>
    %get3A_5555 = arith.constant 960 : index
    %get3A_5556 = arith.constant 0 : index
    %get3A_5557 = vector.load %arg9[%get3A_5555, %get3A_5556] : memref<1024x2048xf32, #tpu.memory_space<vmem>>, vector<8x2048xf32>
    %add3A_5558 = vector.broadcast %get3A_2865 : vector<1x2048xf32> to vector<8x2048xf32>
    %add3A_5559 = arith.addf %add3A_5558, %get3A_5557 : vector<8x2048xf32>
    %eq3A_5560 = vector.broadcast %broadcast_in_dim3A_3635 : vector<1x2048xf32> to vector<8x2048xf32>
    %eq3A_5561 = arith.cmpf oeq, %add3A_5559, %eq3A_5560 : vector<8x2048xf32>
    %get3A_5562 = arith.constant 960 : index
    %get3A_5563 = arith.constant 0 : index
    %get3A_5564 = vector.load %arg4[%get3A_5562, %get3A_5563] : memref<1024x1xf32, #tpu.memory_space<vmem>>, vector<8x1xf32>
    %jit3A_5565 = arith.constant 0.000000e+00 : f32
    %broadcast_in_dim3A_5566 = vector.shape_cast %get3A_5564 : vector<8x1xf32> to vector<8x1xf32>
    %broadcast_in_dim3A_5567 = vector.broadcast %broadcast_in_dim3A_5566 : vector<8x1xf32> to vector<8x2048xf32>
    %broadcast_in_dim3A_5568 = vector.broadcast %jit3A_5565 : f32 to vector<8x2048xf32>
    %select_n3A_5569 = arith.select %eq3A_5561, %broadcast_in_dim3A_5567, %broadcast_in_dim3A_5568 : vector<8x2048xi1>, vector<8x2048xf32>
    %max3A_5570 = arith.maximumf %max3A_5554, %select_n3A_5569 : vector<8x2048xf32>
    %get3A_5571 = arith.constant 968 : index
    %get3A_5572 = arith.constant 0 : index
    %get3A_5573 = vector.load %arg9[%get3A_5571, %get3A_5572] : memref<1024x2048xf32, #tpu.memory_space<vmem>>, vector<8x2048xf32>
    %add3A_5574 = vector.broadcast %get3A_2865 : vector<1x2048xf32> to vector<8x2048xf32>
    %add3A_5575 = arith.addf %add3A_5574, %get3A_5573 : vector<8x2048xf32>
    %eq3A_5576 = vector.broadcast %broadcast_in_dim3A_3635 : vector<1x2048xf32> to vector<8x2048xf32>
    %eq3A_5577 = arith.cmpf oeq, %add3A_5575, %eq3A_5576 : vector<8x2048xf32>
    %get3A_5578 = arith.constant 968 : index
    %get3A_5579 = arith.constant 0 : index
    %get3A_5580 = vector.load %arg4[%get3A_5578, %get3A_5579] : memref<1024x1xf32, #tpu.memory_space<vmem>>, vector<8x1xf32>
    %jit3A_5581 = arith.constant 0.000000e+00 : f32
    %broadcast_in_dim3A_5582 = vector.shape_cast %get3A_5580 : vector<8x1xf32> to vector<8x1xf32>
    %broadcast_in_dim3A_5583 = vector.broadcast %broadcast_in_dim3A_5582 : vector<8x1xf32> to vector<8x2048xf32>
    %broadcast_in_dim3A_5584 = vector.broadcast %jit3A_5581 : f32 to vector<8x2048xf32>
    %select_n3A_5585 = arith.select %eq3A_5577, %broadcast_in_dim3A_5583, %broadcast_in_dim3A_5584 : vector<8x2048xi1>, vector<8x2048xf32>
    %max3A_5586 = arith.maximumf %max3A_5570, %select_n3A_5585 : vector<8x2048xf32>
    %get3A_5587 = arith.constant 976 : index
    %get3A_5588 = arith.constant 0 : index
    %get3A_5589 = vector.load %arg9[%get3A_5587, %get3A_5588] : memref<1024x2048xf32, #tpu.memory_space<vmem>>, vector<8x2048xf32>
    %add3A_5590 = vector.broadcast %get3A_2865 : vector<1x2048xf32> to vector<8x2048xf32>
    %add3A_5591 = arith.addf %add3A_5590, %get3A_5589 : vector<8x2048xf32>
    %eq3A_5592 = vector.broadcast %broadcast_in_dim3A_3635 : vector<1x2048xf32> to vector<8x2048xf32>
    %eq3A_5593 = arith.cmpf oeq, %add3A_5591, %eq3A_5592 : vector<8x2048xf32>
    %get3A_5594 = arith.constant 976 : index
    %get3A_5595 = arith.constant 0 : index
    %get3A_5596 = vector.load %arg4[%get3A_5594, %get3A_5595] : memref<1024x1xf32, #tpu.memory_space<vmem>>, vector<8x1xf32>
    %jit3A_5597 = arith.constant 0.000000e+00 : f32
    %broadcast_in_dim3A_5598 = vector.shape_cast %get3A_5596 : vector<8x1xf32> to vector<8x1xf32>
    %broadcast_in_dim3A_5599 = vector.broadcast %broadcast_in_dim3A_5598 : vector<8x1xf32> to vector<8x2048xf32>
    %broadcast_in_dim3A_5600 = vector.broadcast %jit3A_5597 : f32 to vector<8x2048xf32>
    %select_n3A_5601 = arith.select %eq3A_5593, %broadcast_in_dim3A_5599, %broadcast_in_dim3A_5600 : vector<8x2048xi1>, vector<8x2048xf32>
    %max3A_5602 = arith.maximumf %max3A_5586, %select_n3A_5601 : vector<8x2048xf32>
    %get3A_5603 = arith.constant 984 : index
    %get3A_5604 = arith.constant 0 : index
    %get3A_5605 = vector.load %arg9[%get3A_5603, %get3A_5604] : memref<1024x2048xf32, #tpu.memory_space<vmem>>, vector<8x2048xf32>
    %add3A_5606 = vector.broadcast %get3A_2865 : vector<1x2048xf32> to vector<8x2048xf32>
    %add3A_5607 = arith.addf %add3A_5606, %get3A_5605 : vector<8x2048xf32>
    %eq3A_5608 = vector.broadcast %broadcast_in_dim3A_3635 : vector<1x2048xf32> to vector<8x2048xf32>
    %eq3A_5609 = arith.cmpf oeq, %add3A_5607, %eq3A_5608 : vector<8x2048xf32>
    %get3A_5610 = arith.constant 984 : index
    %get3A_5611 = arith.constant 0 : index
    %get3A_5612 = vector.load %arg4[%get3A_5610, %get3A_5611] : memref<1024x1xf32, #tpu.memory_space<vmem>>, vector<8x1xf32>
    %jit3A_5613 = arith.constant 0.000000e+00 : f32
    %broadcast_in_dim3A_5614 = vector.shape_cast %get3A_5612 : vector<8x1xf32> to vector<8x1xf32>
    %broadcast_in_dim3A_5615 = vector.broadcast %broadcast_in_dim3A_5614 : vector<8x1xf32> to vector<8x2048xf32>
    %broadcast_in_dim3A_5616 = vector.broadcast %jit3A_5613 : f32 to vector<8x2048xf32>
    %select_n3A_5617 = arith.select %eq3A_5609, %broadcast_in_dim3A_5615, %broadcast_in_dim3A_5616 : vector<8x2048xi1>, vector<8x2048xf32>
    %max3A_5618 = arith.maximumf %max3A_5602, %select_n3A_5617 : vector<8x2048xf32>
    %get3A_5619 = arith.constant 992 : index
    %get3A_5620 = arith.constant 0 : index
    %get3A_5621 = vector.load %arg9[%get3A_5619, %get3A_5620] : memref<1024x2048xf32, #tpu.memory_space<vmem>>, vector<8x2048xf32>
    %add3A_5622 = vector.broadcast %get3A_2865 : vector<1x2048xf32> to vector<8x2048xf32>
    %add3A_5623 = arith.addf %add3A_5622, %get3A_5621 : vector<8x2048xf32>
    %eq3A_5624 = vector.broadcast %broadcast_in_dim3A_3635 : vector<1x2048xf32> to vector<8x2048xf32>
    %eq3A_5625 = arith.cmpf oeq, %add3A_5623, %eq3A_5624 : vector<8x2048xf32>
    %get3A_5626 = arith.constant 992 : index
    %get3A_5627 = arith.constant 0 : index
    %get3A_5628 = vector.load %arg4[%get3A_5626, %get3A_5627] : memref<1024x1xf32, #tpu.memory_space<vmem>>, vector<8x1xf32>
    %jit3A_5629 = arith.constant 0.000000e+00 : f32
    %broadcast_in_dim3A_5630 = vector.shape_cast %get3A_5628 : vector<8x1xf32> to vector<8x1xf32>
    %broadcast_in_dim3A_5631 = vector.broadcast %broadcast_in_dim3A_5630 : vector<8x1xf32> to vector<8x2048xf32>
    %broadcast_in_dim3A_5632 = vector.broadcast %jit3A_5629 : f32 to vector<8x2048xf32>
    %select_n3A_5633 = arith.select %eq3A_5625, %broadcast_in_dim3A_5631, %broadcast_in_dim3A_5632 : vector<8x2048xi1>, vector<8x2048xf32>
    %max3A_5634 = arith.maximumf %max3A_5618, %select_n3A_5633 : vector<8x2048xf32>
    %get3A_5635 = arith.constant 1000 : index
    %get3A_5636 = arith.constant 0 : index
    %get3A_5637 = vector.load %arg9[%get3A_5635, %get3A_5636] : memref<1024x2048xf32, #tpu.memory_space<vmem>>, vector<8x2048xf32>
    %add3A_5638 = vector.broadcast %get3A_2865 : vector<1x2048xf32> to vector<8x2048xf32>
    %add3A_5639 = arith.addf %add3A_5638, %get3A_5637 : vector<8x2048xf32>
    %eq3A_5640 = vector.broadcast %broadcast_in_dim3A_3635 : vector<1x2048xf32> to vector<8x2048xf32>
    %eq3A_5641 = arith.cmpf oeq, %add3A_5639, %eq3A_5640 : vector<8x2048xf32>
    %get3A_5642 = arith.constant 1000 : index
    %get3A_5643 = arith.constant 0 : index
    %get3A_5644 = vector.load %arg4[%get3A_5642, %get3A_5643] : memref<1024x1xf32, #tpu.memory_space<vmem>>, vector<8x1xf32>
    %jit3A_5645 = arith.constant 0.000000e+00 : f32
    %broadcast_in_dim3A_5646 = vector.shape_cast %get3A_5644 : vector<8x1xf32> to vector<8x1xf32>
    %broadcast_in_dim3A_5647 = vector.broadcast %broadcast_in_dim3A_5646 : vector<8x1xf32> to vector<8x2048xf32>
    %broadcast_in_dim3A_5648 = vector.broadcast %jit3A_5645 : f32 to vector<8x2048xf32>
    %select_n3A_5649 = arith.select %eq3A_5641, %broadcast_in_dim3A_5647, %broadcast_in_dim3A_5648 : vector<8x2048xi1>, vector<8x2048xf32>
    %max3A_5650 = arith.maximumf %max3A_5634, %select_n3A_5649 : vector<8x2048xf32>
    %get3A_5651 = arith.constant 1008 : index
    %get3A_5652 = arith.constant 0 : index
    %get3A_5653 = vector.load %arg9[%get3A_5651, %get3A_5652] : memref<1024x2048xf32, #tpu.memory_space<vmem>>, vector<8x2048xf32>
    %add3A_5654 = vector.broadcast %get3A_2865 : vector<1x2048xf32> to vector<8x2048xf32>
    %add3A_5655 = arith.addf %add3A_5654, %get3A_5653 : vector<8x2048xf32>
    %eq3A_5656 = vector.broadcast %broadcast_in_dim3A_3635 : vector<1x2048xf32> to vector<8x2048xf32>
    %eq3A_5657 = arith.cmpf oeq, %add3A_5655, %eq3A_5656 : vector<8x2048xf32>
    %get3A_5658 = arith.constant 1008 : index
    %get3A_5659 = arith.constant 0 : index
    %get3A_5660 = vector.load %arg4[%get3A_5658, %get3A_5659] : memref<1024x1xf32, #tpu.memory_space<vmem>>, vector<8x1xf32>
    %jit3A_5661 = arith.constant 0.000000e+00 : f32
    %broadcast_in_dim3A_5662 = vector.shape_cast %get3A_5660 : vector<8x1xf32> to vector<8x1xf32>
    %broadcast_in_dim3A_5663 = vector.broadcast %broadcast_in_dim3A_5662 : vector<8x1xf32> to vector<8x2048xf32>
    %broadcast_in_dim3A_5664 = vector.broadcast %jit3A_5661 : f32 to vector<8x2048xf32>
    %select_n3A_5665 = arith.select %eq3A_5657, %broadcast_in_dim3A_5663, %broadcast_in_dim3A_5664 : vector<8x2048xi1>, vector<8x2048xf32>
    %max3A_5666 = arith.maximumf %max3A_5650, %select_n3A_5665 : vector<8x2048xf32>
    %get3A_5667 = arith.constant 1016 : index
    %get3A_5668 = arith.constant 0 : index
    %get3A_5669 = vector.load %arg9[%get3A_5667, %get3A_5668] : memref<1024x2048xf32, #tpu.memory_space<vmem>>, vector<8x2048xf32>
    %add3A_5670 = vector.broadcast %get3A_2865 : vector<1x2048xf32> to vector<8x2048xf32>
    %add3A_5671 = arith.addf %add3A_5670, %get3A_5669 : vector<8x2048xf32>
    %eq3A_5672 = vector.broadcast %broadcast_in_dim3A_3635 : vector<1x2048xf32> to vector<8x2048xf32>
    %eq3A_5673 = arith.cmpf oeq, %add3A_5671, %eq3A_5672 : vector<8x2048xf32>
    %get3A_5674 = arith.constant 1016 : index
    %get3A_5675 = arith.constant 0 : index
    %get3A_5676 = vector.load %arg4[%get3A_5674, %get3A_5675] : memref<1024x1xf32, #tpu.memory_space<vmem>>, vector<8x1xf32>
    %jit3A_5677 = arith.constant 0.000000e+00 : f32
    %broadcast_in_dim3A_5678 = vector.shape_cast %get3A_5676 : vector<8x1xf32> to vector<8x1xf32>
    %broadcast_in_dim3A_5679 = vector.broadcast %broadcast_in_dim3A_5678 : vector<8x1xf32> to vector<8x2048xf32>
    %broadcast_in_dim3A_5680 = vector.broadcast %jit3A_5677 : f32 to vector<8x2048xf32>
    %select_n3A_5681 = arith.select %eq3A_5673, %broadcast_in_dim3A_5679, %broadcast_in_dim3A_5680 : vector<8x2048xi1>, vector<8x2048xf32>
    %max3A_5682 = arith.maximumf %max3A_5666, %select_n3A_5681 : vector<8x2048xf32>
    %reduce_max3A_5683 = arith.constant dense<0xFF800000> : vector<2048xf32>
    %reduce_max3A_5684 = vector.multi_reduction <maximumf>, %max3A_5682, %reduce_max3A_5683 [0] : vector<8x2048xf32> to vector<2048xf32>
    %broadcast_in_dim3A_5685 = vector.shape_cast %reduce_max3A_5684 : vector<2048xf32> to vector<1x2048xf32>
    %add3A_5686 = arith.constant 1.024000e+03 : f32
    %add3A_5687 = arith.addf %add3A_2862, %add3A_5686 : f32
    %sub3A_5688 = vector.broadcast %add3A_5687 : f32 to vector<1x2048xf32>
    %sub3A_5689 = arith.subf %sub3A_5688, %broadcast_in_dim3A_5685 : vector<1x2048xf32>
    %get3A_5690 = arith.constant 0 : index
    %get3A_5691 = arith.constant 0 : index
    %get3A_5692 = vector.load %arg10[%get3A_5690, %get3A_5691] : memref<1x2048xf32, #tpu.memory_space<vmem>>, vector<1x2048xf32>
    %lt3A_5693 = arith.cmpf olt, %broadcast_in_dim3A_3635, %get3A_5692 : vector<1x2048xf32>
    %get3A_5694 = arith.constant 0 : index
    %get3A_5695 = arith.constant 0 : index
    %get3A_5696 = vector.load %arg10[%get3A_5694, %get3A_5695] : memref<1x2048xf32, #tpu.memory_space<vmem>>, vector<1x2048xf32>
    %select_n3A_5697 = arith.select %lt3A_5693, %broadcast_in_dim3A_3635, %get3A_5696 : vector<1x2048xi1>, vector<1x2048xf32>
    %swap3A_5698 = arith.constant 0 : index
    %swap3A_5699 = arith.constant 0 : index
    %swap3A_5700 = vector.load %arg10[%swap3A_5698, %swap3A_5699] : memref<1x2048xf32, #tpu.memory_space<vmem>>, vector<1x2048xf32>
    tpu.vector_store %arg10[%swap3A_5698, %swap3A_5699], %select_n3A_5697 {strides = array<i32>} : memref<1x2048xf32, #tpu.memory_space<vmem>>, vector<1x2048xf32>,
    %get3A_5701 = arith.constant 0 : index
    %get3A_5702 = arith.constant 0 : index
    %get3A_5703 = vector.load %arg11[%get3A_5701, %get3A_5702] : memref<1x2048xf32, #tpu.memory_space<vmem>>, vector<1x2048xf32>
    %select_n3A_5704 = arith.select %lt3A_5693, %sub3A_5689, %get3A_5703 : vector<1x2048xi1>, vector<1x2048xf32>
    %swap3A_5705 = arith.constant 0 : index
    %swap3A_5706 = arith.constant 0 : index
    %swap3A_5707 = vector.load %arg11[%swap3A_5705, %swap3A_5706] : memref<1x2048xf32, #tpu.memory_space<vmem>>, vector<1x2048xf32>
    tpu.vector_store %arg11[%swap3A_5705, %swap3A_5706], %select_n3A_5704 {strides = array<i32>} : memref<1x2048xf32, #tpu.memory_space<vmem>>, vector<1x2048xf32>,
    %eq3A_5708 = arith.constant 3 : i32
    %eq3A_5709 = arith.cmpi eq, %arg1, %eq3A_5708 : i32
    %convert_element_type3A_5710 = arith.extui %eq3A_5709 : i1 to i32
    %cond3A_5711 = arith.constant 0 : i32
    %cond3A_5712 = arith.cmpi ne, %convert_element_type3A_5710, %cond3A_5711 : i32
    scf.if %cond3A_5712 {
      %get3A_5713 = arith.constant 0 : index
      %get3A_5714 = arith.constant 0 : index
      %get3A_5715 = vector.load %arg11[%get3A_5713, %get3A_5714] : memref<1x2048xf32, #tpu.memory_space<vmem>>, vector<1x2048xf32>
      %convert_element_type3A_5716 = arith.fptosi %get3A_5715 : vector<1x2048xf32> to vector<1x2048xi32>
      %reshape3A = vector.shape_cast %convert_element_type3A_5716 : vector<1x2048xi32> to vector<1x1x2048xi32>
      %swap3A_5717 = arith.constant 0 : index
      %swap3A_5718 = arith.constant 0 : index
      %swap3A_5719 = arith.constant 0 : index
      %swap3A_5720 = vector.load %arg7[%swap3A_5717, %swap3A_5718, %swap3A_5719] : memref<1x1x2048xi32, #tpu.memory_space<vmem>>, vector<1x1x2048xi32>
      tpu.vector_store %arg7[%swap3A_5717, %swap3A_5718, %swap3A_5719], %reshape3A {strides = array<i32>} : memref<1x1x2048xi32, #tpu.memory_space<vmem>>, vector<1x1x2048xi32>,
    } else {
    }
    return
  }
  func.func @transform_0(%arg0: i32, %arg1: i32) -> (i32, i32) {
    %c0_i32 = arith.constant 0 : i32
    %c0_i32_0 = arith.constant 0 : i32
    return %arg0, %c0_i32 : i32, i32
  }
  func.func @transform_1(%arg0: i32, %arg1: i32) -> (i32, i32) {
    %c0_i32 = arith.constant 0 : i32
    %c0_i32_0 = arith.constant 0 : i32
    return %c0_i32, %arg0 : i32, i32
  }
  func.func @transform_2(%arg0: i32, %arg1: i32) -> (i32, i32) {
    %c0_i32 = arith.constant 0 : i32
    %c0_i32_0 = arith.constant 0 : i32
    %c0_i32_1 = arith.constant 0 : i32
    return %c0_i32, %c0_i32_0 : i32, i32
  }
  func.func @transform_3(%arg0: i32, %arg1: i32) -> (i32, i32) {
    %mul3A = arith.constant 2 : i32
    %mul3A_0 = arith.muli %mul3A, %arg1 : i32
    %c0_i32 = arith.constant 0 : i32
    %c0_i32_1 = arith.constant 0 : i32
    return %mul3A_0, %c0_i32 : i32, i32
  }
  func.func @transform_4(%arg0: i32, %arg1: i32) -> (i32, i32) {
    %mul3A = arith.constant 2 : i32
    %mul3A_0 = arith.muli %mul3A, %arg1 : i32
    %add3A = arith.constant 1 : i32
    %add3A_1 = arith.addi %mul3A_0, %add3A : i32
    %c0_i32 = arith.constant 0 : i32
    %c0_i32_2 = arith.constant 0 : i32
    return %add3A_1, %c0_i32 : i32, i32
  }
  func.func @transform_5(%arg0: i32, %arg1: i32) -> (i32, i32, i32) {
    %c0_i32 = arith.constant 0 : i32
    %c0_i32_0 = arith.constant 0 : i32
    %c0_i32_1 = arith.constant 0 : i32
    return %arg0, %c0_i32, %c0_i32_0 : i32, i32, i32
  }
}

</mosaic_0001>

<sc_bundles>
// kernel: kernel.4.cloned.1.call-start
scs
__scs_entry_jumppad:
0x0: {  	(pc) =	sbr.rel $0x88, $3  }
0x1: {  	(tag) =	ssettag $0x0;
	lr =	simm.s32 $0x1  }
0x2: {  	[smem:$0x3F9F] =	sst lr;
	_ =	strace $0xD0000000  }
0x3: {  	_ = 	snop  }
0x4: {  	_ = 	snop  }
0x5: {  	_ = 	snop  }
0x6: {  	_ = 	snop  }
0x7: {  	_ = 	snop  }
__scs_overlays_trampoline_lowered:
0x8: {  	[smem:$0x3FAE] =	sst s0  }
0x9: {  	[smem:$0x3FAF] =	sst s1  }
0xa: {  	[smem:$0x3FB0] =	sst s2  }
0xb: {  	[smem:$0x3FB1] =	sst s3  }
0xc: {  	[smem:$0x3FB2] =	sst s4  }
0xd: {  	[smem:$0x3FB3] =	sst s5  }
0xe: {  	[smem:$0x3FB4] =	sst s6  }
0xf: {  	[smem:$0x3FB5] =	sst s7  }
0x10: {  	[smem:$0x3FB6] =	sst s8  }
0x11: {  	[smem:$0x3FB7] =	sst s9;
	s0 =	simm.s32 @!p0 $0x0  }
0x12: {  	s1 =	sld [smem:$0x3F9D];
	s0 =	simm.s32 @p0 $0x1  }
0x13: {  	[smem:$0x3FB8] =	sst s0;
	s0 =	simm.s32 @!p1 $0x0  }
0x14: {  	s2 =	sld [smem:$0x3F9C];
	s0 =	simm.s32 @p1 $0x1  }
0x15: {  	[smem:$0x3FB9] =	sst s0;
	s0 =	simm.s32 @!p2 $0x0  }
0x16: {  	s3 =	sld [smem:$0x3FDB];
	s0 =	simm.s32 @p2 $0x1  }
0x17: {  	s4 =	simm.s32 $0x1BF5;
	[smem:$0x3FBB] =	sst s0  }
0x18: {  	s0 =	sld [smem:$0x3F9E];
	_ =	swait.ge [sflag:s4], $0x0  }
0x19: {  	s7 =	sld [smem:$0x3F9F]  }
0x1a: {  	s8 =	sadd.s32 $0xFFFFE003, lr  }
0x1b: {  	s9 =	sadd.s32 $0xFFFFFEF7, lr;
	s5 =	simm.s32 $0xFFFFFFFF;
	p2 =	slt.u32 s8, $0xFFFFF086  }
0x1c: {  	p1 =	slt.u32 s9, $0xF7A;
	s5 =	simm.s32 @!p2 $0x0  }
0x1d: {  	s5 =	simm.s32 @p1 $0x1;
	p0 =	seq.s32 s7, s2  }
0x1e: {  	s7 =	smul.u32 @!p0 $0xF7A, s2;
	p2 =	seq.s32 @!p0 s5, $0x0  }
0x1f: {  	s9 =	smul.u32 $0xF7A, s1;
	s8 =	simm.s32 @!p0 $0x1BF5;
	p2 =	por !p2, p0  }
0x20: {  	[sflag:s8] =	ssyncset.s32 @!p0 $0xFFFFF086;
	s6 =	sadd.s32 @!p0 s3, s7;
	s7 =	simm.s32 @!p0 $0x108  }
0x21: {  	s3 =	sadd.s32 s3, s9;
	s6 =	sadd.s32 @!p0 $0x88, s6;
	s7 =	simm.s32 @p2 $0x1082  }
0x22: {  	[simem:s7], [sflag:s8] =	dma.local @!p0 [hbm:s6], $0xF7A  }
0x23: {  	s9 =	sor.u32 $0xD0000000, s2;
	s6 =	simm.s32 $0x108;
	_ =	swait.ge @!p0 [sflag:s8], $0x0  }
0x24: {  	s3 =	sadd.s32 $0x88, s3;
	s6 =	simm.s32 @!p1 $0x1082;
	[sflag:s4] =	ssyncset.s32 $0xFFFFF086  }
0x25: {  	[simem:s6], [sflag:s4] =	dma.local [hbm:s3], $0xF7A  }
0x26: {  	[smem:$0x3F9F] =	sst s1;
	(tag) =	ssettag s2;
	_ =	strace s9  }
0x27: {  	s1 =	sld [smem:$0x3FAF]  }
0x28: {  	s2 =	sld [smem:$0x3FB0]  }
0x29: {  	s4 =	sld [smem:$0x3FB2]  }
0x2a: {  	p0 =	seq.s32 s5, $0x0;
	s5 =	sld [smem:$0x3FB3]  }
0x2b: {  	s6 =	sld [smem:$0x3FB4]  }
0x2c: {  	s7 =	sld [smem:$0x3FB5]  }
0x2d: {  	s3 =	simm.s32 $0x108;
	s8 =	sld [smem:$0x3FB6]  }
0x2e: {  	s3 =	simm.s32 @!p0 $0x1082;
	s9 =	sld [smem:$0x3FB7]  }
0x2f: {  	lr =	sadd.s32 s0, s3;
	s0 =	sld [smem:$0x3FAE]  }
0x30: {  	s3 =	sld [smem:$0x3FB1]  }
0x31: {  	[smem:$0x3FBA] =	sst s10  }
0x32: {  	s10 =	sld [smem:$0x3FB8];
	_ =	sdelay $0x3  }
0x33: {  	p0 =	seq.s32 s10, $0x1;
	s10 =	sld [smem:$0x3FBA];
	_ =	sdelay $0x3  }
0x34: {  	[smem:$0x3FBA] =	sst s10  }
0x35: {  	s10 =	sld [smem:$0x3FB9];
	_ =	sdelay $0x3  }
0x36: {  	p1 =	seq.s32 s10, $0x1;
	s10 =	sld [smem:$0x3FBA];
	_ =	sdelay $0x3  }
0x37: {  	[smem:$0x3FBA] =	sst s10  }
0x38: {  	s10 =	sld [smem:$0x3FBB]  }
0x39: {  	_ = 	snop;
	(pc) =	sbr.ind lr, $3  }
0x3a: {  	_ = 	snop  }
0x3b: {  	_ = 	snop  }
0x3c: {  	p2 =	seq.s32 s10, $0x1;
	s10 =	sld [smem:$0x3FBA]  }
0x3d: {  	_ =	shalt  }
0x3e: {  	_ =	shalt  }
0x3f: {  	_ =	shalt  }
0x40: {  	_ =	shalt  }
0x41: {  	_ =	shalt  }
0x42: {  	_ =	shalt  }
0x43: {  	_ =	shalt  }
0x44: {  	_ =	shalt  }
0x45: {  	_ =	shalt  }
0x46: {  	_ =	shalt  }
0x47: {  	_ =	shalt  }
0x48: {  	_ =	shalt  }
0x49: {  	_ =	shalt  }
0x4a: {  	_ =	shalt  }
0x4b: {  	_ =	shalt  }
0x4c: {  	_ =	shalt  }
0x4d: {  	_ =	shalt  }
0x4e: {  	_ =	shalt  }
0x4f: {  	_ =	shalt  }
0x50: {  	_ =	shalt  }
0x51: {  	_ =	shalt  }
0x52: {  	_ =	shalt  }
0x53: {  	_ =	shalt  }
0x54: {  	_ =	shalt  }
0x55: {  	_ =	shalt  }
0x56: {  	_ =	shalt  }
0x57: {  	_ =	shalt  }
0x58: {  	_ =	shalt  }
0x59: {  	_ =	shalt  }
0x5a: {  	_ =	shalt  }
0x5b: {  	_ =	shalt  }
0x5c: {  	_ =	shalt  }
0x5d: {  	_ =	shalt  }
0x5e: {  	_ =	shalt  }
0x5f: {  	_ =	shalt  }
0x60: {  	_ =	shalt  }
0x61: {  	_ =	shalt  }
0x62: {  	_ =	shalt  }
0x63: {  	_ =	shalt  }
0x64: {  	_ =	shalt  }
0x65: {  	_ =	shalt  }
0x66: {  	_ =	shalt  }
0x67: {  	_ =	shalt  }
0x68: {  	_ =	shalt  }
0x69: {  	_ =	shalt  }
0x6a: {  	_ =	shalt  }
0x6b: {  	_ =	shalt  }
0x6c: {  	_ =	shalt  }
0x6d: {  	_ =	shalt  }
0x6e: {  	_ =	shalt  }
0x6f: {  	_ =	shalt  }
0x70: {  	_ =	shalt  }
0x71: {  	_ =	shalt  }
0x72: {  	_ =	shalt  }
0x73: {  	_ =	shalt  }
0x74: {  	_ =	shalt  }
0x75: {  	_ =	shalt  }
0x76: {  	_ =	shalt  }
0x77: {  	_ =	shalt  }
0x78: {  	_ =	shalt  }
0x79: {  	_ =	shalt  }
0x7a: {  	_ =	shalt  }
0x7b: {  	_ =	shalt  }
0x7c: {  	_ =	shalt  }
0x7d: {  	_ =	shalt  }
0x7e: {  	_ =	shalt  }
0x7f: {  	_ =	shalt  }
0x80: {  	_ =	shalt  }
0x81: {  	_ =	shalt  }
0x82: {  	_ =	shalt  }
0x83: {  	_ =	shalt  }
0x84: {  	_ =	shalt  }
0x85: {  	_ =	shalt  }
0x86: {  	_ =	shalt  }
0x87: {  	_ =	shalt  }
.Lfunc_end0:
.L_simem_size_0:
called_computation_lowered:
.L_overlay_start_0:
0x88: {  	s2 =	sld [smem:$0x3FD9]  }
0x89: {  	s3 =	sld [smem:$0x3FFE];
	_ =	sdelay $0x1  }
0x8a: {  	s1 =	srdreg.scid  }
0x8b: {  	s0 =	sand.u32 $0x1, s1  }
0x8c: {  	s15 =	sshll.u32 s0, $0xA;
	s2 =	sadd.s32 s3, s2  }
0x8d: {  	s2 =	sadd.s32 s2, s15  }
0x8e: {  	[smem:$0x3FC6] =	sst s2  }
0x8f: {  	_ = 	snop  }
0x90: {  	s2 =	sld [smem:$0x3FD0];
	_ =	sdelay $0x2  }
0x91: {  	s4 =	simm.s32 $0xA;
	s5 =	simm.s32 $0x10;
	s16 =	sld [smem:$0x3FC8]  }
0x92: {  	[smem:s5], [sflag:s4] =	dma.local [hbm:s2], $0x1  }
0x93: {  	_ =	swait.eq [sflag:s4], $0x1  }
0x94: {  	[sflag:s4] =	ssyncset.done $0x0  }
0x95: {  	s17 =	sld [smem:$0x10];
	[sflag:s4] =	ssyncadd.s32 $0xFFFFFFFF  }
0x96: {  	s18 =	sld [smem:$0x12];
	(tm) =	ssettm $0x1  }
0x97: {  	s19 =	sld [smem:$0x3FFB];
	_ =	sdelay $0x3  }
0x98: {  	_ =	strace s19  }
0x99: {  	s5 =	sld [smem:$0x3FFC];
	_ =	sdelay $0x3  }
0x9a: {  	_ =	strace s5  }
0x9b: {  	s5 =	sld [smem:$0x3FFD];
	_ =	sdelay $0x3  }
0x9c: {  	_ =	strace s5  }
0x9d: {  	_ =	strace $0x8FFFFFFF  }
0x9e: {  	s20 =	sld [smem:$0x3FDB];
	_ =	sdelay $0x1  }
0x9f: {  	s6 =	simm.s32 $_scs_section_size  }
0xa0: {  	s7 =	simm.s32 $_size__tile_overlayer_lowered;
	s8 =	simm.s32 $_tile_overlayer_lowered  }
0xa1: {  	s23 =	simm.s32 $0x1BFF;
	s22 =	sshll.u32 s8, $0x1;
	s5 =	sadd.s32 s6, s20  }
0xa2: {  	s9 =	simm.s32 $0x0;
	s21 =	sshll.u32 s7, $0x1;
	s7 =	sadd.s32 s22, s5  }
0xa3: {  	[timem:s9], [sflag:s23] =	dma.local [hbm:s7], s21  }
0xa4: {  	_ =	swait.ge [sflag:s23], s21  }
0xa5: {  	s6 =	ssub.s32 $0x0, s21;
	[sflag:s23] =	ssyncset.done $0x0  }
0xa6: {  	[sflag:s23] =	ssyncadd.s32 s6;
	_ =	sdelay $0x1  }
0xa7: {  	s24 =	simm.s32 $0x1B8B  }
0xa8: {  	_ =	swait.ge [sflag:s24], $0x1  }
0xa9: {  	[sflag:s24] =	ssyncset.done $0x0  }
0xaa: {  	s25 =	simm.s32 $0x1B8E;
	[sflag:s24] =	ssyncadd.s32 $0xFFFFFFFF  }
0xab: {  	s26 =	simm.s32 $execute0_lowered;
	[smem:$0x3FD2] =	sst s25  }
0xac: {  	s6 =	sshll.u32 s26, $0x1;
	_ =	strace $0x80000046;
	[dreg:$0x1] =	wrdreg $0xFFFFFFFF  }
0xad: {  	s28 =	simm.s32 $_size_execute0_lowered;
	s5 =	sadd.s32 s5, s6;
	[dreg:$0x0] =	wrdreg $0x0  }
0xae: {  	s6 =	sshll.u32 s28, $0x1;
	[dreg:$0x2] =	wrdreg s5  }
0xaf: {  	[dreg:$0x3] =	wrdreg s6  }
0xb0: {  	[dreg:$0x4] =	wrdreg $0xC0  }
0xb1: {  	_ =	task [dreg:s9], $0x5FFFF  }
0xb2: {  	[dreg:$0x1] =	wrdreg $0xFFFFFFFF  }
0xb3: {  	[dreg:$0x0] =	wrdreg $0x60  }
0xb4: {  	[dreg:$0x2] =	wrdreg s16  }
0xb5: {  	[dreg:$0x3] =	wrdreg s17  }
0xb6: {  	[dreg:$0x4] =	wrdreg s18  }
0xb7: {  	[dreg:$0x5] =	wrdreg $0x9  }
0xb8: {  	_ =	task.clear_ibuf [dreg:s9], $0x6FFFF;
	_ =	strace $0x90000046  }
0xb9: {  	s29 =	simm.s32 $0x9;
	_ =	strace $0x80000048  }
0xba: {  	_ =	swait.ge [sflag:s29], $0x1  }
0xbb: {  	[sflag:s29] =	ssyncadd.s32 $0xFFFFFFFF  }
0xbc: {  	_ =	strace $0x90000048  }
0xbd: {  	_ =	sfence  }
0xbe: {  	s30 =	sld [smem:$0x0];
	_ =	sdelay $0x2  }
0xbf: {  	s31 =	sshll.u32 s1, $0xD;
	s1 =	sshrl.u32 s1, $0x2  }
0xc0: {  	s3 =	sand.u32 $0x4000, s31;
	s1 =	sadd.s32 s1, s30  }
0xc1: {  	s0 =	sor.u32 s3, s0;
	s1 =	sshll.u32 s1, $0x11  }
0xc2: {  	s0 =	sor.u32 s1, s0  }
0xc3: {  	s0 =	sadd.s32 $0x8F2B, s0  }
0xc4: {  	[sflag:s0] =	ssyncadd.remote.s32 $0x1  }
0xc5: {  	_ =	sfence.sel $0xFFFF  }
0xc6: {  	[dreg:$0x0] =	wrdreg $0xFFFFFFFF;
	(pc) =	sbr.abs _section_cstart, $3  }
0xc7: {  	[dreg:$0x1] =	wrdreg $0xFFFFFFFF  }
0xc8: {  	_ =	task.clear_ibuf [dreg:s9], $0x2FFFF;
	_ =	strace $0x9FFFFFFF  }
0xc9: {  	(tm) =	ssettm $0x7FFFFFFF  }
tec
execute0_lowered:
.L_overlay_start_1:
0x0: {  	(tag) =	ssettag $0x1  }
0x1: {  	s1 =	rddreg [dreg:$0x0]  }
0x2: {  	s2 =	srdreg.scid;
	s4 =	rddreg [dreg:$0x1]  }
0x3: {  	s0 =	stileid.u32;
	s5 =	rddreg [dreg:$0x2]  }
0x4: {  	s3 =	simm.s32 $0x0;
	s19 =	simm.s32 $0x900;
	s20 =	simm.s32 $0x1100  }
0x5: {  	s21 =	simm.s32 $0x1900;
	s23 =	simm.s32 $0x2100;
	s24 =	simm.s32 $0x2900  }
0x6: {  	s25 =	simm.s32 $0x3100;
	s26 =	simm.s32 $0x3900;
	s8 =	simm.s32 $0x4900  }
0x7: {  	s9 =	simm.s32 $0x5100;
	s10 =	simm.s32 $0x5900;
	s11 =	simm.s32 $0x6100  }
0x8: {  	s12 =	simm.s32 $0x6900;
	s13 =	simm.s32 $0x7100;
	[smem:$0x7FF] =	sst s3  }
0x9: {  	s14 =	simm.s32 $0x7900;
	_ =	strace $0x80000047;
	[dreg:$0x6] =	wrdreg s19  }
0xa: {  	s15 =	simm.s32 $0x8100;
	s16 =	simm.s32 $0x8900;
	[dreg:$0x7] =	wrdreg s20  }
0xb: {  	s17 =	simm.s32 $0x9100;
	s28 =	simm.s32 $0xE100;
	[dreg:$0x8] =	wrdreg s21  }
0xc: {  	s29 =	simm.s32 $0xE900;
	s30 =	simm.s32 $0xF100;
	[dreg:$0x9] =	wrdreg s23  }
0xd: {  	s31 =	simm.s32 $0xF900;
	s2 =	sand.u32 $0x1, s2;
	[dreg:$0xa] =	wrdreg s24  }
0xe: {  	s6 =	sshll.u32 s0, $0x9;
	s7 =	sshll.u32 s2, $0x8;
	[dreg:$0xb] =	wrdreg s25  }
0xf: {  	s2 =	ssub.s32 $0x2, s2;
	[dreg:$0xc] =	wrdreg s26;
	s19 =	simm.s32 $0xA100  }
0x10: {  	s20 =	simm.s32 $0xA900;
	s21 =	simm.s32 $0xB100;
	s23 =	simm.s32 $0xC100  }
0x11: {  	s24 =	simm.s32 $0xC900;
	s25 =	simm.s32 $0xD100;
	s6 =	sor.u32 s7, s6  }
0x12: {  	s26 =	simm.s32 $0xD900;
	s22 =	sshrl.u32 s2, $0x1;
	s7 =	sshrl.u32 s6, $0x3  }
0x13: {  	s6 =	sshll.u32 s6, $0x5;
	s2 =	ssub.s32 s2, s22;
	s4 =	sadd.s32 s4, s7  }
0x14: {  	v2 =	vlaneseq.u32;
	s22 =	simm.s32 $0xB900;
	s18 =	sadd.s32 s5, s6;
	[dreg:$0x4] =	wrdreg s4  }
0x15: {  	vm0 =	vmmov $0xffff;
	v1 =	vshrl.u32 v2, $0x3;
	s5 =	simm.s32 $0x2;
	s6 =	simm.s32 $0x100;
	[dreg:$0x5] =	wrdreg s18  }
0x16: {  	v0 =	vand.u32 $0x7, v2;
	v2 =	vor.u32 $0x8, v2;
	v1 =	vmul.u32 $0x8, v1;
	s4 =	smax.u32 s2, $0x1;
	s18 =	simm.s32 $0x9900;
	s2 =	simm.s32 $0x1  }
.LBB2_1:
0x17: {  	s0 =	rddreg [dreg:$0x4]  }
0x18: {  	[tilespmem:s3], [sflag:$0x2] =	stream.linear.gather [hbm4b:s0+s3], $0x100, $0x38;
	[tilespmem:$0x10100] =	vst v63  }
0x19: {  	_ =	swait.ge [sflag:s5], $0x100  }
0x1a: {  	[sflag:s5] =	ssyncset.done $0x0  }
0x1b: {  	[sflag:s5] =	ssyncadd.s32 $0xFFFFFF00  }
0x1c: {  	v3 =	vld [tilespmem:$0x0];
	_ =	sdelay $0x4  }
0x1d: {  	v4 =	vshll.u32 v3, $0x1  }
0x1e: {  	v3 =	vand.u32 $0x7, v3;
	v4 =	vand.u32 $0xFFFFFFF0, v4  }
0x1f: {  	v3 =	vor.u32 v3, v4  }
0x20: {  	v4 =	vperm.xlane v3, v0;
	_ =	sdelay $0x1  }
0x21: {  	v3 =	vperm.xlane v3, v2;
	v4 =	vadd.s32 v1, v4;
	_ =	sdelay $0x1  }
0x22: {  	v3 =	vadd.s32 v1, v3;
	_ =	sdelay $0x2  }
0x23: {  	[tilespmem:s6], [sflag:$0x1] =	stream.indirect_vreg.gather [hbm4b:s1+s3], $0x80, v4, vm0, $0xb8;
	[tilespmem:$0x10100] =	vst v63  }
0x24: {  	s7 =	rddreg [dreg:$0x6]  }
0x25: {  	[tilespmem:s7], [sflag:$0x1] =	stream.indirect_vreg.gather [hbm4b:s1+s3], $0x80, v3, vm0, $0xb8;
	[tilespmem:$0x10100] =	vst v63  }
0x26: {  	v3 =	vld [tilespmem:$0x10];
	_ =	sdelay $0x4  }
0x27: {  	v49 =	vshll.u32 v3, $0x1  }
0x28: {  	v3 =	vand.u32 $0x7, v3;
	v4 =	vand.u32 $0xFFFFFFF0, v49  }
0x29: {  	v3 =	vor.u32 v3, v4  }
0x2a: {  	v4 =	vperm.xlane v3, v0;
	_ =	sdelay $0x1  }
0x2b: {  	v3 =	vperm.xlane v3, v2;
	v4 =	vadd.s32 v1, v4;
	_ =	sdelay $0x1  }
0x2c: {  	v3 =	vadd.s32 v1, v3;
	_ =	sdelay $0x1  }
0x2d: {  	s0 =	rddreg [dreg:$0x7]  }
0x2e: {  	[tilespmem:s0], [sflag:$0x1] =	stream.indirect_vreg.gather [hbm4b:s1+s3], $0x80, v4, vm0, $0xb8;
	[tilespmem:$0x10100] =	vst v63  }
0x2f: {  	s7 =	rddreg [dreg:$0x8]  }
0x30: {  	[tilespmem:s7], [sflag:$0x1] =	stream.indirect_vreg.gather [hbm4b:s1+s3], $0x80, v3, vm0, $0xb8;
	[tilespmem:$0x10100] =	vst v63  }
0x31: {  	v3 =	vld [tilespmem:$0x20];
	_ =	sdelay $0x4  }
0x32: {  	v50 =	vshll.u32 v3, $0x1  }
0x33: {  	v3 =	vand.u32 $0x7, v3;
	v4 =	vand.u32 $0xFFFFFFF0, v50  }
0x34: {  	v3 =	vor.u32 v3, v4  }
0x35: {  	v4 =	vperm.xlane v3, v0;
	_ =	sdelay $0x1  }
0x36: {  	v3 =	vperm.xlane v3, v2;
	v4 =	vadd.s32 v1, v4;
	_ =	sdelay $0x1  }
0x37: {  	v3 =	vadd.s32 v1, v3;
	_ =	sdelay $0x1  }
0x38: {  	s0 =	rddreg [dreg:$0x9]  }
0x39: {  	[tilespmem:s0], [sflag:$0x1] =	stream.indirect_vreg.gather [hbm4b:s1+s3], $0x80, v4, vm0, $0xb8;
	[tilespmem:$0x10100] =	vst v63  }
0x3a: {  	s7 =	rddreg [dreg:$0xa]  }
0x3b: {  	[tilespmem:s7], [sflag:$0x1] =	stream.indirect_vreg.gather [hbm4b:s1+s3], $0x80, v3, vm0, $0xb8;
	[tilespmem:$0x10100] =	vst v63  }
0x3c: {  	v3 =	vld [tilespmem:$0x30];
	_ =	sdelay $0x4  }
0x3d: {  	v51 =	vshll.u32 v3, $0x1  }
0x3e: {  	v3 =	vand.u32 $0x7, v3;
	v4 =	vand.u32 $0xFFFFFFF0, v51  }
0x3f: {  	v3 =	vor.u32 v3, v4  }
0x40: {  	v4 =	vperm.xlane v3, v0;
	_ =	sdelay $0x1  }
0x41: {  	v3 =	vperm.xlane v3, v2;
	v4 =	vadd.s32 v1, v4;
	_ =	sdelay $0x1  }
0x42: {  	v3 =	vadd.s32 v1, v3;
	_ =	sdelay $0x1  }
0x43: {  	s0 =	rddreg [dreg:$0xb]  }
0x44: {  	[tilespmem:s0], [sflag:$0x1] =	stream.indirect_vreg.gather [hbm4b:s1+s3], $0x80, v4, vm0, $0xb8;
	[tilespmem:$0x10100] =	vst v63  }
0x45: {  	s7 =	rddreg [dreg:$0xc]  }
0x46: {  	[tilespmem:s7], [sflag:$0x1] =	stream.indirect_vreg.gather [hbm4b:s1+s3], $0x80, v3, vm0, $0xb8;
	[tilespmem:$0x10100] =	vst v63  }
0x47: {  	v3 =	vld [tilespmem:$0x40];
	_ =	sdelay $0x4  }
0x48: {  	v52 =	vshll.u32 v3, $0x1  }
0x49: {  	v3 =	vand.u32 $0x7, v3;
	v4 =	vand.u32 $0xFFFFFFF0, v52  }
0x4a: {  	v3 =	vor.u32 v3, v4  }
0x4b: {  	v4 =	vperm.xlane v3, v0;
	_ =	sdelay $0x1  }
0x4c: {  	v3 =	vperm.xlane v3, v2;
	v4 =	vadd.s32 v1, v4;
	_ =	sdelay $0x1  }
0x4d: {  	v3 =	vadd.s32 v1, v3;
	_ =	sdelay $0x1  }
0x4e: {  	s7 =	simm.s32 $0x4100  }
0x4f: {  	[tilespmem:s7], [sflag:$0x1] =	stream.indirect_vreg.gather [hbm4b:s1+s3], $0x80, v4, vm0, $0xb8;
	[tilespmem:$0x10100] =	vst v63  }
0x50: {  	_ = 	snop  }
0x51: {  	[tilespmem:s8], [sflag:$0x1] =	stream.indirect_vreg.gather [hbm4b:s1+s3], $0x80, v3, vm0, $0xb8;
	[tilespmem:$0x10100] =	vst v63  }
0x52: {  	v3 =	vld [tilespmem:$0x50];
	_ =	sdelay $0x4  }
0x53: {  	v53 =	vshll.u32 v3, $0x1  }
0x54: {  	v3 =	vand.u32 $0x7, v3;
	v4 =	vand.u32 $0xFFFFFFF0, v53  }
0x55: {  	v3 =	vor.u32 v3, v4  }
0x56: {  	v4 =	vperm.xlane v3, v0;
	_ =	sdelay $0x1  }
0x57: {  	v3 =	vperm.xlane v3, v2;
	v4 =	vadd.s32 v1, v4;
	_ =	sdelay $0x1  }
0x58: {  	v3 =	vadd.s32 v1, v3;
	_ =	sdelay $0x2  }
0x59: {  	[tilespmem:s9], [sflag:$0x1] =	stream.indirect_vreg.gather [hbm4b:s1+s3], $0x80, v4, vm0, $0xb8;
	[tilespmem:$0x10100] =	vst v63  }
0x5a: {  	_ = 	snop  }
0x5b: {  	[tilespmem:s10], [sflag:$0x1] =	stream.indirect_vreg.gather [hbm4b:s1+s3], $0x80, v3, vm0, $0xb8;
	[tilespmem:$0x10100] =	vst v63  }
0x5c: {  	v3 =	vld [tilespmem:$0x60];
	_ =	sdelay $0x4  }
0x5d: {  	v54 =	vshll.u32 v3, $0x1  }
0x5e: {  	v3 =	vand.u32 $0x7, v3;
	v4 =	vand.u32 $0xFFFFFFF0, v54  }
0x5f: {  	v3 =	vor.u32 v3, v4  }
0x60: {  	v4 =	vperm.xlane v3, v0;
	_ =	sdelay $0x1  }
0x61: {  	v3 =	vperm.xlane v3, v2;
	v4 =	vadd.s32 v1, v4;
	_ =	sdelay $0x1  }
0x62: {  	v3 =	vadd.s32 v1, v3;
	_ =	sdelay $0x2  }
0x63: {  	[tilespmem:s11], [sflag:$0x1] =	stream.indirect_vreg.gather [hbm4b:s1+s3], $0x80, v4, vm0, $0xb8;
	[tilespmem:$0x10100] =	vst v63  }
0x64: {  	_ = 	snop  }
0x65: {  	[tilespmem:s12], [sflag:$0x1] =	stream.indirect_vreg.gather [hbm4b:s1+s3], $0x80, v3, vm0, $0xb8;
	[tilespmem:$0x10100] =	vst v63  }
0x66: {  	v3 =	vld [tilespmem:$0x70];
	_ =	sdelay $0x4  }
0x67: {  	v55 =	vshll.u32 v3, $0x1  }
0x68: {  	v3 =	vand.u32 $0x7, v3;
	v4 =	vand.u32 $0xFFFFFFF0, v55  }
0x69: {  	v3 =	vor.u32 v3, v4  }
0x6a: {  	v4 =	vperm.xlane v3, v0;
	_ =	sdelay $0x1  }
0x6b: {  	v3 =	vperm.xlane v3, v2;
	v4 =	vadd.s32 v1, v4;
	_ =	sdelay $0x1  }
0x6c: {  	v3 =	vadd.s32 v1, v3;
	_ =	sdelay $0x2  }
0x6d: {  	[tilespmem:s13], [sflag:$0x1] =	stream.indirect_vreg.gather [hbm4b:s1+s3], $0x80, v4, vm0, $0xb8;
	[tilespmem:$0x10100] =	vst v63  }
0x6e: {  	_ = 	snop  }
0x6f: {  	[tilespmem:s14], [sflag:$0x1] =	stream.indirect_vreg.gather [hbm4b:s1+s3], $0x80, v3, vm0, $0xb8;
	[tilespmem:$0x10100] =	vst v63  }
0x70: {  	v3 =	vld [tilespmem:$0x80];
	_ =	sdelay $0x4  }
0x71: {  	v56 =	vshll.u32 v3, $0x1  }
0x72: {  	v3 =	vand.u32 $0x7, v3;
	v4 =	vand.u32 $0xFFFFFFF0, v56  }
0x73: {  	v3 =	vor.u32 v3, v4  }
0x74: {  	v4 =	vperm.xlane v3, v0;
	_ =	sdelay $0x1  }
0x75: {  	v3 =	vperm.xlane v3, v2;
	v4 =	vadd.s32 v1, v4;
	_ =	sdelay $0x1  }
0x76: {  	v3 =	vadd.s32 v1, v3;
	_ =	sdelay $0x2  }
0x77: {  	[tilespmem:s15], [sflag:$0x1] =	stream.indirect_vreg.gather [hbm4b:s1+s3], $0x80, v4, vm0, $0xb8;
	[tilespmem:$0x10100] =	vst v63  }
0x78: {  	_ = 	snop  }
0x79: {  	[tilespmem:s16], [sflag:$0x1] =	stream.indirect_vreg.gather [hbm4b:s1+s3], $0x80, v3, vm0, $0xb8;
	[tilespmem:$0x10100] =	vst v63  }
0x7a: {  	v3 =	vld [tilespmem:$0x90];
	_ =	sdelay $0x4  }
0x7b: {  	v57 =	vshll.u32 v3, $0x1  }
0x7c: {  	v3 =	vand.u32 $0x7, v3;
	v4 =	vand.u32 $0xFFFFFFF0, v57  }
0x7d: {  	v3 =	vor.u32 v3, v4  }
0x7e: {  	v4 =	vperm.xlane v3, v0;
	_ =	sdelay $0x1  }
0x7f: {  	v3 =	vperm.xlane v3, v2;
	v4 =	vadd.s32 v1, v4;
	_ =	sdelay $0x1  }
0x80: {  	v3 =	vadd.s32 v1, v3;
	_ =	sdelay $0x2  }
0x81: {  	[tilespmem:s17], [sflag:$0x1] =	stream.indirect_vreg.gather [hbm4b:s1+s3], $0x80, v4, vm0, $0xb8;
	[tilespmem:$0x10100] =	vst v63  }
0x82: {  	_ = 	snop  }
0x83: {  	[tilespmem:s18], [sflag:$0x1] =	stream.indirect_vreg.gather [hbm4b:s1+s3], $0x80, v3, vm0, $0xb8;
	[tilespmem:$0x10100] =	vst v63  }
0x84: {  	v3 =	vld [tilespmem:$0xA0];
	_ =	sdelay $0x4  }
0x85: {  	v58 =	vshll.u32 v3, $0x1  }
0x86: {  	v3 =	vand.u32 $0x7, v3;
	v4 =	vand.u32 $0xFFFFFFF0, v58  }
0x87: {  	v3 =	vor.u32 v3, v4  }
0x88: {  	v4 =	vperm.xlane v3, v0;
	_ =	sdelay $0x1  }
0x89: {  	v3 =	vperm.xlane v3, v2;
	v4 =	vadd.s32 v1, v4;
	_ =	sdelay $0x1  }
0x8a: {  	v3 =	vadd.s32 v1, v3;
	_ =	sdelay $0x2  }
0x8b: {  	[tilespmem:s19], [sflag:$0x1] =	stream.indirect_vreg.gather [hbm4b:s1+s3], $0x80, v4, vm0, $0xb8;
	[tilespmem:$0x10100] =	vst v63  }
0x8c: {  	_ = 	snop  }
0x8d: {  	[tilespmem:s20], [sflag:$0x1] =	stream.indirect_vreg.gather [hbm4b:s1+s3], $0x80, v3, vm0, $0xb8;
	[tilespmem:$0x10100] =	vst v63  }
0x8e: {  	v3 =	vld [tilespmem:$0xB0];
	_ =	sdelay $0x4  }
0x8f: {  	v59 =	vshll.u32 v3, $0x1  }
0x90: {  	v3 =	vand.u32 $0x7, v3;
	v4 =	vand.u32 $0xFFFFFFF0, v59  }
0x91: {  	v3 =	vor.u32 v3, v4  }
0x92: {  	v4 =	vperm.xlane v3, v0;
	_ =	sdelay $0x1  }
0x93: {  	v3 =	vperm.xlane v3, v2;
	v4 =	vadd.s32 v1, v4;
	_ =	sdelay $0x1  }
0x94: {  	v3 =	vadd.s32 v1, v3;
	_ =	sdelay $0x2  }
0x95: {  	[tilespmem:s21], [sflag:$0x1] =	stream.indirect_vreg.gather [hbm4b:s1+s3], $0x80, v4, vm0, $0xb8;
	[tilespmem:$0x10100] =	vst v63  }
0x96: {  	_ = 	snop  }
0x97: {  	[tilespmem:s22], [sflag:$0x1] =	stream.indirect_vreg.gather [hbm4b:s1+s3], $0x80, v3, vm0, $0xb8;
	[tilespmem:$0x10100] =	vst v63  }
0x98: {  	v3 =	vld [tilespmem:$0xC0];
	_ =	sdelay $0x4  }
0x99: {  	v60 =	vshll.u32 v3, $0x1  }
0x9a: {  	v3 =	vand.u32 $0x7, v3;
	v4 =	vand.u32 $0xFFFFFFF0, v60  }
0x9b: {  	v3 =	vor.u32 v3, v4  }
0x9c: {  	v4 =	vperm.xlane v3, v0;
	_ =	sdelay $0x1  }
0x9d: {  	v3 =	vperm.xlane v3, v2;
	v4 =	vadd.s32 v1, v4;
	_ =	sdelay $0x1  }
0x9e: {  	v3 =	vadd.s32 v1, v3;
	_ =	sdelay $0x2  }
0x9f: {  	[tilespmem:s23], [sflag:$0x1] =	stream.indirect_vreg.gather [hbm4b:s1+s3], $0x80, v4, vm0, $0xb8;
	[tilespmem:$0x10100] =	vst v63  }
0xa0: {  	_ = 	snop  }
0xa1: {  	[tilespmem:s24], [sflag:$0x1] =	stream.indirect_vreg.gather [hbm4b:s1+s3], $0x80, v3, vm0, $0xb8;
	[tilespmem:$0x10100] =	vst v63  }
0xa2: {  	v3 =	vld [tilespmem:$0xD0];
	_ =	sdelay $0x4  }
0xa3: {  	v61 =	vshll.u32 v3, $0x1  }
0xa4: {  	v3 =	vand.u32 $0x7, v3;
	v4 =	vand.u32 $0xFFFFFFF0, v61  }
0xa5: {  	v3 =	vor.u32 v3, v4  }
0xa6: {  	v4 =	vperm.xlane v3, v0;
	_ =	sdelay $0x1  }
0xa7: {  	v3 =	vperm.xlane v3, v2;
	v4 =	vadd.s32 v1, v4;
	_ =	sdelay $0x1  }
0xa8: {  	v3 =	vadd.s32 v1, v3;
	_ =	sdelay $0x2  }
0xa9: {  	[tilespmem:s25], [sflag:$0x1] =	stream.indirect_vreg.gather [hbm4b:s1+s3], $0x80, v4, vm0, $0xb8;
	[tilespmem:$0x10100] =	vst v63  }
0xaa: {  	_ = 	snop  }
0xab: {  	[tilespmem:s26], [sflag:$0x1] =	stream.indirect_vreg.gather [hbm4b:s1+s3], $0x80, v3, vm0, $0xb8;
	[tilespmem:$0x10100] =	vst v63  }
0xac: {  	v3 =	vld [tilespmem:$0xE0];
	_ =	sdelay $0x4  }
0xad: {  	v62 =	vshll.u32 v3, $0x1  }
0xae: {  	v3 =	vand.u32 $0x7, v3;
	v4 =	vand.u32 $0xFFFFFFF0, v62  }
0xaf: {  	v3 =	vor.u32 v3, v4  }
0xb0: {  	v4 =	vperm.xlane v3, v0;
	_ =	sdelay $0x1  }
0xb1: {  	v3 =	vperm.xlane v3, v2;
	v4 =	vadd.s32 v1, v4;
	_ =	sdelay $0x1  }
0xb2: {  	v3 =	vadd.s32 v1, v3;
	_ =	sdelay $0x2  }
0xb3: {  	[tilespmem:s28], [sflag:$0x1] =	stream.indirect_vreg.gather [hbm4b:s1+s3], $0x80, v4, vm0, $0xb8;
	[tilespmem:$0x10100] =	vst v63  }
0xb4: {  	_ = 	snop  }
0xb5: {  	[tilespmem:s29], [sflag:$0x1] =	stream.indirect_vreg.gather [hbm4b:s1+s3], $0x80, v3, vm0, $0xb8;
	[tilespmem:$0x10100] =	vst v63  }
0xb6: {  	v3 =	vld [tilespmem:$0xF0];
	_ =	sdelay $0x4  }
0xb7: {  	v63 =	vshll.u32 v3, $0x1  }
0xb8: {  	v3 =	vand.u32 $0x7, v3;
	v4 =	vand.u32 $0xFFFFFFF0, v63  }
0xb9: {  	v3 =	vor.u32 v3, v4  }
0xba: {  	v4 =	vperm.xlane v3, v0;
	_ =	sdelay $0x1  }
0xbb: {  	v3 =	vperm.xlane v3, v2;
	v4 =	vadd.s32 v1, v4;
	_ =	sdelay $0x1  }
0xbc: {  	v3 =	vadd.s32 v1, v3;
	_ =	sdelay $0x2  }
0xbd: {  	[tilespmem:s30], [sflag:$0x1] =	stream.indirect_vreg.gather [hbm4b:s1+s3], $0x80, v4, vm0, $0xb8;
	[tilespmem:$0x10100] =	vst v63  }
0xbe: {  	_ = 	snop  }
0xbf: {  	[tilespmem:s31], [sflag:$0x1] =	stream.indirect_vreg.gather [hbm4b:s1+s3], $0x80, v3, vm0, $0xb8;
	[tilespmem:$0x10100] =	vst v63  }
0xc0: {  	_ =	swait.ge [sflag:s2], $0x10000  }
0xc1: {  	p0 =	sne.s32 s4, $0x1;
	[sflag:s2] =	ssyncset.done $0x0  }
.Ltmp0:
0xc2: {  	s7 =	rddreg [dreg:$0x5];
	[sflag:s2] =	ssyncadd.s32 $0xFFFF0000;
	(pc) =	sbr.rel @p0 .LBB2_1-.Ltmp0, $4  }
0xc3: {  	[hbm4b:s7+s3] =	stream.linear.scatter [tilespmem:s6], [sflag:$0x2], $0x10000, $0x38;
	[tilespmem:$0x10100] =	vst v63  }
0xc4: {  	_ =	swait.ge [sflag:s5], $0x10000  }
0xc5: {  	[sflag:s5] =	ssyncset.done $0x0  }
0xc6: {  	s4 =	sadd.s32 $0xFFFFFFFF, s4;
	[sflag:s5] =	ssyncadd.s32 $0xFFFF0000  }
0xc7: {  	_ =	sfence.sel $0x180000  }
0xc8: {  	[bflag:$0x0] =	sbarrier.arrive $0xFFFF  }
0xc9: {  	_ =	strace $0x90000047  }
0xca: {  	s0 =	stileid.u32;
	[bflag:$0x2] =	sbarrier.arrive $0xFFFF  }
0xcb: {  	p0 =	sne.s32 s0, $0x0;
	s0 =	rddreg [dreg:$0x3]  }
0xcc: {  	s0 =	sadd.s32 @!p0 $0x100000, s0  }
0xcd: {  	[sflag:s0] =	ssyncadd.tile.s32 @!p0 $0x1;
	_ =	shalt  }
.Lfunc_end2:
_tile_overlayer_lowered:
.L_overlay_start_2:
0xce: {  	(tag) =	ssettag $0x2  }
0xcf: {  	s0 =	rddreg [dreg:$0x0];
	s2 =	stileid.u32  }
0xd0: {  	s1 =	rddreg [dreg:$0x1];
	p0 =	sne.s32 s2, $0x0  }
0xd1: {  	s3 =	rddreg [dreg:$0x2];
	[bflag:$0x3] =	sbarrier.arrive $0xFFFF;
	s2 =	simm.s32 @!p0 $0x1C02  }
0xd2: {  	[timem:s3], [sflag:s2] =	dma.local @!p0 [hbm:s0], s1  }
0xd3: {  	s0 =	simm.s32 @!p0 $0x2  }
0xd4: {  	_ =	swait.ge @!p0 [sflag:s0], s1  }
0xd5: {  	s1 =	ssub.s32 @!p0 $0x0, s1;
	[sflag:s0] =	ssyncset.done @!p0 $0x0  }
0xd6: {  	[sflag:s0] =	ssyncadd.s32 @!p0 s1  }
0xd7: {  	[bflag:$0x3] =	sbarrier.arrive $0xFFFF  }
0xd8: {  	_ =	shalt  }

</sc_bundles>
